<compile_context>
chip_gen: v7x
topology: tpu7x:2x2x1
jax: 0.10.2.dev20260603
libtpu: 0.0.44.dev20260713+nightly
codegen_flags: <defaults>
</compile_context>

<pallas_src>
import functools

import jax
import jax.numpy as jnp
from jax import lax
from jax.experimental import pallas as pl
from jax.experimental.pallas import tpu as pltpu
from jax.experimental.pallas import tpu_sc as plsc

_NEG_SLOPE = 0.2
_NC, _NS, _L = 2, 16, 16
_NW = _NC * _NS
_NEG_BIG = -1.0e30


def _mesh():
    return plsc.VectorSubcoreMesh(
        core_axis_name="c", subcore_axis_name="s",
        num_cores=_NC, num_subcores=_NS)


_SC_PARAMS = pltpu.CompilerParams(
    needs_layout_passes=False, use_tc_tiling_on_sc=False)


def _scores_tc(x, att2):
    n, _ = x.shape

    def body(x_ref, a_ref, sr_ref, sc_ref):
        xv = x_ref[...]
        sr_ref[...] = jnp.sum(xv * a_ref[0:1, :], axis=1, keepdims=True)
        sc_ref[...] = jnp.sum(xv * a_ref[1:2, :], axis=1, keepdims=True)

    sr, sc = pl.pallas_call(
        body,
        out_shape=[jax.ShapeDtypeStruct((n, 1), jnp.float32),
                   jax.ShapeDtypeStruct((n, 1), jnp.float32)],
    )(x, att2)
    return sr.reshape(n), sc.reshape(n)


def _edge_w(srv, scv, rowv, colv, off):
    r = rowv[pl.ds(off, _L)]
    c = colv[pl.ds(off, _L)]
    w = plsc.load_gather(srv, [r]) + plsc.load_gather(scv, [c])
    return r, jnp.where(w >= 0.0, w, _NEG_SLOPE * w)


def _fill(ref, n, value):
    v = jnp.full((_L,), value, jnp.float32)

    def body(i, carry):
        base = pl.multiple_of(i * (4 * _L), _L)
        for u in range(4):
            ref[pl.ds(base + u * _L, _L)] = v
        return carry
    lax.fori_loop(0, n // (4 * _L), body, 0)


def _stage_edges(ei_h, rowv, colv, base, blk, sem):
    cps = [pltpu.async_copy(ei_h.at[0, pl.ds(base, blk)], rowv, sem),
           pltpu.async_copy(ei_h.at[1, pl.ds(base, blk)], colv, sem)]
    for cp in cps:
        cp.wait()


def _sc_reduce_tail(loc, sh, red, outv, out_h, cid, sid, n_pad, sem, is_max):
    cbs = n_pad // _NS
    pltpu.sync_copy(loc, sh.at[sid])
    plsc.subcore_barrier()
    c0 = sid * cbs
    cps = [pltpu.async_copy(sh.at[t, pl.ds(c0, cbs)], red.at[t], sem)
           for t in range(_NS)]
    for cp in cps:
        cp.wait()

    def body(j, carry):
        off = pl.multiple_of(j * _L, _L)
        acc = red[0, pl.ds(off, _L)]
        for t in range(1, _NS):
            nxt = red[t, pl.ds(off, _L)]
            acc = jnp.maximum(acc, nxt) if is_max else acc + nxt
        outv[pl.ds(off, _L)] = acc
        return carry
    lax.fori_loop(0, cbs // _L, body, 0)
    pltpu.sync_copy(outv, out_h.at[cid, pl.ds(c0, cbs)])


def _merge2(tmp, dst, n_pad, is_max):
    def body(j, carry):
        base = pl.multiple_of(j * (4 * _L), _L)
        for u in range(4):
            off = base + u * _L
            a = tmp[0, pl.ds(off, _L)]
            b = tmp[1, pl.ds(off, _L)]
            dst[pl.ds(off, _L)] = jnp.maximum(a, b) if is_max else a + b
        return carry
    lax.fori_loop(0, n_pad // (4 * _L), body, 0)


def _seg_max_partials(ei, sr, sc, n, n_pad, ew_per, blk):

    @functools.partial(
        pl.kernel,
        out_type=jax.ShapeDtypeStruct((_NC, n_pad), jnp.float32),
        mesh=_mesh(),
        compiler_params=_SC_PARAMS,
        scratch_types=[
            pltpu.VMEM((blk,), jnp.int32),
            pltpu.VMEM((blk,), jnp.int32),
            pltpu.VMEM((n,), jnp.float32),
            pltpu.VMEM((n,), jnp.float32),
            pltpu.VMEM((n_pad,), jnp.float32),
            pltpu.VMEM_SHARED((_NS, n_pad), jnp.float32),
            pltpu.VMEM((_NS, n_pad // _NS), jnp.float32),
            pltpu.VMEM((n_pad // _NS,), jnp.float32),
            pltpu.SemaphoreType.DMA,
        ],
    )
    def k(ei_h, sr_h, sc_h, pm_h, rowv, colv, srv, scv, mloc, msh, red, outv,
          sem):
        cid = lax.axis_index("c")
        sid = lax.axis_index("s")
        wid = sid * _NC + cid
        pltpu.sync_copy(sr_h, srv)
        pltpu.sync_copy(sc_h, scv)
        _fill(mloc, n_pad, _NEG_BIG)

        for b in range(ew_per // blk):
            _stage_edges(ei_h, rowv, colv, wid * ew_per + b * blk, blk, sem)

            def chunk(i, carry):
                off = pl.multiple_of(i * _L, _L)
                r, w = _edge_w(srv, scv, rowv, colv, off)
                cur = plsc.load_gather(mloc, [r])

                def cond(a):
                    return jnp.any(a)

                def body(a):
                    plsc.store_scatter(mloc, [r], w, mask=a)
                    cur2 = plsc.load_gather(mloc, [r])
                    return a & (cur2 < w)

                lax.while_loop(cond, body, cur < w)
                return carry
            lax.fori_loop(0, blk // _L, chunk, 0)

        _sc_reduce_tail(mloc, msh, red, outv, pm_h, cid, sid, n_pad, sem,
                        is_max=True)

    return k(ei, sr, sc)


def _seg_sum_partials(ei, sr, sc, pm, n, n_pad, ew_per, blk):

    @functools.partial(
        pl.kernel,
        out_type=[jax.ShapeDtypeStruct((_NC, n_pad), jnp.float32),
                  jax.ShapeDtypeStruct((n_pad,), jnp.float32)],
        mesh=_mesh(),
        compiler_params=_SC_PARAMS,
        scratch_types=[
            pltpu.VMEM((blk,), jnp.int32),
            pltpu.VMEM((blk,), jnp.int32),
            pltpu.VMEM((n,), jnp.float32),
            pltpu.VMEM((n,), jnp.float32),
            pltpu.VMEM((_NC, n_pad), jnp.float32),
            pltpu.VMEM((n_pad,), jnp.float32),
            pltpu.VMEM((n_pad,), jnp.float32),
            pltpu.VMEM_SHARED((_NS, n_pad), jnp.float32),
            pltpu.VMEM((_NS, n_pad // _NS), jnp.float32),
            pltpu.VMEM((n_pad // _NS,), jnp.float32),
            pltpu.SemaphoreType.DMA,
        ],
    )
    def k(ei_h, sr_h, sc_h, pm_h, pd_h, m_h, rowv, colv, srv, scv, tmp, mv,
          dloc, msh, red, outv, sem):
        cid = lax.axis_index("c")
        sid = lax.axis_index("s")
        wid = sid * _NC + cid
        cps = [pltpu.async_copy(pm_h.at[t], tmp.at[t], sem)
               for t in range(_NC)]
        pltpu.sync_copy(sr_h, srv)
        pltpu.sync_copy(sc_h, scv)
        for cp in cps:
            cp.wait()
        _merge2(tmp, mv, n_pad, is_max=True)
        _fill(dloc, n_pad, 0.0)
        cb = n_pad // _NW
        pltpu.sync_copy(mv.at[pl.ds(wid * cb, cb)],
                        m_h.at[pl.ds(wid * cb, cb)])

        for b in range(ew_per // blk):
            _stage_edges(ei_h, rowv, colv, wid * ew_per + b * blk, blk, sem)

            def chunk(i, carry):
                off = pl.multiple_of(i * _L, _L)
                r, w = _edge_w(srv, scv, rowv, colv, off)
                ew = jnp.exp(w - plsc.load_gather(mv, [r]))
                plsc.addupdate_scatter(dloc, [r], ew)
                return carry
            lax.fori_loop(0, blk // _L, chunk, 0)

        _sc_reduce_tail(dloc, msh, red, outv, pd_h, cid, sid, n_pad, sem,
                        is_max=False)

    return k(ei, sr, sc, pm)


def _normalize(ei, sr, sc, m, pd, n, n_pad, e, ew_per, blk):

    @functools.partial(
        pl.kernel,
        out_type=jax.ShapeDtypeStruct((e,), jnp.float32),
        mesh=_mesh(),
        compiler_params=_SC_PARAMS,
        scratch_types=[
            pltpu.VMEM((blk,), jnp.int32),
            pltpu.VMEM((blk,), jnp.int32),
            pltpu.VMEM((n,), jnp.float32),
            pltpu.VMEM((n,), jnp.float32),
            pltpu.VMEM((n_pad,), jnp.float32),
            pltpu.VMEM((_NC, n_pad), jnp.float32),
            pltpu.VMEM((n_pad,), jnp.float32),
            pltpu.VMEM((blk,), jnp.float32),
            pltpu.SemaphoreType.DMA,
        ],
    )
    def k(ei_h, sr_h, sc_h, m_h, pd_h, attr_h,
          rowv, colv, srv, scv, mv, tmp, dv, av, sem):
        cid = lax.axis_index("c")
        sid = lax.axis_index("s")
        wid = sid * _NC + cid
        cps = [pltpu.async_copy(pd_h.at[t], tmp.at[t], sem)
               for t in range(_NC)]
        pltpu.sync_copy(sr_h, srv)
        pltpu.sync_copy(sc_h, scv)
        pltpu.sync_copy(m_h, mv)
        for cp in cps:
            cp.wait()
        _merge2(tmp, dv, n_pad, is_max=False)

        for b in range(ew_per // blk):
            base = wid * ew_per + b * blk
            _stage_edges(ei_h, rowv, colv, base, blk, sem)

            def chunk(i, carry):
                off = pl.multiple_of(i * _L, _L)
                r, w = _edge_w(srv, scv, rowv, colv, off)
                ew = jnp.exp(w - plsc.load_gather(mv, [r]))
                den = plsc.load_gather(dv, [r])
                av[pl.ds(off, _L)] = ew / jnp.maximum(den, 1e-16)
                return carry
            lax.fori_loop(0, blk // _L, chunk, 0)
            pltpu.sync_copy(av, attr_h.at[pl.ds(base, blk)])

    return k(ei, sr, sc, m, pd)


def kernel(x, edge_index, att):
    n, dmodel = x.shape
    e = edge_index.shape[1]
    assert e % (_NW * _L) == 0
    ew_per = e // _NW
    blk = 2000
    assert ew_per % blk == 0 and blk % _L == 0
    n_pad = -(-n // (_NW * _L)) * (_NW * _L)

    att2 = att.reshape(2, dmodel)
    sr, sc = _scores_tc(x, att2)

    pm = _seg_max_partials(edge_index, sr, sc, n, n_pad, ew_per, blk)
    pd, m = _seg_sum_partials(edge_index, sr, sc, pm, n, n_pad, ew_per, blk)
    attr = _normalize(edge_index, sr, sc, m, pd, n, n_pad, e, ew_per, blk)
    return (x, edge_index, attr)

# --- scband reference (transcript-rebuilt; emitter-appended) ---
"""Pipeline reference for scband-bhgnn-25778393710881 (READ-ONLY COPY).

The authoritative reference and input builder live on the scoring server;
editing this copy changes nothing except your own understanding.
"""

import jax, jax.numpy as jnp
import numpy as np

N = 10000
E = 320000
D = 128
NEG_SLOPE = 0.2


def setup_inputs(seed: int = 0) -> dict:
    key = jax.random.key(seed)
    k1, k2, k3 = jax.random.split(key, 3)
    x = jax.random.normal(k1, (N, D), dtype=jnp.float32)
    edge_index = jax.random.randint(k2, (2, E), 0, N, dtype=jnp.int32)
    # Learned attention vector att: Parameter(1, 2*channels), xavier_uniform init
    fan_in, fan_out = 1, 2 * D
    a = float(np.sqrt(6.0 / (fan_in + fan_out)))
    att = jax.random.uniform(k3, (1, 2 * D), minval=-a, maxval=a, dtype=jnp.float32)
    return {"x": x, "edge_index": edge_index, "att": att}


def _segment_softmax(weights, seg_ids, num_segments):
    seg_max = jax.ops.segment_max(weights, seg_ids, num_segments=num_segments)
    seg_max = jnp.where(jnp.isfinite(seg_max), seg_max, 0.0)
    ew = jnp.exp(weights - seg_max[seg_ids])
    denom = jax.ops.segment_sum(ew, seg_ids, num_segments=num_segments)
    return ew / jnp.maximum(denom[seg_ids], 1e-16)


def reference(x, edge_index, att):
    # Edgelayer.forward (sparse=False branch: softmax grouped by row)
    row = edge_index[0]
    col = edge_index[1]
    x_row = jnp.take(x, row, axis=0)
    x_col = jnp.take(x, col, axis=0)
    feats = jnp.concatenate([x_row, x_col], axis=1)
    weights = jnp.sum(feats * att, axis=-1)
    weights = jnp.where(weights >= 0, weights, NEG_SLOPE * weights)  # leaky_relu
    new_edge_attr = _segment_softmax(weights, row, x.shape[0])
    # softmax outputs are strictly positive, so the torch nonzero-filter keeps
    # all edges: new_edge_index == edge_index, new_edge_attr unchanged.
    return (x, edge_index, new_edge_attr)

if __name__ == "__main__":
    import jax
    _d = setup_inputs()
    print(jax.jit(kernel)(*tuple(_d.values())))

</pallas_src>

<mosaic_0001>
#map = affine_map<(d0, d1) -> (0, 0)>
#map1 = affine_map<(d0, d1) -> (0)>
module attributes {stable_mosaic.version = 14 : i64} {
  func.func @k(%arg0: i32, %arg1: i32, %arg2: memref<2x320000xi32, #tpu.memory_space<hbm>>, %arg3: memref<10000xf32, #tpu.memory_space<hbm>>, %arg4: memref<10000xf32, #tpu.memory_space<hbm>>, %arg5: memref<2x10240xf32, #tpu.memory_space<hbm>>, %arg6: memref<2000xi32, #tpu.memory_space<vmem>>, %arg7: memref<2000xi32, #tpu.memory_space<vmem>>, %arg8: memref<10000xf32, #tpu.memory_space<vmem>>, %arg9: memref<10000xf32, #tpu.memory_space<vmem>>, %arg10: memref<10240xf32, #tpu.memory_space<vmem>>, %arg11: memref<16x10240xf32, #tpu.memory_space<vmem_shared>>, %arg12: memref<16x640xf32, #tpu.memory_space<vmem>>, %arg13: memref<640xf32, #tpu.memory_space<vmem>>, %arg14: memref<!tpu.dma_semaphore, #tpu.memory_space<semaphore_mem>>) attributes {dimension_semantics = [#tpu.dimension_semantics<core_parallel>, #tpu.dimension_semantics<subcore_parallel>], iteration_bounds = array<i64: 2, 16>, scalar_prefetch = 0 : i64, scratch_operands = 9 : i64, tpu.core_type = #tpu.core_type<sc_vector_subcore>, window_params = [{transform_indices = #map}, {transform_indices = #map1}, {transform_indices = #map1}, {transform_indices = #map}]} {
    %mul3A = arith.constant 2 : i32
    %mul3A_0 = arith.muli %arg1, %mul3A : i32
    %add3A = arith.addi %mul3A_0, %arg0 : i32
    "tpu.region"() ({
      %run_scoped3A = tpu.sem_alloc : memref<!tpu.dma_semaphore, #tpu.memory_space<semaphore_mem>>
      tpu.enqueue_dma source(%arg3 : memref<10000xf32, #tpu.memory_space<hbm>>) target(%arg8 : memref<10000xf32, #tpu.memory_space<vmem>>) target_semaphore(%run_scoped3A : memref<!tpu.dma_semaphore, #tpu.memory_space<semaphore_mem>>)
      tpu.wait_dma2 semaphore(%run_scoped3A : memref<!tpu.dma_semaphore, #tpu.memory_space<semaphore_mem>>) src(%arg3 : memref<10000xf32, #tpu.memory_space<hbm>>) dst(%arg8 : memref<10000xf32, #tpu.memory_space<vmem>>)
      tpu.yield
    }) : () -> ()
    "tpu.region"() ({
      %run_scoped3A = tpu.sem_alloc : memref<!tpu.dma_semaphore, #tpu.memory_space<semaphore_mem>>
      tpu.enqueue_dma source(%arg4 : memref<10000xf32, #tpu.memory_space<hbm>>) target(%arg9 : memref<10000xf32, #tpu.memory_space<vmem>>) target_semaphore(%run_scoped3A : memref<!tpu.dma_semaphore, #tpu.memory_space<semaphore_mem>>)
      tpu.wait_dma2 semaphore(%run_scoped3A : memref<!tpu.dma_semaphore, #tpu.memory_space<semaphore_mem>>) src(%arg4 : memref<10000xf32, #tpu.memory_space<hbm>>) dst(%arg9 : memref<10000xf32, #tpu.memory_space<vmem>>)
      tpu.yield
    }) : () -> ()
    %broadcast_in_dim3A = arith.constant -1.000000e+30 : f32
    %broadcast_in_dim3A_1 = vector.broadcast %broadcast_in_dim3A : f32 to vector<16xf32>
    %scan3A = arith.constant 0 : i32
    %scan3A_2 = arith.constant 0 : i32
    %scan3A_3 = arith.constant 160 : i32
    %scan3A_4 = arith.addi %scan3A_2, %scan3A_3 : i32
    %scan3A_5 = arith.constant 1 : i32
    scf.for %scan3A_547 = %scan3A_2 to %scan3A_4 step %scan3A_5  : i32 {
      %mul3A_548 = arith.constant 64 : i32
      %mul3A_549 = arith.muli %scan3A_547, %mul3A_548 : i32
      %multiple_of3A = tpu.assume_multiple %mul3A_549, 16 : i32
      %add3A_550 = arith.constant 0 : i32
      %add3A_551 = arith.addi %multiple_of3A, %add3A_550 : i32
      %swap3A = arith.index_cast %add3A_551 : i32 to index
      %swap3A_552 = tpu.vector_load %arg10[%swap3A] {strides = array<i32>} : memref<10240xf32, #tpu.memory_space<vmem>>, vector<16xf32>,
      tpu.vector_store %arg10[%swap3A], %broadcast_in_dim3A_1 {strides = array<i32>} : memref<10240xf32, #tpu.memory_space<vmem>>, vector<16xf32>,
      %add3A_553 = arith.constant 16 : i32
      %add3A_554 = arith.addi %multiple_of3A, %add3A_553 : i32
      %swap3A_555 = arith.index_cast %add3A_554 : i32 to index
      %swap3A_556 = tpu.vector_load %arg10[%swap3A_555] {strides = array<i32>} : memref<10240xf32, #tpu.memory_space<vmem>>, vector<16xf32>,
      tpu.vector_store %arg10[%swap3A_555], %broadcast_in_dim3A_1 {strides = array<i32>} : memref<10240xf32, #tpu.memory_space<vmem>>, vector<16xf32>,
      %add3A_557 = arith.constant 32 : i32
      %add3A_558 = arith.addi %multiple_of3A, %add3A_557 : i32
      %swap3A_559 = arith.index_cast %add3A_558 : i32 to index
      %swap3A_560 = tpu.vector_load %arg10[%swap3A_559] {strides = array<i32>} : memref<10240xf32, #tpu.memory_space<vmem>>, vector<16xf32>,
      tpu.vector_store %arg10[%swap3A_559], %broadcast_in_dim3A_1 {strides = array<i32>} : memref<10240xf32, #tpu.memory_space<vmem>>, vector<16xf32>,
      %add3A_561 = arith.constant 48 : i32
      %add3A_562 = arith.addi %multiple_of3A, %add3A_561 : i32
      %swap3A_563 = arith.index_cast %add3A_562 : i32 to index
      %swap3A_564 = tpu.vector_load %arg10[%swap3A_563] {strides = array<i32>} : memref<10240xf32, #tpu.memory_space<vmem>>, vector<16xf32>,
      tpu.vector_store %arg10[%swap3A_563], %broadcast_in_dim3A_1 {strides = array<i32>} : memref<10240xf32, #tpu.memory_space<vmem>>, vector<16xf32>,
    }
    %scan3A_6 = arith.constant 160 : i32
    %mul3A_7 = arith.constant 10000 : i32
    %mul3A_8 = arith.muli %add3A, %mul3A_7 : i32
    %add3A_9 = arith.constant 0 : i32
    %add3A_10 = arith.addi %mul3A_8, %add3A_9 : i32
    %dma_start3A = arith.constant 0 : i32
    %dma_start3A_11 = tpu.memref_slice %arg2[%dma_start3A, %add3A_10] : memref<2x320000xi32, #tpu.memory_space<hbm>> -> memref<1x2000xi32, #tpu.memory_space<hbm>>
    %dma_start3A_12 = tpu.memref_squeeze %dma_start3A_11 : memref<1x2000xi32, #tpu.memory_space<hbm>> -> memref<2000xi32, #tpu.memory_space<hbm>>
    %dma_start3A_13 = tpu.memref_slice %arg2[%dma_start3A, %add3A_10] : memref<2x320000xi32, #tpu.memory_space<hbm>> -> memref<1x2000xi32, #tpu.memory_space<hbm>>
    %dma_start3A_14 = tpu.memref_squeeze %dma_start3A_13 : memref<1x2000xi32, #tpu.memory_space<hbm>> -> memref<2000xi32, #tpu.memory_space<hbm>>
    tpu.enqueue_dma source(%dma_start3A_14 : memref<2000xi32, #tpu.memory_space<hbm>>) target(%arg6 : memref<2000xi32, #tpu.memory_space<vmem>>) target_semaphore(%arg14 : memref<!tpu.dma_semaphore, #tpu.memory_space<semaphore_mem>>)
    %dma_start3A_15 = arith.constant 1 : i32
    %dma_start3A_16 = tpu.memref_slice %arg2[%dma_start3A_15, %add3A_10] : memref<2x320000xi32, #tpu.memory_space<hbm>> -> memref<1x2000xi32, #tpu.memory_space<hbm>>
    %dma_start3A_17 = tpu.memref_squeeze %dma_start3A_16 : memref<1x2000xi32, #tpu.memory_space<hbm>> -> memref<2000xi32, #tpu.memory_space<hbm>>
    %dma_start3A_18 = tpu.memref_slice %arg2[%dma_start3A_15, %add3A_10] : memref<2x320000xi32, #tpu.memory_space<hbm>> -> memref<1x2000xi32, #tpu.memory_space<hbm>>
    %dma_start3A_19 = tpu.memref_squeeze %dma_start3A_18 : memref<1x2000xi32, #tpu.memory_space<hbm>> -> memref<2000xi32, #tpu.memory_space<hbm>>
    tpu.enqueue_dma source(%dma_start3A_19 : memref<2000xi32, #tpu.memory_space<hbm>>) target(%arg7 : memref<2000xi32, #tpu.memory_space<vmem>>) target_semaphore(%arg14 : memref<!tpu.dma_semaphore, #tpu.memory_space<semaphore_mem>>)
    %dma_wait3A = arith.constant 0 : i32
    %dma_wait3A_20 = tpu.memref_slice %arg2[%dma_wait3A, %add3A_10] : memref<2x320000xi32, #tpu.memory_space<hbm>> -> memref<1x2000xi32, #tpu.memory_space<hbm>>
    %dma_wait3A_21 = tpu.memref_squeeze %dma_wait3A_20 : memref<1x2000xi32, #tpu.memory_space<hbm>> -> memref<2000xi32, #tpu.memory_space<hbm>>
    %dma_wait3A_22 = tpu.memref_slice %arg2[%dma_wait3A, %add3A_10] : memref<2x320000xi32, #tpu.memory_space<hbm>> -> memref<1x2000xi32, #tpu.memory_space<hbm>>
    %dma_wait3A_23 = tpu.memref_squeeze %dma_wait3A_22 : memref<1x2000xi32, #tpu.memory_space<hbm>> -> memref<2000xi32, #tpu.memory_space<hbm>>
    tpu.wait_dma2 semaphore(%arg14 : memref<!tpu.dma_semaphore, #tpu.memory_space<semaphore_mem>>) src(%dma_wait3A_23 : memref<2000xi32, #tpu.memory_space<hbm>>) dst(%arg6 : memref<2000xi32, #tpu.memory_space<vmem>>)
    %dma_wait3A_24 = arith.constant 1 : i32
    %dma_wait3A_25 = tpu.memref_slice %arg2[%dma_wait3A_24, %add3A_10] : memref<2x320000xi32, #tpu.memory_space<hbm>> -> memref<1x2000xi32, #tpu.memory_space<hbm>>
    %dma_wait3A_26 = tpu.memref_squeeze %dma_wait3A_25 : memref<1x2000xi32, #tpu.memory_space<hbm>> -> memref<2000xi32, #tpu.memory_space<hbm>>
    %dma_wait3A_27 = tpu.memref_slice %arg2[%dma_wait3A_24, %add3A_10] : memref<2x320000xi32, #tpu.memory_space<hbm>> -> memref<1x2000xi32, #tpu.memory_space<hbm>>
    %dma_wait3A_28 = tpu.memref_squeeze %dma_wait3A_27 : memref<1x2000xi32, #tpu.memory_space<hbm>> -> memref<2000xi32, #tpu.memory_space<hbm>>
    tpu.wait_dma2 semaphore(%arg14 : memref<!tpu.dma_semaphore, #tpu.memory_space<semaphore_mem>>) src(%dma_wait3A_28 : memref<2000xi32, #tpu.memory_space<hbm>>) dst(%arg7 : memref<2000xi32, #tpu.memory_space<vmem>>)
    %scan3A_29 = arith.constant 0 : i32
    %scan3A_30 = arith.constant 0 : i32
    %scan3A_31 = arith.constant 125 : i32
    %scan3A_32 = arith.addi %scan3A_30, %scan3A_31 : i32
    %scan3A_33 = arith.constant 1 : i32
    scf.for %scan3A_547 = %scan3A_30 to %scan3A_32 step %scan3A_33  : i32 {
      %mul3A_548 = arith.constant 16 : i32
      %mul3A_549 = arith.muli %scan3A_547, %mul3A_548 : i32
      %multiple_of3A = tpu.assume_multiple %mul3A_549, 16 : i32
      %get3A = arith.index_cast %multiple_of3A : i32 to index
      %get3A_550 = tpu.vector_load %arg6[%get3A] {strides = array<i32>} : memref<2000xi32, #tpu.memory_space<vmem>>, vector<16xi32>,
      %get3A_551 = arith.index_cast %multiple_of3A : i32 to index
      %get3A_552 = tpu.vector_load %arg7[%get3A_551] {strides = array<i32>} : memref<2000xi32, #tpu.memory_space<vmem>>, vector<16xi32>,
      %gather3A = tpu.vector_load_idx %arg8[%get3A_550] : memref<10000xf32, #tpu.memory_space<vmem>>[vector<16xi32>], vector<16xf32>,
      %gather3A_553 = tpu.vector_load_idx %arg9[%get3A_552] : memref<10000xf32, #tpu.memory_space<vmem>>[vector<16xi32>], vector<16xf32>,
      %add3A_554 = arith.addf %gather3A, %gather3A_553 : vector<16xf32>
      %ge3A = arith.constant 0.000000e+00 : f32
      %ge3A_555 = vector.broadcast %ge3A : f32 to vector<16xf32>
      %ge3A_556 = arith.cmpf oge, %add3A_554, %ge3A_555 : vector<16xf32>
      %mul3A_557 = arith.constant 2.000000e-01 : f32
      %mul3A_558 = vector.broadcast %mul3A_557 : f32 to vector<16xf32>
      %mul3A_559 = arith.mulf %mul3A_558, %add3A_554 : vector<16xf32>
      %select_n3A = arith.select %ge3A_556, %add3A_554, %mul3A_559 : vector<16xi1>, vector<16xf32>
      %gather3A_560 = tpu.vector_load_idx %arg10[%get3A_550] : memref<10240xf32, #tpu.memory_space<vmem>>[vector<16xi32>], vector<16xf32>,
      %lt3A = arith.cmpf olt, %gather3A_560, %select_n3A : vector<16xf32>
      %while3A = scf.while (%while3A_561 = %lt3A) : (vector<16xi1>) -> vector<16xi1> {
        %reduce_or3A = arith.constant 1.000000e+00 : f32
        %reduce_or3A_562 = arith.constant 0.000000e+00 : f32
        %reduce_or3A_563 = vector.broadcast %reduce_or3A : f32 to vector<16xf32>
        %reduce_or3A_564 = vector.broadcast %reduce_or3A_562 : f32 to vector<16xf32>
        %reduce_or3A_565 = arith.select %while3A_561, %reduce_or3A_563, %reduce_or3A_564 : vector<16xi1>, vector<16xf32>
        %reduce_or3A_566 = arith.constant true
        %reduce_or3A_567 = vector.broadcast %reduce_or3A_566 : i1 to vector<16xi1>
        %reduce_or3A_568 = tpu.scan <max>, %reduce_or3A_565 masked %reduce_or3A_567 : vector<16xf32>, vector<16xi1> -> vector<16xf32>
        %reduce_or3A_569 = vector.extract %reduce_or3A_568[15] : f32 from vector<16xf32>
        %reduce_or3A_570 = arith.constant 0.000000e+00 : f32
        %reduce_or3A_571 = arith.cmpf ogt, %reduce_or3A_569, %reduce_or3A_570 : f32
        scf.condition(%reduce_or3A_571) %while3A_561 : vector<16xi1>
      } do {
      ^bb0(%while3A_561: vector<16xi1>):
        tpu.vector_store_idx %arg10[%get3A_550], %select_n3A masked %while3A_561 : memref<10240xf32, #tpu.memory_space<vmem>>[vector<16xi32>], vector<16xf32>, vector<16xi1>
        %gather3A_562 = tpu.vector_load_idx %arg10[%get3A_550] : memref<10240xf32, #tpu.memory_space<vmem>>[vector<16xi32>], vector<16xf32>,
        %lt3A_563 = arith.cmpf olt, %gather3A_562, %select_n3A : vector<16xf32>
        %and3A = arith.andi %while3A_561, %lt3A_563 : vector<16xi1>
        scf.yield %and3A : vector<16xi1>
      }
    }
    %scan3A_34 = arith.constant 125 : i32
    %mul3A_35 = arith.constant 10000 : i32
    %mul3A_36 = arith.muli %add3A, %mul3A_35 : i32
    %add3A_37 = arith.constant 2000 : i32
    %add3A_38 = arith.addi %mul3A_36, %add3A_37 : i32
    %dma_start3A_39 = arith.constant 0 : i32
    %dma_start3A_40 = tpu.memref_slice %arg2[%dma_start3A_39, %add3A_38] : memref<2x320000xi32, #tpu.memory_space<hbm>> -> memref<1x2000xi32, #tpu.memory_space<hbm>>
    %dma_start3A_41 = tpu.memref_squeeze %dma_start3A_40 : memref<1x2000xi32, #tpu.memory_space<hbm>> -> memref<2000xi32, #tpu.memory_space<hbm>>
    %dma_start3A_42 = tpu.memref_slice %arg2[%dma_start3A_39, %add3A_38] : memref<2x320000xi32, #tpu.memory_space<hbm>> -> memref<1x2000xi32, #tpu.memory_space<hbm>>
    %dma_start3A_43 = tpu.memref_squeeze %dma_start3A_42 : memref<1x2000xi32, #tpu.memory_space<hbm>> -> memref<2000xi32, #tpu.memory_space<hbm>>
    tpu.enqueue_dma source(%dma_start3A_43 : memref<2000xi32, #tpu.memory_space<hbm>>) target(%arg6 : memref<2000xi32, #tpu.memory_space<vmem>>) target_semaphore(%arg14 : memref<!tpu.dma_semaphore, #tpu.memory_space<semaphore_mem>>)
    %dma_start3A_44 = arith.constant 1 : i32
    %dma_start3A_45 = tpu.memref_slice %arg2[%dma_start3A_44, %add3A_38] : memref<2x320000xi32, #tpu.memory_space<hbm>> -> memref<1x2000xi32, #tpu.memory_space<hbm>>
    %dma_start3A_46 = tpu.memref_squeeze %dma_start3A_45 : memref<1x2000xi32, #tpu.memory_space<hbm>> -> memref<2000xi32, #tpu.memory_space<hbm>>
    %dma_start3A_47 = tpu.memref_slice %arg2[%dma_start3A_44, %add3A_38] : memref<2x320000xi32, #tpu.memory_space<hbm>> -> memref<1x2000xi32, #tpu.memory_space<hbm>>
    %dma_start3A_48 = tpu.memref_squeeze %dma_start3A_47 : memref<1x2000xi32, #tpu.memory_space<hbm>> -> memref<2000xi32, #tpu.memory_space<hbm>>
    tpu.enqueue_dma source(%dma_start3A_48 : memref<2000xi32, #tpu.memory_space<hbm>>) target(%arg7 : memref<2000xi32, #tpu.memory_space<vmem>>) target_semaphore(%arg14 : memref<!tpu.dma_semaphore, #tpu.memory_space<semaphore_mem>>)
    %dma_wait3A_49 = arith.constant 0 : i32
    %dma_wait3A_50 = tpu.memref_slice %arg2[%dma_wait3A_49, %add3A_38] : memref<2x320000xi32, #tpu.memory_space<hbm>> -> memref<1x2000xi32, #tpu.memory_space<hbm>>
    %dma_wait3A_51 = tpu.memref_squeeze %dma_wait3A_50 : memref<1x2000xi32, #tpu.memory_space<hbm>> -> memref<2000xi32, #tpu.memory_space<hbm>>
    %dma_wait3A_52 = tpu.memref_slice %arg2[%dma_wait3A_49, %add3A_38] : memref<2x320000xi32, #tpu.memory_space<hbm>> -> memref<1x2000xi32, #tpu.memory_space<hbm>>
    %dma_wait3A_53 = tpu.memref_squeeze %dma_wait3A_52 : memref<1x2000xi32, #tpu.memory_space<hbm>> -> memref<2000xi32, #tpu.memory_space<hbm>>
    tpu.wait_dma2 semaphore(%arg14 : memref<!tpu.dma_semaphore, #tpu.memory_space<semaphore_mem>>) src(%dma_wait3A_53 : memref<2000xi32, #tpu.memory_space<hbm>>) dst(%arg6 : memref<2000xi32, #tpu.memory_space<vmem>>)
    %dma_wait3A_54 = arith.constant 1 : i32
    %dma_wait3A_55 = tpu.memref_slice %arg2[%dma_wait3A_54, %add3A_38] : memref<2x320000xi32, #tpu.memory_space<hbm>> -> memref<1x2000xi32, #tpu.memory_space<hbm>>
    %dma_wait3A_56 = tpu.memref_squeeze %dma_wait3A_55 : memref<1x2000xi32, #tpu.memory_space<hbm>> -> memref<2000xi32, #tpu.memory_space<hbm>>
    %dma_wait3A_57 = tpu.memref_slice %arg2[%dma_wait3A_54, %add3A_38] : memref<2x320000xi32, #tpu.memory_space<hbm>> -> memref<1x2000xi32, #tpu.memory_space<hbm>>
    %dma_wait3A_58 = tpu.memref_squeeze %dma_wait3A_57 : memref<1x2000xi32, #tpu.memory_space<hbm>> -> memref<2000xi32, #tpu.memory_space<hbm>>
    tpu.wait_dma2 semaphore(%arg14 : memref<!tpu.dma_semaphore, #tpu.memory_space<semaphore_mem>>) src(%dma_wait3A_58 : memref<2000xi32, #tpu.memory_space<hbm>>) dst(%arg7 : memref<2000xi32, #tpu.memory_space<vmem>>)
    %scan3A_59 = arith.constant 0 : i32
    %scan3A_60 = arith.constant 0 : i32
    %scan3A_61 = arith.constant 125 : i32
    %scan3A_62 = arith.addi %scan3A_60, %scan3A_61 : i32
    %scan3A_63 = arith.constant 1 : i32
    scf.for %scan3A_547 = %scan3A_60 to %scan3A_62 step %scan3A_63  : i32 {
      %mul3A_548 = arith.constant 16 : i32
      %mul3A_549 = arith.muli %scan3A_547, %mul3A_548 : i32
      %multiple_of3A = tpu.assume_multiple %mul3A_549, 16 : i32
      %get3A = arith.index_cast %multiple_of3A : i32 to index
      %get3A_550 = tpu.vector_load %arg6[%get3A] {strides = array<i32>} : memref<2000xi32, #tpu.memory_space<vmem>>, vector<16xi32>,
      %get3A_551 = arith.index_cast %multiple_of3A : i32 to index
      %get3A_552 = tpu.vector_load %arg7[%get3A_551] {strides = array<i32>} : memref<2000xi32, #tpu.memory_space<vmem>>, vector<16xi32>,
      %gather3A = tpu.vector_load_idx %arg8[%get3A_550] : memref<10000xf32, #tpu.memory_space<vmem>>[vector<16xi32>], vector<16xf32>,
      %gather3A_553 = tpu.vector_load_idx %arg9[%get3A_552] : memref<10000xf32, #tpu.memory_space<vmem>>[vector<16xi32>], vector<16xf32>,
      %add3A_554 = arith.addf %gather3A, %gather3A_553 : vector<16xf32>
      %ge3A = arith.constant 0.000000e+00 : f32
      %ge3A_555 = vector.broadcast %ge3A : f32 to vector<16xf32>
      %ge3A_556 = arith.cmpf oge, %add3A_554, %ge3A_555 : vector<16xf32>
      %mul3A_557 = arith.constant 2.000000e-01 : f32
      %mul3A_558 = vector.broadcast %mul3A_557 : f32 to vector<16xf32>
      %mul3A_559 = arith.mulf %mul3A_558, %add3A_554 : vector<16xf32>
      %select_n3A = arith.select %ge3A_556, %add3A_554, %mul3A_559 : vector<16xi1>, vector<16xf32>
      %gather3A_560 = tpu.vector_load_idx %arg10[%get3A_550] : memref<10240xf32, #tpu.memory_space<vmem>>[vector<16xi32>], vector<16xf32>,
      %lt3A = arith.cmpf olt, %gather3A_560, %select_n3A : vector<16xf32>
      %while3A = scf.while (%while3A_561 = %lt3A) : (vector<16xi1>) -> vector<16xi1> {
        %reduce_or3A = arith.constant 1.000000e+00 : f32
        %reduce_or3A_562 = arith.constant 0.000000e+00 : f32
        %reduce_or3A_563 = vector.broadcast %reduce_or3A : f32 to vector<16xf32>
        %reduce_or3A_564 = vector.broadcast %reduce_or3A_562 : f32 to vector<16xf32>
        %reduce_or3A_565 = arith.select %while3A_561, %reduce_or3A_563, %reduce_or3A_564 : vector<16xi1>, vector<16xf32>
        %reduce_or3A_566 = arith.constant true
        %reduce_or3A_567 = vector.broadcast %reduce_or3A_566 : i1 to vector<16xi1>
        %reduce_or3A_568 = tpu.scan <max>, %reduce_or3A_565 masked %reduce_or3A_567 : vector<16xf32>, vector<16xi1> -> vector<16xf32>
        %reduce_or3A_569 = vector.extract %reduce_or3A_568[15] : f32 from vector<16xf32>
        %reduce_or3A_570 = arith.constant 0.000000e+00 : f32
        %reduce_or3A_571 = arith.cmpf ogt, %reduce_or3A_569, %reduce_or3A_570 : f32
        scf.condition(%reduce_or3A_571) %while3A_561 : vector<16xi1>
      } do {
      ^bb0(%while3A_561: vector<16xi1>):
        tpu.vector_store_idx %arg10[%get3A_550], %select_n3A masked %while3A_561 : memref<10240xf32, #tpu.memory_space<vmem>>[vector<16xi32>], vector<16xf32>, vector<16xi1>
        %gather3A_562 = tpu.vector_load_idx %arg10[%get3A_550] : memref<10240xf32, #tpu.memory_space<vmem>>[vector<16xi32>], vector<16xf32>,
        %lt3A_563 = arith.cmpf olt, %gather3A_562, %select_n3A : vector<16xf32>
        %and3A = arith.andi %while3A_561, %lt3A_563 : vector<16xi1>
        scf.yield %and3A : vector<16xi1>
      }
    }
    %scan3A_64 = arith.constant 125 : i32
    %mul3A_65 = arith.constant 10000 : i32
    %mul3A_66 = arith.muli %add3A, %mul3A_65 : i32
    %add3A_67 = arith.constant 4000 : i32
    %add3A_68 = arith.addi %mul3A_66, %add3A_67 : i32
    %dma_start3A_69 = arith.constant 0 : i32
    %dma_start3A_70 = tpu.memref_slice %arg2[%dma_start3A_69, %add3A_68] : memref<2x320000xi32, #tpu.memory_space<hbm>> -> memref<1x2000xi32, #tpu.memory_space<hbm>>
    %dma_start3A_71 = tpu.memref_squeeze %dma_start3A_70 : memref<1x2000xi32, #tpu.memory_space<hbm>> -> memref<2000xi32, #tpu.memory_space<hbm>>
    %dma_start3A_72 = tpu.memref_slice %arg2[%dma_start3A_69, %add3A_68] : memref<2x320000xi32, #tpu.memory_space<hbm>> -> memref<1x2000xi32, #tpu.memory_space<hbm>>
    %dma_start3A_73 = tpu.memref_squeeze %dma_start3A_72 : memref<1x2000xi32, #tpu.memory_space<hbm>> -> memref<2000xi32, #tpu.memory_space<hbm>>
    tpu.enqueue_dma source(%dma_start3A_73 : memref<2000xi32, #tpu.memory_space<hbm>>) target(%arg6 : memref<2000xi32, #tpu.memory_space<vmem>>) target_semaphore(%arg14 : memref<!tpu.dma_semaphore, #tpu.memory_space<semaphore_mem>>)
    %dma_start3A_74 = arith.constant 1 : i32
    %dma_start3A_75 = tpu.memref_slice %arg2[%dma_start3A_74, %add3A_68] : memref<2x320000xi32, #tpu.memory_space<hbm>> -> memref<1x2000xi32, #tpu.memory_space<hbm>>
    %dma_start3A_76 = tpu.memref_squeeze %dma_start3A_75 : memref<1x2000xi32, #tpu.memory_space<hbm>> -> memref<2000xi32, #tpu.memory_space<hbm>>
    %dma_start3A_77 = tpu.memref_slice %arg2[%dma_start3A_74, %add3A_68] : memref<2x320000xi32, #tpu.memory_space<hbm>> -> memref<1x2000xi32, #tpu.memory_space<hbm>>
    %dma_start3A_78 = tpu.memref_squeeze %dma_start3A_77 : memref<1x2000xi32, #tpu.memory_space<hbm>> -> memref<2000xi32, #tpu.memory_space<hbm>>
    tpu.enqueue_dma source(%dma_start3A_78 : memref<2000xi32, #tpu.memory_space<hbm>>) target(%arg7 : memref<2000xi32, #tpu.memory_space<vmem>>) target_semaphore(%arg14 : memref<!tpu.dma_semaphore, #tpu.memory_space<semaphore_mem>>)
    %dma_wait3A_79 = arith.constant 0 : i32
    %dma_wait3A_80 = tpu.memref_slice %arg2[%dma_wait3A_79, %add3A_68] : memref<2x320000xi32, #tpu.memory_space<hbm>> -> memref<1x2000xi32, #tpu.memory_space<hbm>>
    %dma_wait3A_81 = tpu.memref_squeeze %dma_wait3A_80 : memref<1x2000xi32, #tpu.memory_space<hbm>> -> memref<2000xi32, #tpu.memory_space<hbm>>
    %dma_wait3A_82 = tpu.memref_slice %arg2[%dma_wait3A_79, %add3A_68] : memref<2x320000xi32, #tpu.memory_space<hbm>> -> memref<1x2000xi32, #tpu.memory_space<hbm>>
    %dma_wait3A_83 = tpu.memref_squeeze %dma_wait3A_82 : memref<1x2000xi32, #tpu.memory_space<hbm>> -> memref<2000xi32, #tpu.memory_space<hbm>>
    tpu.wait_dma2 semaphore(%arg14 : memref<!tpu.dma_semaphore, #tpu.memory_space<semaphore_mem>>) src(%dma_wait3A_83 : memref<2000xi32, #tpu.memory_space<hbm>>) dst(%arg6 : memref<2000xi32, #tpu.memory_space<vmem>>)
    %dma_wait3A_84 = arith.constant 1 : i32
    %dma_wait3A_85 = tpu.memref_slice %arg2[%dma_wait3A_84, %add3A_68] : memref<2x320000xi32, #tpu.memory_space<hbm>> -> memref<1x2000xi32, #tpu.memory_space<hbm>>
    %dma_wait3A_86 = tpu.memref_squeeze %dma_wait3A_85 : memref<1x2000xi32, #tpu.memory_space<hbm>> -> memref<2000xi32, #tpu.memory_space<hbm>>
    %dma_wait3A_87 = tpu.memref_slice %arg2[%dma_wait3A_84, %add3A_68] : memref<2x320000xi32, #tpu.memory_space<hbm>> -> memref<1x2000xi32, #tpu.memory_space<hbm>>
    %dma_wait3A_88 = tpu.memref_squeeze %dma_wait3A_87 : memref<1x2000xi32, #tpu.memory_space<hbm>> -> memref<2000xi32, #tpu.memory_space<hbm>>
    tpu.wait_dma2 semaphore(%arg14 : memref<!tpu.dma_semaphore, #tpu.memory_space<semaphore_mem>>) src(%dma_wait3A_88 : memref<2000xi32, #tpu.memory_space<hbm>>) dst(%arg7 : memref<2000xi32, #tpu.memory_space<vmem>>)
    %scan3A_89 = arith.constant 0 : i32
    %scan3A_90 = arith.constant 0 : i32
    %scan3A_91 = arith.constant 125 : i32
    %scan3A_92 = arith.addi %scan3A_90, %scan3A_91 : i32
    %scan3A_93 = arith.constant 1 : i32
    scf.for %scan3A_547 = %scan3A_90 to %scan3A_92 step %scan3A_93  : i32 {
      %mul3A_548 = arith.constant 16 : i32
      %mul3A_549 = arith.muli %scan3A_547, %mul3A_548 : i32
      %multiple_of3A = tpu.assume_multiple %mul3A_549, 16 : i32
      %get3A = arith.index_cast %multiple_of3A : i32 to index
      %get3A_550 = tpu.vector_load %arg6[%get3A] {strides = array<i32>} : memref<2000xi32, #tpu.memory_space<vmem>>, vector<16xi32>,
      %get3A_551 = arith.index_cast %multiple_of3A : i32 to index
      %get3A_552 = tpu.vector_load %arg7[%get3A_551] {strides = array<i32>} : memref<2000xi32, #tpu.memory_space<vmem>>, vector<16xi32>,
      %gather3A = tpu.vector_load_idx %arg8[%get3A_550] : memref<10000xf32, #tpu.memory_space<vmem>>[vector<16xi32>], vector<16xf32>,
      %gather3A_553 = tpu.vector_load_idx %arg9[%get3A_552] : memref<10000xf32, #tpu.memory_space<vmem>>[vector<16xi32>], vector<16xf32>,
      %add3A_554 = arith.addf %gather3A, %gather3A_553 : vector<16xf32>
      %ge3A = arith.constant 0.000000e+00 : f32
      %ge3A_555 = vector.broadcast %ge3A : f32 to vector<16xf32>
      %ge3A_556 = arith.cmpf oge, %add3A_554, %ge3A_555 : vector<16xf32>
      %mul3A_557 = arith.constant 2.000000e-01 : f32
      %mul3A_558 = vector.broadcast %mul3A_557 : f32 to vector<16xf32>
      %mul3A_559 = arith.mulf %mul3A_558, %add3A_554 : vector<16xf32>
      %select_n3A = arith.select %ge3A_556, %add3A_554, %mul3A_559 : vector<16xi1>, vector<16xf32>
      %gather3A_560 = tpu.vector_load_idx %arg10[%get3A_550] : memref<10240xf32, #tpu.memory_space<vmem>>[vector<16xi32>], vector<16xf32>,
      %lt3A = arith.cmpf olt, %gather3A_560, %select_n3A : vector<16xf32>
      %while3A = scf.while (%while3A_561 = %lt3A) : (vector<16xi1>) -> vector<16xi1> {
        %reduce_or3A = arith.constant 1.000000e+00 : f32
        %reduce_or3A_562 = arith.constant 0.000000e+00 : f32
        %reduce_or3A_563 = vector.broadcast %reduce_or3A : f32 to vector<16xf32>
        %reduce_or3A_564 = vector.broadcast %reduce_or3A_562 : f32 to vector<16xf32>
        %reduce_or3A_565 = arith.select %while3A_561, %reduce_or3A_563, %reduce_or3A_564 : vector<16xi1>, vector<16xf32>
        %reduce_or3A_566 = arith.constant true
        %reduce_or3A_567 = vector.broadcast %reduce_or3A_566 : i1 to vector<16xi1>
        %reduce_or3A_568 = tpu.scan <max>, %reduce_or3A_565 masked %reduce_or3A_567 : vector<16xf32>, vector<16xi1> -> vector<16xf32>
        %reduce_or3A_569 = vector.extract %reduce_or3A_568[15] : f32 from vector<16xf32>
        %reduce_or3A_570 = arith.constant 0.000000e+00 : f32
        %reduce_or3A_571 = arith.cmpf ogt, %reduce_or3A_569, %reduce_or3A_570 : f32
        scf.condition(%reduce_or3A_571) %while3A_561 : vector<16xi1>
      } do {
      ^bb0(%while3A_561: vector<16xi1>):
        tpu.vector_store_idx %arg10[%get3A_550], %select_n3A masked %while3A_561 : memref<10240xf32, #tpu.memory_space<vmem>>[vector<16xi32>], vector<16xf32>, vector<16xi1>
        %gather3A_562 = tpu.vector_load_idx %arg10[%get3A_550] : memref<10240xf32, #tpu.memory_space<vmem>>[vector<16xi32>], vector<16xf32>,
        %lt3A_563 = arith.cmpf olt, %gather3A_562, %select_n3A : vector<16xf32>
        %and3A = arith.andi %while3A_561, %lt3A_563 : vector<16xi1>
        scf.yield %and3A : vector<16xi1>
      }
    }
    %scan3A_94 = arith.constant 125 : i32
    %mul3A_95 = arith.constant 10000 : i32
    %mul3A_96 = arith.muli %add3A, %mul3A_95 : i32
    %add3A_97 = arith.constant 6000 : i32
    %add3A_98 = arith.addi %mul3A_96, %add3A_97 : i32
    %dma_start3A_99 = arith.constant 0 : i32
    %dma_start3A_100 = tpu.memref_slice %arg2[%dma_start3A_99, %add3A_98] : memref<2x320000xi32, #tpu.memory_space<hbm>> -> memref<1x2000xi32, #tpu.memory_space<hbm>>
    %dma_start3A_101 = tpu.memref_squeeze %dma_start3A_100 : memref<1x2000xi32, #tpu.memory_space<hbm>> -> memref<2000xi32, #tpu.memory_space<hbm>>
    %dma_start3A_102 = tpu.memref_slice %arg2[%dma_start3A_99, %add3A_98] : memref<2x320000xi32, #tpu.memory_space<hbm>> -> memref<1x2000xi32, #tpu.memory_space<hbm>>
    %dma_start3A_103 = tpu.memref_squeeze %dma_start3A_102 : memref<1x2000xi32, #tpu.memory_space<hbm>> -> memref<2000xi32, #tpu.memory_space<hbm>>
    tpu.enqueue_dma source(%dma_start3A_103 : memref<2000xi32, #tpu.memory_space<hbm>>) target(%arg6 : memref<2000xi32, #tpu.memory_space<vmem>>) target_semaphore(%arg14 : memref<!tpu.dma_semaphore, #tpu.memory_space<semaphore_mem>>)
    %dma_start3A_104 = arith.constant 1 : i32
    %dma_start3A_105 = tpu.memref_slice %arg2[%dma_start3A_104, %add3A_98] : memref<2x320000xi32, #tpu.memory_space<hbm>> -> memref<1x2000xi32, #tpu.memory_space<hbm>>
    %dma_start3A_106 = tpu.memref_squeeze %dma_start3A_105 : memref<1x2000xi32, #tpu.memory_space<hbm>> -> memref<2000xi32, #tpu.memory_space<hbm>>
    %dma_start3A_107 = tpu.memref_slice %arg2[%dma_start3A_104, %add3A_98] : memref<2x320000xi32, #tpu.memory_space<hbm>> -> memref<1x2000xi32, #tpu.memory_space<hbm>>
    %dma_start3A_108 = tpu.memref_squeeze %dma_start3A_107 : memref<1x2000xi32, #tpu.memory_space<hbm>> -> memref<2000xi32, #tpu.memory_space<hbm>>
    tpu.enqueue_dma source(%dma_start3A_108 : memref<2000xi32, #tpu.memory_space<hbm>>) target(%arg7 : memref<2000xi32, #tpu.memory_space<vmem>>) target_semaphore(%arg14 : memref<!tpu.dma_semaphore, #tpu.memory_space<semaphore_mem>>)
    %dma_wait3A_109 = arith.constant 0 : i32
    %dma_wait3A_110 = tpu.memref_slice %arg2[%dma_wait3A_109, %add3A_98] : memref<2x320000xi32, #tpu.memory_space<hbm>> -> memref<1x2000xi32, #tpu.memory_space<hbm>>
    %dma_wait3A_111 = tpu.memref_squeeze %dma_wait3A_110 : memref<1x2000xi32, #tpu.memory_space<hbm>> -> memref<2000xi32, #tpu.memory_space<hbm>>
    %dma_wait3A_112 = tpu.memref_slice %arg2[%dma_wait3A_109, %add3A_98] : memref<2x320000xi32, #tpu.memory_space<hbm>> -> memref<1x2000xi32, #tpu.memory_space<hbm>>
    %dma_wait3A_113 = tpu.memref_squeeze %dma_wait3A_112 : memref<1x2000xi32, #tpu.memory_space<hbm>> -> memref<2000xi32, #tpu.memory_space<hbm>>
    tpu.wait_dma2 semaphore(%arg14 : memref<!tpu.dma_semaphore, #tpu.memory_space<semaphore_mem>>) src(%dma_wait3A_113 : memref<2000xi32, #tpu.memory_space<hbm>>) dst(%arg6 : memref<2000xi32, #tpu.memory_space<vmem>>)
    %dma_wait3A_114 = arith.constant 1 : i32
    %dma_wait3A_115 = tpu.memref_slice %arg2[%dma_wait3A_114, %add3A_98] : memref<2x320000xi32, #tpu.memory_space<hbm>> -> memref<1x2000xi32, #tpu.memory_space<hbm>>
    %dma_wait3A_116 = tpu.memref_squeeze %dma_wait3A_115 : memref<1x2000xi32, #tpu.memory_space<hbm>> -> memref<2000xi32, #tpu.memory_space<hbm>>
    %dma_wait3A_117 = tpu.memref_slice %arg2[%dma_wait3A_114, %add3A_98] : memref<2x320000xi32, #tpu.memory_space<hbm>> -> memref<1x2000xi32, #tpu.memory_space<hbm>>
    %dma_wait3A_118 = tpu.memref_squeeze %dma_wait3A_117 : memref<1x2000xi32, #tpu.memory_space<hbm>> -> memref<2000xi32, #tpu.memory_space<hbm>>
    tpu.wait_dma2 semaphore(%arg14 : memref<!tpu.dma_semaphore, #tpu.memory_space<semaphore_mem>>) src(%dma_wait3A_118 : memref<2000xi32, #tpu.memory_space<hbm>>) dst(%arg7 : memref<2000xi32, #tpu.memory_space<vmem>>)
    %scan3A_119 = arith.constant 0 : i32
    %scan3A_120 = arith.constant 0 : i32
    %scan3A_121 = arith.constant 125 : i32
    %scan3A_122 = arith.addi %scan3A_120, %scan3A_121 : i32
    %scan3A_123 = arith.constant 1 : i32
    scf.for %scan3A_547 = %scan3A_120 to %scan3A_122 step %scan3A_123  : i32 {
      %mul3A_548 = arith.constant 16 : i32
      %mul3A_549 = arith.muli %scan3A_547, %mul3A_548 : i32
      %multiple_of3A = tpu.assume_multiple %mul3A_549, 16 : i32
      %get3A = arith.index_cast %multiple_of3A : i32 to index
      %get3A_550 = tpu.vector_load %arg6[%get3A] {strides = array<i32>} : memref<2000xi32, #tpu.memory_space<vmem>>, vector<16xi32>,
      %get3A_551 = arith.index_cast %multiple_of3A : i32 to index
      %get3A_552 = tpu.vector_load %arg7[%get3A_551] {strides = array<i32>} : memref<2000xi32, #tpu.memory_space<vmem>>, vector<16xi32>,
      %gather3A = tpu.vector_load_idx %arg8[%get3A_550] : memref<10000xf32, #tpu.memory_space<vmem>>[vector<16xi32>], vector<16xf32>,
      %gather3A_553 = tpu.vector_load_idx %arg9[%get3A_552] : memref<10000xf32, #tpu.memory_space<vmem>>[vector<16xi32>], vector<16xf32>,
      %add3A_554 = arith.addf %gather3A, %gather3A_553 : vector<16xf32>
      %ge3A = arith.constant 0.000000e+00 : f32
      %ge3A_555 = vector.broadcast %ge3A : f32 to vector<16xf32>
      %ge3A_556 = arith.cmpf oge, %add3A_554, %ge3A_555 : vector<16xf32>
      %mul3A_557 = arith.constant 2.000000e-01 : f32
      %mul3A_558 = vector.broadcast %mul3A_557 : f32 to vector<16xf32>
      %mul3A_559 = arith.mulf %mul3A_558, %add3A_554 : vector<16xf32>
      %select_n3A = arith.select %ge3A_556, %add3A_554, %mul3A_559 : vector<16xi1>, vector<16xf32>
      %gather3A_560 = tpu.vector_load_idx %arg10[%get3A_550] : memref<10240xf32, #tpu.memory_space<vmem>>[vector<16xi32>], vector<16xf32>,
      %lt3A = arith.cmpf olt, %gather3A_560, %select_n3A : vector<16xf32>
      %while3A = scf.while (%while3A_561 = %lt3A) : (vector<16xi1>) -> vector<16xi1> {
        %reduce_or3A = arith.constant 1.000000e+00 : f32
        %reduce_or3A_562 = arith.constant 0.000000e+00 : f32
        %reduce_or3A_563 = vector.broadcast %reduce_or3A : f32 to vector<16xf32>
        %reduce_or3A_564 = vector.broadcast %reduce_or3A_562 : f32 to vector<16xf32>
        %reduce_or3A_565 = arith.select %while3A_561, %reduce_or3A_563, %reduce_or3A_564 : vector<16xi1>, vector<16xf32>
        %reduce_or3A_566 = arith.constant true
        %reduce_or3A_567 = vector.broadcast %reduce_or3A_566 : i1 to vector<16xi1>
        %reduce_or3A_568 = tpu.scan <max>, %reduce_or3A_565 masked %reduce_or3A_567 : vector<16xf32>, vector<16xi1> -> vector<16xf32>
        %reduce_or3A_569 = vector.extract %reduce_or3A_568[15] : f32 from vector<16xf32>
        %reduce_or3A_570 = arith.constant 0.000000e+00 : f32
        %reduce_or3A_571 = arith.cmpf ogt, %reduce_or3A_569, %reduce_or3A_570 : f32
        scf.condition(%reduce_or3A_571) %while3A_561 : vector<16xi1>
      } do {
      ^bb0(%while3A_561: vector<16xi1>):
        tpu.vector_store_idx %arg10[%get3A_550], %select_n3A masked %while3A_561 : memref<10240xf32, #tpu.memory_space<vmem>>[vector<16xi32>], vector<16xf32>, vector<16xi1>
        %gather3A_562 = tpu.vector_load_idx %arg10[%get3A_550] : memref<10240xf32, #tpu.memory_space<vmem>>[vector<16xi32>], vector<16xf32>,
        %lt3A_563 = arith.cmpf olt, %gather3A_562, %select_n3A : vector<16xf32>
        %and3A = arith.andi %while3A_561, %lt3A_563 : vector<16xi1>
        scf.yield %and3A : vector<16xi1>
      }
    }
    %scan3A_124 = arith.constant 125 : i32
    %mul3A_125 = arith.constant 10000 : i32
    %mul3A_126 = arith.muli %add3A, %mul3A_125 : i32
    %add3A_127 = arith.constant 8000 : i32
    %add3A_128 = arith.addi %mul3A_126, %add3A_127 : i32
    %dma_start3A_129 = arith.constant 0 : i32
    %dma_start3A_130 = tpu.memref_slice %arg2[%dma_start3A_129, %add3A_128] : memref<2x320000xi32, #tpu.memory_space<hbm>> -> memref<1x2000xi32, #tpu.memory_space<hbm>>
    %dma_start3A_131 = tpu.memref_squeeze %dma_start3A_130 : memref<1x2000xi32, #tpu.memory_space<hbm>> -> memref<2000xi32, #tpu.memory_space<hbm>>
    %dma_start3A_132 = tpu.memref_slice %arg2[%dma_start3A_129, %add3A_128] : memref<2x320000xi32, #tpu.memory_space<hbm>> -> memref<1x2000xi32, #tpu.memory_space<hbm>>
    %dma_start3A_133 = tpu.memref_squeeze %dma_start3A_132 : memref<1x2000xi32, #tpu.memory_space<hbm>> -> memref<2000xi32, #tpu.memory_space<hbm>>
    tpu.enqueue_dma source(%dma_start3A_133 : memref<2000xi32, #tpu.memory_space<hbm>>) target(%arg6 : memref<2000xi32, #tpu.memory_space<vmem>>) target_semaphore(%arg14 : memref<!tpu.dma_semaphore, #tpu.memory_space<semaphore_mem>>)
    %dma_start3A_134 = arith.constant 1 : i32
    %dma_start3A_135 = tpu.memref_slice %arg2[%dma_start3A_134, %add3A_128] : memref<2x320000xi32, #tpu.memory_space<hbm>> -> memref<1x2000xi32, #tpu.memory_space<hbm>>
    %dma_start3A_136 = tpu.memref_squeeze %dma_start3A_135 : memref<1x2000xi32, #tpu.memory_space<hbm>> -> memref<2000xi32, #tpu.memory_space<hbm>>
    %dma_start3A_137 = tpu.memref_slice %arg2[%dma_start3A_134, %add3A_128] : memref<2x320000xi32, #tpu.memory_space<hbm>> -> memref<1x2000xi32, #tpu.memory_space<hbm>>
    %dma_start3A_138 = tpu.memref_squeeze %dma_start3A_137 : memref<1x2000xi32, #tpu.memory_space<hbm>> -> memref<2000xi32, #tpu.memory_space<hbm>>
    tpu.enqueue_dma source(%dma_start3A_138 : memref<2000xi32, #tpu.memory_space<hbm>>) target(%arg7 : memref<2000xi32, #tpu.memory_space<vmem>>) target_semaphore(%arg14 : memref<!tpu.dma_semaphore, #tpu.memory_space<semaphore_mem>>)
    %dma_wait3A_139 = arith.constant 0 : i32
    %dma_wait3A_140 = tpu.memref_slice %arg2[%dma_wait3A_139, %add3A_128] : memref<2x320000xi32, #tpu.memory_space<hbm>> -> memref<1x2000xi32, #tpu.memory_space<hbm>>
    %dma_wait3A_141 = tpu.memref_squeeze %dma_wait3A_140 : memref<1x2000xi32, #tpu.memory_space<hbm>> -> memref<2000xi32, #tpu.memory_space<hbm>>
    %dma_wait3A_142 = tpu.memref_slice %arg2[%dma_wait3A_139, %add3A_128] : memref<2x320000xi32, #tpu.memory_space<hbm>> -> memref<1x2000xi32, #tpu.memory_space<hbm>>
    %dma_wait3A_143 = tpu.memref_squeeze %dma_wait3A_142 : memref<1x2000xi32, #tpu.memory_space<hbm>> -> memref<2000xi32, #tpu.memory_space<hbm>>
    tpu.wait_dma2 semaphore(%arg14 : memref<!tpu.dma_semaphore, #tpu.memory_space<semaphore_mem>>) src(%dma_wait3A_143 : memref<2000xi32, #tpu.memory_space<hbm>>) dst(%arg6 : memref<2000xi32, #tpu.memory_space<vmem>>)
    %dma_wait3A_144 = arith.constant 1 : i32
    %dma_wait3A_145 = tpu.memref_slice %arg2[%dma_wait3A_144, %add3A_128] : memref<2x320000xi32, #tpu.memory_space<hbm>> -> memref<1x2000xi32, #tpu.memory_space<hbm>>
    %dma_wait3A_146 = tpu.memref_squeeze %dma_wait3A_145 : memref<1x2000xi32, #tpu.memory_space<hbm>> -> memref<2000xi32, #tpu.memory_space<hbm>>
    %dma_wait3A_147 = tpu.memref_slice %arg2[%dma_wait3A_144, %add3A_128] : memref<2x320000xi32, #tpu.memory_space<hbm>> -> memref<1x2000xi32, #tpu.memory_space<hbm>>
    %dma_wait3A_148 = tpu.memref_squeeze %dma_wait3A_147 : memref<1x2000xi32, #tpu.memory_space<hbm>> -> memref<2000xi32, #tpu.memory_space<hbm>>
    tpu.wait_dma2 semaphore(%arg14 : memref<!tpu.dma_semaphore, #tpu.memory_space<semaphore_mem>>) src(%dma_wait3A_148 : memref<2000xi32, #tpu.memory_space<hbm>>) dst(%arg7 : memref<2000xi32, #tpu.memory_space<vmem>>)
    %scan3A_149 = arith.constant 0 : i32
    %scan3A_150 = arith.constant 0 : i32
    %scan3A_151 = arith.constant 125 : i32
    %scan3A_152 = arith.addi %scan3A_150, %scan3A_151 : i32
    %scan3A_153 = arith.constant 1 : i32
    scf.for %scan3A_547 = %scan3A_150 to %scan3A_152 step %scan3A_153  : i32 {
      %mul3A_548 = arith.constant 16 : i32
      %mul3A_549 = arith.muli %scan3A_547, %mul3A_548 : i32
      %multiple_of3A = tpu.assume_multiple %mul3A_549, 16 : i32
      %get3A = arith.index_cast %multiple_of3A : i32 to index
      %get3A_550 = tpu.vector_load %arg6[%get3A] {strides = array<i32>} : memref<2000xi32, #tpu.memory_space<vmem>>, vector<16xi32>,
      %get3A_551 = arith.index_cast %multiple_of3A : i32 to index
      %get3A_552 = tpu.vector_load %arg7[%get3A_551] {strides = array<i32>} : memref<2000xi32, #tpu.memory_space<vmem>>, vector<16xi32>,
      %gather3A = tpu.vector_load_idx %arg8[%get3A_550] : memref<10000xf32, #tpu.memory_space<vmem>>[vector<16xi32>], vector<16xf32>,
      %gather3A_553 = tpu.vector_load_idx %arg9[%get3A_552] : memref<10000xf32, #tpu.memory_space<vmem>>[vector<16xi32>], vector<16xf32>,
      %add3A_554 = arith.addf %gather3A, %gather3A_553 : vector<16xf32>
      %ge3A = arith.constant 0.000000e+00 : f32
      %ge3A_555 = vector.broadcast %ge3A : f32 to vector<16xf32>
      %ge3A_556 = arith.cmpf oge, %add3A_554, %ge3A_555 : vector<16xf32>
      %mul3A_557 = arith.constant 2.000000e-01 : f32
      %mul3A_558 = vector.broadcast %mul3A_557 : f32 to vector<16xf32>
      %mul3A_559 = arith.mulf %mul3A_558, %add3A_554 : vector<16xf32>
      %select_n3A = arith.select %ge3A_556, %add3A_554, %mul3A_559 : vector<16xi1>, vector<16xf32>
      %gather3A_560 = tpu.vector_load_idx %arg10[%get3A_550] : memref<10240xf32, #tpu.memory_space<vmem>>[vector<16xi32>], vector<16xf32>,
      %lt3A = arith.cmpf olt, %gather3A_560, %select_n3A : vector<16xf32>
      %while3A = scf.while (%while3A_561 = %lt3A) : (vector<16xi1>) -> vector<16xi1> {
        %reduce_or3A = arith.constant 1.000000e+00 : f32
        %reduce_or3A_562 = arith.constant 0.000000e+00 : f32
        %reduce_or3A_563 = vector.broadcast %reduce_or3A : f32 to vector<16xf32>
        %reduce_or3A_564 = vector.broadcast %reduce_or3A_562 : f32 to vector<16xf32>
        %reduce_or3A_565 = arith.select %while3A_561, %reduce_or3A_563, %reduce_or3A_564 : vector<16xi1>, vector<16xf32>
        %reduce_or3A_566 = arith.constant true
        %reduce_or3A_567 = vector.broadcast %reduce_or3A_566 : i1 to vector<16xi1>
        %reduce_or3A_568 = tpu.scan <max>, %reduce_or3A_565 masked %reduce_or3A_567 : vector<16xf32>, vector<16xi1> -> vector<16xf32>
        %reduce_or3A_569 = vector.extract %reduce_or3A_568[15] : f32 from vector<16xf32>
        %reduce_or3A_570 = arith.constant 0.000000e+00 : f32
        %reduce_or3A_571 = arith.cmpf ogt, %reduce_or3A_569, %reduce_or3A_570 : f32
        scf.condition(%reduce_or3A_571) %while3A_561 : vector<16xi1>
      } do {
      ^bb0(%while3A_561: vector<16xi1>):
        tpu.vector_store_idx %arg10[%get3A_550], %select_n3A masked %while3A_561 : memref<10240xf32, #tpu.memory_space<vmem>>[vector<16xi32>], vector<16xf32>, vector<16xi1>
        %gather3A_562 = tpu.vector_load_idx %arg10[%get3A_550] : memref<10240xf32, #tpu.memory_space<vmem>>[vector<16xi32>], vector<16xf32>,
        %lt3A_563 = arith.cmpf olt, %gather3A_562, %select_n3A : vector<16xf32>
        %and3A = arith.andi %while3A_561, %lt3A_563 : vector<16xi1>
        scf.yield %and3A : vector<16xi1>
      }
    }
    %scan3A_154 = arith.constant 125 : i32
    "tpu.region"() ({
      %run_scoped3A = tpu.sem_alloc : memref<!tpu.dma_semaphore, #tpu.memory_space<semaphore_mem>>
      %dma_start3A_547 = arith.constant 0 : i32
      %dma_start3A_548 = tpu.memref_slice %arg11[%arg1, %dma_start3A_547] : memref<16x10240xf32, #tpu.memory_space<vmem_shared>> -> memref<1x10240xf32, #tpu.memory_space<vmem_shared>>
      %dma_start3A_549 = tpu.memref_squeeze %dma_start3A_548 : memref<1x10240xf32, #tpu.memory_space<vmem_shared>> -> memref<10240xf32, #tpu.memory_space<vmem_shared>>
      %dma_start3A_550 = arith.constant 0 : i32
      %dma_start3A_551 = tpu.memref_slice %arg11[%arg1, %dma_start3A_550] : memref<16x10240xf32, #tpu.memory_space<vmem_shared>> -> memref<1x10240xf32, #tpu.memory_space<vmem_shared>>
      %dma_start3A_552 = tpu.memref_squeeze %dma_start3A_551 : memref<1x10240xf32, #tpu.memory_space<vmem_shared>> -> memref<10240xf32, #tpu.memory_space<vmem_shared>>
      tpu.enqueue_dma source(%arg10 : memref<10240xf32, #tpu.memory_space<vmem>>) target(%dma_start3A_552 : memref<10240xf32, #tpu.memory_space<vmem_shared>>) target_semaphore(%run_scoped3A : memref<!tpu.dma_semaphore, #tpu.memory_space<semaphore_mem>>)
      %dma_wait3A_553 = arith.constant 0 : i32
      %dma_wait3A_554 = tpu.memref_slice %arg11[%arg1, %dma_wait3A_553] : memref<16x10240xf32, #tpu.memory_space<vmem_shared>> -> memref<1x10240xf32, #tpu.memory_space<vmem_shared>>
      %dma_wait3A_555 = tpu.memref_squeeze %dma_wait3A_554 : memref<1x10240xf32, #tpu.memory_space<vmem_shared>> -> memref<10240xf32, #tpu.memory_space<vmem_shared>>
      %dma_wait3A_556 = arith.constant 0 : i32
      %dma_wait3A_557 = tpu.memref_slice %arg11[%arg1, %dma_wait3A_556] : memref<16x10240xf32, #tpu.memory_space<vmem_shared>> -> memref<1x10240xf32, #tpu.memory_space<vmem_shared>>
      %dma_wait3A_558 = tpu.memref_squeeze %dma_wait3A_557 : memref<1x10240xf32, #tpu.memory_space<vmem_shared>> -> memref<10240xf32, #tpu.memory_space<vmem_shared>>
      tpu.wait_dma2 semaphore(%run_scoped3A : memref<!tpu.dma_semaphore, #tpu.memory_space<semaphore_mem>>) src(%arg10 : memref<10240xf32, #tpu.memory_space<vmem>>) dst(%dma_wait3A_558 : memref<10240xf32, #tpu.memory_space<vmem_shared>>)
      tpu.yield
    }) : () -> ()
    %barrier3A = arith.constant 0 : index
    tpu.barrier barrier_id(%barrier3A)
    %mul3A_155 = arith.constant 640 : i32
    %mul3A_156 = arith.muli %arg1, %mul3A_155 : i32
    %dma_start3A_157 = arith.constant 0 : i32
    %dma_start3A_158 = arith.constant 0 : i32
    %dma_start3A_159 = arith.constant 0 : i32
    %dma_start3A_160 = tpu.memref_slice %arg12[%dma_start3A_158, %dma_start3A_159] : memref<16x640xf32, #tpu.memory_space<vmem>> -> memref<1x640xf32, #tpu.memory_space<vmem>>
    %dma_start3A_161 = tpu.memref_squeeze %dma_start3A_160 : memref<1x640xf32, #tpu.memory_space<vmem>> -> memref<640xf32, #tpu.memory_space<vmem>>
    %dma_start3A_162 = tpu.memref_slice %arg11[%dma_start3A_157, %mul3A_156] : memref<16x10240xf32, #tpu.memory_space<vmem_shared>> -> memref<1x640xf32, #tpu.memory_space<vmem_shared>>
    %dma_start3A_163 = tpu.memref_squeeze %dma_start3A_162 : memref<1x640xf32, #tpu.memory_space<vmem_shared>> -> memref<640xf32, #tpu.memory_space<vmem_shared>>
    %dma_start3A_164 = arith.constant 0 : i32
    %dma_start3A_165 = tpu.memref_slice %arg12[%dma_start3A_158, %dma_start3A_164] : memref<16x640xf32, #tpu.memory_space<vmem>> -> memref<1x640xf32, #tpu.memory_space<vmem>>
    %dma_start3A_166 = tpu.memref_squeeze %dma_start3A_165 : memref<1x640xf32, #tpu.memory_space<vmem>> -> memref<640xf32, #tpu.memory_space<vmem>>
    %dma_start3A_167 = tpu.memref_slice %arg11[%dma_start3A_157, %mul3A_156] : memref<16x10240xf32, #tpu.memory_space<vmem_shared>> -> memref<1x640xf32, #tpu.memory_space<vmem_shared>>
    %dma_start3A_168 = tpu.memref_squeeze %dma_start3A_167 : memref<1x640xf32, #tpu.memory_space<vmem_shared>> -> memref<640xf32, #tpu.memory_space<vmem_shared>>
    tpu.enqueue_dma source(%dma_start3A_168 : memref<640xf32, #tpu.memory_space<vmem_shared>>) target(%dma_start3A_166 : memref<640xf32, #tpu.memory_space<vmem>>) target_semaphore(%arg14 : memref<!tpu.dma_semaphore, #tpu.memory_space<semaphore_mem>>)
    %dma_start3A_169 = arith.constant 1 : i32
    %dma_start3A_170 = arith.constant 1 : i32
    %dma_start3A_171 = arith.constant 0 : i32
    %dma_start3A_172 = tpu.memref_slice %arg12[%dma_start3A_170, %dma_start3A_171] : memref<16x640xf32, #tpu.memory_space<vmem>> -> memref<1x640xf32, #tpu.memory_space<vmem>>
    %dma_start3A_173 = tpu.memref_squeeze %dma_start3A_172 : memref<1x640xf32, #tpu.memory_space<vmem>> -> memref<640xf32, #tpu.memory_space<vmem>>
    %dma_start3A_174 = tpu.memref_slice %arg11[%dma_start3A_169, %mul3A_156] : memref<16x10240xf32, #tpu.memory_space<vmem_shared>> -> memref<1x640xf32, #tpu.memory_space<vmem_shared>>
    %dma_start3A_175 = tpu.memref_squeeze %dma_start3A_174 : memref<1x640xf32, #tpu.memory_space<vmem_shared>> -> memref<640xf32, #tpu.memory_space<vmem_shared>>
    %dma_start3A_176 = arith.constant 0 : i32
    %dma_start3A_177 = tpu.memref_slice %arg12[%dma_start3A_170, %dma_start3A_176] : memref<16x640xf32, #tpu.memory_space<vmem>> -> memref<1x640xf32, #tpu.memory_space<vmem>>
    %dma_start3A_178 = tpu.memref_squeeze %dma_start3A_177 : memref<1x640xf32, #tpu.memory_space<vmem>> -> memref<640xf32, #tpu.memory_space<vmem>>
    %dma_start3A_179 = tpu.memref_slice %arg11[%dma_start3A_169, %mul3A_156] : memref<16x10240xf32, #tpu.memory_space<vmem_shared>> -> memref<1x640xf32, #tpu.memory_space<vmem_shared>>
    %dma_start3A_180 = tpu.memref_squeeze %dma_start3A_179 : memref<1x640xf32, #tpu.memory_space<vmem_shared>> -> memref<640xf32, #tpu.memory_space<vmem_shared>>
    tpu.enqueue_dma source(%dma_start3A_180 : memref<640xf32, #tpu.memory_space<vmem_shared>>) target(%dma_start3A_178 : memref<640xf32, #tpu.memory_space<vmem>>) target_semaphore(%arg14 : memref<!tpu.dma_semaphore, #tpu.memory_space<semaphore_mem>>)
    %dma_start3A_181 = arith.constant 2 : i32
    %dma_start3A_182 = arith.constant 2 : i32
    %dma_start3A_183 = arith.constant 0 : i32
    %dma_start3A_184 = tpu.memref_slice %arg12[%dma_start3A_182, %dma_start3A_183] : memref<16x640xf32, #tpu.memory_space<vmem>> -> memref<1x640xf32, #tpu.memory_space<vmem>>
    %dma_start3A_185 = tpu.memref_squeeze %dma_start3A_184 : memref<1x640xf32, #tpu.memory_space<vmem>> -> memref<640xf32, #tpu.memory_space<vmem>>
    %dma_start3A_186 = tpu.memref_slice %arg11[%dma_start3A_181, %mul3A_156] : memref<16x10240xf32, #tpu.memory_space<vmem_shared>> -> memref<1x640xf32, #tpu.memory_space<vmem_shared>>
    %dma_start3A_187 = tpu.memref_squeeze %dma_start3A_186 : memref<1x640xf32, #tpu.memory_space<vmem_shared>> -> memref<640xf32, #tpu.memory_space<vmem_shared>>
    %dma_start3A_188 = arith.constant 0 : i32
    %dma_start3A_189 = tpu.memref_slice %arg12[%dma_start3A_182, %dma_start3A_188] : memref<16x640xf32, #tpu.memory_space<vmem>> -> memref<1x640xf32, #tpu.memory_space<vmem>>
    %dma_start3A_190 = tpu.memref_squeeze %dma_start3A_189 : memref<1x640xf32, #tpu.memory_space<vmem>> -> memref<640xf32, #tpu.memory_space<vmem>>
    %dma_start3A_191 = tpu.memref_slice %arg11[%dma_start3A_181, %mul3A_156] : memref<16x10240xf32, #tpu.memory_space<vmem_shared>> -> memref<1x640xf32, #tpu.memory_space<vmem_shared>>
    %dma_start3A_192 = tpu.memref_squeeze %dma_start3A_191 : memref<1x640xf32, #tpu.memory_space<vmem_shared>> -> memref<640xf32, #tpu.memory_space<vmem_shared>>
    tpu.enqueue_dma source(%dma_start3A_192 : memref<640xf32, #tpu.memory_space<vmem_shared>>) target(%dma_start3A_190 : memref<640xf32, #tpu.memory_space<vmem>>) target_semaphore(%arg14 : memref<!tpu.dma_semaphore, #tpu.memory_space<semaphore_mem>>)
    %dma_start3A_193 = arith.constant 3 : i32
    %dma_start3A_194 = arith.constant 3 : i32
    %dma_start3A_195 = arith.constant 0 : i32
    %dma_start3A_196 = tpu.memref_slice %arg12[%dma_start3A_194, %dma_start3A_195] : memref<16x640xf32, #tpu.memory_space<vmem>> -> memref<1x640xf32, #tpu.memory_space<vmem>>
    %dma_start3A_197 = tpu.memref_squeeze %dma_start3A_196 : memref<1x640xf32, #tpu.memory_space<vmem>> -> memref<640xf32, #tpu.memory_space<vmem>>
    %dma_start3A_198 = tpu.memref_slice %arg11[%dma_start3A_193, %mul3A_156] : memref<16x10240xf32, #tpu.memory_space<vmem_shared>> -> memref<1x640xf32, #tpu.memory_space<vmem_shared>>
    %dma_start3A_199 = tpu.memref_squeeze %dma_start3A_198 : memref<1x640xf32, #tpu.memory_space<vmem_shared>> -> memref<640xf32, #tpu.memory_space<vmem_shared>>
    %dma_start3A_200 = arith.constant 0 : i32
    %dma_start3A_201 = tpu.memref_slice %arg12[%dma_start3A_194, %dma_start3A_200] : memref<16x640xf32, #tpu.memory_space<vmem>> -> memref<1x640xf32, #tpu.memory_space<vmem>>
    %dma_start3A_202 = tpu.memref_squeeze %dma_start3A_201 : memref<1x640xf32, #tpu.memory_space<vmem>> -> memref<640xf32, #tpu.memory_space<vmem>>
    %dma_start3A_203 = tpu.memref_slice %arg11[%dma_start3A_193, %mul3A_156] : memref<16x10240xf32, #tpu.memory_space<vmem_shared>> -> memref<1x640xf32, #tpu.memory_space<vmem_shared>>
    %dma_start3A_204 = tpu.memref_squeeze %dma_start3A_203 : memref<1x640xf32, #tpu.memory_space<vmem_shared>> -> memref<640xf32, #tpu.memory_space<vmem_shared>>
    tpu.enqueue_dma source(%dma_start3A_204 : memref<640xf32, #tpu.memory_space<vmem_shared>>) target(%dma_start3A_202 : memref<640xf32, #tpu.memory_space<vmem>>) target_semaphore(%arg14 : memref<!tpu.dma_semaphore, #tpu.memory_space<semaphore_mem>>)
    %dma_start3A_205 = arith.constant 4 : i32
    %dma_start3A_206 = arith.constant 4 : i32
    %dma_start3A_207 = arith.constant 0 : i32
    %dma_start3A_208 = tpu.memref_slice %arg12[%dma_start3A_206, %dma_start3A_207] : memref<16x640xf32, #tpu.memory_space<vmem>> -> memref<1x640xf32, #tpu.memory_space<vmem>>
    %dma_start3A_209 = tpu.memref_squeeze %dma_start3A_208 : memref<1x640xf32, #tpu.memory_space<vmem>> -> memref<640xf32, #tpu.memory_space<vmem>>
    %dma_start3A_210 = tpu.memref_slice %arg11[%dma_start3A_205, %mul3A_156] : memref<16x10240xf32, #tpu.memory_space<vmem_shared>> -> memref<1x640xf32, #tpu.memory_space<vmem_shared>>
    %dma_start3A_211 = tpu.memref_squeeze %dma_start3A_210 : memref<1x640xf32, #tpu.memory_space<vmem_shared>> -> memref<640xf32, #tpu.memory_space<vmem_shared>>
    %dma_start3A_212 = arith.constant 0 : i32
    %dma_start3A_213 = tpu.memref_slice %arg12[%dma_start3A_206, %dma_start3A_212] : memref<16x640xf32, #tpu.memory_space<vmem>> -> memref<1x640xf32, #tpu.memory_space<vmem>>
    %dma_start3A_214 = tpu.memref_squeeze %dma_start3A_213 : memref<1x640xf32, #tpu.memory_space<vmem>> -> memref<640xf32, #tpu.memory_space<vmem>>
    %dma_start3A_215 = tpu.memref_slice %arg11[%dma_start3A_205, %mul3A_156] : memref<16x10240xf32, #tpu.memory_space<vmem_shared>> -> memref<1x640xf32, #tpu.memory_space<vmem_shared>>
    %dma_start3A_216 = tpu.memref_squeeze %dma_start3A_215 : memref<1x640xf32, #tpu.memory_space<vmem_shared>> -> memref<640xf32, #tpu.memory_space<vmem_shared>>
    tpu.enqueue_dma source(%dma_start3A_216 : memref<640xf32, #tpu.memory_space<vmem_shared>>) target(%dma_start3A_214 : memref<640xf32, #tpu.memory_space<vmem>>) target_semaphore(%arg14 : memref<!tpu.dma_semaphore, #tpu.memory_space<semaphore_mem>>)
    %dma_start3A_217 = arith.constant 5 : i32
    %dma_start3A_218 = arith.constant 5 : i32
    %dma_start3A_219 = arith.constant 0 : i32
    %dma_start3A_220 = tpu.memref_slice %arg12[%dma_start3A_218, %dma_start3A_219] : memref<16x640xf32, #tpu.memory_space<vmem>> -> memref<1x640xf32, #tpu.memory_space<vmem>>
    %dma_start3A_221 = tpu.memref_squeeze %dma_start3A_220 : memref<1x640xf32, #tpu.memory_space<vmem>> -> memref<640xf32, #tpu.memory_space<vmem>>
    %dma_start3A_222 = tpu.memref_slice %arg11[%dma_start3A_217, %mul3A_156] : memref<16x10240xf32, #tpu.memory_space<vmem_shared>> -> memref<1x640xf32, #tpu.memory_space<vmem_shared>>
    %dma_start3A_223 = tpu.memref_squeeze %dma_start3A_222 : memref<1x640xf32, #tpu.memory_space<vmem_shared>> -> memref<640xf32, #tpu.memory_space<vmem_shared>>
    %dma_start3A_224 = arith.constant 0 : i32
    %dma_start3A_225 = tpu.memref_slice %arg12[%dma_start3A_218, %dma_start3A_224] : memref<16x640xf32, #tpu.memory_space<vmem>> -> memref<1x640xf32, #tpu.memory_space<vmem>>
    %dma_start3A_226 = tpu.memref_squeeze %dma_start3A_225 : memref<1x640xf32, #tpu.memory_space<vmem>> -> memref<640xf32, #tpu.memory_space<vmem>>
    %dma_start3A_227 = tpu.memref_slice %arg11[%dma_start3A_217, %mul3A_156] : memref<16x10240xf32, #tpu.memory_space<vmem_shared>> -> memref<1x640xf32, #tpu.memory_space<vmem_shared>>
    %dma_start3A_228 = tpu.memref_squeeze %dma_start3A_227 : memref<1x640xf32, #tpu.memory_space<vmem_shared>> -> memref<640xf32, #tpu.memory_space<vmem_shared>>
    tpu.enqueue_dma source(%dma_start3A_228 : memref<640xf32, #tpu.memory_space<vmem_shared>>) target(%dma_start3A_226 : memref<640xf32, #tpu.memory_space<vmem>>) target_semaphore(%arg14 : memref<!tpu.dma_semaphore, #tpu.memory_space<semaphore_mem>>)
    %dma_start3A_229 = arith.constant 6 : i32
    %dma_start3A_230 = arith.constant 6 : i32
    %dma_start3A_231 = arith.constant 0 : i32
    %dma_start3A_232 = tpu.memref_slice %arg12[%dma_start3A_230, %dma_start3A_231] : memref<16x640xf32, #tpu.memory_space<vmem>> -> memref<1x640xf32, #tpu.memory_space<vmem>>
    %dma_start3A_233 = tpu.memref_squeeze %dma_start3A_232 : memref<1x640xf32, #tpu.memory_space<vmem>> -> memref<640xf32, #tpu.memory_space<vmem>>
    %dma_start3A_234 = tpu.memref_slice %arg11[%dma_start3A_229, %mul3A_156] : memref<16x10240xf32, #tpu.memory_space<vmem_shared>> -> memref<1x640xf32, #tpu.memory_space<vmem_shared>>
    %dma_start3A_235 = tpu.memref_squeeze %dma_start3A_234 : memref<1x640xf32, #tpu.memory_space<vmem_shared>> -> memref<640xf32, #tpu.memory_space<vmem_shared>>
    %dma_start3A_236 = arith.constant 0 : i32
    %dma_start3A_237 = tpu.memref_slice %arg12[%dma_start3A_230, %dma_start3A_236] : memref<16x640xf32, #tpu.memory_space<vmem>> -> memref<1x640xf32, #tpu.memory_space<vmem>>
    %dma_start3A_238 = tpu.memref_squeeze %dma_start3A_237 : memref<1x640xf32, #tpu.memory_space<vmem>> -> memref<640xf32, #tpu.memory_space<vmem>>
    %dma_start3A_239 = tpu.memref_slice %arg11[%dma_start3A_229, %mul3A_156] : memref<16x10240xf32, #tpu.memory_space<vmem_shared>> -> memref<1x640xf32, #tpu.memory_space<vmem_shared>>
    %dma_start3A_240 = tpu.memref_squeeze %dma_start3A_239 : memref<1x640xf32, #tpu.memory_space<vmem_shared>> -> memref<640xf32, #tpu.memory_space<vmem_shared>>
    tpu.enqueue_dma source(%dma_start3A_240 : memref<640xf32, #tpu.memory_space<vmem_shared>>) target(%dma_start3A_238 : memref<640xf32, #tpu.memory_space<vmem>>) target_semaphore(%arg14 : memref<!tpu.dma_semaphore, #tpu.memory_space<semaphore_mem>>)
    %dma_start3A_241 = arith.constant 7 : i32
    %dma_start3A_242 = arith.constant 7 : i32
    %dma_start3A_243 = arith.constant 0 : i32
    %dma_start3A_244 = tpu.memref_slice %arg12[%dma_start3A_242, %dma_start3A_243] : memref<16x640xf32, #tpu.memory_space<vmem>> -> memref<1x640xf32, #tpu.memory_space<vmem>>
    %dma_start3A_245 = tpu.memref_squeeze %dma_start3A_244 : memref<1x640xf32, #tpu.memory_space<vmem>> -> memref<640xf32, #tpu.memory_space<vmem>>
    %dma_start3A_246 = tpu.memref_slice %arg11[%dma_start3A_241, %mul3A_156] : memref<16x10240xf32, #tpu.memory_space<vmem_shared>> -> memref<1x640xf32, #tpu.memory_space<vmem_shared>>
    %dma_start3A_247 = tpu.memref_squeeze %dma_start3A_246 : memref<1x640xf32, #tpu.memory_space<vmem_shared>> -> memref<640xf32, #tpu.memory_space<vmem_shared>>
    %dma_start3A_248 = arith.constant 0 : i32
    %dma_start3A_249 = tpu.memref_slice %arg12[%dma_start3A_242, %dma_start3A_248] : memref<16x640xf32, #tpu.memory_space<vmem>> -> memref<1x640xf32, #tpu.memory_space<vmem>>
    %dma_start3A_250 = tpu.memref_squeeze %dma_start3A_249 : memref<1x640xf32, #tpu.memory_space<vmem>> -> memref<640xf32, #tpu.memory_space<vmem>>
    %dma_start3A_251 = tpu.memref_slice %arg11[%dma_start3A_241, %mul3A_156] : memref<16x10240xf32, #tpu.memory_space<vmem_shared>> -> memref<1x640xf32, #tpu.memory_space<vmem_shared>>
    %dma_start3A_252 = tpu.memref_squeeze %dma_start3A_251 : memref<1x640xf32, #tpu.memory_space<vmem_shared>> -> memref<640xf32, #tpu.memory_space<vmem_shared>>
    tpu.enqueue_dma source(%dma_start3A_252 : memref<640xf32, #tpu.memory_space<vmem_shared>>) target(%dma_start3A_250 : memref<640xf32, #tpu.memory_space<vmem>>) target_semaphore(%arg14 : memref<!tpu.dma_semaphore, #tpu.memory_space<semaphore_mem>>)
    %dma_start3A_253 = arith.constant 8 : i32
    %dma_start3A_254 = arith.constant 8 : i32
    %dma_start3A_255 = arith.constant 0 : i32
    %dma_start3A_256 = tpu.memref_slice %arg12[%dma_start3A_254, %dma_start3A_255] : memref<16x640xf32, #tpu.memory_space<vmem>> -> memref<1x640xf32, #tpu.memory_space<vmem>>
    %dma_start3A_257 = tpu.memref_squeeze %dma_start3A_256 : memref<1x640xf32, #tpu.memory_space<vmem>> -> memref<640xf32, #tpu.memory_space<vmem>>
    %dma_start3A_258 = tpu.memref_slice %arg11[%dma_start3A_253, %mul3A_156] : memref<16x10240xf32, #tpu.memory_space<vmem_shared>> -> memref<1x640xf32, #tpu.memory_space<vmem_shared>>
    %dma_start3A_259 = tpu.memref_squeeze %dma_start3A_258 : memref<1x640xf32, #tpu.memory_space<vmem_shared>> -> memref<640xf32, #tpu.memory_space<vmem_shared>>
    %dma_start3A_260 = arith.constant 0 : i32
    %dma_start3A_261 = tpu.memref_slice %arg12[%dma_start3A_254, %dma_start3A_260] : memref<16x640xf32, #tpu.memory_space<vmem>> -> memref<1x640xf32, #tpu.memory_space<vmem>>
    %dma_start3A_262 = tpu.memref_squeeze %dma_start3A_261 : memref<1x640xf32, #tpu.memory_space<vmem>> -> memref<640xf32, #tpu.memory_space<vmem>>
    %dma_start3A_263 = tpu.memref_slice %arg11[%dma_start3A_253, %mul3A_156] : memref<16x10240xf32, #tpu.memory_space<vmem_shared>> -> memref<1x640xf32, #tpu.memory_space<vmem_shared>>
    %dma_start3A_264 = tpu.memref_squeeze %dma_start3A_263 : memref<1x640xf32, #tpu.memory_space<vmem_shared>> -> memref<640xf32, #tpu.memory_space<vmem_shared>>
    tpu.enqueue_dma source(%dma_start3A_264 : memref<640xf32, #tpu.memory_space<vmem_shared>>) target(%dma_start3A_262 : memref<640xf32, #tpu.memory_space<vmem>>) target_semaphore(%arg14 : memref<!tpu.dma_semaphore, #tpu.memory_space<semaphore_mem>>)
    %dma_start3A_265 = arith.constant 9 : i32
    %dma_start3A_266 = arith.constant 9 : i32
    %dma_start3A_267 = arith.constant 0 : i32
    %dma_start3A_268 = tpu.memref_slice %arg12[%dma_start3A_266, %dma_start3A_267] : memref<16x640xf32, #tpu.memory_space<vmem>> -> memref<1x640xf32, #tpu.memory_space<vmem>>
    %dma_start3A_269 = tpu.memref_squeeze %dma_start3A_268 : memref<1x640xf32, #tpu.memory_space<vmem>> -> memref<640xf32, #tpu.memory_space<vmem>>
    %dma_start3A_270 = tpu.memref_slice %arg11[%dma_start3A_265, %mul3A_156] : memref<16x10240xf32, #tpu.memory_space<vmem_shared>> -> memref<1x640xf32, #tpu.memory_space<vmem_shared>>
    %dma_start3A_271 = tpu.memref_squeeze %dma_start3A_270 : memref<1x640xf32, #tpu.memory_space<vmem_shared>> -> memref<640xf32, #tpu.memory_space<vmem_shared>>
    %dma_start3A_272 = arith.constant 0 : i32
    %dma_start3A_273 = tpu.memref_slice %arg12[%dma_start3A_266, %dma_start3A_272] : memref<16x640xf32, #tpu.memory_space<vmem>> -> memref<1x640xf32, #tpu.memory_space<vmem>>
    %dma_start3A_274 = tpu.memref_squeeze %dma_start3A_273 : memref<1x640xf32, #tpu.memory_space<vmem>> -> memref<640xf32, #tpu.memory_space<vmem>>
    %dma_start3A_275 = tpu.memref_slice %arg11[%dma_start3A_265, %mul3A_156] : memref<16x10240xf32, #tpu.memory_space<vmem_shared>> -> memref<1x640xf32, #tpu.memory_space<vmem_shared>>
    %dma_start3A_276 = tpu.memref_squeeze %dma_start3A_275 : memref<1x640xf32, #tpu.memory_space<vmem_shared>> -> memref<640xf32, #tpu.memory_space<vmem_shared>>
    tpu.enqueue_dma source(%dma_start3A_276 : memref<640xf32, #tpu.memory_space<vmem_shared>>) target(%dma_start3A_274 : memref<640xf32, #tpu.memory_space<vmem>>) target_semaphore(%arg14 : memref<!tpu.dma_semaphore, #tpu.memory_space<semaphore_mem>>)
    %dma_start3A_277 = arith.constant 10 : i32
    %dma_start3A_278 = arith.constant 10 : i32
    %dma_start3A_279 = arith.constant 0 : i32
    %dma_start3A_280 = tpu.memref_slice %arg12[%dma_start3A_278, %dma_start3A_279] : memref<16x640xf32, #tpu.memory_space<vmem>> -> memref<1x640xf32, #tpu.memory_space<vmem>>
    %dma_start3A_281 = tpu.memref_squeeze %dma_start3A_280 : memref<1x640xf32, #tpu.memory_space<vmem>> -> memref<640xf32, #tpu.memory_space<vmem>>
    %dma_start3A_282 = tpu.memref_slice %arg11[%dma_start3A_277, %mul3A_156] : memref<16x10240xf32, #tpu.memory_space<vmem_shared>> -> memref<1x640xf32, #tpu.memory_space<vmem_shared>>
    %dma_start3A_283 = tpu.memref_squeeze %dma_start3A_282 : memref<1x640xf32, #tpu.memory_space<vmem_shared>> -> memref<640xf32, #tpu.memory_space<vmem_shared>>
    %dma_start3A_284 = arith.constant 0 : i32
    %dma_start3A_285 = tpu.memref_slice %arg12[%dma_start3A_278, %dma_start3A_284] : memref<16x640xf32, #tpu.memory_space<vmem>> -> memref<1x640xf32, #tpu.memory_space<vmem>>
    %dma_start3A_286 = tpu.memref_squeeze %dma_start3A_285 : memref<1x640xf32, #tpu.memory_space<vmem>> -> memref<640xf32, #tpu.memory_space<vmem>>
    %dma_start3A_287 = tpu.memref_slice %arg11[%dma_start3A_277, %mul3A_156] : memref<16x10240xf32, #tpu.memory_space<vmem_shared>> -> memref<1x640xf32, #tpu.memory_space<vmem_shared>>
    %dma_start3A_288 = tpu.memref_squeeze %dma_start3A_287 : memref<1x640xf32, #tpu.memory_space<vmem_shared>> -> memref<640xf32, #tpu.memory_space<vmem_shared>>
    tpu.enqueue_dma source(%dma_start3A_288 : memref<640xf32, #tpu.memory_space<vmem_shared>>) target(%dma_start3A_286 : memref<640xf32, #tpu.memory_space<vmem>>) target_semaphore(%arg14 : memref<!tpu.dma_semaphore, #tpu.memory_space<semaphore_mem>>)
    %dma_start3A_289 = arith.constant 11 : i32
    %dma_start3A_290 = arith.constant 11 : i32
    %dma_start3A_291 = arith.constant 0 : i32
    %dma_start3A_292 = tpu.memref_slice %arg12[%dma_start3A_290, %dma_start3A_291] : memref<16x640xf32, #tpu.memory_space<vmem>> -> memref<1x640xf32, #tpu.memory_space<vmem>>
    %dma_start3A_293 = tpu.memref_squeeze %dma_start3A_292 : memref<1x640xf32, #tpu.memory_space<vmem>> -> memref<640xf32, #tpu.memory_space<vmem>>
    %dma_start3A_294 = tpu.memref_slice %arg11[%dma_start3A_289, %mul3A_156] : memref<16x10240xf32, #tpu.memory_space<vmem_shared>> -> memref<1x640xf32, #tpu.memory_space<vmem_shared>>
    %dma_start3A_295 = tpu.memref_squeeze %dma_start3A_294 : memref<1x640xf32, #tpu.memory_space<vmem_shared>> -> memref<640xf32, #tpu.memory_space<vmem_shared>>
    %dma_start3A_296 = arith.constant 0 : i32
    %dma_start3A_297 = tpu.memref_slice %arg12[%dma_start3A_290, %dma_start3A_296] : memref<16x640xf32, #tpu.memory_space<vmem>> -> memref<1x640xf32, #tpu.memory_space<vmem>>
    %dma_start3A_298 = tpu.memref_squeeze %dma_start3A_297 : memref<1x640xf32, #tpu.memory_space<vmem>> -> memref<640xf32, #tpu.memory_space<vmem>>
    %dma_start3A_299 = tpu.memref_slice %arg11[%dma_start3A_289, %mul3A_156] : memref<16x10240xf32, #tpu.memory_space<vmem_shared>> -> memref<1x640xf32, #tpu.memory_space<vmem_shared>>
    %dma_start3A_300 = tpu.memref_squeeze %dma_start3A_299 : memref<1x640xf32, #tpu.memory_space<vmem_shared>> -> memref<640xf32, #tpu.memory_space<vmem_shared>>
    tpu.enqueue_dma source(%dma_start3A_300 : memref<640xf32, #tpu.memory_space<vmem_shared>>) target(%dma_start3A_298 : memref<640xf32, #tpu.memory_space<vmem>>) target_semaphore(%arg14 : memref<!tpu.dma_semaphore, #tpu.memory_space<semaphore_mem>>)
    %dma_start3A_301 = arith.constant 12 : i32
    %dma_start3A_302 = arith.constant 12 : i32
    %dma_start3A_303 = arith.constant 0 : i32
    %dma_start3A_304 = tpu.memref_slice %arg12[%dma_start3A_302, %dma_start3A_303] : memref<16x640xf32, #tpu.memory_space<vmem>> -> memref<1x640xf32, #tpu.memory_space<vmem>>
    %dma_start3A_305 = tpu.memref_squeeze %dma_start3A_304 : memref<1x640xf32, #tpu.memory_space<vmem>> -> memref<640xf32, #tpu.memory_space<vmem>>
    %dma_start3A_306 = tpu.memref_slice %arg11[%dma_start3A_301, %mul3A_156] : memref<16x10240xf32, #tpu.memory_space<vmem_shared>> -> memref<1x640xf32, #tpu.memory_space<vmem_shared>>
    %dma_start3A_307 = tpu.memref_squeeze %dma_start3A_306 : memref<1x640xf32, #tpu.memory_space<vmem_shared>> -> memref<640xf32, #tpu.memory_space<vmem_shared>>
    %dma_start3A_308 = arith.constant 0 : i32
    %dma_start3A_309 = tpu.memref_slice %arg12[%dma_start3A_302, %dma_start3A_308] : memref<16x640xf32, #tpu.memory_space<vmem>> -> memref<1x640xf32, #tpu.memory_space<vmem>>
    %dma_start3A_310 = tpu.memref_squeeze %dma_start3A_309 : memref<1x640xf32, #tpu.memory_space<vmem>> -> memref<640xf32, #tpu.memory_space<vmem>>
    %dma_start3A_311 = tpu.memref_slice %arg11[%dma_start3A_301, %mul3A_156] : memref<16x10240xf32, #tpu.memory_space<vmem_shared>> -> memref<1x640xf32, #tpu.memory_space<vmem_shared>>
    %dma_start3A_312 = tpu.memref_squeeze %dma_start3A_311 : memref<1x640xf32, #tpu.memory_space<vmem_shared>> -> memref<640xf32, #tpu.memory_space<vmem_shared>>
    tpu.enqueue_dma source(%dma_start3A_312 : memref<640xf32, #tpu.memory_space<vmem_shared>>) target(%dma_start3A_310 : memref<640xf32, #tpu.memory_space<vmem>>) target_semaphore(%arg14 : memref<!tpu.dma_semaphore, #tpu.memory_space<semaphore_mem>>)
    %dma_start3A_313 = arith.constant 13 : i32
    %dma_start3A_314 = arith.constant 13 : i32
    %dma_start3A_315 = arith.constant 0 : i32
    %dma_start3A_316 = tpu.memref_slice %arg12[%dma_start3A_314, %dma_start3A_315] : memref<16x640xf32, #tpu.memory_space<vmem>> -> memref<1x640xf32, #tpu.memory_space<vmem>>
    %dma_start3A_317 = tpu.memref_squeeze %dma_start3A_316 : memref<1x640xf32, #tpu.memory_space<vmem>> -> memref<640xf32, #tpu.memory_space<vmem>>
    %dma_start3A_318 = tpu.memref_slice %arg11[%dma_start3A_313, %mul3A_156] : memref<16x10240xf32, #tpu.memory_space<vmem_shared>> -> memref<1x640xf32, #tpu.memory_space<vmem_shared>>
    %dma_start3A_319 = tpu.memref_squeeze %dma_start3A_318 : memref<1x640xf32, #tpu.memory_space<vmem_shared>> -> memref<640xf32, #tpu.memory_space<vmem_shared>>
    %dma_start3A_320 = arith.constant 0 : i32
    %dma_start3A_321 = tpu.memref_slice %arg12[%dma_start3A_314, %dma_start3A_320] : memref<16x640xf32, #tpu.memory_space<vmem>> -> memref<1x640xf32, #tpu.memory_space<vmem>>
    %dma_start3A_322 = tpu.memref_squeeze %dma_start3A_321 : memref<1x640xf32, #tpu.memory_space<vmem>> -> memref<640xf32, #tpu.memory_space<vmem>>
    %dma_start3A_323 = tpu.memref_slice %arg11[%dma_start3A_313, %mul3A_156] : memref<16x10240xf32, #tpu.memory_space<vmem_shared>> -> memref<1x640xf32, #tpu.memory_space<vmem_shared>>
    %dma_start3A_324 = tpu.memref_squeeze %dma_start3A_323 : memref<1x640xf32, #tpu.memory_space<vmem_shared>> -> memref<640xf32, #tpu.memory_space<vmem_shared>>
    tpu.enqueue_dma source(%dma_start3A_324 : memref<640xf32, #tpu.memory_space<vmem_shared>>) target(%dma_start3A_322 : memref<640xf32, #tpu.memory_space<vmem>>) target_semaphore(%arg14 : memref<!tpu.dma_semaphore, #tpu.memory_space<semaphore_mem>>)
    %dma_start3A_325 = arith.constant 14 : i32
    %dma_start3A_326 = arith.constant 14 : i32
    %dma_start3A_327 = arith.constant 0 : i32
    %dma_start3A_328 = tpu.memref_slice %arg12[%dma_start3A_326, %dma_start3A_327] : memref<16x640xf32, #tpu.memory_space<vmem>> -> memref<1x640xf32, #tpu.memory_space<vmem>>
    %dma_start3A_329 = tpu.memref_squeeze %dma_start3A_328 : memref<1x640xf32, #tpu.memory_space<vmem>> -> memref<640xf32, #tpu.memory_space<vmem>>
    %dma_start3A_330 = tpu.memref_slice %arg11[%dma_start3A_325, %mul3A_156] : memref<16x10240xf32, #tpu.memory_space<vmem_shared>> -> memref<1x640xf32, #tpu.memory_space<vmem_shared>>
    %dma_start3A_331 = tpu.memref_squeeze %dma_start3A_330 : memref<1x640xf32, #tpu.memory_space<vmem_shared>> -> memref<640xf32, #tpu.memory_space<vmem_shared>>
    %dma_start3A_332 = arith.constant 0 : i32
    %dma_start3A_333 = tpu.memref_slice %arg12[%dma_start3A_326, %dma_start3A_332] : memref<16x640xf32, #tpu.memory_space<vmem>> -> memref<1x640xf32, #tpu.memory_space<vmem>>
    %dma_start3A_334 = tpu.memref_squeeze %dma_start3A_333 : memref<1x640xf32, #tpu.memory_space<vmem>> -> memref<640xf32, #tpu.memory_space<vmem>>
    %dma_start3A_335 = tpu.memref_slice %arg11[%dma_start3A_325, %mul3A_156] : memref<16x10240xf32, #tpu.memory_space<vmem_shared>> -> memref<1x640xf32, #tpu.memory_space<vmem_shared>>
    %dma_start3A_336 = tpu.memref_squeeze %dma_start3A_335 : memref<1x640xf32, #tpu.memory_space<vmem_shared>> -> memref<640xf32, #tpu.memory_space<vmem_shared>>
    tpu.enqueue_dma source(%dma_start3A_336 : memref<640xf32, #tpu.memory_space<vmem_shared>>) target(%dma_start3A_334 : memref<640xf32, #tpu.memory_space<vmem>>) target_semaphore(%arg14 : memref<!tpu.dma_semaphore, #tpu.memory_space<semaphore_mem>>)
    %dma_start3A_337 = arith.constant 15 : i32
    %dma_start3A_338 = arith.constant 15 : i32
    %dma_start3A_339 = arith.constant 0 : i32
    %dma_start3A_340 = tpu.memref_slice %arg12[%dma_start3A_338, %dma_start3A_339] : memref<16x640xf32, #tpu.memory_space<vmem>> -> memref<1x640xf32, #tpu.memory_space<vmem>>
    %dma_start3A_341 = tpu.memref_squeeze %dma_start3A_340 : memref<1x640xf32, #tpu.memory_space<vmem>> -> memref<640xf32, #tpu.memory_space<vmem>>
    %dma_start3A_342 = tpu.memref_slice %arg11[%dma_start3A_337, %mul3A_156] : memref<16x10240xf32, #tpu.memory_space<vmem_shared>> -> memref<1x640xf32, #tpu.memory_space<vmem_shared>>
    %dma_start3A_343 = tpu.memref_squeeze %dma_start3A_342 : memref<1x640xf32, #tpu.memory_space<vmem_shared>> -> memref<640xf32, #tpu.memory_space<vmem_shared>>
    %dma_start3A_344 = arith.constant 0 : i32
    %dma_start3A_345 = tpu.memref_slice %arg12[%dma_start3A_338, %dma_start3A_344] : memref<16x640xf32, #tpu.memory_space<vmem>> -> memref<1x640xf32, #tpu.memory_space<vmem>>
    %dma_start3A_346 = tpu.memref_squeeze %dma_start3A_345 : memref<1x640xf32, #tpu.memory_space<vmem>> -> memref<640xf32, #tpu.memory_space<vmem>>
    %dma_start3A_347 = tpu.memref_slice %arg11[%dma_start3A_337, %mul3A_156] : memref<16x10240xf32, #tpu.memory_space<vmem_shared>> -> memref<1x640xf32, #tpu.memory_space<vmem_shared>>
    %dma_start3A_348 = tpu.memref_squeeze %dma_start3A_347 : memref<1x640xf32, #tpu.memory_space<vmem_shared>> -> memref<640xf32, #tpu.memory_space<vmem_shared>>
    tpu.enqueue_dma source(%dma_start3A_348 : memref<640xf32, #tpu.memory_space<vmem_shared>>) target(%dma_start3A_346 : memref<640xf32, #tpu.memory_space<vmem>>) target_semaphore(%arg14 : memref<!tpu.dma_semaphore, #tpu.memory_space<semaphore_mem>>)
    %dma_wait3A_349 = arith.constant 0 : i32
    %dma_wait3A_350 = arith.constant 0 : i32
    %dma_wait3A_351 = arith.constant 0 : i32
    %dma_wait3A_352 = tpu.memref_slice %arg12[%dma_wait3A_350, %dma_wait3A_351] : memref<16x640xf32, #tpu.memory_space<vmem>> -> memref<1x640xf32, #tpu.memory_space<vmem>>
    %dma_wait3A_353 = tpu.memref_squeeze %dma_wait3A_352 : memref<1x640xf32, #tpu.memory_space<vmem>> -> memref<640xf32, #tpu.memory_space<vmem>>
    %dma_wait3A_354 = tpu.memref_slice %arg11[%dma_wait3A_349, %mul3A_156] : memref<16x10240xf32, #tpu.memory_space<vmem_shared>> -> memref<1x640xf32, #tpu.memory_space<vmem_shared>>
    %dma_wait3A_355 = tpu.memref_squeeze %dma_wait3A_354 : memref<1x640xf32, #tpu.memory_space<vmem_shared>> -> memref<640xf32, #tpu.memory_space<vmem_shared>>
    %dma_wait3A_356 = arith.constant 0 : i32
    %dma_wait3A_357 = tpu.memref_slice %arg12[%dma_wait3A_350, %dma_wait3A_356] : memref<16x640xf32, #tpu.memory_space<vmem>> -> memref<1x640xf32, #tpu.memory_space<vmem>>
    %dma_wait3A_358 = tpu.memref_squeeze %dma_wait3A_357 : memref<1x640xf32, #tpu.memory_space<vmem>> -> memref<640xf32, #tpu.memory_space<vmem>>
    %dma_wait3A_359 = tpu.memref_slice %arg11[%dma_wait3A_349, %mul3A_156] : memref<16x10240xf32, #tpu.memory_space<vmem_shared>> -> memref<1x640xf32, #tpu.memory_space<vmem_shared>>
    %dma_wait3A_360 = tpu.memref_squeeze %dma_wait3A_359 : memref<1x640xf32, #tpu.memory_space<vmem_shared>> -> memref<640xf32, #tpu.memory_space<vmem_shared>>
    tpu.wait_dma2 semaphore(%arg14 : memref<!tpu.dma_semaphore, #tpu.memory_space<semaphore_mem>>) src(%dma_wait3A_360 : memref<640xf32, #tpu.memory_space<vmem_shared>>) dst(%dma_wait3A_358 : memref<640xf32, #tpu.memory_space<vmem>>)
    %dma_wait3A_361 = arith.constant 1 : i32
    %dma_wait3A_362 = arith.constant 1 : i32
    %dma_wait3A_363 = arith.constant 0 : i32
    %dma_wait3A_364 = tpu.memref_slice %arg12[%dma_wait3A_362, %dma_wait3A_363] : memref<16x640xf32, #tpu.memory_space<vmem>> -> memref<1x640xf32, #tpu.memory_space<vmem>>
    %dma_wait3A_365 = tpu.memref_squeeze %dma_wait3A_364 : memref<1x640xf32, #tpu.memory_space<vmem>> -> memref<640xf32, #tpu.memory_space<vmem>>
    %dma_wait3A_366 = tpu.memref_slice %arg11[%dma_wait3A_361, %mul3A_156] : memref<16x10240xf32, #tpu.memory_space<vmem_shared>> -> memref<1x640xf32, #tpu.memory_space<vmem_shared>>
    %dma_wait3A_367 = tpu.memref_squeeze %dma_wait3A_366 : memref<1x640xf32, #tpu.memory_space<vmem_shared>> -> memref<640xf32, #tpu.memory_space<vmem_shared>>
    %dma_wait3A_368 = arith.constant 0 : i32
    %dma_wait3A_369 = tpu.memref_slice %arg12[%dma_wait3A_362, %dma_wait3A_368] : memref<16x640xf32, #tpu.memory_space<vmem>> -> memref<1x640xf32, #tpu.memory_space<vmem>>
    %dma_wait3A_370 = tpu.memref_squeeze %dma_wait3A_369 : memref<1x640xf32, #tpu.memory_space<vmem>> -> memref<640xf32, #tpu.memory_space<vmem>>
    %dma_wait3A_371 = tpu.memref_slice %arg11[%dma_wait3A_361, %mul3A_156] : memref<16x10240xf32, #tpu.memory_space<vmem_shared>> -> memref<1x640xf32, #tpu.memory_space<vmem_shared>>
    %dma_wait3A_372 = tpu.memref_squeeze %dma_wait3A_371 : memref<1x640xf32, #tpu.memory_space<vmem_shared>> -> memref<640xf32, #tpu.memory_space<vmem_shared>>
    tpu.wait_dma2 semaphore(%arg14 : memref<!tpu.dma_semaphore, #tpu.memory_space<semaphore_mem>>) src(%dma_wait3A_372 : memref<640xf32, #tpu.memory_space<vmem_shared>>) dst(%dma_wait3A_370 : memref<640xf32, #tpu.memory_space<vmem>>)
    %dma_wait3A_373 = arith.constant 2 : i32
    %dma_wait3A_374 = arith.constant 2 : i32
    %dma_wait3A_375 = arith.constant 0 : i32
    %dma_wait3A_376 = tpu.memref_slice %arg12[%dma_wait3A_374, %dma_wait3A_375] : memref<16x640xf32, #tpu.memory_space<vmem>> -> memref<1x640xf32, #tpu.memory_space<vmem>>
    %dma_wait3A_377 = tpu.memref_squeeze %dma_wait3A_376 : memref<1x640xf32, #tpu.memory_space<vmem>> -> memref<640xf32, #tpu.memory_space<vmem>>
    %dma_wait3A_378 = tpu.memref_slice %arg11[%dma_wait3A_373, %mul3A_156] : memref<16x10240xf32, #tpu.memory_space<vmem_shared>> -> memref<1x640xf32, #tpu.memory_space<vmem_shared>>
    %dma_wait3A_379 = tpu.memref_squeeze %dma_wait3A_378 : memref<1x640xf32, #tpu.memory_space<vmem_shared>> -> memref<640xf32, #tpu.memory_space<vmem_shared>>
    %dma_wait3A_380 = arith.constant 0 : i32
    %dma_wait3A_381 = tpu.memref_slice %arg12[%dma_wait3A_374, %dma_wait3A_380] : memref<16x640xf32, #tpu.memory_space<vmem>> -> memref<1x640xf32, #tpu.memory_space<vmem>>
    %dma_wait3A_382 = tpu.memref_squeeze %dma_wait3A_381 : memref<1x640xf32, #tpu.memory_space<vmem>> -> memref<640xf32, #tpu.memory_space<vmem>>
    %dma_wait3A_383 = tpu.memref_slice %arg11[%dma_wait3A_373, %mul3A_156] : memref<16x10240xf32, #tpu.memory_space<vmem_shared>> -> memref<1x640xf32, #tpu.memory_space<vmem_shared>>
    %dma_wait3A_384 = tpu.memref_squeeze %dma_wait3A_383 : memref<1x640xf32, #tpu.memory_space<vmem_shared>> -> memref<640xf32, #tpu.memory_space<vmem_shared>>
    tpu.wait_dma2 semaphore(%arg14 : memref<!tpu.dma_semaphore, #tpu.memory_space<semaphore_mem>>) src(%dma_wait3A_384 : memref<640xf32, #tpu.memory_space<vmem_shared>>) dst(%dma_wait3A_382 : memref<640xf32, #tpu.memory_space<vmem>>)
    %dma_wait3A_385 = arith.constant 3 : i32
    %dma_wait3A_386 = arith.constant 3 : i32
    %dma_wait3A_387 = arith.constant 0 : i32
    %dma_wait3A_388 = tpu.memref_slice %arg12[%dma_wait3A_386, %dma_wait3A_387] : memref<16x640xf32, #tpu.memory_space<vmem>> -> memref<1x640xf32, #tpu.memory_space<vmem>>
    %dma_wait3A_389 = tpu.memref_squeeze %dma_wait3A_388 : memref<1x640xf32, #tpu.memory_space<vmem>> -> memref<640xf32, #tpu.memory_space<vmem>>
    %dma_wait3A_390 = tpu.memref_slice %arg11[%dma_wait3A_385, %mul3A_156] : memref<16x10240xf32, #tpu.memory_space<vmem_shared>> -> memref<1x640xf32, #tpu.memory_space<vmem_shared>>
    %dma_wait3A_391 = tpu.memref_squeeze %dma_wait3A_390 : memref<1x640xf32, #tpu.memory_space<vmem_shared>> -> memref<640xf32, #tpu.memory_space<vmem_shared>>
    %dma_wait3A_392 = arith.constant 0 : i32
    %dma_wait3A_393 = tpu.memref_slice %arg12[%dma_wait3A_386, %dma_wait3A_392] : memref<16x640xf32, #tpu.memory_space<vmem>> -> memref<1x640xf32, #tpu.memory_space<vmem>>
    %dma_wait3A_394 = tpu.memref_squeeze %dma_wait3A_393 : memref<1x640xf32, #tpu.memory_space<vmem>> -> memref<640xf32, #tpu.memory_space<vmem>>
    %dma_wait3A_395 = tpu.memref_slice %arg11[%dma_wait3A_385, %mul3A_156] : memref<16x10240xf32, #tpu.memory_space<vmem_shared>> -> memref<1x640xf32, #tpu.memory_space<vmem_shared>>
    %dma_wait3A_396 = tpu.memref_squeeze %dma_wait3A_395 : memref<1x640xf32, #tpu.memory_space<vmem_shared>> -> memref<640xf32, #tpu.memory_space<vmem_shared>>
    tpu.wait_dma2 semaphore(%arg14 : memref<!tpu.dma_semaphore, #tpu.memory_space<semaphore_mem>>) src(%dma_wait3A_396 : memref<640xf32, #tpu.memory_space<vmem_shared>>) dst(%dma_wait3A_394 : memref<640xf32, #tpu.memory_space<vmem>>)
    %dma_wait3A_397 = arith.constant 4 : i32
    %dma_wait3A_398 = arith.constant 4 : i32
    %dma_wait3A_399 = arith.constant 0 : i32
    %dma_wait3A_400 = tpu.memref_slice %arg12[%dma_wait3A_398, %dma_wait3A_399] : memref<16x640xf32, #tpu.memory_space<vmem>> -> memref<1x640xf32, #tpu.memory_space<vmem>>
    %dma_wait3A_401 = tpu.memref_squeeze %dma_wait3A_400 : memref<1x640xf32, #tpu.memory_space<vmem>> -> memref<640xf32, #tpu.memory_space<vmem>>
    %dma_wait3A_402 = tpu.memref_slice %arg11[%dma_wait3A_397, %mul3A_156] : memref<16x10240xf32, #tpu.memory_space<vmem_shared>> -> memref<1x640xf32, #tpu.memory_space<vmem_shared>>
    %dma_wait3A_403 = tpu.memref_squeeze %dma_wait3A_402 : memref<1x640xf32, #tpu.memory_space<vmem_shared>> -> memref<640xf32, #tpu.memory_space<vmem_shared>>
    %dma_wait3A_404 = arith.constant 0 : i32
    %dma_wait3A_405 = tpu.memref_slice %arg12[%dma_wait3A_398, %dma_wait3A_404] : memref<16x640xf32, #tpu.memory_space<vmem>> -> memref<1x640xf32, #tpu.memory_space<vmem>>
    %dma_wait3A_406 = tpu.memref_squeeze %dma_wait3A_405 : memref<1x640xf32, #tpu.memory_space<vmem>> -> memref<640xf32, #tpu.memory_space<vmem>>
    %dma_wait3A_407 = tpu.memref_slice %arg11[%dma_wait3A_397, %mul3A_156] : memref<16x10240xf32, #tpu.memory_space<vmem_shared>> -> memref<1x640xf32, #tpu.memory_space<vmem_shared>>
    %dma_wait3A_408 = tpu.memref_squeeze %dma_wait3A_407 : memref<1x640xf32, #tpu.memory_space<vmem_shared>> -> memref<640xf32, #tpu.memory_space<vmem_shared>>
    tpu.wait_dma2 semaphore(%arg14 : memref<!tpu.dma_semaphore, #tpu.memory_space<semaphore_mem>>) src(%dma_wait3A_408 : memref<640xf32, #tpu.memory_space<vmem_shared>>) dst(%dma_wait3A_406 : memref<640xf32, #tpu.memory_space<vmem>>)
    %dma_wait3A_409 = arith.constant 5 : i32
    %dma_wait3A_410 = arith.constant 5 : i32
    %dma_wait3A_411 = arith.constant 0 : i32
    %dma_wait3A_412 = tpu.memref_slice %arg12[%dma_wait3A_410, %dma_wait3A_411] : memref<16x640xf32, #tpu.memory_space<vmem>> -> memref<1x640xf32, #tpu.memory_space<vmem>>
    %dma_wait3A_413 = tpu.memref_squeeze %dma_wait3A_412 : memref<1x640xf32, #tpu.memory_space<vmem>> -> memref<640xf32, #tpu.memory_space<vmem>>
    %dma_wait3A_414 = tpu.memref_slice %arg11[%dma_wait3A_409, %mul3A_156] : memref<16x10240xf32, #tpu.memory_space<vmem_shared>> -> memref<1x640xf32, #tpu.memory_space<vmem_shared>>
    %dma_wait3A_415 = tpu.memref_squeeze %dma_wait3A_414 : memref<1x640xf32, #tpu.memory_space<vmem_shared>> -> memref<640xf32, #tpu.memory_space<vmem_shared>>
    %dma_wait3A_416 = arith.constant 0 : i32
    %dma_wait3A_417 = tpu.memref_slice %arg12[%dma_wait3A_410, %dma_wait3A_416] : memref<16x640xf32, #tpu.memory_space<vmem>> -> memref<1x640xf32, #tpu.memory_space<vmem>>
    %dma_wait3A_418 = tpu.memref_squeeze %dma_wait3A_417 : memref<1x640xf32, #tpu.memory_space<vmem>> -> memref<640xf32, #tpu.memory_space<vmem>>
    %dma_wait3A_419 = tpu.memref_slice %arg11[%dma_wait3A_409, %mul3A_156] : memref<16x10240xf32, #tpu.memory_space<vmem_shared>> -> memref<1x640xf32, #tpu.memory_space<vmem_shared>>
    %dma_wait3A_420 = tpu.memref_squeeze %dma_wait3A_419 : memref<1x640xf32, #tpu.memory_space<vmem_shared>> -> memref<640xf32, #tpu.memory_space<vmem_shared>>
    tpu.wait_dma2 semaphore(%arg14 : memref<!tpu.dma_semaphore, #tpu.memory_space<semaphore_mem>>) src(%dma_wait3A_420 : memref<640xf32, #tpu.memory_space<vmem_shared>>) dst(%dma_wait3A_418 : memref<640xf32, #tpu.memory_space<vmem>>)
    %dma_wait3A_421 = arith.constant 6 : i32
    %dma_wait3A_422 = arith.constant 6 : i32
    %dma_wait3A_423 = arith.constant 0 : i32
    %dma_wait3A_424 = tpu.memref_slice %arg12[%dma_wait3A_422, %dma_wait3A_423] : memref<16x640xf32, #tpu.memory_space<vmem>> -> memref<1x640xf32, #tpu.memory_space<vmem>>
    %dma_wait3A_425 = tpu.memref_squeeze %dma_wait3A_424 : memref<1x640xf32, #tpu.memory_space<vmem>> -> memref<640xf32, #tpu.memory_space<vmem>>
    %dma_wait3A_426 = tpu.memref_slice %arg11[%dma_wait3A_421, %mul3A_156] : memref<16x10240xf32, #tpu.memory_space<vmem_shared>> -> memref<1x640xf32, #tpu.memory_space<vmem_shared>>
    %dma_wait3A_427 = tpu.memref_squeeze %dma_wait3A_426 : memref<1x640xf32, #tpu.memory_space<vmem_shared>> -> memref<640xf32, #tpu.memory_space<vmem_shared>>
    %dma_wait3A_428 = arith.constant 0 : i32
    %dma_wait3A_429 = tpu.memref_slice %arg12[%dma_wait3A_422, %dma_wait3A_428] : memref<16x640xf32, #tpu.memory_space<vmem>> -> memref<1x640xf32, #tpu.memory_space<vmem>>
    %dma_wait3A_430 = tpu.memref_squeeze %dma_wait3A_429 : memref<1x640xf32, #tpu.memory_space<vmem>> -> memref<640xf32, #tpu.memory_space<vmem>>
    %dma_wait3A_431 = tpu.memref_slice %arg11[%dma_wait3A_421, %mul3A_156] : memref<16x10240xf32, #tpu.memory_space<vmem_shared>> -> memref<1x640xf32, #tpu.memory_space<vmem_shared>>
    %dma_wait3A_432 = tpu.memref_squeeze %dma_wait3A_431 : memref<1x640xf32, #tpu.memory_space<vmem_shared>> -> memref<640xf32, #tpu.memory_space<vmem_shared>>
    tpu.wait_dma2 semaphore(%arg14 : memref<!tpu.dma_semaphore, #tpu.memory_space<semaphore_mem>>) src(%dma_wait3A_432 : memref<640xf32, #tpu.memory_space<vmem_shared>>) dst(%dma_wait3A_430 : memref<640xf32, #tpu.memory_space<vmem>>)
    %dma_wait3A_433 = arith.constant 7 : i32
    %dma_wait3A_434 = arith.constant 7 : i32
    %dma_wait3A_435 = arith.constant 0 : i32
    %dma_wait3A_436 = tpu.memref_slice %arg12[%dma_wait3A_434, %dma_wait3A_435] : memref<16x640xf32, #tpu.memory_space<vmem>> -> memref<1x640xf32, #tpu.memory_space<vmem>>
    %dma_wait3A_437 = tpu.memref_squeeze %dma_wait3A_436 : memref<1x640xf32, #tpu.memory_space<vmem>> -> memref<640xf32, #tpu.memory_space<vmem>>
    %dma_wait3A_438 = tpu.memref_slice %arg11[%dma_wait3A_433, %mul3A_156] : memref<16x10240xf32, #tpu.memory_space<vmem_shared>> -> memref<1x640xf32, #tpu.memory_space<vmem_shared>>
    %dma_wait3A_439 = tpu.memref_squeeze %dma_wait3A_438 : memref<1x640xf32, #tpu.memory_space<vmem_shared>> -> memref<640xf32, #tpu.memory_space<vmem_shared>>
    %dma_wait3A_440 = arith.constant 0 : i32
    %dma_wait3A_441 = tpu.memref_slice %arg12[%dma_wait3A_434, %dma_wait3A_440] : memref<16x640xf32, #tpu.memory_space<vmem>> -> memref<1x640xf32, #tpu.memory_space<vmem>>
    %dma_wait3A_442 = tpu.memref_squeeze %dma_wait3A_441 : memref<1x640xf32, #tpu.memory_space<vmem>> -> memref<640xf32, #tpu.memory_space<vmem>>
    %dma_wait3A_443 = tpu.memref_slice %arg11[%dma_wait3A_433, %mul3A_156] : memref<16x10240xf32, #tpu.memory_space<vmem_shared>> -> memref<1x640xf32, #tpu.memory_space<vmem_shared>>
    %dma_wait3A_444 = tpu.memref_squeeze %dma_wait3A_443 : memref<1x640xf32, #tpu.memory_space<vmem_shared>> -> memref<640xf32, #tpu.memory_space<vmem_shared>>
    tpu.wait_dma2 semaphore(%arg14 : memref<!tpu.dma_semaphore, #tpu.memory_space<semaphore_mem>>) src(%dma_wait3A_444 : memref<640xf32, #tpu.memory_space<vmem_shared>>) dst(%dma_wait3A_442 : memref<640xf32, #tpu.memory_space<vmem>>)
    %dma_wait3A_445 = arith.constant 8 : i32
    %dma_wait3A_446 = arith.constant 8 : i32
    %dma_wait3A_447 = arith.constant 0 : i32
    %dma_wait3A_448 = tpu.memref_slice %arg12[%dma_wait3A_446, %dma_wait3A_447] : memref<16x640xf32, #tpu.memory_space<vmem>> -> memref<1x640xf32, #tpu.memory_space<vmem>>
    %dma_wait3A_449 = tpu.memref_squeeze %dma_wait3A_448 : memref<1x640xf32, #tpu.memory_space<vmem>> -> memref<640xf32, #tpu.memory_space<vmem>>
    %dma_wait3A_450 = tpu.memref_slice %arg11[%dma_wait3A_445, %mul3A_156] : memref<16x10240xf32, #tpu.memory_space<vmem_shared>> -> memref<1x640xf32, #tpu.memory_space<vmem_shared>>
    %dma_wait3A_451 = tpu.memref_squeeze %dma_wait3A_450 : memref<1x640xf32, #tpu.memory_space<vmem_shared>> -> memref<640xf32, #tpu.memory_space<vmem_shared>>
    %dma_wait3A_452 = arith.constant 0 : i32
    %dma_wait3A_453 = tpu.memref_slice %arg12[%dma_wait3A_446, %dma_wait3A_452] : memref<16x640xf32, #tpu.memory_space<vmem>> -> memref<1x640xf32, #tpu.memory_space<vmem>>
    %dma_wait3A_454 = tpu.memref_squeeze %dma_wait3A_453 : memref<1x640xf32, #tpu.memory_space<vmem>> -> memref<640xf32, #tpu.memory_space<vmem>>
    %dma_wait3A_455 = tpu.memref_slice %arg11[%dma_wait3A_445, %mul3A_156] : memref<16x10240xf32, #tpu.memory_space<vmem_shared>> -> memref<1x640xf32, #tpu.memory_space<vmem_shared>>
    %dma_wait3A_456 = tpu.memref_squeeze %dma_wait3A_455 : memref<1x640xf32, #tpu.memory_space<vmem_shared>> -> memref<640xf32, #tpu.memory_space<vmem_shared>>
    tpu.wait_dma2 semaphore(%arg14 : memref<!tpu.dma_semaphore, #tpu.memory_space<semaphore_mem>>) src(%dma_wait3A_456 : memref<640xf32, #tpu.memory_space<vmem_shared>>) dst(%dma_wait3A_454 : memref<640xf32, #tpu.memory_space<vmem>>)
    %dma_wait3A_457 = arith.constant 9 : i32
    %dma_wait3A_458 = arith.constant 9 : i32
    %dma_wait3A_459 = arith.constant 0 : i32
    %dma_wait3A_460 = tpu.memref_slice %arg12[%dma_wait3A_458, %dma_wait3A_459] : memref<16x640xf32, #tpu.memory_space<vmem>> -> memref<1x640xf32, #tpu.memory_space<vmem>>
    %dma_wait3A_461 = tpu.memref_squeeze %dma_wait3A_460 : memref<1x640xf32, #tpu.memory_space<vmem>> -> memref<640xf32, #tpu.memory_space<vmem>>
    %dma_wait3A_462 = tpu.memref_slice %arg11[%dma_wait3A_457, %mul3A_156] : memref<16x10240xf32, #tpu.memory_space<vmem_shared>> -> memref<1x640xf32, #tpu.memory_space<vmem_shared>>
    %dma_wait3A_463 = tpu.memref_squeeze %dma_wait3A_462 : memref<1x640xf32, #tpu.memory_space<vmem_shared>> -> memref<640xf32, #tpu.memory_space<vmem_shared>>
    %dma_wait3A_464 = arith.constant 0 : i32
    %dma_wait3A_465 = tpu.memref_slice %arg12[%dma_wait3A_458, %dma_wait3A_464] : memref<16x640xf32, #tpu.memory_space<vmem>> -> memref<1x640xf32, #tpu.memory_space<vmem>>
    %dma_wait3A_466 = tpu.memref_squeeze %dma_wait3A_465 : memref<1x640xf32, #tpu.memory_space<vmem>> -> memref<640xf32, #tpu.memory_space<vmem>>
    %dma_wait3A_467 = tpu.memref_slice %arg11[%dma_wait3A_457, %mul3A_156] : memref<16x10240xf32, #tpu.memory_space<vmem_shared>> -> memref<1x640xf32, #tpu.memory_space<vmem_shared>>
    %dma_wait3A_468 = tpu.memref_squeeze %dma_wait3A_467 : memref<1x640xf32, #tpu.memory_space<vmem_shared>> -> memref<640xf32, #tpu.memory_space<vmem_shared>>
    tpu.wait_dma2 semaphore(%arg14 : memref<!tpu.dma_semaphore, #tpu.memory_space<semaphore_mem>>) src(%dma_wait3A_468 : memref<640xf32, #tpu.memory_space<vmem_shared>>) dst(%dma_wait3A_466 : memref<640xf32, #tpu.memory_space<vmem>>)
    %dma_wait3A_469 = arith.constant 10 : i32
    %dma_wait3A_470 = arith.constant 10 : i32
    %dma_wait3A_471 = arith.constant 0 : i32
    %dma_wait3A_472 = tpu.memref_slice %arg12[%dma_wait3A_470, %dma_wait3A_471] : memref<16x640xf32, #tpu.memory_space<vmem>> -> memref<1x640xf32, #tpu.memory_space<vmem>>
    %dma_wait3A_473 = tpu.memref_squeeze %dma_wait3A_472 : memref<1x640xf32, #tpu.memory_space<vmem>> -> memref<640xf32, #tpu.memory_space<vmem>>
    %dma_wait3A_474 = tpu.memref_slice %arg11[%dma_wait3A_469, %mul3A_156] : memref<16x10240xf32, #tpu.memory_space<vmem_shared>> -> memref<1x640xf32, #tpu.memory_space<vmem_shared>>
    %dma_wait3A_475 = tpu.memref_squeeze %dma_wait3A_474 : memref<1x640xf32, #tpu.memory_space<vmem_shared>> -> memref<640xf32, #tpu.memory_space<vmem_shared>>
    %dma_wait3A_476 = arith.constant 0 : i32
    %dma_wait3A_477 = tpu.memref_slice %arg12[%dma_wait3A_470, %dma_wait3A_476] : memref<16x640xf32, #tpu.memory_space<vmem>> -> memref<1x640xf32, #tpu.memory_space<vmem>>
    %dma_wait3A_478 = tpu.memref_squeeze %dma_wait3A_477 : memref<1x640xf32, #tpu.memory_space<vmem>> -> memref<640xf32, #tpu.memory_space<vmem>>
    %dma_wait3A_479 = tpu.memref_slice %arg11[%dma_wait3A_469, %mul3A_156] : memref<16x10240xf32, #tpu.memory_space<vmem_shared>> -> memref<1x640xf32, #tpu.memory_space<vmem_shared>>
    %dma_wait3A_480 = tpu.memref_squeeze %dma_wait3A_479 : memref<1x640xf32, #tpu.memory_space<vmem_shared>> -> memref<640xf32, #tpu.memory_space<vmem_shared>>
    tpu.wait_dma2 semaphore(%arg14 : memref<!tpu.dma_semaphore, #tpu.memory_space<semaphore_mem>>) src(%dma_wait3A_480 : memref<640xf32, #tpu.memory_space<vmem_shared>>) dst(%dma_wait3A_478 : memref<640xf32, #tpu.memory_space<vmem>>)
    %dma_wait3A_481 = arith.constant 11 : i32
    %dma_wait3A_482 = arith.constant 11 : i32
    %dma_wait3A_483 = arith.constant 0 : i32
    %dma_wait3A_484 = tpu.memref_slice %arg12[%dma_wait3A_482, %dma_wait3A_483] : memref<16x640xf32, #tpu.memory_space<vmem>> -> memref<1x640xf32, #tpu.memory_space<vmem>>
    %dma_wait3A_485 = tpu.memref_squeeze %dma_wait3A_484 : memref<1x640xf32, #tpu.memory_space<vmem>> -> memref<640xf32, #tpu.memory_space<vmem>>
    %dma_wait3A_486 = tpu.memref_slice %arg11[%dma_wait3A_481, %mul3A_156] : memref<16x10240xf32, #tpu.memory_space<vmem_shared>> -> memref<1x640xf32, #tpu.memory_space<vmem_shared>>
    %dma_wait3A_487 = tpu.memref_squeeze %dma_wait3A_486 : memref<1x640xf32, #tpu.memory_space<vmem_shared>> -> memref<640xf32, #tpu.memory_space<vmem_shared>>
    %dma_wait3A_488 = arith.constant 0 : i32
    %dma_wait3A_489 = tpu.memref_slice %arg12[%dma_wait3A_482, %dma_wait3A_488] : memref<16x640xf32, #tpu.memory_space<vmem>> -> memref<1x640xf32, #tpu.memory_space<vmem>>
    %dma_wait3A_490 = tpu.memref_squeeze %dma_wait3A_489 : memref<1x640xf32, #tpu.memory_space<vmem>> -> memref<640xf32, #tpu.memory_space<vmem>>
    %dma_wait3A_491 = tpu.memref_slice %arg11[%dma_wait3A_481, %mul3A_156] : memref<16x10240xf32, #tpu.memory_space<vmem_shared>> -> memref<1x640xf32, #tpu.memory_space<vmem_shared>>
    %dma_wait3A_492 = tpu.memref_squeeze %dma_wait3A_491 : memref<1x640xf32, #tpu.memory_space<vmem_shared>> -> memref<640xf32, #tpu.memory_space<vmem_shared>>
    tpu.wait_dma2 semaphore(%arg14 : memref<!tpu.dma_semaphore, #tpu.memory_space<semaphore_mem>>) src(%dma_wait3A_492 : memref<640xf32, #tpu.memory_space<vmem_shared>>) dst(%dma_wait3A_490 : memref<640xf32, #tpu.memory_space<vmem>>)
    %dma_wait3A_493 = arith.constant 12 : i32
    %dma_wait3A_494 = arith.constant 12 : i32
    %dma_wait3A_495 = arith.constant 0 : i32
    %dma_wait3A_496 = tpu.memref_slice %arg12[%dma_wait3A_494, %dma_wait3A_495] : memref<16x640xf32, #tpu.memory_space<vmem>> -> memref<1x640xf32, #tpu.memory_space<vmem>>
    %dma_wait3A_497 = tpu.memref_squeeze %dma_wait3A_496 : memref<1x640xf32, #tpu.memory_space<vmem>> -> memref<640xf32, #tpu.memory_space<vmem>>
    %dma_wait3A_498 = tpu.memref_slice %arg11[%dma_wait3A_493, %mul3A_156] : memref<16x10240xf32, #tpu.memory_space<vmem_shared>> -> memref<1x640xf32, #tpu.memory_space<vmem_shared>>
    %dma_wait3A_499 = tpu.memref_squeeze %dma_wait3A_498 : memref<1x640xf32, #tpu.memory_space<vmem_shared>> -> memref<640xf32, #tpu.memory_space<vmem_shared>>
    %dma_wait3A_500 = arith.constant 0 : i32
    %dma_wait3A_501 = tpu.memref_slice %arg12[%dma_wait3A_494, %dma_wait3A_500] : memref<16x640xf32, #tpu.memory_space<vmem>> -> memref<1x640xf32, #tpu.memory_space<vmem>>
    %dma_wait3A_502 = tpu.memref_squeeze %dma_wait3A_501 : memref<1x640xf32, #tpu.memory_space<vmem>> -> memref<640xf32, #tpu.memory_space<vmem>>
    %dma_wait3A_503 = tpu.memref_slice %arg11[%dma_wait3A_493, %mul3A_156] : memref<16x10240xf32, #tpu.memory_space<vmem_shared>> -> memref<1x640xf32, #tpu.memory_space<vmem_shared>>
    %dma_wait3A_504 = tpu.memref_squeeze %dma_wait3A_503 : memref<1x640xf32, #tpu.memory_space<vmem_shared>> -> memref<640xf32, #tpu.memory_space<vmem_shared>>
    tpu.wait_dma2 semaphore(%arg14 : memref<!tpu.dma_semaphore, #tpu.memory_space<semaphore_mem>>) src(%dma_wait3A_504 : memref<640xf32, #tpu.memory_space<vmem_shared>>) dst(%dma_wait3A_502 : memref<640xf32, #tpu.memory_space<vmem>>)
    %dma_wait3A_505 = arith.constant 13 : i32
    %dma_wait3A_506 = arith.constant 13 : i32
    %dma_wait3A_507 = arith.constant 0 : i32
    %dma_wait3A_508 = tpu.memref_slice %arg12[%dma_wait3A_506, %dma_wait3A_507] : memref<16x640xf32, #tpu.memory_space<vmem>> -> memref<1x640xf32, #tpu.memory_space<vmem>>
    %dma_wait3A_509 = tpu.memref_squeeze %dma_wait3A_508 : memref<1x640xf32, #tpu.memory_space<vmem>> -> memref<640xf32, #tpu.memory_space<vmem>>
    %dma_wait3A_510 = tpu.memref_slice %arg11[%dma_wait3A_505, %mul3A_156] : memref<16x10240xf32, #tpu.memory_space<vmem_shared>> -> memref<1x640xf32, #tpu.memory_space<vmem_shared>>
    %dma_wait3A_511 = tpu.memref_squeeze %dma_wait3A_510 : memref<1x640xf32, #tpu.memory_space<vmem_shared>> -> memref<640xf32, #tpu.memory_space<vmem_shared>>
    %dma_wait3A_512 = arith.constant 0 : i32
    %dma_wait3A_513 = tpu.memref_slice %arg12[%dma_wait3A_506, %dma_wait3A_512] : memref<16x640xf32, #tpu.memory_space<vmem>> -> memref<1x640xf32, #tpu.memory_space<vmem>>
    %dma_wait3A_514 = tpu.memref_squeeze %dma_wait3A_513 : memref<1x640xf32, #tpu.memory_space<vmem>> -> memref<640xf32, #tpu.memory_space<vmem>>
    %dma_wait3A_515 = tpu.memref_slice %arg11[%dma_wait3A_505, %mul3A_156] : memref<16x10240xf32, #tpu.memory_space<vmem_shared>> -> memref<1x640xf32, #tpu.memory_space<vmem_shared>>
    %dma_wait3A_516 = tpu.memref_squeeze %dma_wait3A_515 : memref<1x640xf32, #tpu.memory_space<vmem_shared>> -> memref<640xf32, #tpu.memory_space<vmem_shared>>
    tpu.wait_dma2 semaphore(%arg14 : memref<!tpu.dma_semaphore, #tpu.memory_space<semaphore_mem>>) src(%dma_wait3A_516 : memref<640xf32, #tpu.memory_space<vmem_shared>>) dst(%dma_wait3A_514 : memref<640xf32, #tpu.memory_space<vmem>>)
    %dma_wait3A_517 = arith.constant 14 : i32
    %dma_wait3A_518 = arith.constant 14 : i32
    %dma_wait3A_519 = arith.constant 0 : i32
    %dma_wait3A_520 = tpu.memref_slice %arg12[%dma_wait3A_518, %dma_wait3A_519] : memref<16x640xf32, #tpu.memory_space<vmem>> -> memref<1x640xf32, #tpu.memory_space<vmem>>
    %dma_wait3A_521 = tpu.memref_squeeze %dma_wait3A_520 : memref<1x640xf32, #tpu.memory_space<vmem>> -> memref<640xf32, #tpu.memory_space<vmem>>
    %dma_wait3A_522 = tpu.memref_slice %arg11[%dma_wait3A_517, %mul3A_156] : memref<16x10240xf32, #tpu.memory_space<vmem_shared>> -> memref<1x640xf32, #tpu.memory_space<vmem_shared>>
    %dma_wait3A_523 = tpu.memref_squeeze %dma_wait3A_522 : memref<1x640xf32, #tpu.memory_space<vmem_shared>> -> memref<640xf32, #tpu.memory_space<vmem_shared>>
    %dma_wait3A_524 = arith.constant 0 : i32
    %dma_wait3A_525 = tpu.memref_slice %arg12[%dma_wait3A_518, %dma_wait3A_524] : memref<16x640xf32, #tpu.memory_space<vmem>> -> memref<1x640xf32, #tpu.memory_space<vmem>>
    %dma_wait3A_526 = tpu.memref_squeeze %dma_wait3A_525 : memref<1x640xf32, #tpu.memory_space<vmem>> -> memref<640xf32, #tpu.memory_space<vmem>>
    %dma_wait3A_527 = tpu.memref_slice %arg11[%dma_wait3A_517, %mul3A_156] : memref<16x10240xf32, #tpu.memory_space<vmem_shared>> -> memref<1x640xf32, #tpu.memory_space<vmem_shared>>
    %dma_wait3A_528 = tpu.memref_squeeze %dma_wait3A_527 : memref<1x640xf32, #tpu.memory_space<vmem_shared>> -> memref<640xf32, #tpu.memory_space<vmem_shared>>
    tpu.wait_dma2 semaphore(%arg14 : memref<!tpu.dma_semaphore, #tpu.memory_space<semaphore_mem>>) src(%dma_wait3A_528 : memref<640xf32, #tpu.memory_space<vmem_shared>>) dst(%dma_wait3A_526 : memref<640xf32, #tpu.memory_space<vmem>>)
    %dma_wait3A_529 = arith.constant 15 : i32
    %dma_wait3A_530 = arith.constant 15 : i32
    %dma_wait3A_531 = arith.constant 0 : i32
    %dma_wait3A_532 = tpu.memref_slice %arg12[%dma_wait3A_530, %dma_wait3A_531] : memref<16x640xf32, #tpu.memory_space<vmem>> -> memref<1x640xf32, #tpu.memory_space<vmem>>
    %dma_wait3A_533 = tpu.memref_squeeze %dma_wait3A_532 : memref<1x640xf32, #tpu.memory_space<vmem>> -> memref<640xf32, #tpu.memory_space<vmem>>
    %dma_wait3A_534 = tpu.memref_slice %arg11[%dma_wait3A_529, %mul3A_156] : memref<16x10240xf32, #tpu.memory_space<vmem_shared>> -> memref<1x640xf32, #tpu.memory_space<vmem_shared>>
    %dma_wait3A_535 = tpu.memref_squeeze %dma_wait3A_534 : memref<1x640xf32, #tpu.memory_space<vmem_shared>> -> memref<640xf32, #tpu.memory_space<vmem_shared>>
    %dma_wait3A_536 = arith.constant 0 : i32
    %dma_wait3A_537 = tpu.memref_slice %arg12[%dma_wait3A_530, %dma_wait3A_536] : memref<16x640xf32, #tpu.memory_space<vmem>> -> memref<1x640xf32, #tpu.memory_space<vmem>>
    %dma_wait3A_538 = tpu.memref_squeeze %dma_wait3A_537 : memref<1x640xf32, #tpu.memory_space<vmem>> -> memref<640xf32, #tpu.memory_space<vmem>>
    %dma_wait3A_539 = tpu.memref_slice %arg11[%dma_wait3A_529, %mul3A_156] : memref<16x10240xf32, #tpu.memory_space<vmem_shared>> -> memref<1x640xf32, #tpu.memory_space<vmem_shared>>
    %dma_wait3A_540 = tpu.memref_squeeze %dma_wait3A_539 : memref<1x640xf32, #tpu.memory_space<vmem_shared>> -> memref<640xf32, #tpu.memory_space<vmem_shared>>
    tpu.wait_dma2 semaphore(%arg14 : memref<!tpu.dma_semaphore, #tpu.memory_space<semaphore_mem>>) src(%dma_wait3A_540 : memref<640xf32, #tpu.memory_space<vmem_shared>>) dst(%dma_wait3A_538 : memref<640xf32, #tpu.memory_space<vmem>>)
    %scan3A_541 = arith.constant 0 : i32
    %scan3A_542 = arith.constant 0 : i32
    %scan3A_543 = arith.constant 40 : i32
    %scan3A_544 = arith.addi %scan3A_542, %scan3A_543 : i32
    %scan3A_545 = arith.constant 1 : i32
    scf.for %scan3A_547 = %scan3A_542 to %scan3A_544 step %scan3A_545  : i32 {
      %mul3A_548 = arith.constant 16 : i32
      %mul3A_549 = arith.muli %scan3A_547, %mul3A_548 : i32
      %multiple_of3A = tpu.assume_multiple %mul3A_549, 16 : i32
      %get3A = arith.constant 0 : i32
      %get3A_550 = arith.index_cast %get3A : i32 to index
      %get3A_551 = arith.index_cast %multiple_of3A : i32 to index
      %get3A_552 = tpu.vector_load %arg12[%get3A_550, %get3A_551] {strides = array<i32>} : memref<16x640xf32, #tpu.memory_space<vmem>>, vector<16xf32>,
      %get3A_553 = arith.constant 1 : i32
      %get3A_554 = arith.index_cast %get3A_553 : i32 to index
      %get3A_555 = arith.index_cast %multiple_of3A : i32 to index
      %get3A_556 = tpu.vector_load %arg12[%get3A_554, %get3A_555] {strides = array<i32>} : memref<16x640xf32, #tpu.memory_space<vmem>>, vector<16xf32>,
      %max3A = arith.maximumf %get3A_552, %get3A_556 : vector<16xf32>
      %get3A_557 = arith.constant 2 : i32
      %get3A_558 = arith.index_cast %get3A_557 : i32 to index
      %get3A_559 = arith.index_cast %multiple_of3A : i32 to index
      %get3A_560 = tpu.vector_load %arg12[%get3A_558, %get3A_559] {strides = array<i32>} : memref<16x640xf32, #tpu.memory_space<vmem>>, vector<16xf32>,
      %max3A_561 = arith.maximumf %max3A, %get3A_560 : vector<16xf32>
      %get3A_562 = arith.constant 3 : i32
      %get3A_563 = arith.index_cast %get3A_562 : i32 to index
      %get3A_564 = arith.index_cast %multiple_of3A : i32 to index
      %get3A_565 = tpu.vector_load %arg12[%get3A_563, %get3A_564] {strides = array<i32>} : memref<16x640xf32, #tpu.memory_space<vmem>>, vector<16xf32>,
      %max3A_566 = arith.maximumf %max3A_561, %get3A_565 : vector<16xf32>
      %get3A_567 = arith.constant 4 : i32
      %get3A_568 = arith.index_cast %get3A_567 : i32 to index
      %get3A_569 = arith.index_cast %multiple_of3A : i32 to index
      %get3A_570 = tpu.vector_load %arg12[%get3A_568, %get3A_569] {strides = array<i32>} : memref<16x640xf32, #tpu.memory_space<vmem>>, vector<16xf32>,
      %max3A_571 = arith.maximumf %max3A_566, %get3A_570 : vector<16xf32>
      %get3A_572 = arith.constant 5 : i32
      %get3A_573 = arith.index_cast %get3A_572 : i32 to index
      %get3A_574 = arith.index_cast %multiple_of3A : i32 to index
      %get3A_575 = tpu.vector_load %arg12[%get3A_573, %get3A_574] {strides = array<i32>} : memref<16x640xf32, #tpu.memory_space<vmem>>, vector<16xf32>,
      %max3A_576 = arith.maximumf %max3A_571, %get3A_575 : vector<16xf32>
      %get3A_577 = arith.constant 6 : i32
      %get3A_578 = arith.index_cast %get3A_577 : i32 to index
      %get3A_579 = arith.index_cast %multiple_of3A : i32 to index
      %get3A_580 = tpu.vector_load %arg12[%get3A_578, %get3A_579] {strides = array<i32>} : memref<16x640xf32, #tpu.memory_space<vmem>>, vector<16xf32>,
      %max3A_581 = arith.maximumf %max3A_576, %get3A_580 : vector<16xf32>
      %get3A_582 = arith.constant 7 : i32
      %get3A_583 = arith.index_cast %get3A_582 : i32 to index
      %get3A_584 = arith.index_cast %multiple_of3A : i32 to index
      %get3A_585 = tpu.vector_load %arg12[%get3A_583, %get3A_584] {strides = array<i32>} : memref<16x640xf32, #tpu.memory_space<vmem>>, vector<16xf32>,
      %max3A_586 = arith.maximumf %max3A_581, %get3A_585 : vector<16xf32>
      %get3A_587 = arith.constant 8 : i32
      %get3A_588 = arith.index_cast %get3A_587 : i32 to index
      %get3A_589 = arith.index_cast %multiple_of3A : i32 to index
      %get3A_590 = tpu.vector_load %arg12[%get3A_588, %get3A_589] {strides = array<i32>} : memref<16x640xf32, #tpu.memory_space<vmem>>, vector<16xf32>,
      %max3A_591 = arith.maximumf %max3A_586, %get3A_590 : vector<16xf32>
      %get3A_592 = arith.constant 9 : i32
      %get3A_593 = arith.index_cast %get3A_592 : i32 to index
      %get3A_594 = arith.index_cast %multiple_of3A : i32 to index
      %get3A_595 = tpu.vector_load %arg12[%get3A_593, %get3A_594] {strides = array<i32>} : memref<16x640xf32, #tpu.memory_space<vmem>>, vector<16xf32>,
      %max3A_596 = arith.maximumf %max3A_591, %get3A_595 : vector<16xf32>
      %get3A_597 = arith.constant 10 : i32
      %get3A_598 = arith.index_cast %get3A_597 : i32 to index
      %get3A_599 = arith.index_cast %multiple_of3A : i32 to index
      %get3A_600 = tpu.vector_load %arg12[%get3A_598, %get3A_599] {strides = array<i32>} : memref<16x640xf32, #tpu.memory_space<vmem>>, vector<16xf32>,
      %max3A_601 = arith.maximumf %max3A_596, %get3A_600 : vector<16xf32>
      %get3A_602 = arith.constant 11 : i32
      %get3A_603 = arith.index_cast %get3A_602 : i32 to index
      %get3A_604 = arith.index_cast %multiple_of3A : i32 to index
      %get3A_605 = tpu.vector_load %arg12[%get3A_603, %get3A_604] {strides = array<i32>} : memref<16x640xf32, #tpu.memory_space<vmem>>, vector<16xf32>,
      %max3A_606 = arith.maximumf %max3A_601, %get3A_605 : vector<16xf32>
      %get3A_607 = arith.constant 12 : i32
      %get3A_608 = arith.index_cast %get3A_607 : i32 to index
      %get3A_609 = arith.index_cast %multiple_of3A : i32 to index
      %get3A_610 = tpu.vector_load %arg12[%get3A_608, %get3A_609] {strides = array<i32>} : memref<16x640xf32, #tpu.memory_space<vmem>>, vector<16xf32>,
      %max3A_611 = arith.maximumf %max3A_606, %get3A_610 : vector<16xf32>
      %get3A_612 = arith.constant 13 : i32
      %get3A_613 = arith.index_cast %get3A_612 : i32 to index
      %get3A_614 = arith.index_cast %multiple_of3A : i32 to index
      %get3A_615 = tpu.vector_load %arg12[%get3A_613, %get3A_614] {strides = array<i32>} : memref<16x640xf32, #tpu.memory_space<vmem>>, vector<16xf32>,
      %max3A_616 = arith.maximumf %max3A_611, %get3A_615 : vector<16xf32>
      %get3A_617 = arith.constant 14 : i32
      %get3A_618 = arith.index_cast %get3A_617 : i32 to index
      %get3A_619 = arith.index_cast %multiple_of3A : i32 to index
      %get3A_620 = tpu.vector_load %arg12[%get3A_618, %get3A_619] {strides = array<i32>} : memref<16x640xf32, #tpu.memory_space<vmem>>, vector<16xf32>,
      %max3A_621 = arith.maximumf %max3A_616, %get3A_620 : vector<16xf32>
      %get3A_622 = arith.constant 15 : i32
      %get3A_623 = arith.index_cast %get3A_622 : i32 to index
      %get3A_624 = arith.index_cast %multiple_of3A : i32 to index
      %get3A_625 = tpu.vector_load %arg12[%get3A_623, %get3A_624] {strides = array<i32>} : memref<16x640xf32, #tpu.memory_space<vmem>>, vector<16xf32>,
      %max3A_626 = arith.maximumf %max3A_621, %get3A_625 : vector<16xf32>
      %swap3A = arith.index_cast %multiple_of3A : i32 to index
      %swap3A_627 = tpu.vector_load %arg13[%swap3A] {strides = array<i32>} : memref<640xf32, #tpu.memory_space<vmem>>, vector<16xf32>,
      tpu.vector_store %arg13[%swap3A], %max3A_626 {strides = array<i32>} : memref<640xf32, #tpu.memory_space<vmem>>, vector<16xf32>,
    }
    %scan3A_546 = arith.constant 40 : i32
    "tpu.region"() ({
      %run_scoped3A = tpu.sem_alloc : memref<!tpu.dma_semaphore, #tpu.memory_space<semaphore_mem>>
      %dma_start3A_547 = tpu.memref_slice %arg5[%arg0, %mul3A_156] : memref<2x10240xf32, #tpu.memory_space<hbm>> -> memref<1x640xf32, #tpu.memory_space<hbm>>
      %dma_start3A_548 = tpu.memref_squeeze %dma_start3A_547 : memref<1x640xf32, #tpu.memory_space<hbm>> -> memref<640xf32, #tpu.memory_space<hbm>>
      %dma_start3A_549 = tpu.memref_slice %arg5[%arg0, %mul3A_156] : memref<2x10240xf32, #tpu.memory_space<hbm>> -> memref<1x640xf32, #tpu.memory_space<hbm>>
      %dma_start3A_550 = tpu.memref_squeeze %dma_start3A_549 : memref<1x640xf32, #tpu.memory_space<hbm>> -> memref<640xf32, #tpu.memory_space<hbm>>
      tpu.enqueue_dma source(%arg13 : memref<640xf32, #tpu.memory_space<vmem>>) target(%dma_start3A_550 : memref<640xf32, #tpu.memory_space<hbm>>) target_semaphore(%run_scoped3A : memref<!tpu.dma_semaphore, #tpu.memory_space<semaphore_mem>>)
      %dma_wait3A_551 = tpu.memref_slice %arg5[%arg0, %mul3A_156] : memref<2x10240xf32, #tpu.memory_space<hbm>> -> memref<1x640xf32, #tpu.memory_space<hbm>>
      %dma_wait3A_552 = tpu.memref_squeeze %dma_wait3A_551 : memref<1x640xf32, #tpu.memory_space<hbm>> -> memref<640xf32, #tpu.memory_space<hbm>>
      %dma_wait3A_553 = tpu.memref_slice %arg5[%arg0, %mul3A_156] : memref<2x10240xf32, #tpu.memory_space<hbm>> -> memref<1x640xf32, #tpu.memory_space<hbm>>
      %dma_wait3A_554 = tpu.memref_squeeze %dma_wait3A_553 : memref<1x640xf32, #tpu.memory_space<hbm>> -> memref<640xf32, #tpu.memory_space<hbm>>
      tpu.wait_dma2 semaphore(%run_scoped3A : memref<!tpu.dma_semaphore, #tpu.memory_space<semaphore_mem>>) src(%arg13 : memref<640xf32, #tpu.memory_space<vmem>>) dst(%dma_wait3A_554 : memref<640xf32, #tpu.memory_space<hbm>>)
      tpu.yield
    }) : () -> ()
    return
  }
}

#map = affine_map<(d0, d1) -> (0, 0)>
#map1 = affine_map<(d0, d1) -> (0)>
module attributes {stable_mosaic.version = 14 : i64} {
  func.func @k(%arg0: i32, %arg1: i32, %arg2: memref<2x320000xi32, #tpu.memory_space<hbm>>, %arg3: memref<10000xf32, #tpu.memory_space<hbm>>, %arg4: memref<10000xf32, #tpu.memory_space<hbm>>, %arg5: memref<2x10240xf32, #tpu.memory_space<hbm>>, %arg6: memref<2x10240xf32, #tpu.memory_space<hbm>>, %arg7: memref<10240xf32, #tpu.memory_space<hbm>>, %arg8: memref<2000xi32, #tpu.memory_space<vmem>>, %arg9: memref<2000xi32, #tpu.memory_space<vmem>>, %arg10: memref<10000xf32, #tpu.memory_space<vmem>>, %arg11: memref<10000xf32, #tpu.memory_space<vmem>>, %arg12: memref<2x10240xf32, #tpu.memory_space<vmem>>, %arg13: memref<10240xf32, #tpu.memory_space<vmem>>, %arg14: memref<10240xf32, #tpu.memory_space<vmem>>, %arg15: memref<16x10240xf32, #tpu.memory_space<vmem_shared>>, %arg16: memref<16x640xf32, #tpu.memory_space<vmem>>, %arg17: memref<640xf32, #tpu.memory_space<vmem>>, %arg18: memref<!tpu.dma_semaphore, #tpu.memory_space<semaphore_mem>>) attributes {dimension_semantics = [#tpu.dimension_semantics<core_parallel>, #tpu.dimension_semantics<subcore_parallel>], iteration_bounds = array<i64: 2, 16>, scalar_prefetch = 0 : i64, scratch_operands = 11 : i64, tpu.core_type = #tpu.core_type<sc_vector_subcore>, window_params = [{transform_indices = #map}, {transform_indices = #map1}, {transform_indices = #map1}, {transform_indices = #map}, {transform_indices = #map}, {transform_indices = #map1}]} {
    %mul3A = arith.constant 2 : i32
    %mul3A_0 = arith.muli %arg1, %mul3A : i32
    %add3A = arith.addi %mul3A_0, %arg0 : i32
    %dma_start3A = arith.constant 0 : i32
    %dma_start3A_1 = arith.constant 0 : i32
    %dma_start3A_2 = arith.constant 0 : i32
    %dma_start3A_3 = tpu.memref_slice %arg12[%dma_start3A_1, %dma_start3A_2] : memref<2x10240xf32, #tpu.memory_space<vmem>> -> memref<1x10240xf32, #tpu.memory_space<vmem>>
    %dma_start3A_4 = tpu.memref_squeeze %dma_start3A_3 : memref<1x10240xf32, #tpu.memory_space<vmem>> -> memref<10240xf32, #tpu.memory_space<vmem>>
    %dma_start3A_5 = arith.constant 0 : i32
    %dma_start3A_6 = tpu.memref_slice %arg5[%dma_start3A, %dma_start3A_5] : memref<2x10240xf32, #tpu.memory_space<hbm>> -> memref<1x10240xf32, #tpu.memory_space<hbm>>
    %dma_start3A_7 = tpu.memref_squeeze %dma_start3A_6 : memref<1x10240xf32, #tpu.memory_space<hbm>> -> memref<10240xf32, #tpu.memory_space<hbm>>
    %dma_start3A_8 = arith.constant 0 : i32
    %dma_start3A_9 = tpu.memref_slice %arg12[%dma_start3A_1, %dma_start3A_8] : memref<2x10240xf32, #tpu.memory_space<vmem>> -> memref<1x10240xf32, #tpu.memory_space<vmem>>
    %dma_start3A_10 = tpu.memref_squeeze %dma_start3A_9 : memref<1x10240xf32, #tpu.memory_space<vmem>> -> memref<10240xf32, #tpu.memory_space<vmem>>
    %dma_start3A_11 = arith.constant 0 : i32
    %dma_start3A_12 = tpu.memref_slice %arg5[%dma_start3A, %dma_start3A_11] : memref<2x10240xf32, #tpu.memory_space<hbm>> -> memref<1x10240xf32, #tpu.memory_space<hbm>>
    %dma_start3A_13 = tpu.memref_squeeze %dma_start3A_12 : memref<1x10240xf32, #tpu.memory_space<hbm>> -> memref<10240xf32, #tpu.memory_space<hbm>>
    tpu.enqueue_dma source(%dma_start3A_13 : memref<10240xf32, #tpu.memory_space<hbm>>) target(%dma_start3A_10 : memref<10240xf32, #tpu.memory_space<vmem>>) target_semaphore(%arg18 : memref<!tpu.dma_semaphore, #tpu.memory_space<semaphore_mem>>)
    %dma_start3A_14 = arith.constant 1 : i32
    %dma_start3A_15 = arith.constant 1 : i32
    %dma_start3A_16 = arith.constant 0 : i32
    %dma_start3A_17 = tpu.memref_slice %arg12[%dma_start3A_15, %dma_start3A_16] : memref<2x10240xf32, #tpu.memory_space<vmem>> -> memref<1x10240xf32, #tpu.memory_space<vmem>>
    %dma_start3A_18 = tpu.memref_squeeze %dma_start3A_17 : memref<1x10240xf32, #tpu.memory_space<vmem>> -> memref<10240xf32, #tpu.memory_space<vmem>>
    %dma_start3A_19 = arith.constant 0 : i32
    %dma_start3A_20 = tpu.memref_slice %arg5[%dma_start3A_14, %dma_start3A_19] : memref<2x10240xf32, #tpu.memory_space<hbm>> -> memref<1x10240xf32, #tpu.memory_space<hbm>>
    %dma_start3A_21 = tpu.memref_squeeze %dma_start3A_20 : memref<1x10240xf32, #tpu.memory_space<hbm>> -> memref<10240xf32, #tpu.memory_space<hbm>>
    %dma_start3A_22 = arith.constant 0 : i32
    %dma_start3A_23 = tpu.memref_slice %arg12[%dma_start3A_15, %dma_start3A_22] : memref<2x10240xf32, #tpu.memory_space<vmem>> -> memref<1x10240xf32, #tpu.memory_space<vmem>>
    %dma_start3A_24 = tpu.memref_squeeze %dma_start3A_23 : memref<1x10240xf32, #tpu.memory_space<vmem>> -> memref<10240xf32, #tpu.memory_space<vmem>>
    %dma_start3A_25 = arith.constant 0 : i32
    %dma_start3A_26 = tpu.memref_slice %arg5[%dma_start3A_14, %dma_start3A_25] : memref<2x10240xf32, #tpu.memory_space<hbm>> -> memref<1x10240xf32, #tpu.memory_space<hbm>>
    %dma_start3A_27 = tpu.memref_squeeze %dma_start3A_26 : memref<1x10240xf32, #tpu.memory_space<hbm>> -> memref<10240xf32, #tpu.memory_space<hbm>>
    tpu.enqueue_dma source(%dma_start3A_27 : memref<10240xf32, #tpu.memory_space<hbm>>) target(%dma_start3A_24 : memref<10240xf32, #tpu.memory_space<vmem>>) target_semaphore(%arg18 : memref<!tpu.dma_semaphore, #tpu.memory_space<semaphore_mem>>)
    "tpu.region"() ({
      %run_scoped3A = tpu.sem_alloc : memref<!tpu.dma_semaphore, #tpu.memory_space<semaphore_mem>>
      tpu.enqueue_dma source(%arg3 : memref<10000xf32, #tpu.memory_space<hbm>>) target(%arg10 : memref<10000xf32, #tpu.memory_space<vmem>>) target_semaphore(%run_scoped3A : memref<!tpu.dma_semaphore, #tpu.memory_space<semaphore_mem>>)
      tpu.wait_dma2 semaphore(%run_scoped3A : memref<!tpu.dma_semaphore, #tpu.memory_space<semaphore_mem>>) src(%arg3 : memref<10000xf32, #tpu.memory_space<hbm>>) dst(%arg10 : memref<10000xf32, #tpu.memory_space<vmem>>)
      tpu.yield
    }) : () -> ()
    "tpu.region"() ({
      %run_scoped3A = tpu.sem_alloc : memref<!tpu.dma_semaphore, #tpu.memory_space<semaphore_mem>>
      tpu.enqueue_dma source(%arg4 : memref<10000xf32, #tpu.memory_space<hbm>>) target(%arg11 : memref<10000xf32, #tpu.memory_space<vmem>>) target_semaphore(%run_scoped3A : memref<!tpu.dma_semaphore, #tpu.memory_space<semaphore_mem>>)
      tpu.wait_dma2 semaphore(%run_scoped3A : memref<!tpu.dma_semaphore, #tpu.memory_space<semaphore_mem>>) src(%arg4 : memref<10000xf32, #tpu.memory_space<hbm>>) dst(%arg11 : memref<10000xf32, #tpu.memory_space<vmem>>)
      tpu.yield
    }) : () -> ()
    %dma_wait3A = arith.constant 0 : i32
    %dma_wait3A_28 = arith.constant 0 : i32
    %dma_wait3A_29 = arith.constant 0 : i32
    %dma_wait3A_30 = tpu.memref_slice %arg12[%dma_wait3A_28, %dma_wait3A_29] : memref<2x10240xf32, #tpu.memory_space<vmem>> -> memref<1x10240xf32, #tpu.memory_space<vmem>>
    %dma_wait3A_31 = tpu.memref_squeeze %dma_wait3A_30 : memref<1x10240xf32, #tpu.memory_space<vmem>> -> memref<10240xf32, #tpu.memory_space<vmem>>
    %dma_wait3A_32 = arith.constant 0 : i32
    %dma_wait3A_33 = tpu.memref_slice %arg5[%dma_wait3A, %dma_wait3A_32] : memref<2x10240xf32, #tpu.memory_space<hbm>> -> memref<1x10240xf32, #tpu.memory_space<hbm>>
    %dma_wait3A_34 = tpu.memref_squeeze %dma_wait3A_33 : memref<1x10240xf32, #tpu.memory_space<hbm>> -> memref<10240xf32, #tpu.memory_space<hbm>>
    %dma_wait3A_35 = arith.constant 0 : i32
    %dma_wait3A_36 = tpu.memref_slice %arg12[%dma_wait3A_28, %dma_wait3A_35] : memref<2x10240xf32, #tpu.memory_space<vmem>> -> memref<1x10240xf32, #tpu.memory_space<vmem>>
    %dma_wait3A_37 = tpu.memref_squeeze %dma_wait3A_36 : memref<1x10240xf32, #tpu.memory_space<vmem>> -> memref<10240xf32, #tpu.memory_space<vmem>>
    %dma_wait3A_38 = arith.constant 0 : i32
    %dma_wait3A_39 = tpu.memref_slice %arg5[%dma_wait3A, %dma_wait3A_38] : memref<2x10240xf32, #tpu.memory_space<hbm>> -> memref<1x10240xf32, #tpu.memory_space<hbm>>
    %dma_wait3A_40 = tpu.memref_squeeze %dma_wait3A_39 : memref<1x10240xf32, #tpu.memory_space<hbm>> -> memref<10240xf32, #tpu.memory_space<hbm>>
    tpu.wait_dma2 semaphore(%arg18 : memref<!tpu.dma_semaphore, #tpu.memory_space<semaphore_mem>>) src(%dma_wait3A_40 : memref<10240xf32, #tpu.memory_space<hbm>>) dst(%dma_wait3A_37 : memref<10240xf32, #tpu.memory_space<vmem>>)
    %dma_wait3A_41 = arith.constant 1 : i32
    %dma_wait3A_42 = arith.constant 1 : i32
    %dma_wait3A_43 = arith.constant 0 : i32
    %dma_wait3A_44 = tpu.memref_slice %arg12[%dma_wait3A_42, %dma_wait3A_43] : memref<2x10240xf32, #tpu.memory_space<vmem>> -> memref<1x10240xf32, #tpu.memory_space<vmem>>
    %dma_wait3A_45 = tpu.memref_squeeze %dma_wait3A_44 : memref<1x10240xf32, #tpu.memory_space<vmem>> -> memref<10240xf32, #tpu.memory_space<vmem>>
    %dma_wait3A_46 = arith.constant 0 : i32
    %dma_wait3A_47 = tpu.memref_slice %arg5[%dma_wait3A_41, %dma_wait3A_46] : memref<2x10240xf32, #tpu.memory_space<hbm>> -> memref<1x10240xf32, #tpu.memory_space<hbm>>
    %dma_wait3A_48 = tpu.memref_squeeze %dma_wait3A_47 : memref<1x10240xf32, #tpu.memory_space<hbm>> -> memref<10240xf32, #tpu.memory_space<hbm>>
    %dma_wait3A_49 = arith.constant 0 : i32
    %dma_wait3A_50 = tpu.memref_slice %arg12[%dma_wait3A_42, %dma_wait3A_49] : memref<2x10240xf32, #tpu.memory_space<vmem>> -> memref<1x10240xf32, #tpu.memory_space<vmem>>
    %dma_wait3A_51 = tpu.memref_squeeze %dma_wait3A_50 : memref<1x10240xf32, #tpu.memory_space<vmem>> -> memref<10240xf32, #tpu.memory_space<vmem>>
    %dma_wait3A_52 = arith.constant 0 : i32
    %dma_wait3A_53 = tpu.memref_slice %arg5[%dma_wait3A_41, %dma_wait3A_52] : memref<2x10240xf32, #tpu.memory_space<hbm>> -> memref<1x10240xf32, #tpu.memory_space<hbm>>
    %dma_wait3A_54 = tpu.memref_squeeze %dma_wait3A_53 : memref<1x10240xf32, #tpu.memory_space<hbm>> -> memref<10240xf32, #tpu.memory_space<hbm>>
    tpu.wait_dma2 semaphore(%arg18 : memref<!tpu.dma_semaphore, #tpu.memory_space<semaphore_mem>>) src(%dma_wait3A_54 : memref<10240xf32, #tpu.memory_space<hbm>>) dst(%dma_wait3A_51 : memref<10240xf32, #tpu.memory_space<vmem>>)
    %scan3A = arith.constant 0 : i32
    %scan3A_55 = arith.constant 0 : i32
    %scan3A_56 = arith.constant 160 : i32
    %scan3A_57 = arith.addi %scan3A_55, %scan3A_56 : i32
    %scan3A_58 = arith.constant 1 : i32
    scf.for %scan3A_613 = %scan3A_55 to %scan3A_57 step %scan3A_58  : i32 {
      %mul3A_614 = arith.constant 64 : i32
      %mul3A_615 = arith.muli %scan3A_613, %mul3A_614 : i32
      %multiple_of3A = tpu.assume_multiple %mul3A_615, 16 : i32
      %add3A_616 = arith.constant 0 : i32
      %add3A_617 = arith.addi %multiple_of3A, %add3A_616 : i32
      %get3A = arith.constant 0 : i32
      %get3A_618 = arith.index_cast %get3A : i32 to index
      %get3A_619 = arith.index_cast %add3A_617 : i32 to index
      %get3A_620 = tpu.vector_load %arg12[%get3A_618, %get3A_619] {strides = array<i32>} : memref<2x10240xf32, #tpu.memory_space<vmem>>, vector<16xf32>,
      %get3A_621 = arith.constant 1 : i32
      %get3A_622 = arith.index_cast %get3A_621 : i32 to index
      %get3A_623 = arith.index_cast %add3A_617 : i32 to index
      %get3A_624 = tpu.vector_load %arg12[%get3A_622, %get3A_623] {strides = array<i32>} : memref<2x10240xf32, #tpu.memory_space<vmem>>, vector<16xf32>,
      %max3A = arith.maximumf %get3A_620, %get3A_624 : vector<16xf32>
      %swap3A = arith.index_cast %add3A_617 : i32 to index
      %swap3A_625 = tpu.vector_load %arg13[%swap3A] {strides = array<i32>} : memref<10240xf32, #tpu.memory_space<vmem>>, vector<16xf32>,
      tpu.vector_store %arg13[%swap3A], %max3A {strides = array<i32>} : memref<10240xf32, #tpu.memory_space<vmem>>, vector<16xf32>,
      %add3A_626 = arith.constant 16 : i32
      %add3A_627 = arith.addi %multiple_of3A, %add3A_626 : i32
      %get3A_628 = arith.constant 0 : i32
      %get3A_629 = arith.index_cast %get3A_628 : i32 to index
      %get3A_630 = arith.index_cast %add3A_627 : i32 to index
      %get3A_631 = tpu.vector_load %arg12[%get3A_629, %get3A_630] {strides = array<i32>} : memref<2x10240xf32, #tpu.memory_space<vmem>>, vector<16xf32>,
      %get3A_632 = arith.constant 1 : i32
      %get3A_633 = arith.index_cast %get3A_632 : i32 to index
      %get3A_634 = arith.index_cast %add3A_627 : i32 to index
      %get3A_635 = tpu.vector_load %arg12[%get3A_633, %get3A_634] {strides = array<i32>} : memref<2x10240xf32, #tpu.memory_space<vmem>>, vector<16xf32>,
      %max3A_636 = arith.maximumf %get3A_631, %get3A_635 : vector<16xf32>
      %swap3A_637 = arith.index_cast %add3A_627 : i32 to index
      %swap3A_638 = tpu.vector_load %arg13[%swap3A_637] {strides = array<i32>} : memref<10240xf32, #tpu.memory_space<vmem>>, vector<16xf32>,
      tpu.vector_store %arg13[%swap3A_637], %max3A_636 {strides = array<i32>} : memref<10240xf32, #tpu.memory_space<vmem>>, vector<16xf32>,
      %add3A_639 = arith.constant 32 : i32
      %add3A_640 = arith.addi %multiple_of3A, %add3A_639 : i32
      %get3A_641 = arith.constant 0 : i32
      %get3A_642 = arith.index_cast %get3A_641 : i32 to index
      %get3A_643 = arith.index_cast %add3A_640 : i32 to index
      %get3A_644 = tpu.vector_load %arg12[%get3A_642, %get3A_643] {strides = array<i32>} : memref<2x10240xf32, #tpu.memory_space<vmem>>, vector<16xf32>,
      %get3A_645 = arith.constant 1 : i32
      %get3A_646 = arith.index_cast %get3A_645 : i32 to index
      %get3A_647 = arith.index_cast %add3A_640 : i32 to index
      %get3A_648 = tpu.vector_load %arg12[%get3A_646, %get3A_647] {strides = array<i32>} : memref<2x10240xf32, #tpu.memory_space<vmem>>, vector<16xf32>,
      %max3A_649 = arith.maximumf %get3A_644, %get3A_648 : vector<16xf32>
      %swap3A_650 = arith.index_cast %add3A_640 : i32 to index
      %swap3A_651 = tpu.vector_load %arg13[%swap3A_650] {strides = array<i32>} : memref<10240xf32, #tpu.memory_space<vmem>>, vector<16xf32>,
      tpu.vector_store %arg13[%swap3A_650], %max3A_649 {strides = array<i32>} : memref<10240xf32, #tpu.memory_space<vmem>>, vector<16xf32>,
      %add3A_652 = arith.constant 48 : i32
      %add3A_653 = arith.addi %multiple_of3A, %add3A_652 : i32
      %get3A_654 = arith.constant 0 : i32
      %get3A_655 = arith.index_cast %get3A_654 : i32 to index
      %get3A_656 = arith.index_cast %add3A_653 : i32 to index
      %get3A_657 = tpu.vector_load %arg12[%get3A_655, %get3A_656] {strides = array<i32>} : memref<2x10240xf32, #tpu.memory_space<vmem>>, vector<16xf32>,
      %get3A_658 = arith.constant 1 : i32
      %get3A_659 = arith.index_cast %get3A_658 : i32 to index
      %get3A_660 = arith.index_cast %add3A_653 : i32 to index
      %get3A_661 = tpu.vector_load %arg12[%get3A_659, %get3A_660] {strides = array<i32>} : memref<2x10240xf32, #tpu.memory_space<vmem>>, vector<16xf32>,
      %max3A_662 = arith.maximumf %get3A_657, %get3A_661 : vector<16xf32>
      %swap3A_663 = arith.index_cast %add3A_653 : i32 to index
      %swap3A_664 = tpu.vector_load %arg13[%swap3A_663] {strides = array<i32>} : memref<10240xf32, #tpu.memory_space<vmem>>, vector<16xf32>,
      tpu.vector_store %arg13[%swap3A_663], %max3A_662 {strides = array<i32>} : memref<10240xf32, #tpu.memory_space<vmem>>, vector<16xf32>,
    }
    %scan3A_59 = arith.constant 160 : i32
    %broadcast_in_dim3A = arith.constant 0.000000e+00 : f32
    %broadcast_in_dim3A_60 = vector.broadcast %broadcast_in_dim3A : f32 to vector<16xf32>
    %scan3A_61 = arith.constant 0 : i32
    %scan3A_62 = arith.constant 0 : i32
    %scan3A_63 = arith.constant 160 : i32
    %scan3A_64 = arith.addi %scan3A_62, %scan3A_63 : i32
    %scan3A_65 = arith.constant 1 : i32
    scf.for %scan3A_613 = %scan3A_62 to %scan3A_64 step %scan3A_65  : i32 {
      %mul3A_614 = arith.constant 64 : i32
      %mul3A_615 = arith.muli %scan3A_613, %mul3A_614 : i32
      %multiple_of3A = tpu.assume_multiple %mul3A_615, 16 : i32
      %add3A_616 = arith.constant 0 : i32
      %add3A_617 = arith.addi %multiple_of3A, %add3A_616 : i32
      %swap3A = arith.index_cast %add3A_617 : i32 to index
      %swap3A_618 = tpu.vector_load %arg14[%swap3A] {strides = array<i32>} : memref<10240xf32, #tpu.memory_space<vmem>>, vector<16xf32>,
      tpu.vector_store %arg14[%swap3A], %broadcast_in_dim3A_60 {strides = array<i32>} : memref<10240xf32, #tpu.memory_space<vmem>>, vector<16xf32>,
      %add3A_619 = arith.constant 16 : i32
      %add3A_620 = arith.addi %multiple_of3A, %add3A_619 : i32
      %swap3A_621 = arith.index_cast %add3A_620 : i32 to index
      %swap3A_622 = tpu.vector_load %arg14[%swap3A_621] {strides = array<i32>} : memref<10240xf32, #tpu.memory_space<vmem>>, vector<16xf32>,
      tpu.vector_store %arg14[%swap3A_621], %broadcast_in_dim3A_60 {strides = array<i32>} : memref<10240xf32, #tpu.memory_space<vmem>>, vector<16xf32>,
      %add3A_623 = arith.constant 32 : i32
      %add3A_624 = arith.addi %multiple_of3A, %add3A_623 : i32
      %swap3A_625 = arith.index_cast %add3A_624 : i32 to index
      %swap3A_626 = tpu.vector_load %arg14[%swap3A_625] {strides = array<i32>} : memref<10240xf32, #tpu.memory_space<vmem>>, vector<16xf32>,
      tpu.vector_store %arg14[%swap3A_625], %broadcast_in_dim3A_60 {strides = array<i32>} : memref<10240xf32, #tpu.memory_space<vmem>>, vector<16xf32>,
      %add3A_627 = arith.constant 48 : i32
      %add3A_628 = arith.addi %multiple_of3A, %add3A_627 : i32
      %swap3A_629 = arith.index_cast %add3A_628 : i32 to index
      %swap3A_630 = tpu.vector_load %arg14[%swap3A_629] {strides = array<i32>} : memref<10240xf32, #tpu.memory_space<vmem>>, vector<16xf32>,
      tpu.vector_store %arg14[%swap3A_629], %broadcast_in_dim3A_60 {strides = array<i32>} : memref<10240xf32, #tpu.memory_space<vmem>>, vector<16xf32>,
    }
    %scan3A_66 = arith.constant 160 : i32
    %mul3A_67 = arith.constant 320 : i32
    %mul3A_68 = arith.muli %add3A, %mul3A_67 : i32
    %mul3A_69 = arith.constant 320 : i32
    %mul3A_70 = arith.muli %add3A, %mul3A_69 : i32
    "tpu.region"() ({
      %run_scoped3A = tpu.sem_alloc : memref<!tpu.dma_semaphore, #tpu.memory_space<semaphore_mem>>
      %dma_start3A_613 = tpu.memref_slice %arg13[%mul3A_68] : memref<10240xf32, #tpu.memory_space<vmem>> -> memref<320xf32, #tpu.memory_space<vmem>>
      %dma_start3A_614 = tpu.memref_slice %arg7[%mul3A_70] : memref<10240xf32, #tpu.memory_space<hbm>> -> memref<320xf32, #tpu.memory_space<hbm>>
      %dma_start3A_615 = tpu.memref_slice %arg7[%mul3A_70] : memref<10240xf32, #tpu.memory_space<hbm>> -> memref<320xf32, #tpu.memory_space<hbm>>
      %dma_start3A_616 = tpu.memref_slice %arg13[%mul3A_68] : memref<10240xf32, #tpu.memory_space<vmem>> -> memref<320xf32, #tpu.memory_space<vmem>>
      tpu.enqueue_dma source(%dma_start3A_616 : memref<320xf32, #tpu.memory_space<vmem>>) target(%dma_start3A_615 : memref<320xf32, #tpu.memory_space<hbm>>) target_semaphore(%run_scoped3A : memref<!tpu.dma_semaphore, #tpu.memory_space<semaphore_mem>>)
      %dma_wait3A_617 = tpu.memref_slice %arg13[%mul3A_68] : memref<10240xf32, #tpu.memory_space<vmem>> -> memref<320xf32, #tpu.memory_space<vmem>>
      %dma_wait3A_618 = tpu.memref_slice %arg7[%mul3A_70] : memref<10240xf32, #tpu.memory_space<hbm>> -> memref<320xf32, #tpu.memory_space<hbm>>
      %dma_wait3A_619 = tpu.memref_slice %arg7[%mul3A_70] : memref<10240xf32, #tpu.memory_space<hbm>> -> memref<320xf32, #tpu.memory_space<hbm>>
      %dma_wait3A_620 = tpu.memref_slice %arg13[%mul3A_68] : memref<10240xf32, #tpu.memory_space<vmem>> -> memref<320xf32, #tpu.memory_space<vmem>>
      tpu.wait_dma2 semaphore(%run_scoped3A : memref<!tpu.dma_semaphore, #tpu.memory_space<semaphore_mem>>) src(%dma_wait3A_620 : memref<320xf32, #tpu.memory_space<vmem>>) dst(%dma_wait3A_619 : memref<320xf32, #tpu.memory_space<hbm>>)
      tpu.yield
    }) : () -> ()
    %mul3A_71 = arith.constant 10000 : i32
    %mul3A_72 = arith.muli %add3A, %mul3A_71 : i32
    %add3A_73 = arith.constant 0 : i32
    %add3A_74 = arith.addi %mul3A_72, %add3A_73 : i32
    %dma_start3A_75 = arith.constant 0 : i32
    %dma_start3A_76 = tpu.memref_slice %arg2[%dma_start3A_75, %add3A_74] : memref<2x320000xi32, #tpu.memory_space<hbm>> -> memref<1x2000xi32, #tpu.memory_space<hbm>>
    %dma_start3A_77 = tpu.memref_squeeze %dma_start3A_76 : memref<1x2000xi32, #tpu.memory_space<hbm>> -> memref<2000xi32, #tpu.memory_space<hbm>>
    %dma_start3A_78 = tpu.memref_slice %arg2[%dma_start3A_75, %add3A_74] : memref<2x320000xi32, #tpu.memory_space<hbm>> -> memref<1x2000xi32, #tpu.memory_space<hbm>>
    %dma_start3A_79 = tpu.memref_squeeze %dma_start3A_78 : memref<1x2000xi32, #tpu.memory_space<hbm>> -> memref<2000xi32, #tpu.memory_space<hbm>>
    tpu.enqueue_dma source(%dma_start3A_79 : memref<2000xi32, #tpu.memory_space<hbm>>) target(%arg8 : memref<2000xi32, #tpu.memory_space<vmem>>) target_semaphore(%arg18 : memref<!tpu.dma_semaphore, #tpu.memory_space<semaphore_mem>>)
    %dma_start3A_80 = arith.constant 1 : i32
    %dma_start3A_81 = tpu.memref_slice %arg2[%dma_start3A_80, %add3A_74] : memref<2x320000xi32, #tpu.memory_space<hbm>> -> memref<1x2000xi32, #tpu.memory_space<hbm>>
    %dma_start3A_82 = tpu.memref_squeeze %dma_start3A_81 : memref<1x2000xi32, #tpu.memory_space<hbm>> -> memref<2000xi32, #tpu.memory_space<hbm>>
    %dma_start3A_83 = tpu.memref_slice %arg2[%dma_start3A_80, %add3A_74] : memref<2x320000xi32, #tpu.memory_space<hbm>> -> memref<1x2000xi32, #tpu.memory_space<hbm>>
    %dma_start3A_84 = tpu.memref_squeeze %dma_start3A_83 : memref<1x2000xi32, #tpu.memory_space<hbm>> -> memref<2000xi32, #tpu.memory_space<hbm>>
    tpu.enqueue_dma source(%dma_start3A_84 : memref<2000xi32, #tpu.memory_space<hbm>>) target(%arg9 : memref<2000xi32, #tpu.memory_space<vmem>>) target_semaphore(%arg18 : memref<!tpu.dma_semaphore, #tpu.memory_space<semaphore_mem>>)
    %dma_wait3A_85 = arith.constant 0 : i32
    %dma_wait3A_86 = tpu.memref_slice %arg2[%dma_wait3A_85, %add3A_74] : memref<2x320000xi32, #tpu.memory_space<hbm>> -> memref<1x2000xi32, #tpu.memory_space<hbm>>
    %dma_wait3A_87 = tpu.memref_squeeze %dma_wait3A_86 : memref<1x2000xi32, #tpu.memory_space<hbm>> -> memref<2000xi32, #tpu.memory_space<hbm>>
    %dma_wait3A_88 = tpu.memref_slice %arg2[%dma_wait3A_85, %add3A_74] : memref<2x320000xi32, #tpu.memory_space<hbm>> -> memref<1x2000xi32, #tpu.memory_space<hbm>>
    %dma_wait3A_89 = tpu.memref_squeeze %dma_wait3A_88 : memref<1x2000xi32, #tpu.memory_space<hbm>> -> memref<2000xi32, #tpu.memory_space<hbm>>
    tpu.wait_dma2 semaphore(%arg18 : memref<!tpu.dma_semaphore, #tpu.memory_space<semaphore_mem>>) src(%dma_wait3A_89 : memref<2000xi32, #tpu.memory_space<hbm>>) dst(%arg8 : memref<2000xi32, #tpu.memory_space<vmem>>)
    %dma_wait3A_90 = arith.constant 1 : i32
    %dma_wait3A_91 = tpu.memref_slice %arg2[%dma_wait3A_90, %add3A_74] : memref<2x320000xi32, #tpu.memory_space<hbm>> -> memref<1x2000xi32, #tpu.memory_space<hbm>>
    %dma_wait3A_92 = tpu.memref_squeeze %dma_wait3A_91 : memref<1x2000xi32, #tpu.memory_space<hbm>> -> memref<2000xi32, #tpu.memory_space<hbm>>
    %dma_wait3A_93 = tpu.memref_slice %arg2[%dma_wait3A_90, %add3A_74] : memref<2x320000xi32, #tpu.memory_space<hbm>> -> memref<1x2000xi32, #tpu.memory_space<hbm>>
    %dma_wait3A_94 = tpu.memref_squeeze %dma_wait3A_93 : memref<1x2000xi32, #tpu.memory_space<hbm>> -> memref<2000xi32, #tpu.memory_space<hbm>>
    tpu.wait_dma2 semaphore(%arg18 : memref<!tpu.dma_semaphore, #tpu.memory_space<semaphore_mem>>) src(%dma_wait3A_94 : memref<2000xi32, #tpu.memory_space<hbm>>) dst(%arg9 : memref<2000xi32, #tpu.memory_space<vmem>>)
    %scan3A_95 = arith.constant 0 : i32
    %scan3A_96 = arith.constant 0 : i32
    %scan3A_97 = arith.constant 125 : i32
    %scan3A_98 = arith.addi %scan3A_96, %scan3A_97 : i32
    %scan3A_99 = arith.constant 1 : i32
    scf.for %scan3A_613 = %scan3A_96 to %scan3A_98 step %scan3A_99  : i32 {
      %mul3A_614 = arith.constant 16 : i32
      %mul3A_615 = arith.muli %scan3A_613, %mul3A_614 : i32
      %multiple_of3A = tpu.assume_multiple %mul3A_615, 16 : i32
      %get3A = arith.index_cast %multiple_of3A : i32 to index
      %get3A_616 = tpu.vector_load %arg8[%get3A] {strides = array<i32>} : memref<2000xi32, #tpu.memory_space<vmem>>, vector<16xi32>,
      %get3A_617 = arith.index_cast %multiple_of3A : i32 to index
      %get3A_618 = tpu.vector_load %arg9[%get3A_617] {strides = array<i32>} : memref<2000xi32, #tpu.memory_space<vmem>>, vector<16xi32>,
      %gather3A = tpu.vector_load_idx %arg10[%get3A_616] : memref<10000xf32, #tpu.memory_space<vmem>>[vector<16xi32>], vector<16xf32>,
      %gather3A_619 = tpu.vector_load_idx %arg11[%get3A_618] : memref<10000xf32, #tpu.memory_space<vmem>>[vector<16xi32>], vector<16xf32>,
      %add3A_620 = arith.addf %gather3A, %gather3A_619 : vector<16xf32>
      %ge3A = arith.constant 0.000000e+00 : f32
      %ge3A_621 = vector.broadcast %ge3A : f32 to vector<16xf32>
      %ge3A_622 = arith.cmpf oge, %add3A_620, %ge3A_621 : vector<16xf32>
      %mul3A_623 = arith.constant 2.000000e-01 : f32
      %mul3A_624 = vector.broadcast %mul3A_623 : f32 to vector<16xf32>
      %mul3A_625 = arith.mulf %mul3A_624, %add3A_620 : vector<16xf32>
      %select_n3A = arith.select %ge3A_622, %add3A_620, %mul3A_625 : vector<16xi1>, vector<16xf32>
      %gather3A_626 = tpu.vector_load_idx %arg13[%get3A_616] : memref<10240xf32, #tpu.memory_space<vmem>>[vector<16xi32>], vector<16xf32>,
      %sub3A = arith.subf %select_n3A, %gather3A_626 : vector<16xf32>
      %exp3A = math.exp %sub3A : vector<16xf32>
      tpu.vector_store_idx %arg14[%get3A_616], %exp3A {add = true} : memref<10240xf32, #tpu.memory_space<vmem>>[vector<16xi32>], vector<16xf32>,
    }
    %scan3A_100 = arith.constant 125 : i32
    %mul3A_101 = arith.constant 10000 : i32
    %mul3A_102 = arith.muli %add3A, %mul3A_101 : i32
    %add3A_103 = arith.constant 2000 : i32
    %add3A_104 = arith.addi %mul3A_102, %add3A_103 : i32
    %dma_start3A_105 = arith.constant 0 : i32
    %dma_start3A_106 = tpu.memref_slice %arg2[%dma_start3A_105, %add3A_104] : memref<2x320000xi32, #tpu.memory_space<hbm>> -> memref<1x2000xi32, #tpu.memory_space<hbm>>
    %dma_start3A_107 = tpu.memref_squeeze %dma_start3A_106 : memref<1x2000xi32, #tpu.memory_space<hbm>> -> memref<2000xi32, #tpu.memory_space<hbm>>
    %dma_start3A_108 = tpu.memref_slice %arg2[%dma_start3A_105, %add3A_104] : memref<2x320000xi32, #tpu.memory_space<hbm>> -> memref<1x2000xi32, #tpu.memory_space<hbm>>
    %dma_start3A_109 = tpu.memref_squeeze %dma_start3A_108 : memref<1x2000xi32, #tpu.memory_space<hbm>> -> memref<2000xi32, #tpu.memory_space<hbm>>
    tpu.enqueue_dma source(%dma_start3A_109 : memref<2000xi32, #tpu.memory_space<hbm>>) target(%arg8 : memref<2000xi32, #tpu.memory_space<vmem>>) target_semaphore(%arg18 : memref<!tpu.dma_semaphore, #tpu.memory_space<semaphore_mem>>)
    %dma_start3A_110 = arith.constant 1 : i32
    %dma_start3A_111 = tpu.memref_slice %arg2[%dma_start3A_110, %add3A_104] : memref<2x320000xi32, #tpu.memory_space<hbm>> -> memref<1x2000xi32, #tpu.memory_space<hbm>>
    %dma_start3A_112 = tpu.memref_squeeze %dma_start3A_111 : memref<1x2000xi32, #tpu.memory_space<hbm>> -> memref<2000xi32, #tpu.memory_space<hbm>>
    %dma_start3A_113 = tpu.memref_slice %arg2[%dma_start3A_110, %add3A_104] : memref<2x320000xi32, #tpu.memory_space<hbm>> -> memref<1x2000xi32, #tpu.memory_space<hbm>>
    %dma_start3A_114 = tpu.memref_squeeze %dma_start3A_113 : memref<1x2000xi32, #tpu.memory_space<hbm>> -> memref<2000xi32, #tpu.memory_space<hbm>>
    tpu.enqueue_dma source(%dma_start3A_114 : memref<2000xi32, #tpu.memory_space<hbm>>) target(%arg9 : memref<2000xi32, #tpu.memory_space<vmem>>) target_semaphore(%arg18 : memref<!tpu.dma_semaphore, #tpu.memory_space<semaphore_mem>>)
    %dma_wait3A_115 = arith.constant 0 : i32
    %dma_wait3A_116 = tpu.memref_slice %arg2[%dma_wait3A_115, %add3A_104] : memref<2x320000xi32, #tpu.memory_space<hbm>> -> memref<1x2000xi32, #tpu.memory_space<hbm>>
    %dma_wait3A_117 = tpu.memref_squeeze %dma_wait3A_116 : memref<1x2000xi32, #tpu.memory_space<hbm>> -> memref<2000xi32, #tpu.memory_space<hbm>>
    %dma_wait3A_118 = tpu.memref_slice %arg2[%dma_wait3A_115, %add3A_104] : memref<2x320000xi32, #tpu.memory_space<hbm>> -> memref<1x2000xi32, #tpu.memory_space<hbm>>
    %dma_wait3A_119 = tpu.memref_squeeze %dma_wait3A_118 : memref<1x2000xi32, #tpu.memory_space<hbm>> -> memref<2000xi32, #tpu.memory_space<hbm>>
    tpu.wait_dma2 semaphore(%arg18 : memref<!tpu.dma_semaphore, #tpu.memory_space<semaphore_mem>>) src(%dma_wait3A_119 : memref<2000xi32, #tpu.memory_space<hbm>>) dst(%arg8 : memref<2000xi32, #tpu.memory_space<vmem>>)
    %dma_wait3A_120 = arith.constant 1 : i32
    %dma_wait3A_121 = tpu.memref_slice %arg2[%dma_wait3A_120, %add3A_104] : memref<2x320000xi32, #tpu.memory_space<hbm>> -> memref<1x2000xi32, #tpu.memory_space<hbm>>
    %dma_wait3A_122 = tpu.memref_squeeze %dma_wait3A_121 : memref<1x2000xi32, #tpu.memory_space<hbm>> -> memref<2000xi32, #tpu.memory_space<hbm>>
    %dma_wait3A_123 = tpu.memref_slice %arg2[%dma_wait3A_120, %add3A_104] : memref<2x320000xi32, #tpu.memory_space<hbm>> -> memref<1x2000xi32, #tpu.memory_space<hbm>>
    %dma_wait3A_124 = tpu.memref_squeeze %dma_wait3A_123 : memref<1x2000xi32, #tpu.memory_space<hbm>> -> memref<2000xi32, #tpu.memory_space<hbm>>
    tpu.wait_dma2 semaphore(%arg18 : memref<!tpu.dma_semaphore, #tpu.memory_space<semaphore_mem>>) src(%dma_wait3A_124 : memref<2000xi32, #tpu.memory_space<hbm>>) dst(%arg9 : memref<2000xi32, #tpu.memory_space<vmem>>)
    %scan3A_125 = arith.constant 0 : i32
    %scan3A_126 = arith.constant 0 : i32
    %scan3A_127 = arith.constant 125 : i32
    %scan3A_128 = arith.addi %scan3A_126, %scan3A_127 : i32
    %scan3A_129 = arith.constant 1 : i32
    scf.for %scan3A_613 = %scan3A_126 to %scan3A_128 step %scan3A_129  : i32 {
      %mul3A_614 = arith.constant 16 : i32
      %mul3A_615 = arith.muli %scan3A_613, %mul3A_614 : i32
      %multiple_of3A = tpu.assume_multiple %mul3A_615, 16 : i32
      %get3A = arith.index_cast %multiple_of3A : i32 to index
      %get3A_616 = tpu.vector_load %arg8[%get3A] {strides = array<i32>} : memref<2000xi32, #tpu.memory_space<vmem>>, vector<16xi32>,
      %get3A_617 = arith.index_cast %multiple_of3A : i32 to index
      %get3A_618 = tpu.vector_load %arg9[%get3A_617] {strides = array<i32>} : memref<2000xi32, #tpu.memory_space<vmem>>, vector<16xi32>,
      %gather3A = tpu.vector_load_idx %arg10[%get3A_616] : memref<10000xf32, #tpu.memory_space<vmem>>[vector<16xi32>], vector<16xf32>,
      %gather3A_619 = tpu.vector_load_idx %arg11[%get3A_618] : memref<10000xf32, #tpu.memory_space<vmem>>[vector<16xi32>], vector<16xf32>,
      %add3A_620 = arith.addf %gather3A, %gather3A_619 : vector<16xf32>
      %ge3A = arith.constant 0.000000e+00 : f32
      %ge3A_621 = vector.broadcast %ge3A : f32 to vector<16xf32>
      %ge3A_622 = arith.cmpf oge, %add3A_620, %ge3A_621 : vector<16xf32>
      %mul3A_623 = arith.constant 2.000000e-01 : f32
      %mul3A_624 = vector.broadcast %mul3A_623 : f32 to vector<16xf32>
      %mul3A_625 = arith.mulf %mul3A_624, %add3A_620 : vector<16xf32>
      %select_n3A = arith.select %ge3A_622, %add3A_620, %mul3A_625 : vector<16xi1>, vector<16xf32>
      %gather3A_626 = tpu.vector_load_idx %arg13[%get3A_616] : memref<10240xf32, #tpu.memory_space<vmem>>[vector<16xi32>], vector<16xf32>,
      %sub3A = arith.subf %select_n3A, %gather3A_626 : vector<16xf32>
      %exp3A = math.exp %sub3A : vector<16xf32>
      tpu.vector_store_idx %arg14[%get3A_616], %exp3A {add = true} : memref<10240xf32, #tpu.memory_space<vmem>>[vector<16xi32>], vector<16xf32>,
    }
    %scan3A_130 = arith.constant 125 : i32
    %mul3A_131 = arith.constant 10000 : i32
    %mul3A_132 = arith.muli %add3A, %mul3A_131 : i32
    %add3A_133 = arith.constant 4000 : i32
    %add3A_134 = arith.addi %mul3A_132, %add3A_133 : i32
    %dma_start3A_135 = arith.constant 0 : i32
    %dma_start3A_136 = tpu.memref_slice %arg2[%dma_start3A_135, %add3A_134] : memref<2x320000xi32, #tpu.memory_space<hbm>> -> memref<1x2000xi32, #tpu.memory_space<hbm>>
    %dma_start3A_137 = tpu.memref_squeeze %dma_start3A_136 : memref<1x2000xi32, #tpu.memory_space<hbm>> -> memref<2000xi32, #tpu.memory_space<hbm>>
    %dma_start3A_138 = tpu.memref_slice %arg2[%dma_start3A_135, %add3A_134] : memref<2x320000xi32, #tpu.memory_space<hbm>> -> memref<1x2000xi32, #tpu.memory_space<hbm>>
    %dma_start3A_139 = tpu.memref_squeeze %dma_start3A_138 : memref<1x2000xi32, #tpu.memory_space<hbm>> -> memref<2000xi32, #tpu.memory_space<hbm>>
    tpu.enqueue_dma source(%dma_start3A_139 : memref<2000xi32, #tpu.memory_space<hbm>>) target(%arg8 : memref<2000xi32, #tpu.memory_space<vmem>>) target_semaphore(%arg18 : memref<!tpu.dma_semaphore, #tpu.memory_space<semaphore_mem>>)
    %dma_start3A_140 = arith.constant 1 : i32
    %dma_start3A_141 = tpu.memref_slice %arg2[%dma_start3A_140, %add3A_134] : memref<2x320000xi32, #tpu.memory_space<hbm>> -> memref<1x2000xi32, #tpu.memory_space<hbm>>
    %dma_start3A_142 = tpu.memref_squeeze %dma_start3A_141 : memref<1x2000xi32, #tpu.memory_space<hbm>> -> memref<2000xi32, #tpu.memory_space<hbm>>
    %dma_start3A_143 = tpu.memref_slice %arg2[%dma_start3A_140, %add3A_134] : memref<2x320000xi32, #tpu.memory_space<hbm>> -> memref<1x2000xi32, #tpu.memory_space<hbm>>
    %dma_start3A_144 = tpu.memref_squeeze %dma_start3A_143 : memref<1x2000xi32, #tpu.memory_space<hbm>> -> memref<2000xi32, #tpu.memory_space<hbm>>
    tpu.enqueue_dma source(%dma_start3A_144 : memref<2000xi32, #tpu.memory_space<hbm>>) target(%arg9 : memref<2000xi32, #tpu.memory_space<vmem>>) target_semaphore(%arg18 : memref<!tpu.dma_semaphore, #tpu.memory_space<semaphore_mem>>)
    %dma_wait3A_145 = arith.constant 0 : i32
    %dma_wait3A_146 = tpu.memref_slice %arg2[%dma_wait3A_145, %add3A_134] : memref<2x320000xi32, #tpu.memory_space<hbm>> -> memref<1x2000xi32, #tpu.memory_space<hbm>>
    %dma_wait3A_147 = tpu.memref_squeeze %dma_wait3A_146 : memref<1x2000xi32, #tpu.memory_space<hbm>> -> memref<2000xi32, #tpu.memory_space<hbm>>
    %dma_wait3A_148 = tpu.memref_slice %arg2[%dma_wait3A_145, %add3A_134] : memref<2x320000xi32, #tpu.memory_space<hbm>> -> memref<1x2000xi32, #tpu.memory_space<hbm>>
    %dma_wait3A_149 = tpu.memref_squeeze %dma_wait3A_148 : memref<1x2000xi32, #tpu.memory_space<hbm>> -> memref<2000xi32, #tpu.memory_space<hbm>>
    tpu.wait_dma2 semaphore(%arg18 : memref<!tpu.dma_semaphore, #tpu.memory_space<semaphore_mem>>) src(%dma_wait3A_149 : memref<2000xi32, #tpu.memory_space<hbm>>) dst(%arg8 : memref<2000xi32, #tpu.memory_space<vmem>>)
    %dma_wait3A_150 = arith.constant 1 : i32
    %dma_wait3A_151 = tpu.memref_slice %arg2[%dma_wait3A_150, %add3A_134] : memref<2x320000xi32, #tpu.memory_space<hbm>> -> memref<1x2000xi32, #tpu.memory_space<hbm>>
    %dma_wait3A_152 = tpu.memref_squeeze %dma_wait3A_151 : memref<1x2000xi32, #tpu.memory_space<hbm>> -> memref<2000xi32, #tpu.memory_space<hbm>>
    %dma_wait3A_153 = tpu.memref_slice %arg2[%dma_wait3A_150, %add3A_134] : memref<2x320000xi32, #tpu.memory_space<hbm>> -> memref<1x2000xi32, #tpu.memory_space<hbm>>
    %dma_wait3A_154 = tpu.memref_squeeze %dma_wait3A_153 : memref<1x2000xi32, #tpu.memory_space<hbm>> -> memref<2000xi32, #tpu.memory_space<hbm>>
    tpu.wait_dma2 semaphore(%arg18 : memref<!tpu.dma_semaphore, #tpu.memory_space<semaphore_mem>>) src(%dma_wait3A_154 : memref<2000xi32, #tpu.memory_space<hbm>>) dst(%arg9 : memref<2000xi32, #tpu.memory_space<vmem>>)
    %scan3A_155 = arith.constant 0 : i32
    %scan3A_156 = arith.constant 0 : i32
    %scan3A_157 = arith.constant 125 : i32
    %scan3A_158 = arith.addi %scan3A_156, %scan3A_157 : i32
    %scan3A_159 = arith.constant 1 : i32
    scf.for %scan3A_613 = %scan3A_156 to %scan3A_158 step %scan3A_159  : i32 {
      %mul3A_614 = arith.constant 16 : i32
      %mul3A_615 = arith.muli %scan3A_613, %mul3A_614 : i32
      %multiple_of3A = tpu.assume_multiple %mul3A_615, 16 : i32
      %get3A = arith.index_cast %multiple_of3A : i32 to index
      %get3A_616 = tpu.vector_load %arg8[%get3A] {strides = array<i32>} : memref<2000xi32, #tpu.memory_space<vmem>>, vector<16xi32>,
      %get3A_617 = arith.index_cast %multiple_of3A : i32 to index
      %get3A_618 = tpu.vector_load %arg9[%get3A_617] {strides = array<i32>} : memref<2000xi32, #tpu.memory_space<vmem>>, vector<16xi32>,
      %gather3A = tpu.vector_load_idx %arg10[%get3A_616] : memref<10000xf32, #tpu.memory_space<vmem>>[vector<16xi32>], vector<16xf32>,
      %gather3A_619 = tpu.vector_load_idx %arg11[%get3A_618] : memref<10000xf32, #tpu.memory_space<vmem>>[vector<16xi32>], vector<16xf32>,
      %add3A_620 = arith.addf %gather3A, %gather3A_619 : vector<16xf32>
      %ge3A = arith.constant 0.000000e+00 : f32
      %ge3A_621 = vector.broadcast %ge3A : f32 to vector<16xf32>
      %ge3A_622 = arith.cmpf oge, %add3A_620, %ge3A_621 : vector<16xf32>
      %mul3A_623 = arith.constant 2.000000e-01 : f32
      %mul3A_624 = vector.broadcast %mul3A_623 : f32 to vector<16xf32>
      %mul3A_625 = arith.mulf %mul3A_624, %add3A_620 : vector<16xf32>
      %select_n3A = arith.select %ge3A_622, %add3A_620, %mul3A_625 : vector<16xi1>, vector<16xf32>
      %gather3A_626 = tpu.vector_load_idx %arg13[%get3A_616] : memref<10240xf32, #tpu.memory_space<vmem>>[vector<16xi32>], vector<16xf32>,
      %sub3A = arith.subf %select_n3A, %gather3A_626 : vector<16xf32>
      %exp3A = math.exp %sub3A : vector<16xf32>
      tpu.vector_store_idx %arg14[%get3A_616], %exp3A {add = true} : memref<10240xf32, #tpu.memory_space<vmem>>[vector<16xi32>], vector<16xf32>,
    }
    %scan3A_160 = arith.constant 125 : i32
    %mul3A_161 = arith.constant 10000 : i32
    %mul3A_162 = arith.muli %add3A, %mul3A_161 : i32
    %add3A_163 = arith.constant 6000 : i32
    %add3A_164 = arith.addi %mul3A_162, %add3A_163 : i32
    %dma_start3A_165 = arith.constant 0 : i32
    %dma_start3A_166 = tpu.memref_slice %arg2[%dma_start3A_165, %add3A_164] : memref<2x320000xi32, #tpu.memory_space<hbm>> -> memref<1x2000xi32, #tpu.memory_space<hbm>>
    %dma_start3A_167 = tpu.memref_squeeze %dma_start3A_166 : memref<1x2000xi32, #tpu.memory_space<hbm>> -> memref<2000xi32, #tpu.memory_space<hbm>>
    %dma_start3A_168 = tpu.memref_slice %arg2[%dma_start3A_165, %add3A_164] : memref<2x320000xi32, #tpu.memory_space<hbm>> -> memref<1x2000xi32, #tpu.memory_space<hbm>>
    %dma_start3A_169 = tpu.memref_squeeze %dma_start3A_168 : memref<1x2000xi32, #tpu.memory_space<hbm>> -> memref<2000xi32, #tpu.memory_space<hbm>>
    tpu.enqueue_dma source(%dma_start3A_169 : memref<2000xi32, #tpu.memory_space<hbm>>) target(%arg8 : memref<2000xi32, #tpu.memory_space<vmem>>) target_semaphore(%arg18 : memref<!tpu.dma_semaphore, #tpu.memory_space<semaphore_mem>>)
    %dma_start3A_170 = arith.constant 1 : i32
    %dma_start3A_171 = tpu.memref_slice %arg2[%dma_start3A_170, %add3A_164] : memref<2x320000xi32, #tpu.memory_space<hbm>> -> memref<1x2000xi32, #tpu.memory_space<hbm>>
    %dma_start3A_172 = tpu.memref_squeeze %dma_start3A_171 : memref<1x2000xi32, #tpu.memory_space<hbm>> -> memref<2000xi32, #tpu.memory_space<hbm>>
    %dma_start3A_173 = tpu.memref_slice %arg2[%dma_start3A_170, %add3A_164] : memref<2x320000xi32, #tpu.memory_space<hbm>> -> memref<1x2000xi32, #tpu.memory_space<hbm>>
    %dma_start3A_174 = tpu.memref_squeeze %dma_start3A_173 : memref<1x2000xi32, #tpu.memory_space<hbm>> -> memref<2000xi32, #tpu.memory_space<hbm>>
    tpu.enqueue_dma source(%dma_start3A_174 : memref<2000xi32, #tpu.memory_space<hbm>>) target(%arg9 : memref<2000xi32, #tpu.memory_space<vmem>>) target_semaphore(%arg18 : memref<!tpu.dma_semaphore, #tpu.memory_space<semaphore_mem>>)
    %dma_wait3A_175 = arith.constant 0 : i32
    %dma_wait3A_176 = tpu.memref_slice %arg2[%dma_wait3A_175, %add3A_164] : memref<2x320000xi32, #tpu.memory_space<hbm>> -> memref<1x2000xi32, #tpu.memory_space<hbm>>
    %dma_wait3A_177 = tpu.memref_squeeze %dma_wait3A_176 : memref<1x2000xi32, #tpu.memory_space<hbm>> -> memref<2000xi32, #tpu.memory_space<hbm>>
    %dma_wait3A_178 = tpu.memref_slice %arg2[%dma_wait3A_175, %add3A_164] : memref<2x320000xi32, #tpu.memory_space<hbm>> -> memref<1x2000xi32, #tpu.memory_space<hbm>>
    %dma_wait3A_179 = tpu.memref_squeeze %dma_wait3A_178 : memref<1x2000xi32, #tpu.memory_space<hbm>> -> memref<2000xi32, #tpu.memory_space<hbm>>
    tpu.wait_dma2 semaphore(%arg18 : memref<!tpu.dma_semaphore, #tpu.memory_space<semaphore_mem>>) src(%dma_wait3A_179 : memref<2000xi32, #tpu.memory_space<hbm>>) dst(%arg8 : memref<2000xi32, #tpu.memory_space<vmem>>)
    %dma_wait3A_180 = arith.constant 1 : i32
    %dma_wait3A_181 = tpu.memref_slice %arg2[%dma_wait3A_180, %add3A_164] : memref<2x320000xi32, #tpu.memory_space<hbm>> -> memref<1x2000xi32, #tpu.memory_space<hbm>>
    %dma_wait3A_182 = tpu.memref_squeeze %dma_wait3A_181 : memref<1x2000xi32, #tpu.memory_space<hbm>> -> memref<2000xi32, #tpu.memory_space<hbm>>
    %dma_wait3A_183 = tpu.memref_slice %arg2[%dma_wait3A_180, %add3A_164] : memref<2x320000xi32, #tpu.memory_space<hbm>> -> memref<1x2000xi32, #tpu.memory_space<hbm>>
    %dma_wait3A_184 = tpu.memref_squeeze %dma_wait3A_183 : memref<1x2000xi32, #tpu.memory_space<hbm>> -> memref<2000xi32, #tpu.memory_space<hbm>>
    tpu.wait_dma2 semaphore(%arg18 : memref<!tpu.dma_semaphore, #tpu.memory_space<semaphore_mem>>) src(%dma_wait3A_184 : memref<2000xi32, #tpu.memory_space<hbm>>) dst(%arg9 : memref<2000xi32, #tpu.memory_space<vmem>>)
    %scan3A_185 = arith.constant 0 : i32
    %scan3A_186 = arith.constant 0 : i32
    %scan3A_187 = arith.constant 125 : i32
    %scan3A_188 = arith.addi %scan3A_186, %scan3A_187 : i32
    %scan3A_189 = arith.constant 1 : i32
    scf.for %scan3A_613 = %scan3A_186 to %scan3A_188 step %scan3A_189  : i32 {
      %mul3A_614 = arith.constant 16 : i32
      %mul3A_615 = arith.muli %scan3A_613, %mul3A_614 : i32
      %multiple_of3A = tpu.assume_multiple %mul3A_615, 16 : i32
      %get3A = arith.index_cast %multiple_of3A : i32 to index
      %get3A_616 = tpu.vector_load %arg8[%get3A] {strides = array<i32>} : memref<2000xi32, #tpu.memory_space<vmem>>, vector<16xi32>,
      %get3A_617 = arith.index_cast %multiple_of3A : i32 to index
      %get3A_618 = tpu.vector_load %arg9[%get3A_617] {strides = array<i32>} : memref<2000xi32, #tpu.memory_space<vmem>>, vector<16xi32>,
      %gather3A = tpu.vector_load_idx %arg10[%get3A_616] : memref<10000xf32, #tpu.memory_space<vmem>>[vector<16xi32>], vector<16xf32>,
      %gather3A_619 = tpu.vector_load_idx %arg11[%get3A_618] : memref<10000xf32, #tpu.memory_space<vmem>>[vector<16xi32>], vector<16xf32>,
      %add3A_620 = arith.addf %gather3A, %gather3A_619 : vector<16xf32>
      %ge3A = arith.constant 0.000000e+00 : f32
      %ge3A_621 = vector.broadcast %ge3A : f32 to vector<16xf32>
      %ge3A_622 = arith.cmpf oge, %add3A_620, %ge3A_621 : vector<16xf32>
      %mul3A_623 = arith.constant 2.000000e-01 : f32
      %mul3A_624 = vector.broadcast %mul3A_623 : f32 to vector<16xf32>
      %mul3A_625 = arith.mulf %mul3A_624, %add3A_620 : vector<16xf32>
      %select_n3A = arith.select %ge3A_622, %add3A_620, %mul3A_625 : vector<16xi1>, vector<16xf32>
      %gather3A_626 = tpu.vector_load_idx %arg13[%get3A_616] : memref<10240xf32, #tpu.memory_space<vmem>>[vector<16xi32>], vector<16xf32>,
      %sub3A = arith.subf %select_n3A, %gather3A_626 : vector<16xf32>
      %exp3A = math.exp %sub3A : vector<16xf32>
      tpu.vector_store_idx %arg14[%get3A_616], %exp3A {add = true} : memref<10240xf32, #tpu.memory_space<vmem>>[vector<16xi32>], vector<16xf32>,
    }
    %scan3A_190 = arith.constant 125 : i32
    %mul3A_191 = arith.constant 10000 : i32
    %mul3A_192 = arith.muli %add3A, %mul3A_191 : i32
    %add3A_193 = arith.constant 8000 : i32
    %add3A_194 = arith.addi %mul3A_192, %add3A_193 : i32
    %dma_start3A_195 = arith.constant 0 : i32
    %dma_start3A_196 = tpu.memref_slice %arg2[%dma_start3A_195, %add3A_194] : memref<2x320000xi32, #tpu.memory_space<hbm>> -> memref<1x2000xi32, #tpu.memory_space<hbm>>
    %dma_start3A_197 = tpu.memref_squeeze %dma_start3A_196 : memref<1x2000xi32, #tpu.memory_space<hbm>> -> memref<2000xi32, #tpu.memory_space<hbm>>
    %dma_start3A_198 = tpu.memref_slice %arg2[%dma_start3A_195, %add3A_194] : memref<2x320000xi32, #tpu.memory_space<hbm>> -> memref<1x2000xi32, #tpu.memory_space<hbm>>
    %dma_start3A_199 = tpu.memref_squeeze %dma_start3A_198 : memref<1x2000xi32, #tpu.memory_space<hbm>> -> memref<2000xi32, #tpu.memory_space<hbm>>
    tpu.enqueue_dma source(%dma_start3A_199 : memref<2000xi32, #tpu.memory_space<hbm>>) target(%arg8 : memref<2000xi32, #tpu.memory_space<vmem>>) target_semaphore(%arg18 : memref<!tpu.dma_semaphore, #tpu.memory_space<semaphore_mem>>)
    %dma_start3A_200 = arith.constant 1 : i32
    %dma_start3A_201 = tpu.memref_slice %arg2[%dma_start3A_200, %add3A_194] : memref<2x320000xi32, #tpu.memory_space<hbm>> -> memref<1x2000xi32, #tpu.memory_space<hbm>>
    %dma_start3A_202 = tpu.memref_squeeze %dma_start3A_201 : memref<1x2000xi32, #tpu.memory_space<hbm>> -> memref<2000xi32, #tpu.memory_space<hbm>>
    %dma_start3A_203 = tpu.memref_slice %arg2[%dma_start3A_200, %add3A_194] : memref<2x320000xi32, #tpu.memory_space<hbm>> -> memref<1x2000xi32, #tpu.memory_space<hbm>>
    %dma_start3A_204 = tpu.memref_squeeze %dma_start3A_203 : memref<1x2000xi32, #tpu.memory_space<hbm>> -> memref<2000xi32, #tpu.memory_space<hbm>>
    tpu.enqueue_dma source(%dma_start3A_204 : memref<2000xi32, #tpu.memory_space<hbm>>) target(%arg9 : memref<2000xi32, #tpu.memory_space<vmem>>) target_semaphore(%arg18 : memref<!tpu.dma_semaphore, #tpu.memory_space<semaphore_mem>>)
    %dma_wait3A_205 = arith.constant 0 : i32
    %dma_wait3A_206 = tpu.memref_slice %arg2[%dma_wait3A_205, %add3A_194] : memref<2x320000xi32, #tpu.memory_space<hbm>> -> memref<1x2000xi32, #tpu.memory_space<hbm>>
    %dma_wait3A_207 = tpu.memref_squeeze %dma_wait3A_206 : memref<1x2000xi32, #tpu.memory_space<hbm>> -> memref<2000xi32, #tpu.memory_space<hbm>>
    %dma_wait3A_208 = tpu.memref_slice %arg2[%dma_wait3A_205, %add3A_194] : memref<2x320000xi32, #tpu.memory_space<hbm>> -> memref<1x2000xi32, #tpu.memory_space<hbm>>
    %dma_wait3A_209 = tpu.memref_squeeze %dma_wait3A_208 : memref<1x2000xi32, #tpu.memory_space<hbm>> -> memref<2000xi32, #tpu.memory_space<hbm>>
    tpu.wait_dma2 semaphore(%arg18 : memref<!tpu.dma_semaphore, #tpu.memory_space<semaphore_mem>>) src(%dma_wait3A_209 : memref<2000xi32, #tpu.memory_space<hbm>>) dst(%arg8 : memref<2000xi32, #tpu.memory_space<vmem>>)
    %dma_wait3A_210 = arith.constant 1 : i32
    %dma_wait3A_211 = tpu.memref_slice %arg2[%dma_wait3A_210, %add3A_194] : memref<2x320000xi32, #tpu.memory_space<hbm>> -> memref<1x2000xi32, #tpu.memory_space<hbm>>
    %dma_wait3A_212 = tpu.memref_squeeze %dma_wait3A_211 : memref<1x2000xi32, #tpu.memory_space<hbm>> -> memref<2000xi32, #tpu.memory_space<hbm>>
    %dma_wait3A_213 = tpu.memref_slice %arg2[%dma_wait3A_210, %add3A_194] : memref<2x320000xi32, #tpu.memory_space<hbm>> -> memref<1x2000xi32, #tpu.memory_space<hbm>>
    %dma_wait3A_214 = tpu.memref_squeeze %dma_wait3A_213 : memref<1x2000xi32, #tpu.memory_space<hbm>> -> memref<2000xi32, #tpu.memory_space<hbm>>
    tpu.wait_dma2 semaphore(%arg18 : memref<!tpu.dma_semaphore, #tpu.memory_space<semaphore_mem>>) src(%dma_wait3A_214 : memref<2000xi32, #tpu.memory_space<hbm>>) dst(%arg9 : memref<2000xi32, #tpu.memory_space<vmem>>)
    %scan3A_215 = arith.constant 0 : i32
    %scan3A_216 = arith.constant 0 : i32
    %scan3A_217 = arith.constant 125 : i32
    %scan3A_218 = arith.addi %scan3A_216, %scan3A_217 : i32
    %scan3A_219 = arith.constant 1 : i32
    scf.for %scan3A_613 = %scan3A_216 to %scan3A_218 step %scan3A_219  : i32 {
      %mul3A_614 = arith.constant 16 : i32
      %mul3A_615 = arith.muli %scan3A_613, %mul3A_614 : i32
      %multiple_of3A = tpu.assume_multiple %mul3A_615, 16 : i32
      %get3A = arith.index_cast %multiple_of3A : i32 to index
      %get3A_616 = tpu.vector_load %arg8[%get3A] {strides = array<i32>} : memref<2000xi32, #tpu.memory_space<vmem>>, vector<16xi32>,
      %get3A_617 = arith.index_cast %multiple_of3A : i32 to index
      %get3A_618 = tpu.vector_load %arg9[%get3A_617] {strides = array<i32>} : memref<2000xi32, #tpu.memory_space<vmem>>, vector<16xi32>,
      %gather3A = tpu.vector_load_idx %arg10[%get3A_616] : memref<10000xf32, #tpu.memory_space<vmem>>[vector<16xi32>], vector<16xf32>,
      %gather3A_619 = tpu.vector_load_idx %arg11[%get3A_618] : memref<10000xf32, #tpu.memory_space<vmem>>[vector<16xi32>], vector<16xf32>,
      %add3A_620 = arith.addf %gather3A, %gather3A_619 : vector<16xf32>
      %ge3A = arith.constant 0.000000e+00 : f32
      %ge3A_621 = vector.broadcast %ge3A : f32 to vector<16xf32>
      %ge3A_622 = arith.cmpf oge, %add3A_620, %ge3A_621 : vector<16xf32>
      %mul3A_623 = arith.constant 2.000000e-01 : f32
      %mul3A_624 = vector.broadcast %mul3A_623 : f32 to vector<16xf32>
      %mul3A_625 = arith.mulf %mul3A_624, %add3A_620 : vector<16xf32>
      %select_n3A = arith.select %ge3A_622, %add3A_620, %mul3A_625 : vector<16xi1>, vector<16xf32>
      %gather3A_626 = tpu.vector_load_idx %arg13[%get3A_616] : memref<10240xf32, #tpu.memory_space<vmem>>[vector<16xi32>], vector<16xf32>,
      %sub3A = arith.subf %select_n3A, %gather3A_626 : vector<16xf32>
      %exp3A = math.exp %sub3A : vector<16xf32>
      tpu.vector_store_idx %arg14[%get3A_616], %exp3A {add = true} : memref<10240xf32, #tpu.memory_space<vmem>>[vector<16xi32>], vector<16xf32>,
    }
    %scan3A_220 = arith.constant 125 : i32
    "tpu.region"() ({
      %run_scoped3A = tpu.sem_alloc : memref<!tpu.dma_semaphore, #tpu.memory_space<semaphore_mem>>
      %dma_start3A_613 = arith.constant 0 : i32
      %dma_start3A_614 = tpu.memref_slice %arg15[%arg1, %dma_start3A_613] : memref<16x10240xf32, #tpu.memory_space<vmem_shared>> -> memref<1x10240xf32, #tpu.memory_space<vmem_shared>>
      %dma_start3A_615 = tpu.memref_squeeze %dma_start3A_614 : memref<1x10240xf32, #tpu.memory_space<vmem_shared>> -> memref<10240xf32, #tpu.memory_space<vmem_shared>>
      %dma_start3A_616 = arith.constant 0 : i32
      %dma_start3A_617 = tpu.memref_slice %arg15[%arg1, %dma_start3A_616] : memref<16x10240xf32, #tpu.memory_space<vmem_shared>> -> memref<1x10240xf32, #tpu.memory_space<vmem_shared>>
      %dma_start3A_618 = tpu.memref_squeeze %dma_start3A_617 : memref<1x10240xf32, #tpu.memory_space<vmem_shared>> -> memref<10240xf32, #tpu.memory_space<vmem_shared>>
      tpu.enqueue_dma source(%arg14 : memref<10240xf32, #tpu.memory_space<vmem>>) target(%dma_start3A_618 : memref<10240xf32, #tpu.memory_space<vmem_shared>>) target_semaphore(%run_scoped3A : memref<!tpu.dma_semaphore, #tpu.memory_space<semaphore_mem>>)
      %dma_wait3A_619 = arith.constant 0 : i32
      %dma_wait3A_620 = tpu.memref_slice %arg15[%arg1, %dma_wait3A_619] : memref<16x10240xf32, #tpu.memory_space<vmem_shared>> -> memref<1x10240xf32, #tpu.memory_space<vmem_shared>>
      %dma_wait3A_621 = tpu.memref_squeeze %dma_wait3A_620 : memref<1x10240xf32, #tpu.memory_space<vmem_shared>> -> memref<10240xf32, #tpu.memory_space<vmem_shared>>
      %dma_wait3A_622 = arith.constant 0 : i32
      %dma_wait3A_623 = tpu.memref_slice %arg15[%arg1, %dma_wait3A_622] : memref<16x10240xf32, #tpu.memory_space<vmem_shared>> -> memref<1x10240xf32, #tpu.memory_space<vmem_shared>>
      %dma_wait3A_624 = tpu.memref_squeeze %dma_wait3A_623 : memref<1x10240xf32, #tpu.memory_space<vmem_shared>> -> memref<10240xf32, #tpu.memory_space<vmem_shared>>
      tpu.wait_dma2 semaphore(%run_scoped3A : memref<!tpu.dma_semaphore, #tpu.memory_space<semaphore_mem>>) src(%arg14 : memref<10240xf32, #tpu.memory_space<vmem>>) dst(%dma_wait3A_624 : memref<10240xf32, #tpu.memory_space<vmem_shared>>)
      tpu.yield
    }) : () -> ()
    %barrier3A = arith.constant 0 : index
    tpu.barrier barrier_id(%barrier3A)
    %mul3A_221 = arith.constant 640 : i32
    %mul3A_222 = arith.muli %arg1, %mul3A_221 : i32
    %dma_start3A_223 = arith.constant 0 : i32
    %dma_start3A_224 = arith.constant 0 : i32
    %dma_start3A_225 = arith.constant 0 : i32
    %dma_start3A_226 = tpu.memref_slice %arg16[%dma_start3A_224, %dma_start3A_225] : memref<16x640xf32, #tpu.memory_space<vmem>> -> memref<1x640xf32, #tpu.memory_space<vmem>>
    %dma_start3A_227 = tpu.memref_squeeze %dma_start3A_226 : memref<1x640xf32, #tpu.memory_space<vmem>> -> memref<640xf32, #tpu.memory_space<vmem>>
    %dma_start3A_228 = tpu.memref_slice %arg15[%dma_start3A_223, %mul3A_222] : memref<16x10240xf32, #tpu.memory_space<vmem_shared>> -> memref<1x640xf32, #tpu.memory_space<vmem_shared>>
    %dma_start3A_229 = tpu.memref_squeeze %dma_start3A_228 : memref<1x640xf32, #tpu.memory_space<vmem_shared>> -> memref<640xf32, #tpu.memory_space<vmem_shared>>
    %dma_start3A_230 = arith.constant 0 : i32
    %dma_start3A_231 = tpu.memref_slice %arg16[%dma_start3A_224, %dma_start3A_230] : memref<16x640xf32, #tpu.memory_space<vmem>> -> memref<1x640xf32, #tpu.memory_space<vmem>>
    %dma_start3A_232 = tpu.memref_squeeze %dma_start3A_231 : memref<1x640xf32, #tpu.memory_space<vmem>> -> memref<640xf32, #tpu.memory_space<vmem>>
    %dma_start3A_233 = tpu.memref_slice %arg15[%dma_start3A_223, %mul3A_222] : memref<16x10240xf32, #tpu.memory_space<vmem_shared>> -> memref<1x640xf32, #tpu.memory_space<vmem_shared>>
    %dma_start3A_234 = tpu.memref_squeeze %dma_start3A_233 : memref<1x640xf32, #tpu.memory_space<vmem_shared>> -> memref<640xf32, #tpu.memory_space<vmem_shared>>
    tpu.enqueue_dma source(%dma_start3A_234 : memref<640xf32, #tpu.memory_space<vmem_shared>>) target(%dma_start3A_232 : memref<640xf32, #tpu.memory_space<vmem>>) target_semaphore(%arg18 : memref<!tpu.dma_semaphore, #tpu.memory_space<semaphore_mem>>)
    %dma_start3A_235 = arith.constant 1 : i32
    %dma_start3A_236 = arith.constant 1 : i32
    %dma_start3A_237 = arith.constant 0 : i32
    %dma_start3A_238 = tpu.memref_slice %arg16[%dma_start3A_236, %dma_start3A_237] : memref<16x640xf32, #tpu.memory_space<vmem>> -> memref<1x640xf32, #tpu.memory_space<vmem>>
    %dma_start3A_239 = tpu.memref_squeeze %dma_start3A_238 : memref<1x640xf32, #tpu.memory_space<vmem>> -> memref<640xf32, #tpu.memory_space<vmem>>
    %dma_start3A_240 = tpu.memref_slice %arg15[%dma_start3A_235, %mul3A_222] : memref<16x10240xf32, #tpu.memory_space<vmem_shared>> -> memref<1x640xf32, #tpu.memory_space<vmem_shared>>
    %dma_start3A_241 = tpu.memref_squeeze %dma_start3A_240 : memref<1x640xf32, #tpu.memory_space<vmem_shared>> -> memref<640xf32, #tpu.memory_space<vmem_shared>>
    %dma_start3A_242 = arith.constant 0 : i32
    %dma_start3A_243 = tpu.memref_slice %arg16[%dma_start3A_236, %dma_start3A_242] : memref<16x640xf32, #tpu.memory_space<vmem>> -> memref<1x640xf32, #tpu.memory_space<vmem>>
    %dma_start3A_244 = tpu.memref_squeeze %dma_start3A_243 : memref<1x640xf32, #tpu.memory_space<vmem>> -> memref<640xf32, #tpu.memory_space<vmem>>
    %dma_start3A_245 = tpu.memref_slice %arg15[%dma_start3A_235, %mul3A_222] : memref<16x10240xf32, #tpu.memory_space<vmem_shared>> -> memref<1x640xf32, #tpu.memory_space<vmem_shared>>
    %dma_start3A_246 = tpu.memref_squeeze %dma_start3A_245 : memref<1x640xf32, #tpu.memory_space<vmem_shared>> -> memref<640xf32, #tpu.memory_space<vmem_shared>>
    tpu.enqueue_dma source(%dma_start3A_246 : memref<640xf32, #tpu.memory_space<vmem_shared>>) target(%dma_start3A_244 : memref<640xf32, #tpu.memory_space<vmem>>) target_semaphore(%arg18 : memref<!tpu.dma_semaphore, #tpu.memory_space<semaphore_mem>>)
    %dma_start3A_247 = arith.constant 2 : i32
    %dma_start3A_248 = arith.constant 2 : i32
    %dma_start3A_249 = arith.constant 0 : i32
    %dma_start3A_250 = tpu.memref_slice %arg16[%dma_start3A_248, %dma_start3A_249] : memref<16x640xf32, #tpu.memory_space<vmem>> -> memref<1x640xf32, #tpu.memory_space<vmem>>
    %dma_start3A_251 = tpu.memref_squeeze %dma_start3A_250 : memref<1x640xf32, #tpu.memory_space<vmem>> -> memref<640xf32, #tpu.memory_space<vmem>>
    %dma_start3A_252 = tpu.memref_slice %arg15[%dma_start3A_247, %mul3A_222] : memref<16x10240xf32, #tpu.memory_space<vmem_shared>> -> memref<1x640xf32, #tpu.memory_space<vmem_shared>>
    %dma_start3A_253 = tpu.memref_squeeze %dma_start3A_252 : memref<1x640xf32, #tpu.memory_space<vmem_shared>> -> memref<640xf32, #tpu.memory_space<vmem_shared>>
    %dma_start3A_254 = arith.constant 0 : i32
    %dma_start3A_255 = tpu.memref_slice %arg16[%dma_start3A_248, %dma_start3A_254] : memref<16x640xf32, #tpu.memory_space<vmem>> -> memref<1x640xf32, #tpu.memory_space<vmem>>
    %dma_start3A_256 = tpu.memref_squeeze %dma_start3A_255 : memref<1x640xf32, #tpu.memory_space<vmem>> -> memref<640xf32, #tpu.memory_space<vmem>>
    %dma_start3A_257 = tpu.memref_slice %arg15[%dma_start3A_247, %mul3A_222] : memref<16x10240xf32, #tpu.memory_space<vmem_shared>> -> memref<1x640xf32, #tpu.memory_space<vmem_shared>>
    %dma_start3A_258 = tpu.memref_squeeze %dma_start3A_257 : memref<1x640xf32, #tpu.memory_space<vmem_shared>> -> memref<640xf32, #tpu.memory_space<vmem_shared>>
    tpu.enqueue_dma source(%dma_start3A_258 : memref<640xf32, #tpu.memory_space<vmem_shared>>) target(%dma_start3A_256 : memref<640xf32, #tpu.memory_space<vmem>>) target_semaphore(%arg18 : memref<!tpu.dma_semaphore, #tpu.memory_space<semaphore_mem>>)
    %dma_start3A_259 = arith.constant 3 : i32
    %dma_start3A_260 = arith.constant 3 : i32
    %dma_start3A_261 = arith.constant 0 : i32
    %dma_start3A_262 = tpu.memref_slice %arg16[%dma_start3A_260, %dma_start3A_261] : memref<16x640xf32, #tpu.memory_space<vmem>> -> memref<1x640xf32, #tpu.memory_space<vmem>>
    %dma_start3A_263 = tpu.memref_squeeze %dma_start3A_262 : memref<1x640xf32, #tpu.memory_space<vmem>> -> memref<640xf32, #tpu.memory_space<vmem>>
    %dma_start3A_264 = tpu.memref_slice %arg15[%dma_start3A_259, %mul3A_222] : memref<16x10240xf32, #tpu.memory_space<vmem_shared>> -> memref<1x640xf32, #tpu.memory_space<vmem_shared>>
    %dma_start3A_265 = tpu.memref_squeeze %dma_start3A_264 : memref<1x640xf32, #tpu.memory_space<vmem_shared>> -> memref<640xf32, #tpu.memory_space<vmem_shared>>
    %dma_start3A_266 = arith.constant 0 : i32
    %dma_start3A_267 = tpu.memref_slice %arg16[%dma_start3A_260, %dma_start3A_266] : memref<16x640xf32, #tpu.memory_space<vmem>> -> memref<1x640xf32, #tpu.memory_space<vmem>>
    %dma_start3A_268 = tpu.memref_squeeze %dma_start3A_267 : memref<1x640xf32, #tpu.memory_space<vmem>> -> memref<640xf32, #tpu.memory_space<vmem>>
    %dma_start3A_269 = tpu.memref_slice %arg15[%dma_start3A_259, %mul3A_222] : memref<16x10240xf32, #tpu.memory_space<vmem_shared>> -> memref<1x640xf32, #tpu.memory_space<vmem_shared>>
    %dma_start3A_270 = tpu.memref_squeeze %dma_start3A_269 : memref<1x640xf32, #tpu.memory_space<vmem_shared>> -> memref<640xf32, #tpu.memory_space<vmem_shared>>
    tpu.enqueue_dma source(%dma_start3A_270 : memref<640xf32, #tpu.memory_space<vmem_shared>>) target(%dma_start3A_268 : memref<640xf32, #tpu.memory_space<vmem>>) target_semaphore(%arg18 : memref<!tpu.dma_semaphore, #tpu.memory_space<semaphore_mem>>)
    %dma_start3A_271 = arith.constant 4 : i32
    %dma_start3A_272 = arith.constant 4 : i32
    %dma_start3A_273 = arith.constant 0 : i32
    %dma_start3A_274 = tpu.memref_slice %arg16[%dma_start3A_272, %dma_start3A_273] : memref<16x640xf32, #tpu.memory_space<vmem>> -> memref<1x640xf32, #tpu.memory_space<vmem>>
    %dma_start3A_275 = tpu.memref_squeeze %dma_start3A_274 : memref<1x640xf32, #tpu.memory_space<vmem>> -> memref<640xf32, #tpu.memory_space<vmem>>
    %dma_start3A_276 = tpu.memref_slice %arg15[%dma_start3A_271, %mul3A_222] : memref<16x10240xf32, #tpu.memory_space<vmem_shared>> -> memref<1x640xf32, #tpu.memory_space<vmem_shared>>
    %dma_start3A_277 = tpu.memref_squeeze %dma_start3A_276 : memref<1x640xf32, #tpu.memory_space<vmem_shared>> -> memref<640xf32, #tpu.memory_space<vmem_shared>>
    %dma_start3A_278 = arith.constant 0 : i32
    %dma_start3A_279 = tpu.memref_slice %arg16[%dma_start3A_272, %dma_start3A_278] : memref<16x640xf32, #tpu.memory_space<vmem>> -> memref<1x640xf32, #tpu.memory_space<vmem>>
    %dma_start3A_280 = tpu.memref_squeeze %dma_start3A_279 : memref<1x640xf32, #tpu.memory_space<vmem>> -> memref<640xf32, #tpu.memory_space<vmem>>
    %dma_start3A_281 = tpu.memref_slice %arg15[%dma_start3A_271, %mul3A_222] : memref<16x10240xf32, #tpu.memory_space<vmem_shared>> -> memref<1x640xf32, #tpu.memory_space<vmem_shared>>
    %dma_start3A_282 = tpu.memref_squeeze %dma_start3A_281 : memref<1x640xf32, #tpu.memory_space<vmem_shared>> -> memref<640xf32, #tpu.memory_space<vmem_shared>>
    tpu.enqueue_dma source(%dma_start3A_282 : memref<640xf32, #tpu.memory_space<vmem_shared>>) target(%dma_start3A_280 : memref<640xf32, #tpu.memory_space<vmem>>) target_semaphore(%arg18 : memref<!tpu.dma_semaphore, #tpu.memory_space<semaphore_mem>>)
    %dma_start3A_283 = arith.constant 5 : i32
    %dma_start3A_284 = arith.constant 5 : i32
    %dma_start3A_285 = arith.constant 0 : i32
    %dma_start3A_286 = tpu.memref_slice %arg16[%dma_start3A_284, %dma_start3A_285] : memref<16x640xf32, #tpu.memory_space<vmem>> -> memref<1x640xf32, #tpu.memory_space<vmem>>
    %dma_start3A_287 = tpu.memref_squeeze %dma_start3A_286 : memref<1x640xf32, #tpu.memory_space<vmem>> -> memref<640xf32, #tpu.memory_space<vmem>>
    %dma_start3A_288 = tpu.memref_slice %arg15[%dma_start3A_283, %mul3A_222] : memref<16x10240xf32, #tpu.memory_space<vmem_shared>> -> memref<1x640xf32, #tpu.memory_space<vmem_shared>>
    %dma_start3A_289 = tpu.memref_squeeze %dma_start3A_288 : memref<1x640xf32, #tpu.memory_space<vmem_shared>> -> memref<640xf32, #tpu.memory_space<vmem_shared>>
    %dma_start3A_290 = arith.constant 0 : i32
    %dma_start3A_291 = tpu.memref_slice %arg16[%dma_start3A_284, %dma_start3A_290] : memref<16x640xf32, #tpu.memory_space<vmem>> -> memref<1x640xf32, #tpu.memory_space<vmem>>
    %dma_start3A_292 = tpu.memref_squeeze %dma_start3A_291 : memref<1x640xf32, #tpu.memory_space<vmem>> -> memref<640xf32, #tpu.memory_space<vmem>>
    %dma_start3A_293 = tpu.memref_slice %arg15[%dma_start3A_283, %mul3A_222] : memref<16x10240xf32, #tpu.memory_space<vmem_shared>> -> memref<1x640xf32, #tpu.memory_space<vmem_shared>>
    %dma_start3A_294 = tpu.memref_squeeze %dma_start3A_293 : memref<1x640xf32, #tpu.memory_space<vmem_shared>> -> memref<640xf32, #tpu.memory_space<vmem_shared>>
    tpu.enqueue_dma source(%dma_start3A_294 : memref<640xf32, #tpu.memory_space<vmem_shared>>) target(%dma_start3A_292 : memref<640xf32, #tpu.memory_space<vmem>>) target_semaphore(%arg18 : memref<!tpu.dma_semaphore, #tpu.memory_space<semaphore_mem>>)
    %dma_start3A_295 = arith.constant 6 : i32
    %dma_start3A_296 = arith.constant 6 : i32
    %dma_start3A_297 = arith.constant 0 : i32
    %dma_start3A_298 = tpu.memref_slice %arg16[%dma_start3A_296, %dma_start3A_297] : memref<16x640xf32, #tpu.memory_space<vmem>> -> memref<1x640xf32, #tpu.memory_space<vmem>>
    %dma_start3A_299 = tpu.memref_squeeze %dma_start3A_298 : memref<1x640xf32, #tpu.memory_space<vmem>> -> memref<640xf32, #tpu.memory_space<vmem>>
    %dma_start3A_300 = tpu.memref_slice %arg15[%dma_start3A_295, %mul3A_222] : memref<16x10240xf32, #tpu.memory_space<vmem_shared>> -> memref<1x640xf32, #tpu.memory_space<vmem_shared>>
    %dma_start3A_301 = tpu.memref_squeeze %dma_start3A_300 : memref<1x640xf32, #tpu.memory_space<vmem_shared>> -> memref<640xf32, #tpu.memory_space<vmem_shared>>
    %dma_start3A_302 = arith.constant 0 : i32
    %dma_start3A_303 = tpu.memref_slice %arg16[%dma_start3A_296, %dma_start3A_302] : memref<16x640xf32, #tpu.memory_space<vmem>> -> memref<1x640xf32, #tpu.memory_space<vmem>>
    %dma_start3A_304 = tpu.memref_squeeze %dma_start3A_303 : memref<1x640xf32, #tpu.memory_space<vmem>> -> memref<640xf32, #tpu.memory_space<vmem>>
    %dma_start3A_305 = tpu.memref_slice %arg15[%dma_start3A_295, %mul3A_222] : memref<16x10240xf32, #tpu.memory_space<vmem_shared>> -> memref<1x640xf32, #tpu.memory_space<vmem_shared>>
    %dma_start3A_306 = tpu.memref_squeeze %dma_start3A_305 : memref<1x640xf32, #tpu.memory_space<vmem_shared>> -> memref<640xf32, #tpu.memory_space<vmem_shared>>
    tpu.enqueue_dma source(%dma_start3A_306 : memref<640xf32, #tpu.memory_space<vmem_shared>>) target(%dma_start3A_304 : memref<640xf32, #tpu.memory_space<vmem>>) target_semaphore(%arg18 : memref<!tpu.dma_semaphore, #tpu.memory_space<semaphore_mem>>)
    %dma_start3A_307 = arith.constant 7 : i32
    %dma_start3A_308 = arith.constant 7 : i32
    %dma_start3A_309 = arith.constant 0 : i32
    %dma_start3A_310 = tpu.memref_slice %arg16[%dma_start3A_308, %dma_start3A_309] : memref<16x640xf32, #tpu.memory_space<vmem>> -> memref<1x640xf32, #tpu.memory_space<vmem>>
    %dma_start3A_311 = tpu.memref_squeeze %dma_start3A_310 : memref<1x640xf32, #tpu.memory_space<vmem>> -> memref<640xf32, #tpu.memory_space<vmem>>
    %dma_start3A_312 = tpu.memref_slice %arg15[%dma_start3A_307, %mul3A_222] : memref<16x10240xf32, #tpu.memory_space<vmem_shared>> -> memref<1x640xf32, #tpu.memory_space<vmem_shared>>
    %dma_start3A_313 = tpu.memref_squeeze %dma_start3A_312 : memref<1x640xf32, #tpu.memory_space<vmem_shared>> -> memref<640xf32, #tpu.memory_space<vmem_shared>>
    %dma_start3A_314 = arith.constant 0 : i32
    %dma_start3A_315 = tpu.memref_slice %arg16[%dma_start3A_308, %dma_start3A_314] : memref<16x640xf32, #tpu.memory_space<vmem>> -> memref<1x640xf32, #tpu.memory_space<vmem>>
    %dma_start3A_316 = tpu.memref_squeeze %dma_start3A_315 : memref<1x640xf32, #tpu.memory_space<vmem>> -> memref<640xf32, #tpu.memory_space<vmem>>
    %dma_start3A_317 = tpu.memref_slice %arg15[%dma_start3A_307, %mul3A_222] : memref<16x10240xf32, #tpu.memory_space<vmem_shared>> -> memref<1x640xf32, #tpu.memory_space<vmem_shared>>
    %dma_start3A_318 = tpu.memref_squeeze %dma_start3A_317 : memref<1x640xf32, #tpu.memory_space<vmem_shared>> -> memref<640xf32, #tpu.memory_space<vmem_shared>>
    tpu.enqueue_dma source(%dma_start3A_318 : memref<640xf32, #tpu.memory_space<vmem_shared>>) target(%dma_start3A_316 : memref<640xf32, #tpu.memory_space<vmem>>) target_semaphore(%arg18 : memref<!tpu.dma_semaphore, #tpu.memory_space<semaphore_mem>>)
    %dma_start3A_319 = arith.constant 8 : i32
    %dma_start3A_320 = arith.constant 8 : i32
    %dma_start3A_321 = arith.constant 0 : i32
    %dma_start3A_322 = tpu.memref_slice %arg16[%dma_start3A_320, %dma_start3A_321] : memref<16x640xf32, #tpu.memory_space<vmem>> -> memref<1x640xf32, #tpu.memory_space<vmem>>
    %dma_start3A_323 = tpu.memref_squeeze %dma_start3A_322 : memref<1x640xf32, #tpu.memory_space<vmem>> -> memref<640xf32, #tpu.memory_space<vmem>>
    %dma_start3A_324 = tpu.memref_slice %arg15[%dma_start3A_319, %mul3A_222] : memref<16x10240xf32, #tpu.memory_space<vmem_shared>> -> memref<1x640xf32, #tpu.memory_space<vmem_shared>>
    %dma_start3A_325 = tpu.memref_squeeze %dma_start3A_324 : memref<1x640xf32, #tpu.memory_space<vmem_shared>> -> memref<640xf32, #tpu.memory_space<vmem_shared>>
    %dma_start3A_326 = arith.constant 0 : i32
    %dma_start3A_327 = tpu.memref_slice %arg16[%dma_start3A_320, %dma_start3A_326] : memref<16x640xf32, #tpu.memory_space<vmem>> -> memref<1x640xf32, #tpu.memory_space<vmem>>
    %dma_start3A_328 = tpu.memref_squeeze %dma_start3A_327 : memref<1x640xf32, #tpu.memory_space<vmem>> -> memref<640xf32, #tpu.memory_space<vmem>>
    %dma_start3A_329 = tpu.memref_slice %arg15[%dma_start3A_319, %mul3A_222] : memref<16x10240xf32, #tpu.memory_space<vmem_shared>> -> memref<1x640xf32, #tpu.memory_space<vmem_shared>>
    %dma_start3A_330 = tpu.memref_squeeze %dma_start3A_329 : memref<1x640xf32, #tpu.memory_space<vmem_shared>> -> memref<640xf32, #tpu.memory_space<vmem_shared>>
    tpu.enqueue_dma source(%dma_start3A_330 : memref<640xf32, #tpu.memory_space<vmem_shared>>) target(%dma_start3A_328 : memref<640xf32, #tpu.memory_space<vmem>>) target_semaphore(%arg18 : memref<!tpu.dma_semaphore, #tpu.memory_space<semaphore_mem>>)
    %dma_start3A_331 = arith.constant 9 : i32
    %dma_start3A_332 = arith.constant 9 : i32
    %dma_start3A_333 = arith.constant 0 : i32
    %dma_start3A_334 = tpu.memref_slice %arg16[%dma_start3A_332, %dma_start3A_333] : memref<16x640xf32, #tpu.memory_space<vmem>> -> memref<1x640xf32, #tpu.memory_space<vmem>>
    %dma_start3A_335 = tpu.memref_squeeze %dma_start3A_334 : memref<1x640xf32, #tpu.memory_space<vmem>> -> memref<640xf32, #tpu.memory_space<vmem>>
    %dma_start3A_336 = tpu.memref_slice %arg15[%dma_start3A_331, %mul3A_222] : memref<16x10240xf32, #tpu.memory_space<vmem_shared>> -> memref<1x640xf32, #tpu.memory_space<vmem_shared>>
    %dma_start3A_337 = tpu.memref_squeeze %dma_start3A_336 : memref<1x640xf32, #tpu.memory_space<vmem_shared>> -> memref<640xf32, #tpu.memory_space<vmem_shared>>
    %dma_start3A_338 = arith.constant 0 : i32
    %dma_start3A_339 = tpu.memref_slice %arg16[%dma_start3A_332, %dma_start3A_338] : memref<16x640xf32, #tpu.memory_space<vmem>> -> memref<1x640xf32, #tpu.memory_space<vmem>>
    %dma_start3A_340 = tpu.memref_squeeze %dma_start3A_339 : memref<1x640xf32, #tpu.memory_space<vmem>> -> memref<640xf32, #tpu.memory_space<vmem>>
    %dma_start3A_341 = tpu.memref_slice %arg15[%dma_start3A_331, %mul3A_222] : memref<16x10240xf32, #tpu.memory_space<vmem_shared>> -> memref<1x640xf32, #tpu.memory_space<vmem_shared>>
    %dma_start3A_342 = tpu.memref_squeeze %dma_start3A_341 : memref<1x640xf32, #tpu.memory_space<vmem_shared>> -> memref<640xf32, #tpu.memory_space<vmem_shared>>
    tpu.enqueue_dma source(%dma_start3A_342 : memref<640xf32, #tpu.memory_space<vmem_shared>>) target(%dma_start3A_340 : memref<640xf32, #tpu.memory_space<vmem>>) target_semaphore(%arg18 : memref<!tpu.dma_semaphore, #tpu.memory_space<semaphore_mem>>)
    %dma_start3A_343 = arith.constant 10 : i32
    %dma_start3A_344 = arith.constant 10 : i32
    %dma_start3A_345 = arith.constant 0 : i32
    %dma_start3A_346 = tpu.memref_slice %arg16[%dma_start3A_344, %dma_start3A_345] : memref<16x640xf32, #tpu.memory_space<vmem>> -> memref<1x640xf32, #tpu.memory_space<vmem>>
    %dma_start3A_347 = tpu.memref_squeeze %dma_start3A_346 : memref<1x640xf32, #tpu.memory_space<vmem>> -> memref<640xf32, #tpu.memory_space<vmem>>
    %dma_start3A_348 = tpu.memref_slice %arg15[%dma_start3A_343, %mul3A_222] : memref<16x10240xf32, #tpu.memory_space<vmem_shared>> -> memref<1x640xf32, #tpu.memory_space<vmem_shared>>
    %dma_start3A_349 = tpu.memref_squeeze %dma_start3A_348 : memref<1x640xf32, #tpu.memory_space<vmem_shared>> -> memref<640xf32, #tpu.memory_space<vmem_shared>>
    %dma_start3A_350 = arith.constant 0 : i32
    %dma_start3A_351 = tpu.memref_slice %arg16[%dma_start3A_344, %dma_start3A_350] : memref<16x640xf32, #tpu.memory_space<vmem>> -> memref<1x640xf32, #tpu.memory_space<vmem>>
    %dma_start3A_352 = tpu.memref_squeeze %dma_start3A_351 : memref<1x640xf32, #tpu.memory_space<vmem>> -> memref<640xf32, #tpu.memory_space<vmem>>
    %dma_start3A_353 = tpu.memref_slice %arg15[%dma_start3A_343, %mul3A_222] : memref<16x10240xf32, #tpu.memory_space<vmem_shared>> -> memref<1x640xf32, #tpu.memory_space<vmem_shared>>
    %dma_start3A_354 = tpu.memref_squeeze %dma_start3A_353 : memref<1x640xf32, #tpu.memory_space<vmem_shared>> -> memref<640xf32, #tpu.memory_space<vmem_shared>>
    tpu.enqueue_dma source(%dma_start3A_354 : memref<640xf32, #tpu.memory_space<vmem_shared>>) target(%dma_start3A_352 : memref<640xf32, #tpu.memory_space<vmem>>) target_semaphore(%arg18 : memref<!tpu.dma_semaphore, #tpu.memory_space<semaphore_mem>>)
    %dma_start3A_355 = arith.constant 11 : i32
    %dma_start3A_356 = arith.constant 11 : i32
    %dma_start3A_357 = arith.constant 0 : i32
    %dma_start3A_358 = tpu.memref_slice %arg16[%dma_start3A_356, %dma_start3A_357] : memref<16x640xf32, #tpu.memory_space<vmem>> -> memref<1x640xf32, #tpu.memory_space<vmem>>
    %dma_start3A_359 = tpu.memref_squeeze %dma_start3A_358 : memref<1x640xf32, #tpu.memory_space<vmem>> -> memref<640xf32, #tpu.memory_space<vmem>>
    %dma_start3A_360 = tpu.memref_slice %arg15[%dma_start3A_355, %mul3A_222] : memref<16x10240xf32, #tpu.memory_space<vmem_shared>> -> memref<1x640xf32, #tpu.memory_space<vmem_shared>>
    %dma_start3A_361 = tpu.memref_squeeze %dma_start3A_360 : memref<1x640xf32, #tpu.memory_space<vmem_shared>> -> memref<640xf32, #tpu.memory_space<vmem_shared>>
    %dma_start3A_362 = arith.constant 0 : i32
    %dma_start3A_363 = tpu.memref_slice %arg16[%dma_start3A_356, %dma_start3A_362] : memref<16x640xf32, #tpu.memory_space<vmem>> -> memref<1x640xf32, #tpu.memory_space<vmem>>
    %dma_start3A_364 = tpu.memref_squeeze %dma_start3A_363 : memref<1x640xf32, #tpu.memory_space<vmem>> -> memref<640xf32, #tpu.memory_space<vmem>>
    %dma_start3A_365 = tpu.memref_slice %arg15[%dma_start3A_355, %mul3A_222] : memref<16x10240xf32, #tpu.memory_space<vmem_shared>> -> memref<1x640xf32, #tpu.memory_space<vmem_shared>>
    %dma_start3A_366 = tpu.memref_squeeze %dma_start3A_365 : memref<1x640xf32, #tpu.memory_space<vmem_shared>> -> memref<640xf32, #tpu.memory_space<vmem_shared>>
    tpu.enqueue_dma source(%dma_start3A_366 : memref<640xf32, #tpu.memory_space<vmem_shared>>) target(%dma_start3A_364 : memref<640xf32, #tpu.memory_space<vmem>>) target_semaphore(%arg18 : memref<!tpu.dma_semaphore, #tpu.memory_space<semaphore_mem>>)
    %dma_start3A_367 = arith.constant 12 : i32
    %dma_start3A_368 = arith.constant 12 : i32
    %dma_start3A_369 = arith.constant 0 : i32
    %dma_start3A_370 = tpu.memref_slice %arg16[%dma_start3A_368, %dma_start3A_369] : memref<16x640xf32, #tpu.memory_space<vmem>> -> memref<1x640xf32, #tpu.memory_space<vmem>>
    %dma_start3A_371 = tpu.memref_squeeze %dma_start3A_370 : memref<1x640xf32, #tpu.memory_space<vmem>> -> memref<640xf32, #tpu.memory_space<vmem>>
    %dma_start3A_372 = tpu.memref_slice %arg15[%dma_start3A_367, %mul3A_222] : memref<16x10240xf32, #tpu.memory_space<vmem_shared>> -> memref<1x640xf32, #tpu.memory_space<vmem_shared>>
    %dma_start3A_373 = tpu.memref_squeeze %dma_start3A_372 : memref<1x640xf32, #tpu.memory_space<vmem_shared>> -> memref<640xf32, #tpu.memory_space<vmem_shared>>
    %dma_start3A_374 = arith.constant 0 : i32
    %dma_start3A_375 = tpu.memref_slice %arg16[%dma_start3A_368, %dma_start3A_374] : memref<16x640xf32, #tpu.memory_space<vmem>> -> memref<1x640xf32, #tpu.memory_space<vmem>>
    %dma_start3A_376 = tpu.memref_squeeze %dma_start3A_375 : memref<1x640xf32, #tpu.memory_space<vmem>> -> memref<640xf32, #tpu.memory_space<vmem>>
    %dma_start3A_377 = tpu.memref_slice %arg15[%dma_start3A_367, %mul3A_222] : memref<16x10240xf32, #tpu.memory_space<vmem_shared>> -> memref<1x640xf32, #tpu.memory_space<vmem_shared>>
    %dma_start3A_378 = tpu.memref_squeeze %dma_start3A_377 : memref<1x640xf32, #tpu.memory_space<vmem_shared>> -> memref<640xf32, #tpu.memory_space<vmem_shared>>
    tpu.enqueue_dma source(%dma_start3A_378 : memref<640xf32, #tpu.memory_space<vmem_shared>>) target(%dma_start3A_376 : memref<640xf32, #tpu.memory_space<vmem>>) target_semaphore(%arg18 : memref<!tpu.dma_semaphore, #tpu.memory_space<semaphore_mem>>)
    %dma_start3A_379 = arith.constant 13 : i32
    %dma_start3A_380 = arith.constant 13 : i32
    %dma_start3A_381 = arith.constant 0 : i32
    %dma_start3A_382 = tpu.memref_slice %arg16[%dma_start3A_380, %dma_start3A_381] : memref<16x640xf32, #tpu.memory_space<vmem>> -> memref<1x640xf32, #tpu.memory_space<vmem>>
    %dma_start3A_383 = tpu.memref_squeeze %dma_start3A_382 : memref<1x640xf32, #tpu.memory_space<vmem>> -> memref<640xf32, #tpu.memory_space<vmem>>
    %dma_start3A_384 = tpu.memref_slice %arg15[%dma_start3A_379, %mul3A_222] : memref<16x10240xf32, #tpu.memory_space<vmem_shared>> -> memref<1x640xf32, #tpu.memory_space<vmem_shared>>
    %dma_start3A_385 = tpu.memref_squeeze %dma_start3A_384 : memref<1x640xf32, #tpu.memory_space<vmem_shared>> -> memref<640xf32, #tpu.memory_space<vmem_shared>>
    %dma_start3A_386 = arith.constant 0 : i32
    %dma_start3A_387 = tpu.memref_slice %arg16[%dma_start3A_380, %dma_start3A_386] : memref<16x640xf32, #tpu.memory_space<vmem>> -> memref<1x640xf32, #tpu.memory_space<vmem>>
    %dma_start3A_388 = tpu.memref_squeeze %dma_start3A_387 : memref<1x640xf32, #tpu.memory_space<vmem>> -> memref<640xf32, #tpu.memory_space<vmem>>
    %dma_start3A_389 = tpu.memref_slice %arg15[%dma_start3A_379, %mul3A_222] : memref<16x10240xf32, #tpu.memory_space<vmem_shared>> -> memref<1x640xf32, #tpu.memory_space<vmem_shared>>
    %dma_start3A_390 = tpu.memref_squeeze %dma_start3A_389 : memref<1x640xf32, #tpu.memory_space<vmem_shared>> -> memref<640xf32, #tpu.memory_space<vmem_shared>>
    tpu.enqueue_dma source(%dma_start3A_390 : memref<640xf32, #tpu.memory_space<vmem_shared>>) target(%dma_start3A_388 : memref<640xf32, #tpu.memory_space<vmem>>) target_semaphore(%arg18 : memref<!tpu.dma_semaphore, #tpu.memory_space<semaphore_mem>>)
    %dma_start3A_391 = arith.constant 14 : i32
    %dma_start3A_392 = arith.constant 14 : i32
    %dma_start3A_393 = arith.constant 0 : i32
    %dma_start3A_394 = tpu.memref_slice %arg16[%dma_start3A_392, %dma_start3A_393] : memref<16x640xf32, #tpu.memory_space<vmem>> -> memref<1x640xf32, #tpu.memory_space<vmem>>
    %dma_start3A_395 = tpu.memref_squeeze %dma_start3A_394 : memref<1x640xf32, #tpu.memory_space<vmem>> -> memref<640xf32, #tpu.memory_space<vmem>>
    %dma_start3A_396 = tpu.memref_slice %arg15[%dma_start3A_391, %mul3A_222] : memref<16x10240xf32, #tpu.memory_space<vmem_shared>> -> memref<1x640xf32, #tpu.memory_space<vmem_shared>>
    %dma_start3A_397 = tpu.memref_squeeze %dma_start3A_396 : memref<1x640xf32, #tpu.memory_space<vmem_shared>> -> memref<640xf32, #tpu.memory_space<vmem_shared>>
    %dma_start3A_398 = arith.constant 0 : i32
    %dma_start3A_399 = tpu.memref_slice %arg16[%dma_start3A_392, %dma_start3A_398] : memref<16x640xf32, #tpu.memory_space<vmem>> -> memref<1x640xf32, #tpu.memory_space<vmem>>
    %dma_start3A_400 = tpu.memref_squeeze %dma_start3A_399 : memref<1x640xf32, #tpu.memory_space<vmem>> -> memref<640xf32, #tpu.memory_space<vmem>>
    %dma_start3A_401 = tpu.memref_slice %arg15[%dma_start3A_391, %mul3A_222] : memref<16x10240xf32, #tpu.memory_space<vmem_shared>> -> memref<1x640xf32, #tpu.memory_space<vmem_shared>>
    %dma_start3A_402 = tpu.memref_squeeze %dma_start3A_401 : memref<1x640xf32, #tpu.memory_space<vmem_shared>> -> memref<640xf32, #tpu.memory_space<vmem_shared>>
    tpu.enqueue_dma source(%dma_start3A_402 : memref<640xf32, #tpu.memory_space<vmem_shared>>) target(%dma_start3A_400 : memref<640xf32, #tpu.memory_space<vmem>>) target_semaphore(%arg18 : memref<!tpu.dma_semaphore, #tpu.memory_space<semaphore_mem>>)
    %dma_start3A_403 = arith.constant 15 : i32
    %dma_start3A_404 = arith.constant 15 : i32
    %dma_start3A_405 = arith.constant 0 : i32
    %dma_start3A_406 = tpu.memref_slice %arg16[%dma_start3A_404, %dma_start3A_405] : memref<16x640xf32, #tpu.memory_space<vmem>> -> memref<1x640xf32, #tpu.memory_space<vmem>>
    %dma_start3A_407 = tpu.memref_squeeze %dma_start3A_406 : memref<1x640xf32, #tpu.memory_space<vmem>> -> memref<640xf32, #tpu.memory_space<vmem>>
    %dma_start3A_408 = tpu.memref_slice %arg15[%dma_start3A_403, %mul3A_222] : memref<16x10240xf32, #tpu.memory_space<vmem_shared>> -> memref<1x640xf32, #tpu.memory_space<vmem_shared>>
    %dma_start3A_409 = tpu.memref_squeeze %dma_start3A_408 : memref<1x640xf32, #tpu.memory_space<vmem_shared>> -> memref<640xf32, #tpu.memory_space<vmem_shared>>
    %dma_start3A_410 = arith.constant 0 : i32
    %dma_start3A_411 = tpu.memref_slice %arg16[%dma_start3A_404, %dma_start3A_410] : memref<16x640xf32, #tpu.memory_space<vmem>> -> memref<1x640xf32, #tpu.memory_space<vmem>>
    %dma_start3A_412 = tpu.memref_squeeze %dma_start3A_411 : memref<1x640xf32, #tpu.memory_space<vmem>> -> memref<640xf32, #tpu.memory_space<vmem>>
    %dma_start3A_413 = tpu.memref_slice %arg15[%dma_start3A_403, %mul3A_222] : memref<16x10240xf32, #tpu.memory_space<vmem_shared>> -> memref<1x640xf32, #tpu.memory_space<vmem_shared>>
    %dma_start3A_414 = tpu.memref_squeeze %dma_start3A_413 : memref<1x640xf32, #tpu.memory_space<vmem_shared>> -> memref<640xf32, #tpu.memory_space<vmem_shared>>
    tpu.enqueue_dma source(%dma_start3A_414 : memref<640xf32, #tpu.memory_space<vmem_shared>>) target(%dma_start3A_412 : memref<640xf32, #tpu.memory_space<vmem>>) target_semaphore(%arg18 : memref<!tpu.dma_semaphore, #tpu.memory_space<semaphore_mem>>)
    %dma_wait3A_415 = arith.constant 0 : i32
    %dma_wait3A_416 = arith.constant 0 : i32
    %dma_wait3A_417 = arith.constant 0 : i32
    %dma_wait3A_418 = tpu.memref_slice %arg16[%dma_wait3A_416, %dma_wait3A_417] : memref<16x640xf32, #tpu.memory_space<vmem>> -> memref<1x640xf32, #tpu.memory_space<vmem>>
    %dma_wait3A_419 = tpu.memref_squeeze %dma_wait3A_418 : memref<1x640xf32, #tpu.memory_space<vmem>> -> memref<640xf32, #tpu.memory_space<vmem>>
    %dma_wait3A_420 = tpu.memref_slice %arg15[%dma_wait3A_415, %mul3A_222] : memref<16x10240xf32, #tpu.memory_space<vmem_shared>> -> memref<1x640xf32, #tpu.memory_space<vmem_shared>>
    %dma_wait3A_421 = tpu.memref_squeeze %dma_wait3A_420 : memref<1x640xf32, #tpu.memory_space<vmem_shared>> -> memref<640xf32, #tpu.memory_space<vmem_shared>>
    %dma_wait3A_422 = arith.constant 0 : i32
    %dma_wait3A_423 = tpu.memref_slice %arg16[%dma_wait3A_416, %dma_wait3A_422] : memref<16x640xf32, #tpu.memory_space<vmem>> -> memref<1x640xf32, #tpu.memory_space<vmem>>
    %dma_wait3A_424 = tpu.memref_squeeze %dma_wait3A_423 : memref<1x640xf32, #tpu.memory_space<vmem>> -> memref<640xf32, #tpu.memory_space<vmem>>
    %dma_wait3A_425 = tpu.memref_slice %arg15[%dma_wait3A_415, %mul3A_222] : memref<16x10240xf32, #tpu.memory_space<vmem_shared>> -> memref<1x640xf32, #tpu.memory_space<vmem_shared>>
    %dma_wait3A_426 = tpu.memref_squeeze %dma_wait3A_425 : memref<1x640xf32, #tpu.memory_space<vmem_shared>> -> memref<640xf32, #tpu.memory_space<vmem_shared>>
    tpu.wait_dma2 semaphore(%arg18 : memref<!tpu.dma_semaphore, #tpu.memory_space<semaphore_mem>>) src(%dma_wait3A_426 : memref<640xf32, #tpu.memory_space<vmem_shared>>) dst(%dma_wait3A_424 : memref<640xf32, #tpu.memory_space<vmem>>)
    %dma_wait3A_427 = arith.constant 1 : i32
    %dma_wait3A_428 = arith.constant 1 : i32
    %dma_wait3A_429 = arith.constant 0 : i32
    %dma_wait3A_430 = tpu.memref_slice %arg16[%dma_wait3A_428, %dma_wait3A_429] : memref<16x640xf32, #tpu.memory_space<vmem>> -> memref<1x640xf32, #tpu.memory_space<vmem>>
    %dma_wait3A_431 = tpu.memref_squeeze %dma_wait3A_430 : memref<1x640xf32, #tpu.memory_space<vmem>> -> memref<640xf32, #tpu.memory_space<vmem>>
    %dma_wait3A_432 = tpu.memref_slice %arg15[%dma_wait3A_427, %mul3A_222] : memref<16x10240xf32, #tpu.memory_space<vmem_shared>> -> memref<1x640xf32, #tpu.memory_space<vmem_shared>>
    %dma_wait3A_433 = tpu.memref_squeeze %dma_wait3A_432 : memref<1x640xf32, #tpu.memory_space<vmem_shared>> -> memref<640xf32, #tpu.memory_space<vmem_shared>>
    %dma_wait3A_434 = arith.constant 0 : i32
    %dma_wait3A_435 = tpu.memref_slice %arg16[%dma_wait3A_428, %dma_wait3A_434] : memref<16x640xf32, #tpu.memory_space<vmem>> -> memref<1x640xf32, #tpu.memory_space<vmem>>
    %dma_wait3A_436 = tpu.memref_squeeze %dma_wait3A_435 : memref<1x640xf32, #tpu.memory_space<vmem>> -> memref<640xf32, #tpu.memory_space<vmem>>
    %dma_wait3A_437 = tpu.memref_slice %arg15[%dma_wait3A_427, %mul3A_222] : memref<16x10240xf32, #tpu.memory_space<vmem_shared>> -> memref<1x640xf32, #tpu.memory_space<vmem_shared>>
    %dma_wait3A_438 = tpu.memref_squeeze %dma_wait3A_437 : memref<1x640xf32, #tpu.memory_space<vmem_shared>> -> memref<640xf32, #tpu.memory_space<vmem_shared>>
    tpu.wait_dma2 semaphore(%arg18 : memref<!tpu.dma_semaphore, #tpu.memory_space<semaphore_mem>>) src(%dma_wait3A_438 : memref<640xf32, #tpu.memory_space<vmem_shared>>) dst(%dma_wait3A_436 : memref<640xf32, #tpu.memory_space<vmem>>)
    %dma_wait3A_439 = arith.constant 2 : i32
    %dma_wait3A_440 = arith.constant 2 : i32
    %dma_wait3A_441 = arith.constant 0 : i32
    %dma_wait3A_442 = tpu.memref_slice %arg16[%dma_wait3A_440, %dma_wait3A_441] : memref<16x640xf32, #tpu.memory_space<vmem>> -> memref<1x640xf32, #tpu.memory_space<vmem>>
    %dma_wait3A_443 = tpu.memref_squeeze %dma_wait3A_442 : memref<1x640xf32, #tpu.memory_space<vmem>> -> memref<640xf32, #tpu.memory_space<vmem>>
    %dma_wait3A_444 = tpu.memref_slice %arg15[%dma_wait3A_439, %mul3A_222] : memref<16x10240xf32, #tpu.memory_space<vmem_shared>> -> memref<1x640xf32, #tpu.memory_space<vmem_shared>>
    %dma_wait3A_445 = tpu.memref_squeeze %dma_wait3A_444 : memref<1x640xf32, #tpu.memory_space<vmem_shared>> -> memref<640xf32, #tpu.memory_space<vmem_shared>>
    %dma_wait3A_446 = arith.constant 0 : i32
    %dma_wait3A_447 = tpu.memref_slice %arg16[%dma_wait3A_440, %dma_wait3A_446] : memref<16x640xf32, #tpu.memory_space<vmem>> -> memref<1x640xf32, #tpu.memory_space<vmem>>
    %dma_wait3A_448 = tpu.memref_squeeze %dma_wait3A_447 : memref<1x640xf32, #tpu.memory_space<vmem>> -> memref<640xf32, #tpu.memory_space<vmem>>
    %dma_wait3A_449 = tpu.memref_slice %arg15[%dma_wait3A_439, %mul3A_222] : memref<16x10240xf32, #tpu.memory_space<vmem_shared>> -> memref<1x640xf32, #tpu.memory_space<vmem_shared>>
    %dma_wait3A_450 = tpu.memref_squeeze %dma_wait3A_449 : memref<1x640xf32, #tpu.memory_space<vmem_shared>> -> memref<640xf32, #tpu.memory_space<vmem_shared>>
    tpu.wait_dma2 semaphore(%arg18 : memref<!tpu.dma_semaphore, #tpu.memory_space<semaphore_mem>>) src(%dma_wait3A_450 : memref<640xf32, #tpu.memory_space<vmem_shared>>) dst(%dma_wait3A_448 : memref<640xf32, #tpu.memory_space<vmem>>)
    %dma_wait3A_451 = arith.constant 3 : i32
    %dma_wait3A_452 = arith.constant 3 : i32
    %dma_wait3A_453 = arith.constant 0 : i32
    %dma_wait3A_454 = tpu.memref_slice %arg16[%dma_wait3A_452, %dma_wait3A_453] : memref<16x640xf32, #tpu.memory_space<vmem>> -> memref<1x640xf32, #tpu.memory_space<vmem>>
    %dma_wait3A_455 = tpu.memref_squeeze %dma_wait3A_454 : memref<1x640xf32, #tpu.memory_space<vmem>> -> memref<640xf32, #tpu.memory_space<vmem>>
    %dma_wait3A_456 = tpu.memref_slice %arg15[%dma_wait3A_451, %mul3A_222] : memref<16x10240xf32, #tpu.memory_space<vmem_shared>> -> memref<1x640xf32, #tpu.memory_space<vmem_shared>>
    %dma_wait3A_457 = tpu.memref_squeeze %dma_wait3A_456 : memref<1x640xf32, #tpu.memory_space<vmem_shared>> -> memref<640xf32, #tpu.memory_space<vmem_shared>>
    %dma_wait3A_458 = arith.constant 0 : i32
    %dma_wait3A_459 = tpu.memref_slice %arg16[%dma_wait3A_452, %dma_wait3A_458] : memref<16x640xf32, #tpu.memory_space<vmem>> -> memref<1x640xf32, #tpu.memory_space<vmem>>
    %dma_wait3A_460 = tpu.memref_squeeze %dma_wait3A_459 : memref<1x640xf32, #tpu.memory_space<vmem>> -> memref<640xf32, #tpu.memory_space<vmem>>
    %dma_wait3A_461 = tpu.memref_slice %arg15[%dma_wait3A_451, %mul3A_222] : memref<16x10240xf32, #tpu.memory_space<vmem_shared>> -> memref<1x640xf32, #tpu.memory_space<vmem_shared>>
    %dma_wait3A_462 = tpu.memref_squeeze %dma_wait3A_461 : memref<1x640xf32, #tpu.memory_space<vmem_shared>> -> memref<640xf32, #tpu.memory_space<vmem_shared>>
    tpu.wait_dma2 semaphore(%arg18 : memref<!tpu.dma_semaphore, #tpu.memory_space<semaphore_mem>>) src(%dma_wait3A_462 : memref<640xf32, #tpu.memory_space<vmem_shared>>) dst(%dma_wait3A_460 : memref<640xf32, #tpu.memory_space<vmem>>)
    %dma_wait3A_463 = arith.constant 4 : i32
    %dma_wait3A_464 = arith.constant 4 : i32
    %dma_wait3A_465 = arith.constant 0 : i32
    %dma_wait3A_466 = tpu.memref_slice %arg16[%dma_wait3A_464, %dma_wait3A_465] : memref<16x640xf32, #tpu.memory_space<vmem>> -> memref<1x640xf32, #tpu.memory_space<vmem>>
    %dma_wait3A_467 = tpu.memref_squeeze %dma_wait3A_466 : memref<1x640xf32, #tpu.memory_space<vmem>> -> memref<640xf32, #tpu.memory_space<vmem>>
    %dma_wait3A_468 = tpu.memref_slice %arg15[%dma_wait3A_463, %mul3A_222] : memref<16x10240xf32, #tpu.memory_space<vmem_shared>> -> memref<1x640xf32, #tpu.memory_space<vmem_shared>>
    %dma_wait3A_469 = tpu.memref_squeeze %dma_wait3A_468 : memref<1x640xf32, #tpu.memory_space<vmem_shared>> -> memref<640xf32, #tpu.memory_space<vmem_shared>>
    %dma_wait3A_470 = arith.constant 0 : i32
    %dma_wait3A_471 = tpu.memref_slice %arg16[%dma_wait3A_464, %dma_wait3A_470] : memref<16x640xf32, #tpu.memory_space<vmem>> -> memref<1x640xf32, #tpu.memory_space<vmem>>
    %dma_wait3A_472 = tpu.memref_squeeze %dma_wait3A_471 : memref<1x640xf32, #tpu.memory_space<vmem>> -> memref<640xf32, #tpu.memory_space<vmem>>
    %dma_wait3A_473 = tpu.memref_slice %arg15[%dma_wait3A_463, %mul3A_222] : memref<16x10240xf32, #tpu.memory_space<vmem_shared>> -> memref<1x640xf32, #tpu.memory_space<vmem_shared>>
    %dma_wait3A_474 = tpu.memref_squeeze %dma_wait3A_473 : memref<1x640xf32, #tpu.memory_space<vmem_shared>> -> memref<640xf32, #tpu.memory_space<vmem_shared>>
    tpu.wait_dma2 semaphore(%arg18 : memref<!tpu.dma_semaphore, #tpu.memory_space<semaphore_mem>>) src(%dma_wait3A_474 : memref<640xf32, #tpu.memory_space<vmem_shared>>) dst(%dma_wait3A_472 : memref<640xf32, #tpu.memory_space<vmem>>)
    %dma_wait3A_475 = arith.constant 5 : i32
    %dma_wait3A_476 = arith.constant 5 : i32
    %dma_wait3A_477 = arith.constant 0 : i32
    %dma_wait3A_478 = tpu.memref_slice %arg16[%dma_wait3A_476, %dma_wait3A_477] : memref<16x640xf32, #tpu.memory_space<vmem>> -> memref<1x640xf32, #tpu.memory_space<vmem>>
    %dma_wait3A_479 = tpu.memref_squeeze %dma_wait3A_478 : memref<1x640xf32, #tpu.memory_space<vmem>> -> memref<640xf32, #tpu.memory_space<vmem>>
    %dma_wait3A_480 = tpu.memref_slice %arg15[%dma_wait3A_475, %mul3A_222] : memref<16x10240xf32, #tpu.memory_space<vmem_shared>> -> memref<1x640xf32, #tpu.memory_space<vmem_shared>>
    %dma_wait3A_481 = tpu.memref_squeeze %dma_wait3A_480 : memref<1x640xf32, #tpu.memory_space<vmem_shared>> -> memref<640xf32, #tpu.memory_space<vmem_shared>>
    %dma_wait3A_482 = arith.constant 0 : i32
    %dma_wait3A_483 = tpu.memref_slice %arg16[%dma_wait3A_476, %dma_wait3A_482] : memref<16x640xf32, #tpu.memory_space<vmem>> -> memref<1x640xf32, #tpu.memory_space<vmem>>
    %dma_wait3A_484 = tpu.memref_squeeze %dma_wait3A_483 : memref<1x640xf32, #tpu.memory_space<vmem>> -> memref<640xf32, #tpu.memory_space<vmem>>
    %dma_wait3A_485 = tpu.memref_slice %arg15[%dma_wait3A_475, %mul3A_222] : memref<16x10240xf32, #tpu.memory_space<vmem_shared>> -> memref<1x640xf32, #tpu.memory_space<vmem_shared>>
    %dma_wait3A_486 = tpu.memref_squeeze %dma_wait3A_485 : memref<1x640xf32, #tpu.memory_space<vmem_shared>> -> memref<640xf32, #tpu.memory_space<vmem_shared>>
    tpu.wait_dma2 semaphore(%arg18 : memref<!tpu.dma_semaphore, #tpu.memory_space<semaphore_mem>>) src(%dma_wait3A_486 : memref<640xf32, #tpu.memory_space<vmem_shared>>) dst(%dma_wait3A_484 : memref<640xf32, #tpu.memory_space<vmem>>)
    %dma_wait3A_487 = arith.constant 6 : i32
    %dma_wait3A_488 = arith.constant 6 : i32
    %dma_wait3A_489 = arith.constant 0 : i32
    %dma_wait3A_490 = tpu.memref_slice %arg16[%dma_wait3A_488, %dma_wait3A_489] : memref<16x640xf32, #tpu.memory_space<vmem>> -> memref<1x640xf32, #tpu.memory_space<vmem>>
    %dma_wait3A_491 = tpu.memref_squeeze %dma_wait3A_490 : memref<1x640xf32, #tpu.memory_space<vmem>> -> memref<640xf32, #tpu.memory_space<vmem>>
    %dma_wait3A_492 = tpu.memref_slice %arg15[%dma_wait3A_487, %mul3A_222] : memref<16x10240xf32, #tpu.memory_space<vmem_shared>> -> memref<1x640xf32, #tpu.memory_space<vmem_shared>>
    %dma_wait3A_493 = tpu.memref_squeeze %dma_wait3A_492 : memref<1x640xf32, #tpu.memory_space<vmem_shared>> -> memref<640xf32, #tpu.memory_space<vmem_shared>>
    %dma_wait3A_494 = arith.constant 0 : i32
    %dma_wait3A_495 = tpu.memref_slice %arg16[%dma_wait3A_488, %dma_wait3A_494] : memref<16x640xf32, #tpu.memory_space<vmem>> -> memref<1x640xf32, #tpu.memory_space<vmem>>
    %dma_wait3A_496 = tpu.memref_squeeze %dma_wait3A_495 : memref<1x640xf32, #tpu.memory_space<vmem>> -> memref<640xf32, #tpu.memory_space<vmem>>
    %dma_wait3A_497 = tpu.memref_slice %arg15[%dma_wait3A_487, %mul3A_222] : memref<16x10240xf32, #tpu.memory_space<vmem_shared>> -> memref<1x640xf32, #tpu.memory_space<vmem_shared>>
    %dma_wait3A_498 = tpu.memref_squeeze %dma_wait3A_497 : memref<1x640xf32, #tpu.memory_space<vmem_shared>> -> memref<640xf32, #tpu.memory_space<vmem_shared>>
    tpu.wait_dma2 semaphore(%arg18 : memref<!tpu.dma_semaphore, #tpu.memory_space<semaphore_mem>>) src(%dma_wait3A_498 : memref<640xf32, #tpu.memory_space<vmem_shared>>) dst(%dma_wait3A_496 : memref<640xf32, #tpu.memory_space<vmem>>)
    %dma_wait3A_499 = arith.constant 7 : i32
    %dma_wait3A_500 = arith.constant 7 : i32
    %dma_wait3A_501 = arith.constant 0 : i32
    %dma_wait3A_502 = tpu.memref_slice %arg16[%dma_wait3A_500, %dma_wait3A_501] : memref<16x640xf32, #tpu.memory_space<vmem>> -> memref<1x640xf32, #tpu.memory_space<vmem>>
    %dma_wait3A_503 = tpu.memref_squeeze %dma_wait3A_502 : memref<1x640xf32, #tpu.memory_space<vmem>> -> memref<640xf32, #tpu.memory_space<vmem>>
    %dma_wait3A_504 = tpu.memref_slice %arg15[%dma_wait3A_499, %mul3A_222] : memref<16x10240xf32, #tpu.memory_space<vmem_shared>> -> memref<1x640xf32, #tpu.memory_space<vmem_shared>>
    %dma_wait3A_505 = tpu.memref_squeeze %dma_wait3A_504 : memref<1x640xf32, #tpu.memory_space<vmem_shared>> -> memref<640xf32, #tpu.memory_space<vmem_shared>>
    %dma_wait3A_506 = arith.constant 0 : i32
    %dma_wait3A_507 = tpu.memref_slice %arg16[%dma_wait3A_500, %dma_wait3A_506] : memref<16x640xf32, #tpu.memory_space<vmem>> -> memref<1x640xf32, #tpu.memory_space<vmem>>
    %dma_wait3A_508 = tpu.memref_squeeze %dma_wait3A_507 : memref<1x640xf32, #tpu.memory_space<vmem>> -> memref<640xf32, #tpu.memory_space<vmem>>
    %dma_wait3A_509 = tpu.memref_slice %arg15[%dma_wait3A_499, %mul3A_222] : memref<16x10240xf32, #tpu.memory_space<vmem_shared>> -> memref<1x640xf32, #tpu.memory_space<vmem_shared>>
    %dma_wait3A_510 = tpu.memref_squeeze %dma_wait3A_509 : memref<1x640xf32, #tpu.memory_space<vmem_shared>> -> memref<640xf32, #tpu.memory_space<vmem_shared>>
    tpu.wait_dma2 semaphore(%arg18 : memref<!tpu.dma_semaphore, #tpu.memory_space<semaphore_mem>>) src(%dma_wait3A_510 : memref<640xf32, #tpu.memory_space<vmem_shared>>) dst(%dma_wait3A_508 : memref<640xf32, #tpu.memory_space<vmem>>)
    %dma_wait3A_511 = arith.constant 8 : i32
    %dma_wait3A_512 = arith.constant 8 : i32
    %dma_wait3A_513 = arith.constant 0 : i32
    %dma_wait3A_514 = tpu.memref_slice %arg16[%dma_wait3A_512, %dma_wait3A_513] : memref<16x640xf32, #tpu.memory_space<vmem>> -> memref<1x640xf32, #tpu.memory_space<vmem>>
    %dma_wait3A_515 = tpu.memref_squeeze %dma_wait3A_514 : memref<1x640xf32, #tpu.memory_space<vmem>> -> memref<640xf32, #tpu.memory_space<vmem>>
    %dma_wait3A_516 = tpu.memref_slice %arg15[%dma_wait3A_511, %mul3A_222] : memref<16x10240xf32, #tpu.memory_space<vmem_shared>> -> memref<1x640xf32, #tpu.memory_space<vmem_shared>>
    %dma_wait3A_517 = tpu.memref_squeeze %dma_wait3A_516 : memref<1x640xf32, #tpu.memory_space<vmem_shared>> -> memref<640xf32, #tpu.memory_space<vmem_shared>>
    %dma_wait3A_518 = arith.constant 0 : i32
    %dma_wait3A_519 = tpu.memref_slice %arg16[%dma_wait3A_512, %dma_wait3A_518] : memref<16x640xf32, #tpu.memory_space<vmem>> -> memref<1x640xf32, #tpu.memory_space<vmem>>
    %dma_wait3A_520 = tpu.memref_squeeze %dma_wait3A_519 : memref<1x640xf32, #tpu.memory_space<vmem>> -> memref<640xf32, #tpu.memory_space<vmem>>
    %dma_wait3A_521 = tpu.memref_slice %arg15[%dma_wait3A_511, %mul3A_222] : memref<16x10240xf32, #tpu.memory_space<vmem_shared>> -> memref<1x640xf32, #tpu.memory_space<vmem_shared>>
    %dma_wait3A_522 = tpu.memref_squeeze %dma_wait3A_521 : memref<1x640xf32, #tpu.memory_space<vmem_shared>> -> memref<640xf32, #tpu.memory_space<vmem_shared>>
    tpu.wait_dma2 semaphore(%arg18 : memref<!tpu.dma_semaphore, #tpu.memory_space<semaphore_mem>>) src(%dma_wait3A_522 : memref<640xf32, #tpu.memory_space<vmem_shared>>) dst(%dma_wait3A_520 : memref<640xf32, #tpu.memory_space<vmem>>)
    %dma_wait3A_523 = arith.constant 9 : i32
    %dma_wait3A_524 = arith.constant 9 : i32
    %dma_wait3A_525 = arith.constant 0 : i32
    %dma_wait3A_526 = tpu.memref_slice %arg16[%dma_wait3A_524, %dma_wait3A_525] : memref<16x640xf32, #tpu.memory_space<vmem>> -> memref<1x640xf32, #tpu.memory_space<vmem>>
    %dma_wait3A_527 = tpu.memref_squeeze %dma_wait3A_526 : memref<1x640xf32, #tpu.memory_space<vmem>> -> memref<640xf32, #tpu.memory_space<vmem>>
    %dma_wait3A_528 = tpu.memref_slice %arg15[%dma_wait3A_523, %mul3A_222] : memref<16x10240xf32, #tpu.memory_space<vmem_shared>> -> memref<1x640xf32, #tpu.memory_space<vmem_shared>>
    %dma_wait3A_529 = tpu.memref_squeeze %dma_wait3A_528 : memref<1x640xf32, #tpu.memory_space<vmem_shared>> -> memref<640xf32, #tpu.memory_space<vmem_shared>>
    %dma_wait3A_530 = arith.constant 0 : i32
    %dma_wait3A_531 = tpu.memref_slice %arg16[%dma_wait3A_524, %dma_wait3A_530] : memref<16x640xf32, #tpu.memory_space<vmem>> -> memref<1x640xf32, #tpu.memory_space<vmem>>
    %dma_wait3A_532 = tpu.memref_squeeze %dma_wait3A_531 : memref<1x640xf32, #tpu.memory_space<vmem>> -> memref<640xf32, #tpu.memory_space<vmem>>
    %dma_wait3A_533 = tpu.memref_slice %arg15[%dma_wait3A_523, %mul3A_222] : memref<16x10240xf32, #tpu.memory_space<vmem_shared>> -> memref<1x640xf32, #tpu.memory_space<vmem_shared>>
    %dma_wait3A_534 = tpu.memref_squeeze %dma_wait3A_533 : memref<1x640xf32, #tpu.memory_space<vmem_shared>> -> memref<640xf32, #tpu.memory_space<vmem_shared>>
    tpu.wait_dma2 semaphore(%arg18 : memref<!tpu.dma_semaphore, #tpu.memory_space<semaphore_mem>>) src(%dma_wait3A_534 : memref<640xf32, #tpu.memory_space<vmem_shared>>) dst(%dma_wait3A_532 : memref<640xf32, #tpu.memory_space<vmem>>)
    %dma_wait3A_535 = arith.constant 10 : i32
    %dma_wait3A_536 = arith.constant 10 : i32
    %dma_wait3A_537 = arith.constant 0 : i32
    %dma_wait3A_538 = tpu.memref_slice %arg16[%dma_wait3A_536, %dma_wait3A_537] : memref<16x640xf32, #tpu.memory_space<vmem>> -> memref<1x640xf32, #tpu.memory_space<vmem>>
    %dma_wait3A_539 = tpu.memref_squeeze %dma_wait3A_538 : memref<1x640xf32, #tpu.memory_space<vmem>> -> memref<640xf32, #tpu.memory_space<vmem>>
    %dma_wait3A_540 = tpu.memref_slice %arg15[%dma_wait3A_535, %mul3A_222] : memref<16x10240xf32, #tpu.memory_space<vmem_shared>> -> memref<1x640xf32, #tpu.memory_space<vmem_shared>>
    %dma_wait3A_541 = tpu.memref_squeeze %dma_wait3A_540 : memref<1x640xf32, #tpu.memory_space<vmem_shared>> -> memref<640xf32, #tpu.memory_space<vmem_shared>>
    %dma_wait3A_542 = arith.constant 0 : i32
    %dma_wait3A_543 = tpu.memref_slice %arg16[%dma_wait3A_536, %dma_wait3A_542] : memref<16x640xf32, #tpu.memory_space<vmem>> -> memref<1x640xf32, #tpu.memory_space<vmem>>
    %dma_wait3A_544 = tpu.memref_squeeze %dma_wait3A_543 : memref<1x640xf32, #tpu.memory_space<vmem>> -> memref<640xf32, #tpu.memory_space<vmem>>
    %dma_wait3A_545 = tpu.memref_slice %arg15[%dma_wait3A_535, %mul3A_222] : memref<16x10240xf32, #tpu.memory_space<vmem_shared>> -> memref<1x640xf32, #tpu.memory_space<vmem_shared>>
    %dma_wait3A_546 = tpu.memref_squeeze %dma_wait3A_545 : memref<1x640xf32, #tpu.memory_space<vmem_shared>> -> memref<640xf32, #tpu.memory_space<vmem_shared>>
    tpu.wait_dma2 semaphore(%arg18 : memref<!tpu.dma_semaphore, #tpu.memory_space<semaphore_mem>>) src(%dma_wait3A_546 : memref<640xf32, #tpu.memory_space<vmem_shared>>) dst(%dma_wait3A_544 : memref<640xf32, #tpu.memory_space<vmem>>)
    %dma_wait3A_547 = arith.constant 11 : i32
    %dma_wait3A_548 = arith.constant 11 : i32
    %dma_wait3A_549 = arith.constant 0 : i32
    %dma_wait3A_550 = tpu.memref_slice %arg16[%dma_wait3A_548, %dma_wait3A_549] : memref<16x640xf32, #tpu.memory_space<vmem>> -> memref<1x640xf32, #tpu.memory_space<vmem>>
    %dma_wait3A_551 = tpu.memref_squeeze %dma_wait3A_550 : memref<1x640xf32, #tpu.memory_space<vmem>> -> memref<640xf32, #tpu.memory_space<vmem>>
    %dma_wait3A_552 = tpu.memref_slice %arg15[%dma_wait3A_547, %mul3A_222] : memref<16x10240xf32, #tpu.memory_space<vmem_shared>> -> memref<1x640xf32, #tpu.memory_space<vmem_shared>>
    %dma_wait3A_553 = tpu.memref_squeeze %dma_wait3A_552 : memref<1x640xf32, #tpu.memory_space<vmem_shared>> -> memref<640xf32, #tpu.memory_space<vmem_shared>>
    %dma_wait3A_554 = arith.constant 0 : i32
    %dma_wait3A_555 = tpu.memref_slice %arg16[%dma_wait3A_548, %dma_wait3A_554] : memref<16x640xf32, #tpu.memory_space<vmem>> -> memref<1x640xf32, #tpu.memory_space<vmem>>
    %dma_wait3A_556 = tpu.memref_squeeze %dma_wait3A_555 : memref<1x640xf32, #tpu.memory_space<vmem>> -> memref<640xf32, #tpu.memory_space<vmem>>
    %dma_wait3A_557 = tpu.memref_slice %arg15[%dma_wait3A_547, %mul3A_222] : memref<16x10240xf32, #tpu.memory_space<vmem_shared>> -> memref<1x640xf32, #tpu.memory_space<vmem_shared>>
    %dma_wait3A_558 = tpu.memref_squeeze %dma_wait3A_557 : memref<1x640xf32, #tpu.memory_space<vmem_shared>> -> memref<640xf32, #tpu.memory_space<vmem_shared>>
    tpu.wait_dma2 semaphore(%arg18 : memref<!tpu.dma_semaphore, #tpu.memory_space<semaphore_mem>>) src(%dma_wait3A_558 : memref<640xf32, #tpu.memory_space<vmem_shared>>) dst(%dma_wait3A_556 : memref<640xf32, #tpu.memory_space<vmem>>)
    %dma_wait3A_559 = arith.constant 12 : i32
    %dma_wait3A_560 = arith.constant 12 : i32
    %dma_wait3A_561 = arith.constant 0 : i32
    %dma_wait3A_562 = tpu.memref_slice %arg16[%dma_wait3A_560, %dma_wait3A_561] : memref<16x640xf32, #tpu.memory_space<vmem>> -> memref<1x640xf32, #tpu.memory_space<vmem>>
    %dma_wait3A_563 = tpu.memref_squeeze %dma_wait3A_562 : memref<1x640xf32, #tpu.memory_space<vmem>> -> memref<640xf32, #tpu.memory_space<vmem>>
    %dma_wait3A_564 = tpu.memref_slice %arg15[%dma_wait3A_559, %mul3A_222] : memref<16x10240xf32, #tpu.memory_space<vmem_shared>> -> memref<1x640xf32, #tpu.memory_space<vmem_shared>>
    %dma_wait3A_565 = tpu.memref_squeeze %dma_wait3A_564 : memref<1x640xf32, #tpu.memory_space<vmem_shared>> -> memref<640xf32, #tpu.memory_space<vmem_shared>>
    %dma_wait3A_566 = arith.constant 0 : i32
    %dma_wait3A_567 = tpu.memref_slice %arg16[%dma_wait3A_560, %dma_wait3A_566] : memref<16x640xf32, #tpu.memory_space<vmem>> -> memref<1x640xf32, #tpu.memory_space<vmem>>
    %dma_wait3A_568 = tpu.memref_squeeze %dma_wait3A_567 : memref<1x640xf32, #tpu.memory_space<vmem>> -> memref<640xf32, #tpu.memory_space<vmem>>
    %dma_wait3A_569 = tpu.memref_slice %arg15[%dma_wait3A_559, %mul3A_222] : memref<16x10240xf32, #tpu.memory_space<vmem_shared>> -> memref<1x640xf32, #tpu.memory_space<vmem_shared>>
    %dma_wait3A_570 = tpu.memref_squeeze %dma_wait3A_569 : memref<1x640xf32, #tpu.memory_space<vmem_shared>> -> memref<640xf32, #tpu.memory_space<vmem_shared>>
    tpu.wait_dma2 semaphore(%arg18 : memref<!tpu.dma_semaphore, #tpu.memory_space<semaphore_mem>>) src(%dma_wait3A_570 : memref<640xf32, #tpu.memory_space<vmem_shared>>) dst(%dma_wait3A_568 : memref<640xf32, #tpu.memory_space<vmem>>)
    %dma_wait3A_571 = arith.constant 13 : i32
    %dma_wait3A_572 = arith.constant 13 : i32
    %dma_wait3A_573 = arith.constant 0 : i32
    %dma_wait3A_574 = tpu.memref_slice %arg16[%dma_wait3A_572, %dma_wait3A_573] : memref<16x640xf32, #tpu.memory_space<vmem>> -> memref<1x640xf32, #tpu.memory_space<vmem>>
    %dma_wait3A_575 = tpu.memref_squeeze %dma_wait3A_574 : memref<1x640xf32, #tpu.memory_space<vmem>> -> memref<640xf32, #tpu.memory_space<vmem>>
    %dma_wait3A_576 = tpu.memref_slice %arg15[%dma_wait3A_571, %mul3A_222] : memref<16x10240xf32, #tpu.memory_space<vmem_shared>> -> memref<1x640xf32, #tpu.memory_space<vmem_shared>>
    %dma_wait3A_577 = tpu.memref_squeeze %dma_wait3A_576 : memref<1x640xf32, #tpu.memory_space<vmem_shared>> -> memref<640xf32, #tpu.memory_space<vmem_shared>>
    %dma_wait3A_578 = arith.constant 0 : i32
    %dma_wait3A_579 = tpu.memref_slice %arg16[%dma_wait3A_572, %dma_wait3A_578] : memref<16x640xf32, #tpu.memory_space<vmem>> -> memref<1x640xf32, #tpu.memory_space<vmem>>
    %dma_wait3A_580 = tpu.memref_squeeze %dma_wait3A_579 : memref<1x640xf32, #tpu.memory_space<vmem>> -> memref<640xf32, #tpu.memory_space<vmem>>
    %dma_wait3A_581 = tpu.memref_slice %arg15[%dma_wait3A_571, %mul3A_222] : memref<16x10240xf32, #tpu.memory_space<vmem_shared>> -> memref<1x640xf32, #tpu.memory_space<vmem_shared>>
    %dma_wait3A_582 = tpu.memref_squeeze %dma_wait3A_581 : memref<1x640xf32, #tpu.memory_space<vmem_shared>> -> memref<640xf32, #tpu.memory_space<vmem_shared>>
    tpu.wait_dma2 semaphore(%arg18 : memref<!tpu.dma_semaphore, #tpu.memory_space<semaphore_mem>>) src(%dma_wait3A_582 : memref<640xf32, #tpu.memory_space<vmem_shared>>) dst(%dma_wait3A_580 : memref<640xf32, #tpu.memory_space<vmem>>)
    %dma_wait3A_583 = arith.constant 14 : i32
    %dma_wait3A_584 = arith.constant 14 : i32
    %dma_wait3A_585 = arith.constant 0 : i32
    %dma_wait3A_586 = tpu.memref_slice %arg16[%dma_wait3A_584, %dma_wait3A_585] : memref<16x640xf32, #tpu.memory_space<vmem>> -> memref<1x640xf32, #tpu.memory_space<vmem>>
    %dma_wait3A_587 = tpu.memref_squeeze %dma_wait3A_586 : memref<1x640xf32, #tpu.memory_space<vmem>> -> memref<640xf32, #tpu.memory_space<vmem>>
    %dma_wait3A_588 = tpu.memref_slice %arg15[%dma_wait3A_583, %mul3A_222] : memref<16x10240xf32, #tpu.memory_space<vmem_shared>> -> memref<1x640xf32, #tpu.memory_space<vmem_shared>>
    %dma_wait3A_589 = tpu.memref_squeeze %dma_wait3A_588 : memref<1x640xf32, #tpu.memory_space<vmem_shared>> -> memref<640xf32, #tpu.memory_space<vmem_shared>>
    %dma_wait3A_590 = arith.constant 0 : i32
    %dma_wait3A_591 = tpu.memref_slice %arg16[%dma_wait3A_584, %dma_wait3A_590] : memref<16x640xf32, #tpu.memory_space<vmem>> -> memref<1x640xf32, #tpu.memory_space<vmem>>
    %dma_wait3A_592 = tpu.memref_squeeze %dma_wait3A_591 : memref<1x640xf32, #tpu.memory_space<vmem>> -> memref<640xf32, #tpu.memory_space<vmem>>
    %dma_wait3A_593 = tpu.memref_slice %arg15[%dma_wait3A_583, %mul3A_222] : memref<16x10240xf32, #tpu.memory_space<vmem_shared>> -> memref<1x640xf32, #tpu.memory_space<vmem_shared>>
    %dma_wait3A_594 = tpu.memref_squeeze %dma_wait3A_593 : memref<1x640xf32, #tpu.memory_space<vmem_shared>> -> memref<640xf32, #tpu.memory_space<vmem_shared>>
    tpu.wait_dma2 semaphore(%arg18 : memref<!tpu.dma_semaphore, #tpu.memory_space<semaphore_mem>>) src(%dma_wait3A_594 : memref<640xf32, #tpu.memory_space<vmem_shared>>) dst(%dma_wait3A_592 : memref<640xf32, #tpu.memory_space<vmem>>)
    %dma_wait3A_595 = arith.constant 15 : i32
    %dma_wait3A_596 = arith.constant 15 : i32
    %dma_wait3A_597 = arith.constant 0 : i32
    %dma_wait3A_598 = tpu.memref_slice %arg16[%dma_wait3A_596, %dma_wait3A_597] : memref<16x640xf32, #tpu.memory_space<vmem>> -> memref<1x640xf32, #tpu.memory_space<vmem>>
    %dma_wait3A_599 = tpu.memref_squeeze %dma_wait3A_598 : memref<1x640xf32, #tpu.memory_space<vmem>> -> memref<640xf32, #tpu.memory_space<vmem>>
    %dma_wait3A_600 = tpu.memref_slice %arg15[%dma_wait3A_595, %mul3A_222] : memref<16x10240xf32, #tpu.memory_space<vmem_shared>> -> memref<1x640xf32, #tpu.memory_space<vmem_shared>>
    %dma_wait3A_601 = tpu.memref_squeeze %dma_wait3A_600 : memref<1x640xf32, #tpu.memory_space<vmem_shared>> -> memref<640xf32, #tpu.memory_space<vmem_shared>>
    %dma_wait3A_602 = arith.constant 0 : i32
    %dma_wait3A_603 = tpu.memref_slice %arg16[%dma_wait3A_596, %dma_wait3A_602] : memref<16x640xf32, #tpu.memory_space<vmem>> -> memref<1x640xf32, #tpu.memory_space<vmem>>
    %dma_wait3A_604 = tpu.memref_squeeze %dma_wait3A_603 : memref<1x640xf32, #tpu.memory_space<vmem>> -> memref<640xf32, #tpu.memory_space<vmem>>
    %dma_wait3A_605 = tpu.memref_slice %arg15[%dma_wait3A_595, %mul3A_222] : memref<16x10240xf32, #tpu.memory_space<vmem_shared>> -> memref<1x640xf32, #tpu.memory_space<vmem_shared>>
    %dma_wait3A_606 = tpu.memref_squeeze %dma_wait3A_605 : memref<1x640xf32, #tpu.memory_space<vmem_shared>> -> memref<640xf32, #tpu.memory_space<vmem_shared>>
    tpu.wait_dma2 semaphore(%arg18 : memref<!tpu.dma_semaphore, #tpu.memory_space<semaphore_mem>>) src(%dma_wait3A_606 : memref<640xf32, #tpu.memory_space<vmem_shared>>) dst(%dma_wait3A_604 : memref<640xf32, #tpu.memory_space<vmem>>)
    %scan3A_607 = arith.constant 0 : i32
    %scan3A_608 = arith.constant 0 : i32
    %scan3A_609 = arith.constant 40 : i32
    %scan3A_610 = arith.addi %scan3A_608, %scan3A_609 : i32
    %scan3A_611 = arith.constant 1 : i32
    scf.for %scan3A_613 = %scan3A_608 to %scan3A_610 step %scan3A_611  : i32 {
      %mul3A_614 = arith.constant 16 : i32
      %mul3A_615 = arith.muli %scan3A_613, %mul3A_614 : i32
      %multiple_of3A = tpu.assume_multiple %mul3A_615, 16 : i32
      %get3A = arith.constant 0 : i32
      %get3A_616 = arith.index_cast %get3A : i32 to index
      %get3A_617 = arith.index_cast %multiple_of3A : i32 to index
      %get3A_618 = tpu.vector_load %arg16[%get3A_616, %get3A_617] {strides = array<i32>} : memref<16x640xf32, #tpu.memory_space<vmem>>, vector<16xf32>,
      %get3A_619 = arith.constant 1 : i32
      %get3A_620 = arith.index_cast %get3A_619 : i32 to index
      %get3A_621 = arith.index_cast %multiple_of3A : i32 to index
      %get3A_622 = tpu.vector_load %arg16[%get3A_620, %get3A_621] {strides = array<i32>} : memref<16x640xf32, #tpu.memory_space<vmem>>, vector<16xf32>,
      %add3A_623 = arith.addf %get3A_618, %get3A_622 : vector<16xf32>
      %get3A_624 = arith.constant 2 : i32
      %get3A_625 = arith.index_cast %get3A_624 : i32 to index
      %get3A_626 = arith.index_cast %multiple_of3A : i32 to index
      %get3A_627 = tpu.vector_load %arg16[%get3A_625, %get3A_626] {strides = array<i32>} : memref<16x640xf32, #tpu.memory_space<vmem>>, vector<16xf32>,
      %add3A_628 = arith.addf %add3A_623, %get3A_627 : vector<16xf32>
      %get3A_629 = arith.constant 3 : i32
      %get3A_630 = arith.index_cast %get3A_629 : i32 to index
      %get3A_631 = arith.index_cast %multiple_of3A : i32 to index
      %get3A_632 = tpu.vector_load %arg16[%get3A_630, %get3A_631] {strides = array<i32>} : memref<16x640xf32, #tpu.memory_space<vmem>>, vector<16xf32>,
      %add3A_633 = arith.addf %add3A_628, %get3A_632 : vector<16xf32>
      %get3A_634 = arith.constant 4 : i32
      %get3A_635 = arith.index_cast %get3A_634 : i32 to index
      %get3A_636 = arith.index_cast %multiple_of3A : i32 to index
      %get3A_637 = tpu.vector_load %arg16[%get3A_635, %get3A_636] {strides = array<i32>} : memref<16x640xf32, #tpu.memory_space<vmem>>, vector<16xf32>,
      %add3A_638 = arith.addf %add3A_633, %get3A_637 : vector<16xf32>
      %get3A_639 = arith.constant 5 : i32
      %get3A_640 = arith.index_cast %get3A_639 : i32 to index
      %get3A_641 = arith.index_cast %multiple_of3A : i32 to index
      %get3A_642 = tpu.vector_load %arg16[%get3A_640, %get3A_641] {strides = array<i32>} : memref<16x640xf32, #tpu.memory_space<vmem>>, vector<16xf32>,
      %add3A_643 = arith.addf %add3A_638, %get3A_642 : vector<16xf32>
      %get3A_644 = arith.constant 6 : i32
      %get3A_645 = arith.index_cast %get3A_644 : i32 to index
      %get3A_646 = arith.index_cast %multiple_of3A : i32 to index
      %get3A_647 = tpu.vector_load %arg16[%get3A_645, %get3A_646] {strides = array<i32>} : memref<16x640xf32, #tpu.memory_space<vmem>>, vector<16xf32>,
      %add3A_648 = arith.addf %add3A_643, %get3A_647 : vector<16xf32>
      %get3A_649 = arith.constant 7 : i32
      %get3A_650 = arith.index_cast %get3A_649 : i32 to index
      %get3A_651 = arith.index_cast %multiple_of3A : i32 to index
      %get3A_652 = tpu.vector_load %arg16[%get3A_650, %get3A_651] {strides = array<i32>} : memref<16x640xf32, #tpu.memory_space<vmem>>, vector<16xf32>,
      %add3A_653 = arith.addf %add3A_648, %get3A_652 : vector<16xf32>
      %get3A_654 = arith.constant 8 : i32
      %get3A_655 = arith.index_cast %get3A_654 : i32 to index
      %get3A_656 = arith.index_cast %multiple_of3A : i32 to index
      %get3A_657 = tpu.vector_load %arg16[%get3A_655, %get3A_656] {strides = array<i32>} : memref<16x640xf32, #tpu.memory_space<vmem>>, vector<16xf32>,
      %add3A_658 = arith.addf %add3A_653, %get3A_657 : vector<16xf32>
      %get3A_659 = arith.constant 9 : i32
      %get3A_660 = arith.index_cast %get3A_659 : i32 to index
      %get3A_661 = arith.index_cast %multiple_of3A : i32 to index
      %get3A_662 = tpu.vector_load %arg16[%get3A_660, %get3A_661] {strides = array<i32>} : memref<16x640xf32, #tpu.memory_space<vmem>>, vector<16xf32>,
      %add3A_663 = arith.addf %add3A_658, %get3A_662 : vector<16xf32>
      %get3A_664 = arith.constant 10 : i32
      %get3A_665 = arith.index_cast %get3A_664 : i32 to index
      %get3A_666 = arith.index_cast %multiple_of3A : i32 to index
      %get3A_667 = tpu.vector_load %arg16[%get3A_665, %get3A_666] {strides = array<i32>} : memref<16x640xf32, #tpu.memory_space<vmem>>, vector<16xf32>,
      %add3A_668 = arith.addf %add3A_663, %get3A_667 : vector<16xf32>
      %get3A_669 = arith.constant 11 : i32
      %get3A_670 = arith.index_cast %get3A_669 : i32 to index
      %get3A_671 = arith.index_cast %multiple_of3A : i32 to index
      %get3A_672 = tpu.vector_load %arg16[%get3A_670, %get3A_671] {strides = array<i32>} : memref<16x640xf32, #tpu.memory_space<vmem>>, vector<16xf32>,
      %add3A_673 = arith.addf %add3A_668, %get3A_672 : vector<16xf32>
      %get3A_674 = arith.constant 12 : i32
      %get3A_675 = arith.index_cast %get3A_674 : i32 to index
      %get3A_676 = arith.index_cast %multiple_of3A : i32 to index
      %get3A_677 = tpu.vector_load %arg16[%get3A_675, %get3A_676] {strides = array<i32>} : memref<16x640xf32, #tpu.memory_space<vmem>>, vector<16xf32>,
      %add3A_678 = arith.addf %add3A_673, %get3A_677 : vector<16xf32>
      %get3A_679 = arith.constant 13 : i32
      %get3A_680 = arith.index_cast %get3A_679 : i32 to index
      %get3A_681 = arith.index_cast %multiple_of3A : i32 to index
      %get3A_682 = tpu.vector_load %arg16[%get3A_680, %get3A_681] {strides = array<i32>} : memref<16x640xf32, #tpu.memory_space<vmem>>, vector<16xf32>,
      %add3A_683 = arith.addf %add3A_678, %get3A_682 : vector<16xf32>
      %get3A_684 = arith.constant 14 : i32
      %get3A_685 = arith.index_cast %get3A_684 : i32 to index
      %get3A_686 = arith.index_cast %multiple_of3A : i32 to index
      %get3A_687 = tpu.vector_load %arg16[%get3A_685, %get3A_686] {strides = array<i32>} : memref<16x640xf32, #tpu.memory_space<vmem>>, vector<16xf32>,
      %add3A_688 = arith.addf %add3A_683, %get3A_687 : vector<16xf32>
      %get3A_689 = arith.constant 15 : i32
      %get3A_690 = arith.index_cast %get3A_689 : i32 to index
      %get3A_691 = arith.index_cast %multiple_of3A : i32 to index
      %get3A_692 = tpu.vector_load %arg16[%get3A_690, %get3A_691] {strides = array<i32>} : memref<16x640xf32, #tpu.memory_space<vmem>>, vector<16xf32>,
      %add3A_693 = arith.addf %add3A_688, %get3A_692 : vector<16xf32>
      %swap3A = arith.index_cast %multiple_of3A : i32 to index
      %swap3A_694 = tpu.vector_load %arg17[%swap3A] {strides = array<i32>} : memref<640xf32, #tpu.memory_space<vmem>>, vector<16xf32>,
      tpu.vector_store %arg17[%swap3A], %add3A_693 {strides = array<i32>} : memref<640xf32, #tpu.memory_space<vmem>>, vector<16xf32>,
    }
    %scan3A_612 = arith.constant 40 : i32
    "tpu.region"() ({
      %run_scoped3A = tpu.sem_alloc : memref<!tpu.dma_semaphore, #tpu.memory_space<semaphore_mem>>
      %dma_start3A_613 = tpu.memref_slice %arg6[%arg0, %mul3A_222] : memref<2x10240xf32, #tpu.memory_space<hbm>> -> memref<1x640xf32, #tpu.memory_space<hbm>>
      %dma_start3A_614 = tpu.memref_squeeze %dma_start3A_613 : memref<1x640xf32, #tpu.memory_space<hbm>> -> memref<640xf32, #tpu.memory_space<hbm>>
      %dma_start3A_615 = tpu.memref_slice %arg6[%arg0, %mul3A_222] : memref<2x10240xf32, #tpu.memory_space<hbm>> -> memref<1x640xf32, #tpu.memory_space<hbm>>
      %dma_start3A_616 = tpu.memref_squeeze %dma_start3A_615 : memref<1x640xf32, #tpu.memory_space<hbm>> -> memref<640xf32, #tpu.memory_space<hbm>>
      tpu.enqueue_dma source(%arg17 : memref<640xf32, #tpu.memory_space<vmem>>) target(%dma_start3A_616 : memref<640xf32, #tpu.memory_space<hbm>>) target_semaphore(%run_scoped3A : memref<!tpu.dma_semaphore, #tpu.memory_space<semaphore_mem>>)
      %dma_wait3A_617 = tpu.memref_slice %arg6[%arg0, %mul3A_222] : memref<2x10240xf32, #tpu.memory_space<hbm>> -> memref<1x640xf32, #tpu.memory_space<hbm>>
      %dma_wait3A_618 = tpu.memref_squeeze %dma_wait3A_617 : memref<1x640xf32, #tpu.memory_space<hbm>> -> memref<640xf32, #tpu.memory_space<hbm>>
      %dma_wait3A_619 = tpu.memref_slice %arg6[%arg0, %mul3A_222] : memref<2x10240xf32, #tpu.memory_space<hbm>> -> memref<1x640xf32, #tpu.memory_space<hbm>>
      %dma_wait3A_620 = tpu.memref_squeeze %dma_wait3A_619 : memref<1x640xf32, #tpu.memory_space<hbm>> -> memref<640xf32, #tpu.memory_space<hbm>>
      tpu.wait_dma2 semaphore(%run_scoped3A : memref<!tpu.dma_semaphore, #tpu.memory_space<semaphore_mem>>) src(%arg17 : memref<640xf32, #tpu.memory_space<vmem>>) dst(%dma_wait3A_620 : memref<640xf32, #tpu.memory_space<hbm>>)
      tpu.yield
    }) : () -> ()
    return
  }
}

#map = affine_map<(d0, d1) -> (0, 0)>
#map1 = affine_map<(d0, d1) -> (0)>
module attributes {stable_mosaic.version = 14 : i64} {
  func.func @k(%arg0: i32, %arg1: i32, %arg2: memref<2x320000xi32, #tpu.memory_space<hbm>>, %arg3: memref<10000xf32, #tpu.memory_space<hbm>>, %arg4: memref<10000xf32, #tpu.memory_space<hbm>>, %arg5: memref<10240xf32, #tpu.memory_space<hbm>>, %arg6: memref<2x10240xf32, #tpu.memory_space<hbm>>, %arg7: memref<320000xf32, #tpu.memory_space<hbm>>, %arg8: memref<2000xi32, #tpu.memory_space<vmem>>, %arg9: memref<2000xi32, #tpu.memory_space<vmem>>, %arg10: memref<10000xf32, #tpu.memory_space<vmem>>, %arg11: memref<10000xf32, #tpu.memory_space<vmem>>, %arg12: memref<10240xf32, #tpu.memory_space<vmem>>, %arg13: memref<2x10240xf32, #tpu.memory_space<vmem>>, %arg14: memref<10240xf32, #tpu.memory_space<vmem>>, %arg15: memref<2000xf32, #tpu.memory_space<vmem>>, %arg16: memref<!tpu.dma_semaphore, #tpu.memory_space<semaphore_mem>>) attributes {dimension_semantics = [#tpu.dimension_semantics<core_parallel>, #tpu.dimension_semantics<subcore_parallel>], iteration_bounds = array<i64: 2, 16>, scalar_prefetch = 0 : i64, scratch_operands = 9 : i64, tpu.core_type = #tpu.core_type<sc_vector_subcore>, window_params = [{transform_indices = #map}, {transform_indices = #map1}, {transform_indices = #map1}, {transform_indices = #map1}, {transform_indices = #map}, {transform_indices = #map1}]} {
    %mul3A = arith.constant 2 : i32
    %mul3A_0 = arith.muli %arg1, %mul3A : i32
    %add3A = arith.addi %mul3A_0, %arg0 : i32
    %dma_start3A = arith.constant 0 : i32
    %dma_start3A_1 = arith.constant 0 : i32
    %dma_start3A_2 = arith.constant 0 : i32
    %dma_start3A_3 = tpu.memref_slice %arg13[%dma_start3A_1, %dma_start3A_2] : memref<2x10240xf32, #tpu.memory_space<vmem>> -> memref<1x10240xf32, #tpu.memory_space<vmem>>
    %dma_start3A_4 = tpu.memref_squeeze %dma_start3A_3 : memref<1x10240xf32, #tpu.memory_space<vmem>> -> memref<10240xf32, #tpu.memory_space<vmem>>
    %dma_start3A_5 = arith.constant 0 : i32
    %dma_start3A_6 = tpu.memref_slice %arg6[%dma_start3A, %dma_start3A_5] : memref<2x10240xf32, #tpu.memory_space<hbm>> -> memref<1x10240xf32, #tpu.memory_space<hbm>>
    %dma_start3A_7 = tpu.memref_squeeze %dma_start3A_6 : memref<1x10240xf32, #tpu.memory_space<hbm>> -> memref<10240xf32, #tpu.memory_space<hbm>>
    %dma_start3A_8 = arith.constant 0 : i32
    %dma_start3A_9 = tpu.memref_slice %arg13[%dma_start3A_1, %dma_start3A_8] : memref<2x10240xf32, #tpu.memory_space<vmem>> -> memref<1x10240xf32, #tpu.memory_space<vmem>>
    %dma_start3A_10 = tpu.memref_squeeze %dma_start3A_9 : memref<1x10240xf32, #tpu.memory_space<vmem>> -> memref<10240xf32, #tpu.memory_space<vmem>>
    %dma_start3A_11 = arith.constant 0 : i32
    %dma_start3A_12 = tpu.memref_slice %arg6[%dma_start3A, %dma_start3A_11] : memref<2x10240xf32, #tpu.memory_space<hbm>> -> memref<1x10240xf32, #tpu.memory_space<hbm>>
    %dma_start3A_13 = tpu.memref_squeeze %dma_start3A_12 : memref<1x10240xf32, #tpu.memory_space<hbm>> -> memref<10240xf32, #tpu.memory_space<hbm>>
    tpu.enqueue_dma source(%dma_start3A_13 : memref<10240xf32, #tpu.memory_space<hbm>>) target(%dma_start3A_10 : memref<10240xf32, #tpu.memory_space<vmem>>) target_semaphore(%arg16 : memref<!tpu.dma_semaphore, #tpu.memory_space<semaphore_mem>>)
    %dma_start3A_14 = arith.constant 1 : i32
    %dma_start3A_15 = arith.constant 1 : i32
    %dma_start3A_16 = arith.constant 0 : i32
    %dma_start3A_17 = tpu.memref_slice %arg13[%dma_start3A_15, %dma_start3A_16] : memref<2x10240xf32, #tpu.memory_space<vmem>> -> memref<1x10240xf32, #tpu.memory_space<vmem>>
    %dma_start3A_18 = tpu.memref_squeeze %dma_start3A_17 : memref<1x10240xf32, #tpu.memory_space<vmem>> -> memref<10240xf32, #tpu.memory_space<vmem>>
    %dma_start3A_19 = arith.constant 0 : i32
    %dma_start3A_20 = tpu.memref_slice %arg6[%dma_start3A_14, %dma_start3A_19] : memref<2x10240xf32, #tpu.memory_space<hbm>> -> memref<1x10240xf32, #tpu.memory_space<hbm>>
    %dma_start3A_21 = tpu.memref_squeeze %dma_start3A_20 : memref<1x10240xf32, #tpu.memory_space<hbm>> -> memref<10240xf32, #tpu.memory_space<hbm>>
    %dma_start3A_22 = arith.constant 0 : i32
    %dma_start3A_23 = tpu.memref_slice %arg13[%dma_start3A_15, %dma_start3A_22] : memref<2x10240xf32, #tpu.memory_space<vmem>> -> memref<1x10240xf32, #tpu.memory_space<vmem>>
    %dma_start3A_24 = tpu.memref_squeeze %dma_start3A_23 : memref<1x10240xf32, #tpu.memory_space<vmem>> -> memref<10240xf32, #tpu.memory_space<vmem>>
    %dma_start3A_25 = arith.constant 0 : i32
    %dma_start3A_26 = tpu.memref_slice %arg6[%dma_start3A_14, %dma_start3A_25] : memref<2x10240xf32, #tpu.memory_space<hbm>> -> memref<1x10240xf32, #tpu.memory_space<hbm>>
    %dma_start3A_27 = tpu.memref_squeeze %dma_start3A_26 : memref<1x10240xf32, #tpu.memory_space<hbm>> -> memref<10240xf32, #tpu.memory_space<hbm>>
    tpu.enqueue_dma source(%dma_start3A_27 : memref<10240xf32, #tpu.memory_space<hbm>>) target(%dma_start3A_24 : memref<10240xf32, #tpu.memory_space<vmem>>) target_semaphore(%arg16 : memref<!tpu.dma_semaphore, #tpu.memory_space<semaphore_mem>>)
    "tpu.region"() ({
      %run_scoped3A = tpu.sem_alloc : memref<!tpu.dma_semaphore, #tpu.memory_space<semaphore_mem>>
      tpu.enqueue_dma source(%arg3 : memref<10000xf32, #tpu.memory_space<hbm>>) target(%arg10 : memref<10000xf32, #tpu.memory_space<vmem>>) target_semaphore(%run_scoped3A : memref<!tpu.dma_semaphore, #tpu.memory_space<semaphore_mem>>)
      tpu.wait_dma2 semaphore(%run_scoped3A : memref<!tpu.dma_semaphore, #tpu.memory_space<semaphore_mem>>) src(%arg3 : memref<10000xf32, #tpu.memory_space<hbm>>) dst(%arg10 : memref<10000xf32, #tpu.memory_space<vmem>>)
      tpu.yield
    }) : () -> ()
    "tpu.region"() ({
      %run_scoped3A = tpu.sem_alloc : memref<!tpu.dma_semaphore, #tpu.memory_space<semaphore_mem>>
      tpu.enqueue_dma source(%arg4 : memref<10000xf32, #tpu.memory_space<hbm>>) target(%arg11 : memref<10000xf32, #tpu.memory_space<vmem>>) target_semaphore(%run_scoped3A : memref<!tpu.dma_semaphore, #tpu.memory_space<semaphore_mem>>)
      tpu.wait_dma2 semaphore(%run_scoped3A : memref<!tpu.dma_semaphore, #tpu.memory_space<semaphore_mem>>) src(%arg4 : memref<10000xf32, #tpu.memory_space<hbm>>) dst(%arg11 : memref<10000xf32, #tpu.memory_space<vmem>>)
      tpu.yield
    }) : () -> ()
    "tpu.region"() ({
      %run_scoped3A = tpu.sem_alloc : memref<!tpu.dma_semaphore, #tpu.memory_space<semaphore_mem>>
      tpu.enqueue_dma source(%arg5 : memref<10240xf32, #tpu.memory_space<hbm>>) target(%arg12 : memref<10240xf32, #tpu.memory_space<vmem>>) target_semaphore(%run_scoped3A : memref<!tpu.dma_semaphore, #tpu.memory_space<semaphore_mem>>)
      tpu.wait_dma2 semaphore(%run_scoped3A : memref<!tpu.dma_semaphore, #tpu.memory_space<semaphore_mem>>) src(%arg5 : memref<10240xf32, #tpu.memory_space<hbm>>) dst(%arg12 : memref<10240xf32, #tpu.memory_space<vmem>>)
      tpu.yield
    }) : () -> ()
    %dma_wait3A = arith.constant 0 : i32
    %dma_wait3A_28 = arith.constant 0 : i32
    %dma_wait3A_29 = arith.constant 0 : i32
    %dma_wait3A_30 = tpu.memref_slice %arg13[%dma_wait3A_28, %dma_wait3A_29] : memref<2x10240xf32, #tpu.memory_space<vmem>> -> memref<1x10240xf32, #tpu.memory_space<vmem>>
    %dma_wait3A_31 = tpu.memref_squeeze %dma_wait3A_30 : memref<1x10240xf32, #tpu.memory_space<vmem>> -> memref<10240xf32, #tpu.memory_space<vmem>>
    %dma_wait3A_32 = arith.constant 0 : i32
    %dma_wait3A_33 = tpu.memref_slice %arg6[%dma_wait3A, %dma_wait3A_32] : memref<2x10240xf32, #tpu.memory_space<hbm>> -> memref<1x10240xf32, #tpu.memory_space<hbm>>
    %dma_wait3A_34 = tpu.memref_squeeze %dma_wait3A_33 : memref<1x10240xf32, #tpu.memory_space<hbm>> -> memref<10240xf32, #tpu.memory_space<hbm>>
    %dma_wait3A_35 = arith.constant 0 : i32
    %dma_wait3A_36 = tpu.memref_slice %arg13[%dma_wait3A_28, %dma_wait3A_35] : memref<2x10240xf32, #tpu.memory_space<vmem>> -> memref<1x10240xf32, #tpu.memory_space<vmem>>
    %dma_wait3A_37 = tpu.memref_squeeze %dma_wait3A_36 : memref<1x10240xf32, #tpu.memory_space<vmem>> -> memref<10240xf32, #tpu.memory_space<vmem>>
    %dma_wait3A_38 = arith.constant 0 : i32
    %dma_wait3A_39 = tpu.memref_slice %arg6[%dma_wait3A, %dma_wait3A_38] : memref<2x10240xf32, #tpu.memory_space<hbm>> -> memref<1x10240xf32, #tpu.memory_space<hbm>>
    %dma_wait3A_40 = tpu.memref_squeeze %dma_wait3A_39 : memref<1x10240xf32, #tpu.memory_space<hbm>> -> memref<10240xf32, #tpu.memory_space<hbm>>
    tpu.wait_dma2 semaphore(%arg16 : memref<!tpu.dma_semaphore, #tpu.memory_space<semaphore_mem>>) src(%dma_wait3A_40 : memref<10240xf32, #tpu.memory_space<hbm>>) dst(%dma_wait3A_37 : memref<10240xf32, #tpu.memory_space<vmem>>)
    %dma_wait3A_41 = arith.constant 1 : i32
    %dma_wait3A_42 = arith.constant 1 : i32
    %dma_wait3A_43 = arith.constant 0 : i32
    %dma_wait3A_44 = tpu.memref_slice %arg13[%dma_wait3A_42, %dma_wait3A_43] : memref<2x10240xf32, #tpu.memory_space<vmem>> -> memref<1x10240xf32, #tpu.memory_space<vmem>>
    %dma_wait3A_45 = tpu.memref_squeeze %dma_wait3A_44 : memref<1x10240xf32, #tpu.memory_space<vmem>> -> memref<10240xf32, #tpu.memory_space<vmem>>
    %dma_wait3A_46 = arith.constant 0 : i32
    %dma_wait3A_47 = tpu.memref_slice %arg6[%dma_wait3A_41, %dma_wait3A_46] : memref<2x10240xf32, #tpu.memory_space<hbm>> -> memref<1x10240xf32, #tpu.memory_space<hbm>>
    %dma_wait3A_48 = tpu.memref_squeeze %dma_wait3A_47 : memref<1x10240xf32, #tpu.memory_space<hbm>> -> memref<10240xf32, #tpu.memory_space<hbm>>
    %dma_wait3A_49 = arith.constant 0 : i32
    %dma_wait3A_50 = tpu.memref_slice %arg13[%dma_wait3A_42, %dma_wait3A_49] : memref<2x10240xf32, #tpu.memory_space<vmem>> -> memref<1x10240xf32, #tpu.memory_space<vmem>>
    %dma_wait3A_51 = tpu.memref_squeeze %dma_wait3A_50 : memref<1x10240xf32, #tpu.memory_space<vmem>> -> memref<10240xf32, #tpu.memory_space<vmem>>
    %dma_wait3A_52 = arith.constant 0 : i32
    %dma_wait3A_53 = tpu.memref_slice %arg6[%dma_wait3A_41, %dma_wait3A_52] : memref<2x10240xf32, #tpu.memory_space<hbm>> -> memref<1x10240xf32, #tpu.memory_space<hbm>>
    %dma_wait3A_54 = tpu.memref_squeeze %dma_wait3A_53 : memref<1x10240xf32, #tpu.memory_space<hbm>> -> memref<10240xf32, #tpu.memory_space<hbm>>
    tpu.wait_dma2 semaphore(%arg16 : memref<!tpu.dma_semaphore, #tpu.memory_space<semaphore_mem>>) src(%dma_wait3A_54 : memref<10240xf32, #tpu.memory_space<hbm>>) dst(%dma_wait3A_51 : memref<10240xf32, #tpu.memory_space<vmem>>)
    %scan3A = arith.constant 0 : i32
    %scan3A_55 = arith.constant 0 : i32
    %scan3A_56 = arith.constant 160 : i32
    %scan3A_57 = arith.addi %scan3A_55, %scan3A_56 : i32
    %scan3A_58 = arith.constant 1 : i32
    scf.for %scan3A_210 = %scan3A_55 to %scan3A_57 step %scan3A_58  : i32 {
      %mul3A_211 = arith.constant 64 : i32
      %mul3A_212 = arith.muli %scan3A_210, %mul3A_211 : i32
      %multiple_of3A = tpu.assume_multiple %mul3A_212, 16 : i32
      %add3A_213 = arith.constant 0 : i32
      %add3A_214 = arith.addi %multiple_of3A, %add3A_213 : i32
      %get3A = arith.constant 0 : i32
      %get3A_215 = arith.index_cast %get3A : i32 to index
      %get3A_216 = arith.index_cast %add3A_214 : i32 to index
      %get3A_217 = tpu.vector_load %arg13[%get3A_215, %get3A_216] {strides = array<i32>} : memref<2x10240xf32, #tpu.memory_space<vmem>>, vector<16xf32>,
      %get3A_218 = arith.constant 1 : i32
      %get3A_219 = arith.index_cast %get3A_218 : i32 to index
      %get3A_220 = arith.index_cast %add3A_214 : i32 to index
      %get3A_221 = tpu.vector_load %arg13[%get3A_219, %get3A_220] {strides = array<i32>} : memref<2x10240xf32, #tpu.memory_space<vmem>>, vector<16xf32>,
      %add3A_222 = arith.addf %get3A_217, %get3A_221 : vector<16xf32>
      %swap3A = arith.index_cast %add3A_214 : i32 to index
      %swap3A_223 = tpu.vector_load %arg14[%swap3A] {strides = array<i32>} : memref<10240xf32, #tpu.memory_space<vmem>>, vector<16xf32>,
      tpu.vector_store %arg14[%swap3A], %add3A_222 {strides = array<i32>} : memref<10240xf32, #tpu.memory_space<vmem>>, vector<16xf32>,
      %add3A_224 = arith.constant 16 : i32
      %add3A_225 = arith.addi %multiple_of3A, %add3A_224 : i32
      %get3A_226 = arith.constant 0 : i32
      %get3A_227 = arith.index_cast %get3A_226 : i32 to index
      %get3A_228 = arith.index_cast %add3A_225 : i32 to index
      %get3A_229 = tpu.vector_load %arg13[%get3A_227, %get3A_228] {strides = array<i32>} : memref<2x10240xf32, #tpu.memory_space<vmem>>, vector<16xf32>,
      %get3A_230 = arith.constant 1 : i32
      %get3A_231 = arith.index_cast %get3A_230 : i32 to index
      %get3A_232 = arith.index_cast %add3A_225 : i32 to index
      %get3A_233 = tpu.vector_load %arg13[%get3A_231, %get3A_232] {strides = array<i32>} : memref<2x10240xf32, #tpu.memory_space<vmem>>, vector<16xf32>,
      %add3A_234 = arith.addf %get3A_229, %get3A_233 : vector<16xf32>
      %swap3A_235 = arith.index_cast %add3A_225 : i32 to index
      %swap3A_236 = tpu.vector_load %arg14[%swap3A_235] {strides = array<i32>} : memref<10240xf32, #tpu.memory_space<vmem>>, vector<16xf32>,
      tpu.vector_store %arg14[%swap3A_235], %add3A_234 {strides = array<i32>} : memref<10240xf32, #tpu.memory_space<vmem>>, vector<16xf32>,
      %add3A_237 = arith.constant 32 : i32
      %add3A_238 = arith.addi %multiple_of3A, %add3A_237 : i32
      %get3A_239 = arith.constant 0 : i32
      %get3A_240 = arith.index_cast %get3A_239 : i32 to index
      %get3A_241 = arith.index_cast %add3A_238 : i32 to index
      %get3A_242 = tpu.vector_load %arg13[%get3A_240, %get3A_241] {strides = array<i32>} : memref<2x10240xf32, #tpu.memory_space<vmem>>, vector<16xf32>,
      %get3A_243 = arith.constant 1 : i32
      %get3A_244 = arith.index_cast %get3A_243 : i32 to index
      %get3A_245 = arith.index_cast %add3A_238 : i32 to index
      %get3A_246 = tpu.vector_load %arg13[%get3A_244, %get3A_245] {strides = array<i32>} : memref<2x10240xf32, #tpu.memory_space<vmem>>, vector<16xf32>,
      %add3A_247 = arith.addf %get3A_242, %get3A_246 : vector<16xf32>
      %swap3A_248 = arith.index_cast %add3A_238 : i32 to index
      %swap3A_249 = tpu.vector_load %arg14[%swap3A_248] {strides = array<i32>} : memref<10240xf32, #tpu.memory_space<vmem>>, vector<16xf32>,
      tpu.vector_store %arg14[%swap3A_248], %add3A_247 {strides = array<i32>} : memref<10240xf32, #tpu.memory_space<vmem>>, vector<16xf32>,
      %add3A_250 = arith.constant 48 : i32
      %add3A_251 = arith.addi %multiple_of3A, %add3A_250 : i32
      %get3A_252 = arith.constant 0 : i32
      %get3A_253 = arith.index_cast %get3A_252 : i32 to index
      %get3A_254 = arith.index_cast %add3A_251 : i32 to index
      %get3A_255 = tpu.vector_load %arg13[%get3A_253, %get3A_254] {strides = array<i32>} : memref<2x10240xf32, #tpu.memory_space<vmem>>, vector<16xf32>,
      %get3A_256 = arith.constant 1 : i32
      %get3A_257 = arith.index_cast %get3A_256 : i32 to index
      %get3A_258 = arith.index_cast %add3A_251 : i32 to index
      %get3A_259 = tpu.vector_load %arg13[%get3A_257, %get3A_258] {strides = array<i32>} : memref<2x10240xf32, #tpu.memory_space<vmem>>, vector<16xf32>,
      %add3A_260 = arith.addf %get3A_255, %get3A_259 : vector<16xf32>
      %swap3A_261 = arith.index_cast %add3A_251 : i32 to index
      %swap3A_262 = tpu.vector_load %arg14[%swap3A_261] {strides = array<i32>} : memref<10240xf32, #tpu.memory_space<vmem>>, vector<16xf32>,
      tpu.vector_store %arg14[%swap3A_261], %add3A_260 {strides = array<i32>} : memref<10240xf32, #tpu.memory_space<vmem>>, vector<16xf32>,
    }
    %scan3A_59 = arith.constant 160 : i32
    %mul3A_60 = arith.constant 10000 : i32
    %mul3A_61 = arith.muli %add3A, %mul3A_60 : i32
    %add3A_62 = arith.constant 0 : i32
    %add3A_63 = arith.addi %mul3A_61, %add3A_62 : i32
    %dma_start3A_64 = arith.constant 0 : i32
    %dma_start3A_65 = tpu.memref_slice %arg2[%dma_start3A_64, %add3A_63] : memref<2x320000xi32, #tpu.memory_space<hbm>> -> memref<1x2000xi32, #tpu.memory_space<hbm>>
    %dma_start3A_66 = tpu.memref_squeeze %dma_start3A_65 : memref<1x2000xi32, #tpu.memory_space<hbm>> -> memref<2000xi32, #tpu.memory_space<hbm>>
    %dma_start3A_67 = tpu.memref_slice %arg2[%dma_start3A_64, %add3A_63] : memref<2x320000xi32, #tpu.memory_space<hbm>> -> memref<1x2000xi32, #tpu.memory_space<hbm>>
    %dma_start3A_68 = tpu.memref_squeeze %dma_start3A_67 : memref<1x2000xi32, #tpu.memory_space<hbm>> -> memref<2000xi32, #tpu.memory_space<hbm>>
    tpu.enqueue_dma source(%dma_start3A_68 : memref<2000xi32, #tpu.memory_space<hbm>>) target(%arg8 : memref<2000xi32, #tpu.memory_space<vmem>>) target_semaphore(%arg16 : memref<!tpu.dma_semaphore, #tpu.memory_space<semaphore_mem>>)
    %dma_start3A_69 = arith.constant 1 : i32
    %dma_start3A_70 = tpu.memref_slice %arg2[%dma_start3A_69, %add3A_63] : memref<2x320000xi32, #tpu.memory_space<hbm>> -> memref<1x2000xi32, #tpu.memory_space<hbm>>
    %dma_start3A_71 = tpu.memref_squeeze %dma_start3A_70 : memref<1x2000xi32, #tpu.memory_space<hbm>> -> memref<2000xi32, #tpu.memory_space<hbm>>
    %dma_start3A_72 = tpu.memref_slice %arg2[%dma_start3A_69, %add3A_63] : memref<2x320000xi32, #tpu.memory_space<hbm>> -> memref<1x2000xi32, #tpu.memory_space<hbm>>
    %dma_start3A_73 = tpu.memref_squeeze %dma_start3A_72 : memref<1x2000xi32, #tpu.memory_space<hbm>> -> memref<2000xi32, #tpu.memory_space<hbm>>
    tpu.enqueue_dma source(%dma_start3A_73 : memref<2000xi32, #tpu.memory_space<hbm>>) target(%arg9 : memref<2000xi32, #tpu.memory_space<vmem>>) target_semaphore(%arg16 : memref<!tpu.dma_semaphore, #tpu.memory_space<semaphore_mem>>)
    %dma_wait3A_74 = arith.constant 0 : i32
    %dma_wait3A_75 = tpu.memref_slice %arg2[%dma_wait3A_74, %add3A_63] : memref<2x320000xi32, #tpu.memory_space<hbm>> -> memref<1x2000xi32, #tpu.memory_space<hbm>>
    %dma_wait3A_76 = tpu.memref_squeeze %dma_wait3A_75 : memref<1x2000xi32, #tpu.memory_space<hbm>> -> memref<2000xi32, #tpu.memory_space<hbm>>
    %dma_wait3A_77 = tpu.memref_slice %arg2[%dma_wait3A_74, %add3A_63] : memref<2x320000xi32, #tpu.memory_space<hbm>> -> memref<1x2000xi32, #tpu.memory_space<hbm>>
    %dma_wait3A_78 = tpu.memref_squeeze %dma_wait3A_77 : memref<1x2000xi32, #tpu.memory_space<hbm>> -> memref<2000xi32, #tpu.memory_space<hbm>>
    tpu.wait_dma2 semaphore(%arg16 : memref<!tpu.dma_semaphore, #tpu.memory_space<semaphore_mem>>) src(%dma_wait3A_78 : memref<2000xi32, #tpu.memory_space<hbm>>) dst(%arg8 : memref<2000xi32, #tpu.memory_space<vmem>>)
    %dma_wait3A_79 = arith.constant 1 : i32
    %dma_wait3A_80 = tpu.memref_slice %arg2[%dma_wait3A_79, %add3A_63] : memref<2x320000xi32, #tpu.memory_space<hbm>> -> memref<1x2000xi32, #tpu.memory_space<hbm>>
    %dma_wait3A_81 = tpu.memref_squeeze %dma_wait3A_80 : memref<1x2000xi32, #tpu.memory_space<hbm>> -> memref<2000xi32, #tpu.memory_space<hbm>>
    %dma_wait3A_82 = tpu.memref_slice %arg2[%dma_wait3A_79, %add3A_63] : memref<2x320000xi32, #tpu.memory_space<hbm>> -> memref<1x2000xi32, #tpu.memory_space<hbm>>
    %dma_wait3A_83 = tpu.memref_squeeze %dma_wait3A_82 : memref<1x2000xi32, #tpu.memory_space<hbm>> -> memref<2000xi32, #tpu.memory_space<hbm>>
    tpu.wait_dma2 semaphore(%arg16 : memref<!tpu.dma_semaphore, #tpu.memory_space<semaphore_mem>>) src(%dma_wait3A_83 : memref<2000xi32, #tpu.memory_space<hbm>>) dst(%arg9 : memref<2000xi32, #tpu.memory_space<vmem>>)
    %scan3A_84 = arith.constant 0 : i32
    %scan3A_85 = arith.constant 0 : i32
    %scan3A_86 = arith.constant 125 : i32
    %scan3A_87 = arith.addi %scan3A_85, %scan3A_86 : i32
    %scan3A_88 = arith.constant 1 : i32
    scf.for %scan3A_210 = %scan3A_85 to %scan3A_87 step %scan3A_88  : i32 {
      %mul3A_211 = arith.constant 16 : i32
      %mul3A_212 = arith.muli %scan3A_210, %mul3A_211 : i32
      %multiple_of3A = tpu.assume_multiple %mul3A_212, 16 : i32
      %get3A = arith.index_cast %multiple_of3A : i32 to index
      %get3A_213 = tpu.vector_load %arg8[%get3A] {strides = array<i32>} : memref<2000xi32, #tpu.memory_space<vmem>>, vector<16xi32>,
      %get3A_214 = arith.index_cast %multiple_of3A : i32 to index
      %get3A_215 = tpu.vector_load %arg9[%get3A_214] {strides = array<i32>} : memref<2000xi32, #tpu.memory_space<vmem>>, vector<16xi32>,
      %gather3A = tpu.vector_load_idx %arg10[%get3A_213] : memref<10000xf32, #tpu.memory_space<vmem>>[vector<16xi32>], vector<16xf32>,
      %gather3A_216 = tpu.vector_load_idx %arg11[%get3A_215] : memref<10000xf32, #tpu.memory_space<vmem>>[vector<16xi32>], vector<16xf32>,
      %add3A_217 = arith.addf %gather3A, %gather3A_216 : vector<16xf32>
      %ge3A = arith.constant 0.000000e+00 : f32
      %ge3A_218 = vector.broadcast %ge3A : f32 to vector<16xf32>
      %ge3A_219 = arith.cmpf oge, %add3A_217, %ge3A_218 : vector<16xf32>
      %mul3A_220 = arith.constant 2.000000e-01 : f32
      %mul3A_221 = vector.broadcast %mul3A_220 : f32 to vector<16xf32>
      %mul3A_222 = arith.mulf %mul3A_221, %add3A_217 : vector<16xf32>
      %select_n3A = arith.select %ge3A_219, %add3A_217, %mul3A_222 : vector<16xi1>, vector<16xf32>
      %gather3A_223 = tpu.vector_load_idx %arg12[%get3A_213] : memref<10240xf32, #tpu.memory_space<vmem>>[vector<16xi32>], vector<16xf32>,
      %sub3A = arith.subf %select_n3A, %gather3A_223 : vector<16xf32>
      %exp3A = math.exp %sub3A : vector<16xf32>
      %gather3A_224 = tpu.vector_load_idx %arg14[%get3A_213] : memref<10240xf32, #tpu.memory_space<vmem>>[vector<16xi32>], vector<16xf32>,
      %max3A = arith.constant 1.000000e-16 : f32
      %max3A_225 = vector.broadcast %max3A : f32 to vector<16xf32>
      %max3A_226 = arith.maximumf %gather3A_224, %max3A_225 : vector<16xf32>
      %div3A = arith.divf %exp3A, %max3A_226 : vector<16xf32>
      %swap3A = arith.index_cast %multiple_of3A : i32 to index
      %swap3A_227 = tpu.vector_load %arg15[%swap3A] {strides = array<i32>} : memref<2000xf32, #tpu.memory_space<vmem>>, vector<16xf32>,
      tpu.vector_store %arg15[%swap3A], %div3A {strides = array<i32>} : memref<2000xf32, #tpu.memory_space<vmem>>, vector<16xf32>,
    }
    %scan3A_89 = arith.constant 125 : i32
    "tpu.region"() ({
      %run_scoped3A = tpu.sem_alloc : memref<!tpu.dma_semaphore, #tpu.memory_space<semaphore_mem>>
      %dma_start3A_210 = tpu.memref_slice %arg7[%add3A_63] : memref<320000xf32, #tpu.memory_space<hbm>> -> memref<2000xf32, #tpu.memory_space<hbm>>
      %dma_start3A_211 = tpu.memref_slice %arg7[%add3A_63] : memref<320000xf32, #tpu.memory_space<hbm>> -> memref<2000xf32, #tpu.memory_space<hbm>>
      tpu.enqueue_dma source(%arg15 : memref<2000xf32, #tpu.memory_space<vmem>>) target(%dma_start3A_211 : memref<2000xf32, #tpu.memory_space<hbm>>) target_semaphore(%run_scoped3A : memref<!tpu.dma_semaphore, #tpu.memory_space<semaphore_mem>>)
      %dma_wait3A_212 = tpu.memref_slice %arg7[%add3A_63] : memref<320000xf32, #tpu.memory_space<hbm>> -> memref<2000xf32, #tpu.memory_space<hbm>>
      %dma_wait3A_213 = tpu.memref_slice %arg7[%add3A_63] : memref<320000xf32, #tpu.memory_space<hbm>> -> memref<2000xf32, #tpu.memory_space<hbm>>
      tpu.wait_dma2 semaphore(%run_scoped3A : memref<!tpu.dma_semaphore, #tpu.memory_space<semaphore_mem>>) src(%arg15 : memref<2000xf32, #tpu.memory_space<vmem>>) dst(%dma_wait3A_213 : memref<2000xf32, #tpu.memory_space<hbm>>)
      tpu.yield
    }) : () -> ()
    %mul3A_90 = arith.constant 10000 : i32
    %mul3A_91 = arith.muli %add3A, %mul3A_90 : i32
    %add3A_92 = arith.constant 2000 : i32
    %add3A_93 = arith.addi %mul3A_91, %add3A_92 : i32
    %dma_start3A_94 = arith.constant 0 : i32
    %dma_start3A_95 = tpu.memref_slice %arg2[%dma_start3A_94, %add3A_93] : memref<2x320000xi32, #tpu.memory_space<hbm>> -> memref<1x2000xi32, #tpu.memory_space<hbm>>
    %dma_start3A_96 = tpu.memref_squeeze %dma_start3A_95 : memref<1x2000xi32, #tpu.memory_space<hbm>> -> memref<2000xi32, #tpu.memory_space<hbm>>
    %dma_start3A_97 = tpu.memref_slice %arg2[%dma_start3A_94, %add3A_93] : memref<2x320000xi32, #tpu.memory_space<hbm>> -> memref<1x2000xi32, #tpu.memory_space<hbm>>
    %dma_start3A_98 = tpu.memref_squeeze %dma_start3A_97 : memref<1x2000xi32, #tpu.memory_space<hbm>> -> memref<2000xi32, #tpu.memory_space<hbm>>
    tpu.enqueue_dma source(%dma_start3A_98 : memref<2000xi32, #tpu.memory_space<hbm>>) target(%arg8 : memref<2000xi32, #tpu.memory_space<vmem>>) target_semaphore(%arg16 : memref<!tpu.dma_semaphore, #tpu.memory_space<semaphore_mem>>)
    %dma_start3A_99 = arith.constant 1 : i32
    %dma_start3A_100 = tpu.memref_slice %arg2[%dma_start3A_99, %add3A_93] : memref<2x320000xi32, #tpu.memory_space<hbm>> -> memref<1x2000xi32, #tpu.memory_space<hbm>>
    %dma_start3A_101 = tpu.memref_squeeze %dma_start3A_100 : memref<1x2000xi32, #tpu.memory_space<hbm>> -> memref<2000xi32, #tpu.memory_space<hbm>>
    %dma_start3A_102 = tpu.memref_slice %arg2[%dma_start3A_99, %add3A_93] : memref<2x320000xi32, #tpu.memory_space<hbm>> -> memref<1x2000xi32, #tpu.memory_space<hbm>>
    %dma_start3A_103 = tpu.memref_squeeze %dma_start3A_102 : memref<1x2000xi32, #tpu.memory_space<hbm>> -> memref<2000xi32, #tpu.memory_space<hbm>>
    tpu.enqueue_dma source(%dma_start3A_103 : memref<2000xi32, #tpu.memory_space<hbm>>) target(%arg9 : memref<2000xi32, #tpu.memory_space<vmem>>) target_semaphore(%arg16 : memref<!tpu.dma_semaphore, #tpu.memory_space<semaphore_mem>>)
    %dma_wait3A_104 = arith.constant 0 : i32
    %dma_wait3A_105 = tpu.memref_slice %arg2[%dma_wait3A_104, %add3A_93] : memref<2x320000xi32, #tpu.memory_space<hbm>> -> memref<1x2000xi32, #tpu.memory_space<hbm>>
    %dma_wait3A_106 = tpu.memref_squeeze %dma_wait3A_105 : memref<1x2000xi32, #tpu.memory_space<hbm>> -> memref<2000xi32, #tpu.memory_space<hbm>>
    %dma_wait3A_107 = tpu.memref_slice %arg2[%dma_wait3A_104, %add3A_93] : memref<2x320000xi32, #tpu.memory_space<hbm>> -> memref<1x2000xi32, #tpu.memory_space<hbm>>
    %dma_wait3A_108 = tpu.memref_squeeze %dma_wait3A_107 : memref<1x2000xi32, #tpu.memory_space<hbm>> -> memref<2000xi32, #tpu.memory_space<hbm>>
    tpu.wait_dma2 semaphore(%arg16 : memref<!tpu.dma_semaphore, #tpu.memory_space<semaphore_mem>>) src(%dma_wait3A_108 : memref<2000xi32, #tpu.memory_space<hbm>>) dst(%arg8 : memref<2000xi32, #tpu.memory_space<vmem>>)
    %dma_wait3A_109 = arith.constant 1 : i32
    %dma_wait3A_110 = tpu.memref_slice %arg2[%dma_wait3A_109, %add3A_93] : memref<2x320000xi32, #tpu.memory_space<hbm>> -> memref<1x2000xi32, #tpu.memory_space<hbm>>
    %dma_wait3A_111 = tpu.memref_squeeze %dma_wait3A_110 : memref<1x2000xi32, #tpu.memory_space<hbm>> -> memref<2000xi32, #tpu.memory_space<hbm>>
    %dma_wait3A_112 = tpu.memref_slice %arg2[%dma_wait3A_109, %add3A_93] : memref<2x320000xi32, #tpu.memory_space<hbm>> -> memref<1x2000xi32, #tpu.memory_space<hbm>>
    %dma_wait3A_113 = tpu.memref_squeeze %dma_wait3A_112 : memref<1x2000xi32, #tpu.memory_space<hbm>> -> memref<2000xi32, #tpu.memory_space<hbm>>
    tpu.wait_dma2 semaphore(%arg16 : memref<!tpu.dma_semaphore, #tpu.memory_space<semaphore_mem>>) src(%dma_wait3A_113 : memref<2000xi32, #tpu.memory_space<hbm>>) dst(%arg9 : memref<2000xi32, #tpu.memory_space<vmem>>)
    %scan3A_114 = arith.constant 0 : i32
    %scan3A_115 = arith.constant 0 : i32
    %scan3A_116 = arith.constant 125 : i32
    %scan3A_117 = arith.addi %scan3A_115, %scan3A_116 : i32
    %scan3A_118 = arith.constant 1 : i32
    scf.for %scan3A_210 = %scan3A_115 to %scan3A_117 step %scan3A_118  : i32 {
      %mul3A_211 = arith.constant 16 : i32
      %mul3A_212 = arith.muli %scan3A_210, %mul3A_211 : i32
      %multiple_of3A = tpu.assume_multiple %mul3A_212, 16 : i32
      %get3A = arith.index_cast %multiple_of3A : i32 to index
      %get3A_213 = tpu.vector_load %arg8[%get3A] {strides = array<i32>} : memref<2000xi32, #tpu.memory_space<vmem>>, vector<16xi32>,
      %get3A_214 = arith.index_cast %multiple_of3A : i32 to index
      %get3A_215 = tpu.vector_load %arg9[%get3A_214] {strides = array<i32>} : memref<2000xi32, #tpu.memory_space<vmem>>, vector<16xi32>,
      %gather3A = tpu.vector_load_idx %arg10[%get3A_213] : memref<10000xf32, #tpu.memory_space<vmem>>[vector<16xi32>], vector<16xf32>,
      %gather3A_216 = tpu.vector_load_idx %arg11[%get3A_215] : memref<10000xf32, #tpu.memory_space<vmem>>[vector<16xi32>], vector<16xf32>,
      %add3A_217 = arith.addf %gather3A, %gather3A_216 : vector<16xf32>
      %ge3A = arith.constant 0.000000e+00 : f32
      %ge3A_218 = vector.broadcast %ge3A : f32 to vector<16xf32>
      %ge3A_219 = arith.cmpf oge, %add3A_217, %ge3A_218 : vector<16xf32>
      %mul3A_220 = arith.constant 2.000000e-01 : f32
      %mul3A_221 = vector.broadcast %mul3A_220 : f32 to vector<16xf32>
      %mul3A_222 = arith.mulf %mul3A_221, %add3A_217 : vector<16xf32>
      %select_n3A = arith.select %ge3A_219, %add3A_217, %mul3A_222 : vector<16xi1>, vector<16xf32>
      %gather3A_223 = tpu.vector_load_idx %arg12[%get3A_213] : memref<10240xf32, #tpu.memory_space<vmem>>[vector<16xi32>], vector<16xf32>,
      %sub3A = arith.subf %select_n3A, %gather3A_223 : vector<16xf32>
      %exp3A = math.exp %sub3A : vector<16xf32>
      %gather3A_224 = tpu.vector_load_idx %arg14[%get3A_213] : memref<10240xf32, #tpu.memory_space<vmem>>[vector<16xi32>], vector<16xf32>,
      %max3A = arith.constant 1.000000e-16 : f32
      %max3A_225 = vector.broadcast %max3A : f32 to vector<16xf32>
      %max3A_226 = arith.maximumf %gather3A_224, %max3A_225 : vector<16xf32>
      %div3A = arith.divf %exp3A, %max3A_226 : vector<16xf32>
      %swap3A = arith.index_cast %multiple_of3A : i32 to index
      %swap3A_227 = tpu.vector_load %arg15[%swap3A] {strides = array<i32>} : memref<2000xf32, #tpu.memory_space<vmem>>, vector<16xf32>,
      tpu.vector_store %arg15[%swap3A], %div3A {strides = array<i32>} : memref<2000xf32, #tpu.memory_space<vmem>>, vector<16xf32>,
    }
    %scan3A_119 = arith.constant 125 : i32
    "tpu.region"() ({
      %run_scoped3A = tpu.sem_alloc : memref<!tpu.dma_semaphore, #tpu.memory_space<semaphore_mem>>
      %dma_start3A_210 = tpu.memref_slice %arg7[%add3A_93] : memref<320000xf32, #tpu.memory_space<hbm>> -> memref<2000xf32, #tpu.memory_space<hbm>>
      %dma_start3A_211 = tpu.memref_slice %arg7[%add3A_93] : memref<320000xf32, #tpu.memory_space<hbm>> -> memref<2000xf32, #tpu.memory_space<hbm>>
      tpu.enqueue_dma source(%arg15 : memref<2000xf32, #tpu.memory_space<vmem>>) target(%dma_start3A_211 : memref<2000xf32, #tpu.memory_space<hbm>>) target_semaphore(%run_scoped3A : memref<!tpu.dma_semaphore, #tpu.memory_space<semaphore_mem>>)
      %dma_wait3A_212 = tpu.memref_slice %arg7[%add3A_93] : memref<320000xf32, #tpu.memory_space<hbm>> -> memref<2000xf32, #tpu.memory_space<hbm>>
      %dma_wait3A_213 = tpu.memref_slice %arg7[%add3A_93] : memref<320000xf32, #tpu.memory_space<hbm>> -> memref<2000xf32, #tpu.memory_space<hbm>>
      tpu.wait_dma2 semaphore(%run_scoped3A : memref<!tpu.dma_semaphore, #tpu.memory_space<semaphore_mem>>) src(%arg15 : memref<2000xf32, #tpu.memory_space<vmem>>) dst(%dma_wait3A_213 : memref<2000xf32, #tpu.memory_space<hbm>>)
      tpu.yield
    }) : () -> ()
    %mul3A_120 = arith.constant 10000 : i32
    %mul3A_121 = arith.muli %add3A, %mul3A_120 : i32
    %add3A_122 = arith.constant 4000 : i32
    %add3A_123 = arith.addi %mul3A_121, %add3A_122 : i32
    %dma_start3A_124 = arith.constant 0 : i32
    %dma_start3A_125 = tpu.memref_slice %arg2[%dma_start3A_124, %add3A_123] : memref<2x320000xi32, #tpu.memory_space<hbm>> -> memref<1x2000xi32, #tpu.memory_space<hbm>>
    %dma_start3A_126 = tpu.memref_squeeze %dma_start3A_125 : memref<1x2000xi32, #tpu.memory_space<hbm>> -> memref<2000xi32, #tpu.memory_space<hbm>>
    %dma_start3A_127 = tpu.memref_slice %arg2[%dma_start3A_124, %add3A_123] : memref<2x320000xi32, #tpu.memory_space<hbm>> -> memref<1x2000xi32, #tpu.memory_space<hbm>>
    %dma_start3A_128 = tpu.memref_squeeze %dma_start3A_127 : memref<1x2000xi32, #tpu.memory_space<hbm>> -> memref<2000xi32, #tpu.memory_space<hbm>>
    tpu.enqueue_dma source(%dma_start3A_128 : memref<2000xi32, #tpu.memory_space<hbm>>) target(%arg8 : memref<2000xi32, #tpu.memory_space<vmem>>) target_semaphore(%arg16 : memref<!tpu.dma_semaphore, #tpu.memory_space<semaphore_mem>>)
    %dma_start3A_129 = arith.constant 1 : i32
    %dma_start3A_130 = tpu.memref_slice %arg2[%dma_start3A_129, %add3A_123] : memref<2x320000xi32, #tpu.memory_space<hbm>> -> memref<1x2000xi32, #tpu.memory_space<hbm>>
    %dma_start3A_131 = tpu.memref_squeeze %dma_start3A_130 : memref<1x2000xi32, #tpu.memory_space<hbm>> -> memref<2000xi32, #tpu.memory_space<hbm>>
    %dma_start3A_132 = tpu.memref_slice %arg2[%dma_start3A_129, %add3A_123] : memref<2x320000xi32, #tpu.memory_space<hbm>> -> memref<1x2000xi32, #tpu.memory_space<hbm>>
    %dma_start3A_133 = tpu.memref_squeeze %dma_start3A_132 : memref<1x2000xi32, #tpu.memory_space<hbm>> -> memref<2000xi32, #tpu.memory_space<hbm>>
    tpu.enqueue_dma source(%dma_start3A_133 : memref<2000xi32, #tpu.memory_space<hbm>>) target(%arg9 : memref<2000xi32, #tpu.memory_space<vmem>>) target_semaphore(%arg16 : memref<!tpu.dma_semaphore, #tpu.memory_space<semaphore_mem>>)
    %dma_wait3A_134 = arith.constant 0 : i32
    %dma_wait3A_135 = tpu.memref_slice %arg2[%dma_wait3A_134, %add3A_123] : memref<2x320000xi32, #tpu.memory_space<hbm>> -> memref<1x2000xi32, #tpu.memory_space<hbm>>
    %dma_wait3A_136 = tpu.memref_squeeze %dma_wait3A_135 : memref<1x2000xi32, #tpu.memory_space<hbm>> -> memref<2000xi32, #tpu.memory_space<hbm>>
    %dma_wait3A_137 = tpu.memref_slice %arg2[%dma_wait3A_134, %add3A_123] : memref<2x320000xi32, #tpu.memory_space<hbm>> -> memref<1x2000xi32, #tpu.memory_space<hbm>>
    %dma_wait3A_138 = tpu.memref_squeeze %dma_wait3A_137 : memref<1x2000xi32, #tpu.memory_space<hbm>> -> memref<2000xi32, #tpu.memory_space<hbm>>
    tpu.wait_dma2 semaphore(%arg16 : memref<!tpu.dma_semaphore, #tpu.memory_space<semaphore_mem>>) src(%dma_wait3A_138 : memref<2000xi32, #tpu.memory_space<hbm>>) dst(%arg8 : memref<2000xi32, #tpu.memory_space<vmem>>)
    %dma_wait3A_139 = arith.constant 1 : i32
    %dma_wait3A_140 = tpu.memref_slice %arg2[%dma_wait3A_139, %add3A_123] : memref<2x320000xi32, #tpu.memory_space<hbm>> -> memref<1x2000xi32, #tpu.memory_space<hbm>>
    %dma_wait3A_141 = tpu.memref_squeeze %dma_wait3A_140 : memref<1x2000xi32, #tpu.memory_space<hbm>> -> memref<2000xi32, #tpu.memory_space<hbm>>
    %dma_wait3A_142 = tpu.memref_slice %arg2[%dma_wait3A_139, %add3A_123] : memref<2x320000xi32, #tpu.memory_space<hbm>> -> memref<1x2000xi32, #tpu.memory_space<hbm>>
    %dma_wait3A_143 = tpu.memref_squeeze %dma_wait3A_142 : memref<1x2000xi32, #tpu.memory_space<hbm>> -> memref<2000xi32, #tpu.memory_space<hbm>>
    tpu.wait_dma2 semaphore(%arg16 : memref<!tpu.dma_semaphore, #tpu.memory_space<semaphore_mem>>) src(%dma_wait3A_143 : memref<2000xi32, #tpu.memory_space<hbm>>) dst(%arg9 : memref<2000xi32, #tpu.memory_space<vmem>>)
    %scan3A_144 = arith.constant 0 : i32
    %scan3A_145 = arith.constant 0 : i32
    %scan3A_146 = arith.constant 125 : i32
    %scan3A_147 = arith.addi %scan3A_145, %scan3A_146 : i32
    %scan3A_148 = arith.constant 1 : i32
    scf.for %scan3A_210 = %scan3A_145 to %scan3A_147 step %scan3A_148  : i32 {
      %mul3A_211 = arith.constant 16 : i32
      %mul3A_212 = arith.muli %scan3A_210, %mul3A_211 : i32
      %multiple_of3A = tpu.assume_multiple %mul3A_212, 16 : i32
      %get3A = arith.index_cast %multiple_of3A : i32 to index
      %get3A_213 = tpu.vector_load %arg8[%get3A] {strides = array<i32>} : memref<2000xi32, #tpu.memory_space<vmem>>, vector<16xi32>,
      %get3A_214 = arith.index_cast %multiple_of3A : i32 to index
      %get3A_215 = tpu.vector_load %arg9[%get3A_214] {strides = array<i32>} : memref<2000xi32, #tpu.memory_space<vmem>>, vector<16xi32>,
      %gather3A = tpu.vector_load_idx %arg10[%get3A_213] : memref<10000xf32, #tpu.memory_space<vmem>>[vector<16xi32>], vector<16xf32>,
      %gather3A_216 = tpu.vector_load_idx %arg11[%get3A_215] : memref<10000xf32, #tpu.memory_space<vmem>>[vector<16xi32>], vector<16xf32>,
      %add3A_217 = arith.addf %gather3A, %gather3A_216 : vector<16xf32>
      %ge3A = arith.constant 0.000000e+00 : f32
      %ge3A_218 = vector.broadcast %ge3A : f32 to vector<16xf32>
      %ge3A_219 = arith.cmpf oge, %add3A_217, %ge3A_218 : vector<16xf32>
      %mul3A_220 = arith.constant 2.000000e-01 : f32
      %mul3A_221 = vector.broadcast %mul3A_220 : f32 to vector<16xf32>
      %mul3A_222 = arith.mulf %mul3A_221, %add3A_217 : vector<16xf32>
      %select_n3A = arith.select %ge3A_219, %add3A_217, %mul3A_222 : vector<16xi1>, vector<16xf32>
      %gather3A_223 = tpu.vector_load_idx %arg12[%get3A_213] : memref<10240xf32, #tpu.memory_space<vmem>>[vector<16xi32>], vector<16xf32>,
      %sub3A = arith.subf %select_n3A, %gather3A_223 : vector<16xf32>
      %exp3A = math.exp %sub3A : vector<16xf32>
      %gather3A_224 = tpu.vector_load_idx %arg14[%get3A_213] : memref<10240xf32, #tpu.memory_space<vmem>>[vector<16xi32>], vector<16xf32>,
      %max3A = arith.constant 1.000000e-16 : f32
      %max3A_225 = vector.broadcast %max3A : f32 to vector<16xf32>
      %max3A_226 = arith.maximumf %gather3A_224, %max3A_225 : vector<16xf32>
      %div3A = arith.divf %exp3A, %max3A_226 : vector<16xf32>
      %swap3A = arith.index_cast %multiple_of3A : i32 to index
      %swap3A_227 = tpu.vector_load %arg15[%swap3A] {strides = array<i32>} : memref<2000xf32, #tpu.memory_space<vmem>>, vector<16xf32>,
      tpu.vector_store %arg15[%swap3A], %div3A {strides = array<i32>} : memref<2000xf32, #tpu.memory_space<vmem>>, vector<16xf32>,
    }
    %scan3A_149 = arith.constant 125 : i32
    "tpu.region"() ({
      %run_scoped3A = tpu.sem_alloc : memref<!tpu.dma_semaphore, #tpu.memory_space<semaphore_mem>>
      %dma_start3A_210 = tpu.memref_slice %arg7[%add3A_123] : memref<320000xf32, #tpu.memory_space<hbm>> -> memref<2000xf32, #tpu.memory_space<hbm>>
      %dma_start3A_211 = tpu.memref_slice %arg7[%add3A_123] : memref<320000xf32, #tpu.memory_space<hbm>> -> memref<2000xf32, #tpu.memory_space<hbm>>
      tpu.enqueue_dma source(%arg15 : memref<2000xf32, #tpu.memory_space<vmem>>) target(%dma_start3A_211 : memref<2000xf32, #tpu.memory_space<hbm>>) target_semaphore(%run_scoped3A : memref<!tpu.dma_semaphore, #tpu.memory_space<semaphore_mem>>)
      %dma_wait3A_212 = tpu.memref_slice %arg7[%add3A_123] : memref<320000xf32, #tpu.memory_space<hbm>> -> memref<2000xf32, #tpu.memory_space<hbm>>
      %dma_wait3A_213 = tpu.memref_slice %arg7[%add3A_123] : memref<320000xf32, #tpu.memory_space<hbm>> -> memref<2000xf32, #tpu.memory_space<hbm>>
      tpu.wait_dma2 semaphore(%run_scoped3A : memref<!tpu.dma_semaphore, #tpu.memory_space<semaphore_mem>>) src(%arg15 : memref<2000xf32, #tpu.memory_space<vmem>>) dst(%dma_wait3A_213 : memref<2000xf32, #tpu.memory_space<hbm>>)
      tpu.yield
    }) : () -> ()
    %mul3A_150 = arith.constant 10000 : i32
    %mul3A_151 = arith.muli %add3A, %mul3A_150 : i32
    %add3A_152 = arith.constant 6000 : i32
    %add3A_153 = arith.addi %mul3A_151, %add3A_152 : i32
    %dma_start3A_154 = arith.constant 0 : i32
    %dma_start3A_155 = tpu.memref_slice %arg2[%dma_start3A_154, %add3A_153] : memref<2x320000xi32, #tpu.memory_space<hbm>> -> memref<1x2000xi32, #tpu.memory_space<hbm>>
    %dma_start3A_156 = tpu.memref_squeeze %dma_start3A_155 : memref<1x2000xi32, #tpu.memory_space<hbm>> -> memref<2000xi32, #tpu.memory_space<hbm>>
    %dma_start3A_157 = tpu.memref_slice %arg2[%dma_start3A_154, %add3A_153] : memref<2x320000xi32, #tpu.memory_space<hbm>> -> memref<1x2000xi32, #tpu.memory_space<hbm>>
    %dma_start3A_158 = tpu.memref_squeeze %dma_start3A_157 : memref<1x2000xi32, #tpu.memory_space<hbm>> -> memref<2000xi32, #tpu.memory_space<hbm>>
    tpu.enqueue_dma source(%dma_start3A_158 : memref<2000xi32, #tpu.memory_space<hbm>>) target(%arg8 : memref<2000xi32, #tpu.memory_space<vmem>>) target_semaphore(%arg16 : memref<!tpu.dma_semaphore, #tpu.memory_space<semaphore_mem>>)
    %dma_start3A_159 = arith.constant 1 : i32
    %dma_start3A_160 = tpu.memref_slice %arg2[%dma_start3A_159, %add3A_153] : memref<2x320000xi32, #tpu.memory_space<hbm>> -> memref<1x2000xi32, #tpu.memory_space<hbm>>
    %dma_start3A_161 = tpu.memref_squeeze %dma_start3A_160 : memref<1x2000xi32, #tpu.memory_space<hbm>> -> memref<2000xi32, #tpu.memory_space<hbm>>
    %dma_start3A_162 = tpu.memref_slice %arg2[%dma_start3A_159, %add3A_153] : memref<2x320000xi32, #tpu.memory_space<hbm>> -> memref<1x2000xi32, #tpu.memory_space<hbm>>
    %dma_start3A_163 = tpu.memref_squeeze %dma_start3A_162 : memref<1x2000xi32, #tpu.memory_space<hbm>> -> memref<2000xi32, #tpu.memory_space<hbm>>
    tpu.enqueue_dma source(%dma_start3A_163 : memref<2000xi32, #tpu.memory_space<hbm>>) target(%arg9 : memref<2000xi32, #tpu.memory_space<vmem>>) target_semaphore(%arg16 : memref<!tpu.dma_semaphore, #tpu.memory_space<semaphore_mem>>)
    %dma_wait3A_164 = arith.constant 0 : i32
    %dma_wait3A_165 = tpu.memref_slice %arg2[%dma_wait3A_164, %add3A_153] : memref<2x320000xi32, #tpu.memory_space<hbm>> -> memref<1x2000xi32, #tpu.memory_space<hbm>>
    %dma_wait3A_166 = tpu.memref_squeeze %dma_wait3A_165 : memref<1x2000xi32, #tpu.memory_space<hbm>> -> memref<2000xi32, #tpu.memory_space<hbm>>
    %dma_wait3A_167 = tpu.memref_slice %arg2[%dma_wait3A_164, %add3A_153] : memref<2x320000xi32, #tpu.memory_space<hbm>> -> memref<1x2000xi32, #tpu.memory_space<hbm>>
    %dma_wait3A_168 = tpu.memref_squeeze %dma_wait3A_167 : memref<1x2000xi32, #tpu.memory_space<hbm>> -> memref<2000xi32, #tpu.memory_space<hbm>>
    tpu.wait_dma2 semaphore(%arg16 : memref<!tpu.dma_semaphore, #tpu.memory_space<semaphore_mem>>) src(%dma_wait3A_168 : memref<2000xi32, #tpu.memory_space<hbm>>) dst(%arg8 : memref<2000xi32, #tpu.memory_space<vmem>>)
    %dma_wait3A_169 = arith.constant 1 : i32
    %dma_wait3A_170 = tpu.memref_slice %arg2[%dma_wait3A_169, %add3A_153] : memref<2x320000xi32, #tpu.memory_space<hbm>> -> memref<1x2000xi32, #tpu.memory_space<hbm>>
    %dma_wait3A_171 = tpu.memref_squeeze %dma_wait3A_170 : memref<1x2000xi32, #tpu.memory_space<hbm>> -> memref<2000xi32, #tpu.memory_space<hbm>>
    %dma_wait3A_172 = tpu.memref_slice %arg2[%dma_wait3A_169, %add3A_153] : memref<2x320000xi32, #tpu.memory_space<hbm>> -> memref<1x2000xi32, #tpu.memory_space<hbm>>
    %dma_wait3A_173 = tpu.memref_squeeze %dma_wait3A_172 : memref<1x2000xi32, #tpu.memory_space<hbm>> -> memref<2000xi32, #tpu.memory_space<hbm>>
    tpu.wait_dma2 semaphore(%arg16 : memref<!tpu.dma_semaphore, #tpu.memory_space<semaphore_mem>>) src(%dma_wait3A_173 : memref<2000xi32, #tpu.memory_space<hbm>>) dst(%arg9 : memref<2000xi32, #tpu.memory_space<vmem>>)
    %scan3A_174 = arith.constant 0 : i32
    %scan3A_175 = arith.constant 0 : i32
    %scan3A_176 = arith.constant 125 : i32
    %scan3A_177 = arith.addi %scan3A_175, %scan3A_176 : i32
    %scan3A_178 = arith.constant 1 : i32
    scf.for %scan3A_210 = %scan3A_175 to %scan3A_177 step %scan3A_178  : i32 {
      %mul3A_211 = arith.constant 16 : i32
      %mul3A_212 = arith.muli %scan3A_210, %mul3A_211 : i32
      %multiple_of3A = tpu.assume_multiple %mul3A_212, 16 : i32
      %get3A = arith.index_cast %multiple_of3A : i32 to index
      %get3A_213 = tpu.vector_load %arg8[%get3A] {strides = array<i32>} : memref<2000xi32, #tpu.memory_space<vmem>>, vector<16xi32>,
      %get3A_214 = arith.index_cast %multiple_of3A : i32 to index
      %get3A_215 = tpu.vector_load %arg9[%get3A_214] {strides = array<i32>} : memref<2000xi32, #tpu.memory_space<vmem>>, vector<16xi32>,
      %gather3A = tpu.vector_load_idx %arg10[%get3A_213] : memref<10000xf32, #tpu.memory_space<vmem>>[vector<16xi32>], vector<16xf32>,
      %gather3A_216 = tpu.vector_load_idx %arg11[%get3A_215] : memref<10000xf32, #tpu.memory_space<vmem>>[vector<16xi32>], vector<16xf32>,
      %add3A_217 = arith.addf %gather3A, %gather3A_216 : vector<16xf32>
      %ge3A = arith.constant 0.000000e+00 : f32
      %ge3A_218 = vector.broadcast %ge3A : f32 to vector<16xf32>
      %ge3A_219 = arith.cmpf oge, %add3A_217, %ge3A_218 : vector<16xf32>
      %mul3A_220 = arith.constant 2.000000e-01 : f32
      %mul3A_221 = vector.broadcast %mul3A_220 : f32 to vector<16xf32>
      %mul3A_222 = arith.mulf %mul3A_221, %add3A_217 : vector<16xf32>
      %select_n3A = arith.select %ge3A_219, %add3A_217, %mul3A_222 : vector<16xi1>, vector<16xf32>
      %gather3A_223 = tpu.vector_load_idx %arg12[%get3A_213] : memref<10240xf32, #tpu.memory_space<vmem>>[vector<16xi32>], vector<16xf32>,
      %sub3A = arith.subf %select_n3A, %gather3A_223 : vector<16xf32>
      %exp3A = math.exp %sub3A : vector<16xf32>
      %gather3A_224 = tpu.vector_load_idx %arg14[%get3A_213] : memref<10240xf32, #tpu.memory_space<vmem>>[vector<16xi32>], vector<16xf32>,
      %max3A = arith.constant 1.000000e-16 : f32
      %max3A_225 = vector.broadcast %max3A : f32 to vector<16xf32>
      %max3A_226 = arith.maximumf %gather3A_224, %max3A_225 : vector<16xf32>
      %div3A = arith.divf %exp3A, %max3A_226 : vector<16xf32>
      %swap3A = arith.index_cast %multiple_of3A : i32 to index
      %swap3A_227 = tpu.vector_load %arg15[%swap3A] {strides = array<i32>} : memref<2000xf32, #tpu.memory_space<vmem>>, vector<16xf32>,
      tpu.vector_store %arg15[%swap3A], %div3A {strides = array<i32>} : memref<2000xf32, #tpu.memory_space<vmem>>, vector<16xf32>,
    }
    %scan3A_179 = arith.constant 125 : i32
    "tpu.region"() ({
      %run_scoped3A = tpu.sem_alloc : memref<!tpu.dma_semaphore, #tpu.memory_space<semaphore_mem>>
      %dma_start3A_210 = tpu.memref_slice %arg7[%add3A_153] : memref<320000xf32, #tpu.memory_space<hbm>> -> memref<2000xf32, #tpu.memory_space<hbm>>
      %dma_start3A_211 = tpu.memref_slice %arg7[%add3A_153] : memref<320000xf32, #tpu.memory_space<hbm>> -> memref<2000xf32, #tpu.memory_space<hbm>>
      tpu.enqueue_dma source(%arg15 : memref<2000xf32, #tpu.memory_space<vmem>>) target(%dma_start3A_211 : memref<2000xf32, #tpu.memory_space<hbm>>) target_semaphore(%run_scoped3A : memref<!tpu.dma_semaphore, #tpu.memory_space<semaphore_mem>>)
      %dma_wait3A_212 = tpu.memref_slice %arg7[%add3A_153] : memref<320000xf32, #tpu.memory_space<hbm>> -> memref<2000xf32, #tpu.memory_space<hbm>>
      %dma_wait3A_213 = tpu.memref_slice %arg7[%add3A_153] : memref<320000xf32, #tpu.memory_space<hbm>> -> memref<2000xf32, #tpu.memory_space<hbm>>
      tpu.wait_dma2 semaphore(%run_scoped3A : memref<!tpu.dma_semaphore, #tpu.memory_space<semaphore_mem>>) src(%arg15 : memref<2000xf32, #tpu.memory_space<vmem>>) dst(%dma_wait3A_213 : memref<2000xf32, #tpu.memory_space<hbm>>)
      tpu.yield
    }) : () -> ()
    %mul3A_180 = arith.constant 10000 : i32
    %mul3A_181 = arith.muli %add3A, %mul3A_180 : i32
    %add3A_182 = arith.constant 8000 : i32
    %add3A_183 = arith.addi %mul3A_181, %add3A_182 : i32
    %dma_start3A_184 = arith.constant 0 : i32
    %dma_start3A_185 = tpu.memref_slice %arg2[%dma_start3A_184, %add3A_183] : memref<2x320000xi32, #tpu.memory_space<hbm>> -> memref<1x2000xi32, #tpu.memory_space<hbm>>
    %dma_start3A_186 = tpu.memref_squeeze %dma_start3A_185 : memref<1x2000xi32, #tpu.memory_space<hbm>> -> memref<2000xi32, #tpu.memory_space<hbm>>
    %dma_start3A_187 = tpu.memref_slice %arg2[%dma_start3A_184, %add3A_183] : memref<2x320000xi32, #tpu.memory_space<hbm>> -> memref<1x2000xi32, #tpu.memory_space<hbm>>
    %dma_start3A_188 = tpu.memref_squeeze %dma_start3A_187 : memref<1x2000xi32, #tpu.memory_space<hbm>> -> memref<2000xi32, #tpu.memory_space<hbm>>
    tpu.enqueue_dma source(%dma_start3A_188 : memref<2000xi32, #tpu.memory_space<hbm>>) target(%arg8 : memref<2000xi32, #tpu.memory_space<vmem>>) target_semaphore(%arg16 : memref<!tpu.dma_semaphore, #tpu.memory_space<semaphore_mem>>)
    %dma_start3A_189 = arith.constant 1 : i32
    %dma_start3A_190 = tpu.memref_slice %arg2[%dma_start3A_189, %add3A_183] : memref<2x320000xi32, #tpu.memory_space<hbm>> -> memref<1x2000xi32, #tpu.memory_space<hbm>>
    %dma_start3A_191 = tpu.memref_squeeze %dma_start3A_190 : memref<1x2000xi32, #tpu.memory_space<hbm>> -> memref<2000xi32, #tpu.memory_space<hbm>>
    %dma_start3A_192 = tpu.memref_slice %arg2[%dma_start3A_189, %add3A_183] : memref<2x320000xi32, #tpu.memory_space<hbm>> -> memref<1x2000xi32, #tpu.memory_space<hbm>>
    %dma_start3A_193 = tpu.memref_squeeze %dma_start3A_192 : memref<1x2000xi32, #tpu.memory_space<hbm>> -> memref<2000xi32, #tpu.memory_space<hbm>>
    tpu.enqueue_dma source(%dma_start3A_193 : memref<2000xi32, #tpu.memory_space<hbm>>) target(%arg9 : memref<2000xi32, #tpu.memory_space<vmem>>) target_semaphore(%arg16 : memref<!tpu.dma_semaphore, #tpu.memory_space<semaphore_mem>>)
    %dma_wait3A_194 = arith.constant 0 : i32
    %dma_wait3A_195 = tpu.memref_slice %arg2[%dma_wait3A_194, %add3A_183] : memref<2x320000xi32, #tpu.memory_space<hbm>> -> memref<1x2000xi32, #tpu.memory_space<hbm>>
    %dma_wait3A_196 = tpu.memref_squeeze %dma_wait3A_195 : memref<1x2000xi32, #tpu.memory_space<hbm>> -> memref<2000xi32, #tpu.memory_space<hbm>>
    %dma_wait3A_197 = tpu.memref_slice %arg2[%dma_wait3A_194, %add3A_183] : memref<2x320000xi32, #tpu.memory_space<hbm>> -> memref<1x2000xi32, #tpu.memory_space<hbm>>
    %dma_wait3A_198 = tpu.memref_squeeze %dma_wait3A_197 : memref<1x2000xi32, #tpu.memory_space<hbm>> -> memref<2000xi32, #tpu.memory_space<hbm>>
    tpu.wait_dma2 semaphore(%arg16 : memref<!tpu.dma_semaphore, #tpu.memory_space<semaphore_mem>>) src(%dma_wait3A_198 : memref<2000xi32, #tpu.memory_space<hbm>>) dst(%arg8 : memref<2000xi32, #tpu.memory_space<vmem>>)
    %dma_wait3A_199 = arith.constant 1 : i32
    %dma_wait3A_200 = tpu.memref_slice %arg2[%dma_wait3A_199, %add3A_183] : memref<2x320000xi32, #tpu.memory_space<hbm>> -> memref<1x2000xi32, #tpu.memory_space<hbm>>
    %dma_wait3A_201 = tpu.memref_squeeze %dma_wait3A_200 : memref<1x2000xi32, #tpu.memory_space<hbm>> -> memref<2000xi32, #tpu.memory_space<hbm>>
    %dma_wait3A_202 = tpu.memref_slice %arg2[%dma_wait3A_199, %add3A_183] : memref<2x320000xi32, #tpu.memory_space<hbm>> -> memref<1x2000xi32, #tpu.memory_space<hbm>>
    %dma_wait3A_203 = tpu.memref_squeeze %dma_wait3A_202 : memref<1x2000xi32, #tpu.memory_space<hbm>> -> memref<2000xi32, #tpu.memory_space<hbm>>
    tpu.wait_dma2 semaphore(%arg16 : memref<!tpu.dma_semaphore, #tpu.memory_space<semaphore_mem>>) src(%dma_wait3A_203 : memref<2000xi32, #tpu.memory_space<hbm>>) dst(%arg9 : memref<2000xi32, #tpu.memory_space<vmem>>)
    %scan3A_204 = arith.constant 0 : i32
    %scan3A_205 = arith.constant 0 : i32
    %scan3A_206 = arith.constant 125 : i32
    %scan3A_207 = arith.addi %scan3A_205, %scan3A_206 : i32
    %scan3A_208 = arith.constant 1 : i32
    scf.for %scan3A_210 = %scan3A_205 to %scan3A_207 step %scan3A_208  : i32 {
      %mul3A_211 = arith.constant 16 : i32
      %mul3A_212 = arith.muli %scan3A_210, %mul3A_211 : i32
      %multiple_of3A = tpu.assume_multiple %mul3A_212, 16 : i32
      %get3A = arith.index_cast %multiple_of3A : i32 to index
      %get3A_213 = tpu.vector_load %arg8[%get3A] {strides = array<i32>} : memref<2000xi32, #tpu.memory_space<vmem>>, vector<16xi32>,
      %get3A_214 = arith.index_cast %multiple_of3A : i32 to index
      %get3A_215 = tpu.vector_load %arg9[%get3A_214] {strides = array<i32>} : memref<2000xi32, #tpu.memory_space<vmem>>, vector<16xi32>,
      %gather3A = tpu.vector_load_idx %arg10[%get3A_213] : memref<10000xf32, #tpu.memory_space<vmem>>[vector<16xi32>], vector<16xf32>,
      %gather3A_216 = tpu.vector_load_idx %arg11[%get3A_215] : memref<10000xf32, #tpu.memory_space<vmem>>[vector<16xi32>], vector<16xf32>,
      %add3A_217 = arith.addf %gather3A, %gather3A_216 : vector<16xf32>
      %ge3A = arith.constant 0.000000e+00 : f32
      %ge3A_218 = vector.broadcast %ge3A : f32 to vector<16xf32>
      %ge3A_219 = arith.cmpf oge, %add3A_217, %ge3A_218 : vector<16xf32>
      %mul3A_220 = arith.constant 2.000000e-01 : f32
      %mul3A_221 = vector.broadcast %mul3A_220 : f32 to vector<16xf32>
      %mul3A_222 = arith.mulf %mul3A_221, %add3A_217 : vector<16xf32>
      %select_n3A = arith.select %ge3A_219, %add3A_217, %mul3A_222 : vector<16xi1>, vector<16xf32>
      %gather3A_223 = tpu.vector_load_idx %arg12[%get3A_213] : memref<10240xf32, #tpu.memory_space<vmem>>[vector<16xi32>], vector<16xf32>,
      %sub3A = arith.subf %select_n3A, %gather3A_223 : vector<16xf32>
      %exp3A = math.exp %sub3A : vector<16xf32>
      %gather3A_224 = tpu.vector_load_idx %arg14[%get3A_213] : memref<10240xf32, #tpu.memory_space<vmem>>[vector<16xi32>], vector<16xf32>,
      %max3A = arith.constant 1.000000e-16 : f32
      %max3A_225 = vector.broadcast %max3A : f32 to vector<16xf32>
      %max3A_226 = arith.maximumf %gather3A_224, %max3A_225 : vector<16xf32>
      %div3A = arith.divf %exp3A, %max3A_226 : vector<16xf32>
      %swap3A = arith.index_cast %multiple_of3A : i32 to index
      %swap3A_227 = tpu.vector_load %arg15[%swap3A] {strides = array<i32>} : memref<2000xf32, #tpu.memory_space<vmem>>, vector<16xf32>,
      tpu.vector_store %arg15[%swap3A], %div3A {strides = array<i32>} : memref<2000xf32, #tpu.memory_space<vmem>>, vector<16xf32>,
    }
    %scan3A_209 = arith.constant 125 : i32
    "tpu.region"() ({
      %run_scoped3A = tpu.sem_alloc : memref<!tpu.dma_semaphore, #tpu.memory_space<semaphore_mem>>
      %dma_start3A_210 = tpu.memref_slice %arg7[%add3A_183] : memref<320000xf32, #tpu.memory_space<hbm>> -> memref<2000xf32, #tpu.memory_space<hbm>>
      %dma_start3A_211 = tpu.memref_slice %arg7[%add3A_183] : memref<320000xf32, #tpu.memory_space<hbm>> -> memref<2000xf32, #tpu.memory_space<hbm>>
      tpu.enqueue_dma source(%arg15 : memref<2000xf32, #tpu.memory_space<vmem>>) target(%dma_start3A_211 : memref<2000xf32, #tpu.memory_space<hbm>>) target_semaphore(%run_scoped3A : memref<!tpu.dma_semaphore, #tpu.memory_space<semaphore_mem>>)
      %dma_wait3A_212 = tpu.memref_slice %arg7[%add3A_183] : memref<320000xf32, #tpu.memory_space<hbm>> -> memref<2000xf32, #tpu.memory_space<hbm>>
      %dma_wait3A_213 = tpu.memref_slice %arg7[%add3A_183] : memref<320000xf32, #tpu.memory_space<hbm>> -> memref<2000xf32, #tpu.memory_space<hbm>>
      tpu.wait_dma2 semaphore(%run_scoped3A : memref<!tpu.dma_semaphore, #tpu.memory_space<semaphore_mem>>) src(%arg15 : memref<2000xf32, #tpu.memory_space<vmem>>) dst(%dma_wait3A_213 : memref<2000xf32, #tpu.memory_space<hbm>>)
      tpu.yield
    }) : () -> ()
    return
  }
}

module attributes {stable_mosaic.version = 14 : i64} {
  func.func @body(%arg0: memref<10000x128xf32, #tpu.memory_space<vmem>>, %arg1: memref<2x128xf32, #tpu.memory_space<vmem>>, %arg2: memref<10000x1xf32, #tpu.memory_space<vmem>>, %arg3: memref<10000x1xf32, #tpu.memory_space<vmem>>) attributes {dimension_semantics = [], scalar_prefetch = 0 : i64, scratch_operands = 0 : i64, tpu.core_type = #tpu.core_type<tc>} {
    %get3A = arith.constant 0 : index
    %get3A_0 = arith.constant 0 : index
    %get3A_1 = vector.load %arg0[%get3A, %get3A_0] : memref<10000x128xf32, #tpu.memory_space<vmem>>, vector<10000x128xf32>
    %get3A_2 = arith.constant 0 : index
    %get3A_3 = arith.constant 0 : index
    %get3A_4 = vector.load %arg1[%get3A_2, %get3A_3] : memref<2x128xf32, #tpu.memory_space<vmem>>, vector<1x128xf32>
    %mul3A = vector.broadcast %get3A_4 : vector<1x128xf32> to vector<10000x128xf32>
    %mul3A_5 = arith.mulf %get3A_1, %mul3A : vector<10000x128xf32>
    %reduce_sum3A = arith.constant dense<0.000000e+00> : vector<10000xf32>
    %reduce_sum3A_6 = vector.multi_reduction <add>, %mul3A_5, %reduce_sum3A [1] : vector<10000x128xf32> to vector<10000xf32>
    %broadcast_in_dim3A = vector.shape_cast %reduce_sum3A_6 : vector<10000xf32> to vector<10000x1xf32>
    %swap3A = arith.constant 0 : index
    %swap3A_7 = arith.constant 0 : index
    %swap3A_8 = vector.load %arg2[%swap3A, %swap3A_7] : memref<10000x1xf32, #tpu.memory_space<vmem>>, vector<10000x1xf32>
    tpu.vector_store %arg2[%swap3A, %swap3A_7], %broadcast_in_dim3A {strides = array<i32>} : memref<10000x1xf32, #tpu.memory_space<vmem>>, vector<10000x1xf32>,
    %get3A_9 = arith.constant 1 : index
    %get3A_10 = arith.constant 0 : index
    %get3A_11 = vector.load %arg1[%get3A_9, %get3A_10] : memref<2x128xf32, #tpu.memory_space<vmem>>, vector<1x128xf32>
    %mul3A_12 = vector.broadcast %get3A_11 : vector<1x128xf32> to vector<10000x128xf32>
    %mul3A_13 = arith.mulf %get3A_1, %mul3A_12 : vector<10000x128xf32>
    %reduce_sum3A_14 = arith.constant dense<0.000000e+00> : vector<10000xf32>
    %reduce_sum3A_15 = vector.multi_reduction <add>, %mul3A_13, %reduce_sum3A_14 [1] : vector<10000x128xf32> to vector<10000xf32>
    %broadcast_in_dim3A_16 = vector.shape_cast %reduce_sum3A_15 : vector<10000xf32> to vector<10000x1xf32>
    %swap3A_17 = arith.constant 0 : index
    %swap3A_18 = arith.constant 0 : index
    %swap3A_19 = vector.load %arg3[%swap3A_17, %swap3A_18] : memref<10000x1xf32, #tpu.memory_space<vmem>>, vector<10000x1xf32>
    tpu.vector_store %arg3[%swap3A_17, %swap3A_18], %broadcast_in_dim3A_16 {strides = array<i32>} : memref<10000x1xf32, #tpu.memory_space<vmem>>, vector<10000x1xf32>,
    return
  }
}

</mosaic_0001>

<sc_bundles>
// kernel: kernel.12.cloned.1.call-start
scs
__scs_entry_jumppad:
0x0: {  	(pc) =	sbr.rel $0x88, $3  }
0x1: {  	(tag) =	ssettag $0x0;
	lr =	simm.s32 $0x1  }
0x2: {  	[smem:$0x3F9E] =	sst lr;
	_ =	strace $0xD0000000  }
0x3: {  	_ = 	snop  }
0x4: {  	_ = 	snop  }
0x5: {  	_ = 	snop  }
0x6: {  	_ = 	snop  }
0x7: {  	_ = 	snop  }
__scs_overlays_trampoline_lowered:
0x8: {  	[smem:$0x3FAD] =	sst s0  }
0x9: {  	[smem:$0x3FAE] =	sst s1  }
0xa: {  	[smem:$0x3FAF] =	sst s2  }
0xb: {  	[smem:$0x3FB0] =	sst s3  }
0xc: {  	[smem:$0x3FB1] =	sst s4  }
0xd: {  	[smem:$0x3FB2] =	sst s5  }
0xe: {  	[smem:$0x3FB3] =	sst s6  }
0xf: {  	[smem:$0x3FB4] =	sst s7  }
0x10: {  	[smem:$0x3FB5] =	sst s8  }
0x11: {  	[smem:$0x3FB6] =	sst s9;
	s0 =	simm.s32 @!p0 $0x0  }
0x12: {  	s1 =	sld [smem:$0x3F9C];
	s0 =	simm.s32 @p0 $0x1  }
0x13: {  	[smem:$0x3FB7] =	sst s0;
	s0 =	simm.s32 @!p1 $0x0  }
0x14: {  	s2 =	sld [smem:$0x3F9B];
	s0 =	simm.s32 @p1 $0x1  }
0x15: {  	[smem:$0x3FB8] =	sst s0;
	s0 =	simm.s32 @!p2 $0x0  }
0x16: {  	s3 =	sld [smem:$0x3FDB];
	s0 =	simm.s32 @p2 $0x1  }
0x17: {  	s4 =	simm.s32 $0x1BF5;
	[smem:$0x3FBA] =	sst s0  }
0x18: {  	s0 =	sld [smem:$0x3F9D];
	_ =	swait.ge [sflag:s4], $0x0  }
0x19: {  	s7 =	sld [smem:$0x3F9E]  }
0x1a: {  	s8 =	sadd.s32 $0xFFFFE003, lr  }
0x1b: {  	s9 =	sadd.s32 $0xFFFFFEF7, lr;
	s5 =	simm.s32 $0xFFFFFFFF;
	p2 =	slt.u32 s8, $0xFFFFF086  }
0x1c: {  	p1 =	slt.u32 s9, $0xF7A;
	s5 =	simm.s32 @!p2 $0x0  }
0x1d: {  	s5 =	simm.s32 @p1 $0x1;
	p0 =	seq.s32 s7, s2  }
0x1e: {  	s7 =	smul.u32 @!p0 $0xF7A, s2;
	p2 =	seq.s32 @!p0 s5, $0x0  }
0x1f: {  	s9 =	smul.u32 $0xF7A, s1;
	s8 =	simm.s32 @!p0 $0x1BF5;
	p2 =	por !p2, p0  }
0x20: {  	[sflag:s8] =	ssyncset.s32 @!p0 $0xFFFFF086;
	s6 =	sadd.s32 @!p0 s3, s7;
	s7 =	simm.s32 @!p0 $0x108  }
0x21: {  	s3 =	sadd.s32 s3, s9;
	s6 =	sadd.s32 @!p0 $0x88, s6;
	s7 =	simm.s32 @p2 $0x1082  }
0x22: {  	[simem:s7], [sflag:s8] =	dma.local @!p0 [hbm:s6], $0xF7A  }
0x23: {  	s9 =	sor.u32 $0xD0000000, s2;
	s6 =	simm.s32 $0x108;
	_ =	swait.ge @!p0 [sflag:s8], $0x0  }
0x24: {  	s3 =	sadd.s32 $0x88, s3;
	s6 =	simm.s32 @!p1 $0x1082;
	[sflag:s4] =	ssyncset.s32 $0xFFFFF086  }
0x25: {  	[simem:s6], [sflag:s4] =	dma.local [hbm:s3], $0xF7A  }
0x26: {  	[smem:$0x3F9E] =	sst s1;
	(tag) =	ssettag s2;
	_ =	strace s9  }
0x27: {  	s1 =	sld [smem:$0x3FAE]  }
0x28: {  	s2 =	sld [smem:$0x3FAF]  }
0x29: {  	s4 =	sld [smem:$0x3FB1]  }
0x2a: {  	p0 =	seq.s32 s5, $0x0;
	s5 =	sld [smem:$0x3FB2]  }
0x2b: {  	s6 =	sld [smem:$0x3FB3]  }
0x2c: {  	s7 =	sld [smem:$0x3FB4]  }
0x2d: {  	s3 =	simm.s32 $0x108;
	s8 =	sld [smem:$0x3FB5]  }
0x2e: {  	s3 =	simm.s32 @!p0 $0x1082;
	s9 =	sld [smem:$0x3FB6]  }
0x2f: {  	lr =	sadd.s32 s0, s3;
	s0 =	sld [smem:$0x3FAD]  }
0x30: {  	s3 =	sld [smem:$0x3FB0]  }
0x31: {  	[smem:$0x3FB9] =	sst s10  }
0x32: {  	s10 =	sld [smem:$0x3FB7];
	_ =	sdelay $0x3  }
0x33: {  	p0 =	seq.s32 s10, $0x1;
	s10 =	sld [smem:$0x3FB9];
	_ =	sdelay $0x3  }
0x34: {  	[smem:$0x3FB9] =	sst s10  }
0x35: {  	s10 =	sld [smem:$0x3FB8];
	_ =	sdelay $0x3  }
0x36: {  	p1 =	seq.s32 s10, $0x1;
	s10 =	sld [smem:$0x3FB9];
	_ =	sdelay $0x3  }
0x37: {  	[smem:$0x3FB9] =	sst s10  }
0x38: {  	s10 =	sld [smem:$0x3FBA]  }
0x39: {  	_ = 	snop;
	(pc) =	sbr.ind lr, $3  }
0x3a: {  	_ = 	snop  }
0x3b: {  	_ = 	snop  }
0x3c: {  	p2 =	seq.s32 s10, $0x1;
	s10 =	sld [smem:$0x3FB9]  }
0x3d: {  	_ =	shalt  }
0x3e: {  	_ =	shalt  }
0x3f: {  	_ =	shalt  }
0x40: {  	_ =	shalt  }
0x41: {  	_ =	shalt  }
0x42: {  	_ =	shalt  }
0x43: {  	_ =	shalt  }
0x44: {  	_ =	shalt  }
0x45: {  	_ =	shalt  }
0x46: {  	_ =	shalt  }
0x47: {  	_ =	shalt  }
0x48: {  	_ =	shalt  }
0x49: {  	_ =	shalt  }
0x4a: {  	_ =	shalt  }
0x4b: {  	_ =	shalt  }
0x4c: {  	_ =	shalt  }
0x4d: {  	_ =	shalt  }
0x4e: {  	_ =	shalt  }
0x4f: {  	_ =	shalt  }
0x50: {  	_ =	shalt  }
0x51: {  	_ =	shalt  }
0x52: {  	_ =	shalt  }
0x53: {  	_ =	shalt  }
0x54: {  	_ =	shalt  }
0x55: {  	_ =	shalt  }
0x56: {  	_ =	shalt  }
0x57: {  	_ =	shalt  }
0x58: {  	_ =	shalt  }
0x59: {  	_ =	shalt  }
0x5a: {  	_ =	shalt  }
0x5b: {  	_ =	shalt  }
0x5c: {  	_ =	shalt  }
0x5d: {  	_ =	shalt  }
0x5e: {  	_ =	shalt  }
0x5f: {  	_ =	shalt  }
0x60: {  	_ =	shalt  }
0x61: {  	_ =	shalt  }
0x62: {  	_ =	shalt  }
0x63: {  	_ =	shalt  }
0x64: {  	_ =	shalt  }
0x65: {  	_ =	shalt  }
0x66: {  	_ =	shalt  }
0x67: {  	_ =	shalt  }
0x68: {  	_ =	shalt  }
0x69: {  	_ =	shalt  }
0x6a: {  	_ =	shalt  }
0x6b: {  	_ =	shalt  }
0x6c: {  	_ =	shalt  }
0x6d: {  	_ =	shalt  }
0x6e: {  	_ =	shalt  }
0x6f: {  	_ =	shalt  }
0x70: {  	_ =	shalt  }
0x71: {  	_ =	shalt  }
0x72: {  	_ =	shalt  }
0x73: {  	_ =	shalt  }
0x74: {  	_ =	shalt  }
0x75: {  	_ =	shalt  }
0x76: {  	_ =	shalt  }
0x77: {  	_ =	shalt  }
0x78: {  	_ =	shalt  }
0x79: {  	_ =	shalt  }
0x7a: {  	_ =	shalt  }
0x7b: {  	_ =	shalt  }
0x7c: {  	_ =	shalt  }
0x7d: {  	_ =	shalt  }
0x7e: {  	_ =	shalt  }
0x7f: {  	_ =	shalt  }
0x80: {  	_ =	shalt  }
0x81: {  	_ =	shalt  }
0x82: {  	_ =	shalt  }
0x83: {  	_ =	shalt  }
0x84: {  	_ =	shalt  }
0x85: {  	_ =	shalt  }
0x86: {  	_ =	shalt  }
0x87: {  	_ =	shalt  }
.Lfunc_end0:
.L_simem_size_0:
called_computation.2_lowered:
.L_overlay_start_0:
0x88: {  	s2 =	sld [smem:$0x3FD9]  }
0x89: {  	s3 =	sld [smem:$0x3FFE];
	_ =	sdelay $0x1  }
0x8a: {  	s1 =	srdreg.scid  }
0x8b: {  	s0 =	sand.u32 $0x1, s1  }
0x8c: {  	s14 =	sshll.u32 s0, $0xA;
	s2 =	sadd.s32 s3, s2  }
0x8d: {  	s2 =	sadd.s32 s2, s14  }
0x8e: {  	[smem:$0x3FC5] =	sst s2  }
0x8f: {  	_ = 	snop  }
0x90: {  	s2 =	sld [smem:$0x3FD0];
	_ =	sdelay $0x2  }
0x91: {  	s15 =	simm.s32 $0xA;
	s4 =	simm.s32 $0x10  }
0x92: {  	[smem:s4], [sflag:s15] =	dma.local [hbm:s2], $0x1  }
0x93: {  	_ =	swait.eq [sflag:s15], $0x1  }
0x94: {  	s16 =	sld [smem:$0x10];
	[sflag:s15] =	ssyncset.done $0x0  }
0x95: {  	s17 =	sld [smem:$0x11];
	[sflag:s15] =	ssyncadd.s32 $0xFFFFFFFF  }
0x96: {  	s18 =	sld [smem:$0x12];
	(tm) =	ssettm $0x1  }
0x97: {  	s5 =	sld [smem:$0x3FFB];
	_ =	sdelay $0x3  }
0x98: {  	_ =	strace s5  }
0x99: {  	s5 =	sld [smem:$0x3FFC];
	_ =	sdelay $0x3  }
0x9a: {  	_ =	strace s5  }
0x9b: {  	s5 =	sld [smem:$0x3FFD];
	_ =	sdelay $0x3  }
0x9c: {  	_ =	strace s5  }
0x9d: {  	_ =	strace $0x8FFFFFFF  }
0x9e: {  	s19 =	sld [smem:$0x3FDB];
	_ =	sdelay $0x1  }
0x9f: {  	s6 =	simm.s32 $_scs_section_size  }
0xa0: {  	s7 =	simm.s32 $_size__tile_overlayer_lowered;
	s8 =	simm.s32 $_tile_overlayer_lowered  }
0xa1: {  	s22 =	simm.s32 $0x1BFF;
	s21 =	sshll.u32 s8, $0x1;
	s5 =	sadd.s32 s6, s19  }
0xa2: {  	s9 =	simm.s32 $0x0;
	s20 =	sshll.u32 s7, $0x1;
	s7 =	sadd.s32 s21, s5  }
0xa3: {  	[timem:s9], [sflag:s22] =	dma.local [hbm:s7], s20  }
0xa4: {  	_ =	swait.ge [sflag:s22], s20  }
0xa5: {  	s6 =	ssub.s32 $0x0, s20;
	[sflag:s22] =	ssyncset.done $0x0  }
0xa6: {  	[sflag:s22] =	ssyncadd.s32 s6;
	_ =	sdelay $0x1  }
0xa7: {  	s23 =	simm.s32 $0x1B8B  }
0xa8: {  	_ =	swait.ge [sflag:s23], $0x1  }
0xa9: {  	[sflag:s23] =	ssyncset.done $0x0  }
0xaa: {  	s25 =	simm.s32 $0x1B8E;
	s24 =	sld [smem:$0x3FFE];
	[sflag:s23] =	ssyncadd.s32 $0xFFFFFFFF  }
0xab: {  	s26 =	simm.s32 $execute0_lowered;
	[smem:$0x3FD2] =	sst s25  }
0xac: {  	s7 =	sshll.u32 s26, $0x1;
	_ =	strace $0x8000004C;
	[dreg:$0x1] =	wrdreg $0xFFFFFFFF  }
0xad: {  	s28 =	simm.s32 $_size_execute0_lowered;
	s5 =	sadd.s32 s5, s7;
	[dreg:$0x0] =	wrdreg $0x0  }
0xae: {  	s7 =	sshll.u32 s28, $0x1;
	[dreg:$0x2] =	wrdreg s5  }
0xaf: {  	[dreg:$0x3] =	wrdreg s7  }
0xb0: {  	[dreg:$0x4] =	wrdreg $0xC0  }
0xb1: {  	_ =	task [dreg:s9], $0x5FFFF  }
0xb2: {  	[dreg:$0x1] =	wrdreg $0xFFFFFFFF  }
0xb3: {  	[dreg:$0x0] =	wrdreg $0x60  }
0xb4: {  	[dreg:$0x2] =	wrdreg s17  }
0xb5: {  	[dreg:$0x3] =	wrdreg s24  }
0xb6: {  	[dreg:$0x4] =	wrdreg s16  }
0xb7: {  	[dreg:$0x5] =	wrdreg s18  }
0xb8: {  	[dreg:$0x6] =	wrdreg $0x9  }
0xb9: {  	_ =	task.clear_ibuf [dreg:s9], $0x7FFFF;
	_ =	strace $0x9000004C  }
0xba: {  	s29 =	simm.s32 $0x9;
	_ =	strace $0x8000004E  }
0xbb: {  	_ =	swait.ge [sflag:s29], $0x1  }
0xbc: {  	[sflag:s29] =	ssyncadd.s32 $0xFFFFFFFF  }
0xbd: {  	_ =	strace $0x9000004E  }
0xbe: {  	_ =	sfence  }
0xbf: {  	s30 =	sld [smem:$0x0];
	_ =	sdelay $0x2  }
0xc0: {  	s31 =	sshll.u32 s1, $0xD;
	s1 =	sshrl.u32 s1, $0x2  }
0xc1: {  	s3 =	sand.u32 $0x4000, s31;
	s1 =	sadd.s32 s1, s30  }
0xc2: {  	s0 =	sor.u32 s3, s0;
	s1 =	sshll.u32 s1, $0x11  }
0xc3: {  	s0 =	sor.u32 s1, s0  }
0xc4: {  	s0 =	sadd.s32 $0x8F2B, s0  }
0xc5: {  	[sflag:s0] =	ssyncadd.remote.s32 $0x1  }
0xc6: {  	_ =	sfence.sel $0xFFFF  }
0xc7: {  	[dreg:$0x0] =	wrdreg $0xFFFFFFFF;
	(pc) =	sbr.abs _section_cstart, $3  }
0xc8: {  	[dreg:$0x1] =	wrdreg $0xFFFFFFFF  }
0xc9: {  	_ =	task.clear_ibuf [dreg:s9], $0x2FFFF;
	_ =	strace $0x9FFFFFFF  }
0xca: {  	(tm) =	ssettm $0x7FFFFFFF  }
0xcb: {  	_ =	shalt  }
tec
execute0_lowered:
.L_overlay_start_1:
0x0: {  	(tag) =	ssettag $0x1  }
0x1: {  	s0 =	rddreg [dreg:$0x0]  }
0x2: {  	s1 =	rddreg [dreg:$0x1]  }
0x3: {  	s7 =	rddreg [dreg:$0x2]  }
0x4: {  	s2 =	rddreg [dreg:$0x3]  }
0x5: {  	s4 =	srdreg.scid;
	s5 =	stileid.u32;
	s3 =	simm.s32 $0x0  }
0x6: {  	s28 =	simm.s32 $0x2;
	s29 =	simm.s32 $0x36B0;
	s30 =	simm.s32 $0x5DC0  }
0x7: {  	s31 =	simm.s32 $0x1;
	s4 =	sand.u32 $0x1, s4;
	s5 =	sshll.u32 s5, $0x1  }
0x8: {  	[smem:$0x7FF] =	sst s3;
	s6 =	sadd.s32 $0xE00, s1;
	s22 =	sadd.s32 $0x1400, s1  }
0x9: {  	s7 =	sadd.s32 $0x500, s7;
	s5 =	sor.u32 s4, s5;
	s4 =	ssub.s32 $0x2, s4  }
0xa: {  	_ =	strace $0x8000004D;
	s5 =	smul.u32 $0x2710, s5;
	s23 =	sshrl.u32 s4, $0x1  }
0xb: {  	[dreg:$0x5] =	wrdreg s6;
	s6 =	sadd.s32 $0x1A00, s1;
	s1 =	ssub.s32 s4, s23  }
0xc: {  	[dreg:$0x6] =	wrdreg s22;
	s5 =	sshrl.u32 s5, $0x3;
	s23 =	smax.u32 s1, $0x1  }
0xd: {  	s1 =	simm.s32 $0xD5C0;
	s8 =	sadd.s32 s0, s5;
	s10 =	sadd.s32 s2, s5  }
0xe: {  	s24 =	sadd.s32 $0xFA, s5;
	s16 =	sadd.s32 $0x1F4, s5;
	s25 =	sadd.s32 $0x2EE, s5  }
0xf: {  	s26 =	sadd.s32 $0x3E8, s5;
	s9 =	sadd.s32 $0x9C40, s8;
	s11 =	sadd.s32 s0, s24  }
0x10: {  	s12 =	sadd.s32 $0x9D3A, s8;
	s13 =	sadd.s32 s2, s24;
	s14 =	sadd.s32 s0, s16  }
0x11: {  	s15 =	sadd.s32 $0x9E34, s8;
	s16 =	sadd.s32 s2, s16;
	s17 =	sadd.s32 s0, s25  }
0x12: {  	s18 =	sadd.s32 $0x9F2E, s8;
	s19 =	sadd.s32 s2, s25;
	s20 =	sadd.s32 s0, s26  }
0x13: {  	s21 =	sadd.s32 $0xA028, s8;
	s22 =	sadd.s32 s2, s26;
	s26 =	simm.s32 $0xFA0  }
0x14: {  	s0 =	simm.s32 $0x7D0;
	s2 =	simm.s32 $0xFDC0;
	s24 =	simm.s32 $0x0  }
.LBB2_1:
0x15: {  	s4 =	rddreg [dreg:$0x2];
	s5 =	simm.s32 $0x85C0  }
0x16: {  	[tilespmem:s5], [sflag:$0x1] =	stream.linear.gather [hbm4b:s4+s3], $0x2800, $0x38;
	[tilespmem:$0x10590] =	vst v63  }
0x17: {  	s25 =	simm.s32 $0xADC0  }
0x18: {  	[tilespmem:s25], [sflag:$0x1] =	stream.linear.gather [hbm4b:s7+s3], $0x2800, $0x38;
	[tilespmem:$0x10590] =	vst v63  }
0x19: {  	s5 =	rddreg [dreg:$0x5]  }
0x1a: {  	[tilespmem:s26], [sflag:$0x2] =	stream.linear.gather [hbm4b:s5+s3], $0x2710, $0x38;
	[tilespmem:$0x10590] =	vst v63  }
0x1b: {  	_ =	swait.ge [sflag:s28], $0x2710  }
0x1c: {  	[sflag:s28] =	ssyncset.done $0x0  }
0x1d: {  	s25 =	rddreg [dreg:$0x6];
	[sflag:s28] =	ssyncadd.s32 $0xFFFFD8F0  }
0x1e: {  	[tilespmem:s29], [sflag:$0x2] =	stream.linear.gather [hbm4b:s25+s3], $0x2710, $0x38;
	[tilespmem:$0x10590] =	vst v63  }
0x1f: {  	_ =	swait.ge [sflag:s28], $0x2710  }
0x20: {  	[sflag:s28] =	ssyncset.done $0x0  }
0x21: {  	[sflag:s28] =	ssyncadd.s32 $0xFFFFD8F0  }
0x22: {  	[tilespmem:s30], [sflag:$0x2] =	stream.linear.gather [hbm4b:s6+s3], $0x2800, $0x38;
	[tilespmem:$0x10590] =	vst v63  }
0x23: {  	_ =	swait.ge [sflag:s28], $0x2800  }
0x24: {  	[sflag:s28] =	ssyncset.done $0x0  }
0x25: {  	[sflag:s28] =	ssyncadd.s32 $0xFFFFD800  }
0x26: {  	_ =	swait.ge [sflag:s31], $0x2800  }
0x27: {  	[sflag:s31] =	ssyncset.done $0x0  }
0x28: {  	[sflag:s31] =	ssyncadd.s32 $0xFFFFD800  }
0x29: {  	_ =	swait.ge [sflag:s31], $0x2800  }
0x2a: {  	[sflag:s31] =	ssyncset.done $0x0  }
0x2b: {  	s25 =	simm.s32 $0x0;
	[sflag:s31] =	ssyncadd.s32 $0xFFFFD800  }
0x2c: {  	v2 =	vld [tilespmem:s25+$0x85F0]  }
0x2d: {  	v4 =	vld [tilespmem:s25+$0xADF0]  }
0x2e: {  	v5 =	vld [tilespmem:s25+$0x85C0]  }
0x2f: {  	v6 =	vld [tilespmem:s25+$0xADC0]  }
0x30: {  	v1 =	vld [tilespmem:s25+$0x85D0]  }
0x31: {  	v3 =	vld [tilespmem:s25+$0xADD0]  }
0x32: {  	v0 =	vld [tilespmem:s25+$0x85E0];
	v7 =	vadd.f32 v4, v2  }
0x33: {  	s4 =	simm.s32 $0x40;
	v4 =	vld [tilespmem:s25+$0xADE0]  }
0x34: {  	s5 =	simm.s32 $0x200;
	v2 =	vld [tilespmem:s4+$0x85F0];
	v5 =	vadd.f32 v6, v5;
	[tilespmem:s25+$0xD5F0] =	vst v7  }
.LBB2_2:
0x35: {  	p0 =	sne.s32 s5, $0x9F00;
	v6 =	vld [tilespmem:s4+$0xADF0]  }
0x36: {  	v7 =	vld [tilespmem:s4+$0x85C0];
	[tilespmem:s25+$0xD5C0] =	vst v5;
	v3 =	vadd.f32 v3, v1  }
0x37: {  	v5 =	vld [tilespmem:s4+$0xADC0]  }
.Ltmp0:
0x38: {  	v1 =	vld [tilespmem:s4+$0x85D0];
	[tilespmem:s25+$0xD5D0] =	vst v3;
	v4 =	vadd.f32 v4, v0;
	(pc) =	sbr.rel @p0 .LBB2_2-.Ltmp0, $4  }
0x39: {  	v3 =	vld [tilespmem:s4+$0xADD0]  }
0x3a: {  	v0 =	vld [tilespmem:s4+$0x85E0];
	v6 =	vadd.f32 v6, v2;
	[tilespmem:s25+$0xD5E0] =	vst v4;
	s25 =	smov.u32 s4  }
0x3b: {  	s4 =	sshra.s32 s5, $0x2;
	v4 =	vld [tilespmem:s25+$0xADE0]  }
0x3c: {  	s5 =	sadd.s32 $0x100, s5;
	v2 =	vld [tilespmem:s4+$0x85F0];
	v5 =	vadd.f32 v5, v7;
	[tilespmem:s25+$0xD5F0] =	vst v6  }
0x3d: {  	v6 =	vld [tilespmem:s4+$0xADF0]  }
0x3e: {  	v7 =	vld [tilespmem:s4+$0x85C0];
	[tilespmem:s25+$0xD5C0] =	vst v5;
	v1 =	vadd.f32 v3, v1  }
0x3f: {  	v3 =	vld [tilespmem:s4+$0xADC0]  }
0x40: {  	v5 =	vld [tilespmem:s4+$0x85D0];
	[tilespmem:s25+$0xD5D0] =	vst v1;
	v0 =	vadd.f32 v4, v0  }
0x41: {  	v1 =	vld [tilespmem:s4+$0xADD0]  }
0x42: {  	v63 =	vld [tilespmem:s4+$0x85E0];
	[tilespmem:s25+$0xD5E0] =	vst v0  }
0x43: {  	v0 =	vld [tilespmem:s4+$0xADE0];
	_ =	sdelay $0x1  }
0x44: {  	v2 =	vadd.f32 v6, v2  }
0x45: {  	v3 =	vadd.f32 v3, v7  }
0x46: {  	[tilespmem:s4+$0xD5F0] =	vst v2;
	v1 =	vadd.f32 v1, v5  }
0x47: {  	[tilespmem:s4+$0xD5C0] =	vst v3;
	v0 =	vadd.f32 v0, v63  }
0x48: {  	[tilespmem:s4+$0xD5D0] =	vst v1  }
0x49: {  	s25 =	simm.s32 $0x0;
	[tilespmem:s4+$0xD5E0] =	vst v0  }
0x4a: {  	[tilespmem:s25], [sflag:$0x1] =	stream.linear.gather [hbm4b:s8+s25], $0x7D0, $0x38;
	[tilespmem:$0x10590] =	vst v63  }
0x4b: {  	_ = 	snop  }
0x4c: {  	[tilespmem:s0], [sflag:$0x1] =	stream.linear.gather [hbm4b:s9+s25], $0x7D0, $0x38;
	[tilespmem:$0x10590] =	vst v63  }
0x4d: {  	_ =	swait.ge [sflag:s31], $0x7D0  }
0x4e: {  	[sflag:s31] =	ssyncset.done $0x0  }
0x4f: {  	[sflag:s31] =	ssyncadd.s32 $0xFFFFF830  }
0x50: {  	_ =	swait.ge [sflag:s31], $0x7D0  }
0x51: {  	[sflag:s31] =	ssyncset.done $0x0  }
0x52: {  	s25 =	simm.s32 $0x0;
	[sflag:s31] =	ssyncadd.s32 $0xFFFFF830  }
0x53: {  	v0 =	vld [tilespmem:s25+$0x7D0]  }
0x54: {  	v1 =	vld [tilespmem:s25+$0x0];
	_ =	sdelay $0x6  }
0x55: {  	v0 =	vld.idx.msk [tilespmem:v0+s29+$0x0], $0xffff  }
0x56: {  	v2 =	vld.idx.msk [tilespmem:v1+s26+$0x0], $0xffff;
	_ =	sdelay $0x4  }
0x57: {  	v3 =	vld.idx.msk [tilespmem:v1+s30+$0x0], $0xffff;
	v0 =	vadd.f32 v0, v2;
	_ =	sdelay $0x1  }
0x58: {  	v1 =	vld.idx.msk [tilespmem:v1+s1+$0x0], $0xffff;
	v2 =	vmul.f32 $2.000000030e-01, v0  }
0x59: {  	vm0 =	vge.f32 v0, $0.0e+00  }
0x5a: {  	v0 =	vsel vm0, v0, v2  }
0x5b: {  	v0 =	vsub.f32 v0, v3;
	_ =	sdelay $0x1  }
0x5c: {  	v1 =	vmax.f32 v1, $1.000000020e-16;
	v0 =	vmul.f32 $1.442695020e+00, v0  }
0x5d: {  	(erf) = vrcp.f32 v1  }
0x5e: {  	(erf) = vpow2.f32 v0;
	_ =	sdelay $0x3  }
0x5f: {  	s5 =	simm.s32 $0x10  }
0x60: {  	s4 =	simm.s32 $0x80;
	v0 =	vld [tilespmem:s5+$0x7D0]  }
.LBB2_4:
0x61: {  	p0 =	sne.s32 s4, $0x1F00;
	v1 =	vld [tilespmem:s5+$0x0];
	_ =	sdelay $0x1  }
0x62: {  	v2 =	vpop (erf)  }
0x63: {  	v3 =	vpop (erf)  }
0x64: {  	v2 =	vmul.f32 v3, v2;
	_ =	sdelay $0x1  }
0x65: {  	[tilespmem:s25+$0xFDC0] =	vst v2;
	s25 =	smov.u32 s5  }
0x66: {  	v0 =	vld.idx.msk [tilespmem:v0+s29+$0x0], $0xffff  }
0x67: {  	v2 =	vld.idx.msk [tilespmem:v1+s26+$0x0], $0xffff;
	_ =	sdelay $0x4  }
0x68: {  	v3 =	vld.idx.msk [tilespmem:v1+s30+$0x0], $0xffff  }
0x69: {  	v0 =	vadd.f32 v0, v2  }
0x6a: {  	v1 =	vld.idx.msk [tilespmem:v1+s1+$0x0], $0xffff  }
0x6b: {  	v2 =	vmul.f32 $2.000000030e-01, v0  }
0x6c: {  	vm0 =	vge.f32 v0, $0.0e+00  }
0x6d: {  	v0 =	vsel vm0, v0, v2  }
0x6e: {  	v0 =	vsub.f32 v0, v3;
	_ =	sdelay $0x1  }
0x6f: {  	v0 =	vmul.f32 $1.442695020e+00, v0;
	v1 =	vmax.f32 v1, $1.000000020e-16  }
0x70: {  	(erf) = vrcp.f32 v1  }
0x71: {  	(erf) = vpow2.f32 v0  }
.Ltmp1:
0x72: {  	(pc) =	sbr.rel @p0 .LBB2_4-.Ltmp1, $3  }
0x73: {  	_ =	sdelay $0x1  }
0x74: {  	s5 =	sshra.s32 s4, $0x2  }
0x75: {  	s4 =	sadd.s32 $0x40, s4;
	v0 =	vld [tilespmem:s5+$0x7D0]  }
0x76: {  	_ = 	snop  }
0x77: {  	v1 =	vld [tilespmem:s5+$0x0];
	_ =	sdelay $0x1  }
0x78: {  	v2 =	vpop (erf)  }
0x79: {  	v3 =	vpop (erf)  }
0x7a: {  	v2 =	vmul.f32 v3, v2;
	_ =	sdelay $0x1  }
0x7b: {  	[tilespmem:s25+$0xFDC0] =	vst v2  }
0x7c: {  	v0 =	vld.idx.msk [tilespmem:v0+s29+$0x0], $0xffff  }
0x7d: {  	v2 =	vld.idx.msk [tilespmem:v1+s26+$0x0], $0xffff;
	_ =	sdelay $0x4  }
0x7e: {  	v3 =	vld.idx.msk [tilespmem:v1+s30+$0x0], $0xffff;
	v0 =	vadd.f32 v0, v2;
	_ =	sdelay $0x1  }
0x7f: {  	v1 =	vld.idx.msk [tilespmem:v1+s1+$0x0], $0xffff;
	v2 =	vmul.f32 $2.000000030e-01, v0  }
0x80: {  	vm0 =	vge.f32 v0, $0.0e+00  }
0x81: {  	v0 =	vsel vm0, v0, v2  }
0x82: {  	v0 =	vsub.f32 v0, v3;
	_ =	sdelay $0x1  }
0x83: {  	v1 =	vmax.f32 v1, $1.000000020e-16;
	v0 =	vmul.f32 $1.442695020e+00, v0  }
0x84: {  	(erf) = vrcp.f32 v1  }
0x85: {  	(erf) = vpow2.f32 v0;
	_ =	sdelay $0x7  }
0x86: {  	v0 =	vpop (erf)  }
0x87: {  	v1 =	vpop (erf)  }
0x88: {  	v0 =	vmul.f32 v1, v0;
	_ =	sdelay $0x1  }
0x89: {  	s4 =	simm.s32 $0x0;
	[tilespmem:s5+$0xFDC0] =	vst v0  }
0x8a: {  	[hbm4b:s10+s4] =	stream.linear.scatter [tilespmem:s2], [sflag:$0x2], $0x7D0, $0x38;
	[tilespmem:$0x10590] =	vst v63  }
0x8b: {  	_ =	swait.ge [sflag:s28], $0x7D0  }
0x8c: {  	[sflag:s28] =	ssyncset.done $0x0  }
0x8d: {  	[sflag:s28] =	ssyncadd.s32 $0xFFFFF830  }
0x8e: {  	[tilespmem:s4], [sflag:$0x1] =	stream.linear.gather [hbm4b:s11+s4], $0x7D0, $0x38;
	[tilespmem:$0x10590] =	vst v63  }
0x8f: {  	_ = 	snop  }
0x90: {  	[tilespmem:s0], [sflag:$0x1] =	stream.linear.gather [hbm4b:s12+s4], $0x7D0, $0x38;
	[tilespmem:$0x10590] =	vst v63  }
0x91: {  	_ =	swait.ge [sflag:s31], $0x7D0  }
0x92: {  	[sflag:s31] =	ssyncset.done $0x0  }
0x93: {  	[sflag:s31] =	ssyncadd.s32 $0xFFFFF830  }
0x94: {  	_ =	swait.ge [sflag:s31], $0x7D0  }
0x95: {  	[sflag:s31] =	ssyncset.done $0x0  }
0x96: {  	s25 =	simm.s32 $0x0;
	[sflag:s31] =	ssyncadd.s32 $0xFFFFF830  }
0x97: {  	v0 =	vld [tilespmem:s25+$0x7D0]  }
0x98: {  	v1 =	vld [tilespmem:s25+$0x0];
	_ =	sdelay $0x6  }
0x99: {  	v0 =	vld.idx.msk [tilespmem:v0+s29+$0x0], $0xffff  }
0x9a: {  	v2 =	vld.idx.msk [tilespmem:v1+s26+$0x0], $0xffff;
	_ =	sdelay $0x4  }
0x9b: {  	v3 =	vld.idx.msk [tilespmem:v1+s30+$0x0], $0xffff;
	v0 =	vadd.f32 v0, v2;
	_ =	sdelay $0x1  }
0x9c: {  	v1 =	vld.idx.msk [tilespmem:v1+s1+$0x0], $0xffff;
	v2 =	vmul.f32 $2.000000030e-01, v0  }
0x9d: {  	vm15 =	vge.f32 v0, $0.0e+00  }
0x9e: {  	v0 =	vsel vm15, v0, v2  }
0x9f: {  	v0 =	vsub.f32 v0, v3;
	_ =	sdelay $0x1  }
0xa0: {  	v1 =	vmax.f32 v1, $1.000000020e-16;
	v0 =	vmul.f32 $1.442695020e+00, v0  }
0xa1: {  	(erf) = vrcp.f32 v1  }
0xa2: {  	(erf) = vpow2.f32 v0;
	_ =	sdelay $0x3  }
0xa3: {  	s5 =	simm.s32 $0x10  }
0xa4: {  	s4 =	simm.s32 $0x80;
	v0 =	vld [tilespmem:s5+$0x7D0]  }
.LBB2_6:
0xa5: {  	p0 =	sne.s32 s4, $0x1F00;
	v1 =	vld [tilespmem:s5+$0x0];
	_ =	sdelay $0x1  }
0xa6: {  	v2 =	vpop (erf)  }
0xa7: {  	v3 =	vpop (erf)  }
0xa8: {  	v2 =	vmul.f32 v3, v2;
	_ =	sdelay $0x1  }
0xa9: {  	[tilespmem:s25+$0xFDC0] =	vst v2;
	s25 =	smov.u32 s5  }
0xaa: {  	v0 =	vld.idx.msk [tilespmem:v0+s29+$0x0], $0xffff  }
0xab: {  	v2 =	vld.idx.msk [tilespmem:v1+s26+$0x0], $0xffff;
	_ =	sdelay $0x4  }
0xac: {  	v3 =	vld.idx.msk [tilespmem:v1+s30+$0x0], $0xffff  }
0xad: {  	v0 =	vadd.f32 v0, v2  }
0xae: {  	v1 =	vld.idx.msk [tilespmem:v1+s1+$0x0], $0xffff  }
0xaf: {  	v2 =	vmul.f32 $2.000000030e-01, v0  }
0xb0: {  	vm0 =	vge.f32 v0, $0.0e+00  }
0xb1: {  	v0 =	vsel vm0, v0, v2  }
0xb2: {  	v0 =	vsub.f32 v0, v3;
	_ =	sdelay $0x1  }
0xb3: {  	v0 =	vmul.f32 $1.442695020e+00, v0;
	v1 =	vmax.f32 v1, $1.000000020e-16  }
0xb4: {  	(erf) = vrcp.f32 v1  }
0xb5: {  	(erf) = vpow2.f32 v0  }
.Ltmp2:
0xb6: {  	(pc) =	sbr.rel @p0 .LBB2_6-.Ltmp2, $3  }
0xb7: {  	_ =	sdelay $0x1  }
0xb8: {  	s5 =	sshra.s32 s4, $0x2  }
0xb9: {  	s4 =	sadd.s32 $0x40, s4;
	v0 =	vld [tilespmem:s5+$0x7D0]  }
0xba: {  	_ = 	snop  }
0xbb: {  	v1 =	vld [tilespmem:s5+$0x0];
	_ =	sdelay $0x1  }
0xbc: {  	v2 =	vpop (erf)  }
0xbd: {  	v3 =	vpop (erf)  }
0xbe: {  	v2 =	vmul.f32 v3, v2;
	_ =	sdelay $0x1  }
0xbf: {  	[tilespmem:s25+$0xFDC0] =	vst v2  }
0xc0: {  	v0 =	vld.idx.msk [tilespmem:v0+s29+$0x0], $0xffff  }
0xc1: {  	v2 =	vld.idx.msk [tilespmem:v1+s26+$0x0], $0xffff;
	_ =	sdelay $0x4  }
0xc2: {  	v3 =	vld.idx.msk [tilespmem:v1+s30+$0x0], $0xffff;
	v0 =	vadd.f32 v0, v2;
	_ =	sdelay $0x1  }
0xc3: {  	v1 =	vld.idx.msk [tilespmem:v1+s1+$0x0], $0xffff;
	v2 =	vmul.f32 $2.000000030e-01, v0  }
0xc4: {  	vm0 =	vge.f32 v0, $0.0e+00  }
0xc5: {  	v0 =	vsel vm0, v0, v2  }
0xc6: {  	v0 =	vsub.f32 v0, v3;
	_ =	sdelay $0x1  }
0xc7: {  	v1 =	vmax.f32 v1, $1.000000020e-16;
	v0 =	vmul.f32 $1.442695020e+00, v0  }
0xc8: {  	(erf) = vrcp.f32 v1  }
0xc9: {  	(erf) = vpow2.f32 v0;
	_ =	sdelay $0x7  }
0xca: {  	v0 =	vpop (erf)  }
0xcb: {  	v1 =	vpop (erf)  }
0xcc: {  	v0 =	vmul.f32 v1, v0;
	_ =	sdelay $0x1  }
0xcd: {  	s4 =	simm.s32 $0x0;
	[tilespmem:s5+$0xFDC0] =	vst v0  }
0xce: {  	[hbm4b:s13+s4] =	stream.linear.scatter [tilespmem:s2], [sflag:$0x2], $0x7D0, $0x38;
	[tilespmem:$0x10590] =	vst v63  }
0xcf: {  	_ =	swait.ge [sflag:s28], $0x7D0  }
0xd0: {  	[sflag:s28] =	ssyncset.done $0x0  }
0xd1: {  	[sflag:s28] =	ssyncadd.s32 $0xFFFFF830  }
0xd2: {  	[tilespmem:s4], [sflag:$0x1] =	stream.linear.gather [hbm4b:s14+s4], $0x7D0, $0x38;
	[tilespmem:$0x10590] =	vst v63  }
0xd3: {  	_ = 	snop  }
0xd4: {  	[tilespmem:s0], [sflag:$0x1] =	stream.linear.gather [hbm4b:s15+s4], $0x7D0, $0x38;
	[tilespmem:$0x10590] =	vst v63  }
0xd5: {  	_ =	swait.ge [sflag:s31], $0x7D0  }
0xd6: {  	[sflag:s31] =	ssyncset.done $0x0  }
0xd7: {  	[sflag:s31] =	ssyncadd.s32 $0xFFFFF830  }
0xd8: {  	_ =	swait.ge [sflag:s31], $0x7D0  }
0xd9: {  	[sflag:s31] =	ssyncset.done $0x0  }
0xda: {  	s25 =	simm.s32 $0x0;
	[sflag:s31] =	ssyncadd.s32 $0xFFFFF830  }
0xdb: {  	v0 =	vld [tilespmem:s25+$0x7D0]  }
0xdc: {  	v1 =	vld [tilespmem:s25+$0x0];
	_ =	sdelay $0x6  }
0xdd: {  	v0 =	vld.idx.msk [tilespmem:v0+s29+$0x0], $0xffff  }
0xde: {  	v2 =	vld.idx.msk [tilespmem:v1+s26+$0x0], $0xffff;
	_ =	sdelay $0x4  }
0xdf: {  	v3 =	vld.idx.msk [tilespmem:v1+s30+$0x0], $0xffff;
	v0 =	vadd.f32 v0, v2;
	_ =	sdelay $0x1  }
0xe0: {  	v1 =	vld.idx.msk [tilespmem:v1+s1+$0x0], $0xffff;
	v2 =	vmul.f32 $2.000000030e-01, v0  }
0xe1: {  	vm15 =	vge.f32 v0, $0.0e+00  }
0xe2: {  	v0 =	vsel vm15, v0, v2  }
0xe3: {  	v0 =	vsub.f32 v0, v3;
	_ =	sdelay $0x1  }
0xe4: {  	v1 =	vmax.f32 v1, $1.000000020e-16;
	v0 =	vmul.f32 $1.442695020e+00, v0  }
0xe5: {  	(erf) = vrcp.f32 v1  }
0xe6: {  	(erf) = vpow2.f32 v0;
	_ =	sdelay $0x3  }
0xe7: {  	s5 =	simm.s32 $0x10  }
0xe8: {  	s4 =	simm.s32 $0x80;
	v0 =	vld [tilespmem:s5+$0x7D0]  }
.LBB2_8:
0xe9: {  	p0 =	sne.s32 s4, $0x1F00;
	v1 =	vld [tilespmem:s5+$0x0];
	_ =	sdelay $0x1  }
0xea: {  	v2 =	vpop (erf)  }
0xeb: {  	v3 =	vpop (erf)  }
0xec: {  	v2 =	vmul.f32 v3, v2;
	_ =	sdelay $0x1  }
0xed: {  	[tilespmem:s25+$0xFDC0] =	vst v2;
	s25 =	smov.u32 s5  }
0xee: {  	v0 =	vld.idx.msk [tilespmem:v0+s29+$0x0], $0xffff  }
0xef: {  	v2 =	vld.idx.msk [tilespmem:v1+s26+$0x0], $0xffff;
	_ =	sdelay $0x4  }
0xf0: {  	v3 =	vld.idx.msk [tilespmem:v1+s30+$0x0], $0xffff  }
0xf1: {  	v0 =	vadd.f32 v0, v2  }
0xf2: {  	v1 =	vld.idx.msk [tilespmem:v1+s1+$0x0], $0xffff  }
0xf3: {  	v2 =	vmul.f32 $2.000000030e-01, v0  }
0xf4: {  	vm0 =	vge.f32 v0, $0.0e+00  }
0xf5: {  	v0 =	vsel vm0, v0, v2  }
0xf6: {  	v0 =	vsub.f32 v0, v3;
	_ =	sdelay $0x1  }
0xf7: {  	v0 =	vmul.f32 $1.442695020e+00, v0;
	v1 =	vmax.f32 v1, $1.000000020e-16  }
0xf8: {  	(erf) = vrcp.f32 v1  }
0xf9: {  	(erf) = vpow2.f32 v0  }
.Ltmp3:
0xfa: {  	(pc) =	sbr.rel @p0 .LBB2_8-.Ltmp3, $3  }
0xfb: {  	_ =	sdelay $0x1  }
0xfc: {  	s5 =	sshra.s32 s4, $0x2  }
0xfd: {  	s4 =	sadd.s32 $0x40, s4;
	v0 =	vld [tilespmem:s5+$0x7D0]  }
0xfe: {  	_ = 	snop  }
0xff: {  	v1 =	vld [tilespmem:s5+$0x0];
	_ =	sdelay $0x1  }
0x100: {  	v2 =	vpop (erf)  }
0x101: {  	v3 =	vpop (erf)  }
0x102: {  	v2 =	vmul.f32 v3, v2;
	_ =	sdelay $0x1  }
0x103: {  	[tilespmem:s25+$0xFDC0] =	vst v2  }
0x104: {  	v0 =	vld.idx.msk [tilespmem:v0+s29+$0x0], $0xffff  }
0x105: {  	v2 =	vld.idx.msk [tilespmem:v1+s26+$0x0], $0xffff;
	_ =	sdelay $0x4  }
0x106: {  	v3 =	vld.idx.msk [tilespmem:v1+s30+$0x0], $0xffff;
	v0 =	vadd.f32 v0, v2;
	_ =	sdelay $0x1  }
0x107: {  	v1 =	vld.idx.msk [tilespmem:v1+s1+$0x0], $0xffff;
	v2 =	vmul.f32 $2.000000030e-01, v0  }
0x108: {  	vm0 =	vge.f32 v0, $0.0e+00  }
0x109: {  	v0 =	vsel vm0, v0, v2  }
0x10a: {  	v0 =	vsub.f32 v0, v3;
	_ =	sdelay $0x1  }
0x10b: {  	v1 =	vmax.f32 v1, $1.000000020e-16;
	v0 =	vmul.f32 $1.442695020e+00, v0  }
0x10c: {  	(erf) = vrcp.f32 v1  }
0x10d: {  	(erf) = vpow2.f32 v0;
	_ =	sdelay $0x7  }
0x10e: {  	v0 =	vpop (erf)  }
0x10f: {  	v1 =	vpop (erf)  }
0x110: {  	v0 =	vmul.f32 v1, v0;
	_ =	sdelay $0x1  }
0x111: {  	s4 =	simm.s32 $0x0;
	[tilespmem:s5+$0xFDC0] =	vst v0  }
0x112: {  	[hbm4b:s16+s4] =	stream.linear.scatter [tilespmem:s2], [sflag:$0x2], $0x7D0, $0x38;
	[tilespmem:$0x10590] =	vst v63  }
0x113: {  	_ =	swait.ge [sflag:s28], $0x7D0  }
0x114: {  	[sflag:s28] =	ssyncset.done $0x0  }
0x115: {  	[sflag:s28] =	ssyncadd.s32 $0xFFFFF830  }
0x116: {  	[tilespmem:s4], [sflag:$0x1] =	stream.linear.gather [hbm4b:s17+s4], $0x7D0, $0x38;
	[tilespmem:$0x10590] =	vst v63  }
0x117: {  	_ = 	snop  }
0x118: {  	[tilespmem:s0], [sflag:$0x1] =	stream.linear.gather [hbm4b:s18+s4], $0x7D0, $0x38;
	[tilespmem:$0x10590] =	vst v63  }
0x119: {  	_ =	swait.ge [sflag:s31], $0x7D0  }
0x11a: {  	[sflag:s31] =	ssyncset.done $0x0  }
0x11b: {  	[sflag:s31] =	ssyncadd.s32 $0xFFFFF830  }
0x11c: {  	_ =	swait.ge [sflag:s31], $0x7D0  }
0x11d: {  	[sflag:s31] =	ssyncset.done $0x0  }
0x11e: {  	s25 =	simm.s32 $0x0;
	[sflag:s31] =	ssyncadd.s32 $0xFFFFF830  }
0x11f: {  	v0 =	vld [tilespmem:s25+$0x7D0]  }
0x120: {  	v1 =	vld [tilespmem:s25+$0x0];
	_ =	sdelay $0x6  }
0x121: {  	v0 =	vld.idx.msk [tilespmem:v0+s29+$0x0], $0xffff  }
0x122: {  	v2 =	vld.idx.msk [tilespmem:v1+s26+$0x0], $0xffff;
	_ =	sdelay $0x4  }
0x123: {  	v3 =	vld.idx.msk [tilespmem:v1+s30+$0x0], $0xffff;
	v0 =	vadd.f32 v0, v2;
	_ =	sdelay $0x1  }
0x124: {  	v1 =	vld.idx.msk [tilespmem:v1+s1+$0x0], $0xffff;
	v2 =	vmul.f32 $2.000000030e-01, v0  }
0x125: {  	vm15 =	vge.f32 v0, $0.0e+00  }
0x126: {  	v0 =	vsel vm15, v0, v2  }
0x127: {  	v0 =	vsub.f32 v0, v3;
	_ =	sdelay $0x1  }
0x128: {  	v1 =	vmax.f32 v1, $1.000000020e-16;
	v0 =	vmul.f32 $1.442695020e+00, v0  }
0x129: {  	(erf) = vrcp.f32 v1  }
0x12a: {  	(erf) = vpow2.f32 v0;
	_ =	sdelay $0x3  }
0x12b: {  	s5 =	simm.s32 $0x10  }
0x12c: {  	s4 =	simm.s32 $0x80;
	v0 =	vld [tilespmem:s5+$0x7D0]  }
.LBB2_10:
0x12d: {  	p0 =	sne.s32 s4, $0x1F00;
	v1 =	vld [tilespmem:s5+$0x0];
	_ =	sdelay $0x1  }
0x12e: {  	v2 =	vpop (erf)  }
0x12f: {  	v3 =	vpop (erf)  }
0x130: {  	v2 =	vmul.f32 v3, v2;
	_ =	sdelay $0x1  }
0x131: {  	[tilespmem:s25+$0xFDC0] =	vst v2;
	s25 =	smov.u32 s5  }
0x132: {  	v0 =	vld.idx.msk [tilespmem:v0+s29+$0x0], $0xffff  }
0x133: {  	v2 =	vld.idx.msk [tilespmem:v1+s26+$0x0], $0xffff;
	_ =	sdelay $0x4  }
0x134: {  	v3 =	vld.idx.msk [tilespmem:v1+s30+$0x0], $0xffff  }
0x135: {  	v0 =	vadd.f32 v0, v2  }
0x136: {  	v1 =	vld.idx.msk [tilespmem:v1+s1+$0x0], $0xffff  }
0x137: {  	v2 =	vmul.f32 $2.000000030e-01, v0  }
0x138: {  	vm0 =	vge.f32 v0, $0.0e+00  }
0x139: {  	v0 =	vsel vm0, v0, v2  }
0x13a: {  	v0 =	vsub.f32 v0, v3;
	_ =	sdelay $0x1  }
0x13b: {  	v0 =	vmul.f32 $1.442695020e+00, v0;
	v1 =	vmax.f32 v1, $1.000000020e-16  }
0x13c: {  	(erf) = vrcp.f32 v1  }
0x13d: {  	(erf) = vpow2.f32 v0  }
.Ltmp4:
0x13e: {  	(pc) =	sbr.rel @p0 .LBB2_10-.Ltmp4, $3  }
0x13f: {  	_ =	sdelay $0x1  }
0x140: {  	s5 =	sshra.s32 s4, $0x2  }
0x141: {  	s4 =	sadd.s32 $0x40, s4;
	v0 =	vld [tilespmem:s5+$0x7D0]  }
0x142: {  	_ = 	snop  }
0x143: {  	v1 =	vld [tilespmem:s5+$0x0];
	_ =	sdelay $0x1  }
0x144: {  	v2 =	vpop (erf)  }
0x145: {  	v3 =	vpop (erf)  }
0x146: {  	v2 =	vmul.f32 v3, v2;
	_ =	sdelay $0x1  }
0x147: {  	[tilespmem:s25+$0xFDC0] =	vst v2  }
0x148: {  	v0 =	vld.idx.msk [tilespmem:v0+s29+$0x0], $0xffff  }
0x149: {  	v2 =	vld.idx.msk [tilespmem:v1+s26+$0x0], $0xffff;
	_ =	sdelay $0x4  }
0x14a: {  	v3 =	vld.idx.msk [tilespmem:v1+s30+$0x0], $0xffff;
	v0 =	vadd.f32 v0, v2;
	_ =	sdelay $0x1  }
0x14b: {  	v1 =	vld.idx.msk [tilespmem:v1+s1+$0x0], $0xffff;
	v2 =	vmul.f32 $2.000000030e-01, v0  }
0x14c: {  	vm0 =	vge.f32 v0, $0.0e+00  }
0x14d: {  	v0 =	vsel vm0, v0, v2  }
0x14e: {  	v0 =	vsub.f32 v0, v3;
	_ =	sdelay $0x1  }
0x14f: {  	v1 =	vmax.f32 v1, $1.000000020e-16;
	v0 =	vmul.f32 $1.442695020e+00, v0  }
0x150: {  	(erf) = vrcp.f32 v1  }
0x151: {  	(erf) = vpow2.f32 v0;
	_ =	sdelay $0x7  }
0x152: {  	v0 =	vpop (erf)  }
0x153: {  	v1 =	vpop (erf)  }
0x154: {  	v0 =	vmul.f32 v1, v0;
	_ =	sdelay $0x1  }
0x155: {  	s4 =	simm.s32 $0x0;
	[tilespmem:s5+$0xFDC0] =	vst v0  }
0x156: {  	[hbm4b:s19+s4] =	stream.linear.scatter [tilespmem:s2], [sflag:$0x2], $0x7D0, $0x38;
	[tilespmem:$0x10590] =	vst v63  }
0x157: {  	_ =	swait.ge [sflag:s28], $0x7D0  }
0x158: {  	[sflag:s28] =	ssyncset.done $0x0  }
0x159: {  	[sflag:s28] =	ssyncadd.s32 $0xFFFFF830  }
0x15a: {  	[tilespmem:s4], [sflag:$0x1] =	stream.linear.gather [hbm4b:s20+s4], $0x7D0, $0x38;
	[tilespmem:$0x10590] =	vst v63  }
0x15b: {  	_ = 	snop  }
0x15c: {  	[tilespmem:s0], [sflag:$0x1] =	stream.linear.gather [hbm4b:s21+s4], $0x7D0, $0x38;
	[tilespmem:$0x10590] =	vst v63  }
0x15d: {  	_ =	swait.ge [sflag:s31], $0x7D0  }
0x15e: {  	[sflag:s31] =	ssyncset.done $0x0  }
0x15f: {  	[sflag:s31] =	ssyncadd.s32 $0xFFFFF830  }
0x160: {  	_ =	swait.ge [sflag:s31], $0x7D0  }
0x161: {  	[sflag:s31] =	ssyncset.done $0x0  }
0x162: {  	s25 =	simm.s32 $0x0;
	[sflag:s31] =	ssyncadd.s32 $0xFFFFF830  }
0x163: {  	v0 =	vld [tilespmem:s25+$0x7D0]  }
0x164: {  	v1 =	vld [tilespmem:s25+$0x0];
	_ =	sdelay $0x6  }
0x165: {  	v0 =	vld.idx.msk [tilespmem:v0+s29+$0x0], $0xffff  }
0x166: {  	v2 =	vld.idx.msk [tilespmem:v1+s26+$0x0], $0xffff;
	_ =	sdelay $0x4  }
0x167: {  	v3 =	vld.idx.msk [tilespmem:v1+s30+$0x0], $0xffff;
	v0 =	vadd.f32 v0, v2;
	_ =	sdelay $0x1  }
0x168: {  	v1 =	vld.idx.msk [tilespmem:v1+s1+$0x0], $0xffff;
	v2 =	vmul.f32 $2.000000030e-01, v0  }
0x169: {  	vm15 =	vge.f32 v0, $0.0e+00  }
0x16a: {  	v0 =	vsel vm15, v0, v2  }
0x16b: {  	v0 =	vsub.f32 v0, v3;
	_ =	sdelay $0x1  }
0x16c: {  	v1 =	vmax.f32 v1, $1.000000020e-16;
	v0 =	vmul.f32 $1.442695020e+00, v0  }
0x16d: {  	(erf) = vrcp.f32 v1  }
0x16e: {  	(erf) = vpow2.f32 v0;
	_ =	sdelay $0x3  }
0x16f: {  	s5 =	simm.s32 $0x10  }
0x170: {  	s4 =	simm.s32 $0x80;
	v0 =	vld [tilespmem:s5+$0x7D0]  }
.LBB2_12:
0x171: {  	p0 =	sne.s32 s4, $0x1F00;
	v1 =	vld [tilespmem:s5+$0x0];
	_ =	sdelay $0x1  }
0x172: {  	v2 =	vpop (erf)  }
0x173: {  	v3 =	vpop (erf)  }
0x174: {  	v2 =	vmul.f32 v3, v2;
	_ =	sdelay $0x1  }
0x175: {  	[tilespmem:s25+$0xFDC0] =	vst v2;
	s25 =	smov.u32 s5  }
0x176: {  	v0 =	vld.idx.msk [tilespmem:v0+s29+$0x0], $0xffff  }
0x177: {  	v2 =	vld.idx.msk [tilespmem:v1+s26+$0x0], $0xffff;
	_ =	sdelay $0x4  }
0x178: {  	v3 =	vld.idx.msk [tilespmem:v1+s30+$0x0], $0xffff  }
0x179: {  	v0 =	vadd.f32 v0, v2  }
0x17a: {  	v1 =	vld.idx.msk [tilespmem:v1+s1+$0x0], $0xffff  }
0x17b: {  	v2 =	vmul.f32 $2.000000030e-01, v0  }
0x17c: {  	vm0 =	vge.f32 v0, $0.0e+00  }
0x17d: {  	v0 =	vsel vm0, v0, v2  }
0x17e: {  	v0 =	vsub.f32 v0, v3;
	_ =	sdelay $0x1  }
0x17f: {  	v0 =	vmul.f32 $1.442695020e+00, v0;
	v1 =	vmax.f32 v1, $1.000000020e-16  }
0x180: {  	(erf) = vrcp.f32 v1  }
0x181: {  	(erf) = vpow2.f32 v0  }
.Ltmp5:
0x182: {  	(pc) =	sbr.rel @p0 .LBB2_12-.Ltmp5, $3  }
0x183: {  	_ =	sdelay $0x1  }
0x184: {  	s5 =	sshra.s32 s4, $0x2  }
0x185: {  	s4 =	sadd.s32 $0x40, s4;
	v0 =	vld [tilespmem:s5+$0x7D0]  }
0x186: {  	_ = 	snop  }
0x187: {  	v1 =	vld [tilespmem:s5+$0x0];
	_ =	sdelay $0x1  }
0x188: {  	v2 =	vpop (erf)  }
0x189: {  	v3 =	vpop (erf)  }
0x18a: {  	v2 =	vmul.f32 v3, v2;
	_ =	sdelay $0x1  }
0x18b: {  	[tilespmem:s25+$0xFDC0] =	vst v2  }
0x18c: {  	v0 =	vld.idx.msk [tilespmem:v0+s29+$0x0], $0xffff  }
0x18d: {  	v2 =	vld.idx.msk [tilespmem:v1+s26+$0x0], $0xffff;
	_ =	sdelay $0x4  }
0x18e: {  	v61 =	vld.idx.msk [tilespmem:v1+s30+$0x0], $0xffff;
	v0 =	vadd.f32 v0, v2;
	_ =	sdelay $0x1  }
0x18f: {  	v1 =	vld.idx.msk [tilespmem:v1+s1+$0x0], $0xffff;
	v2 =	vmul.f32 $2.000000030e-01, v0  }
0x190: {  	vm0 =	vge.f32 v0, $0.0e+00  }
0x191: {  	v0 =	vsel vm0, v0, v2  }
0x192: {  	v0 =	vsub.f32 v0, v61;
	_ =	sdelay $0x1  }
0x193: {  	v1 =	vmax.f32 v1, $1.000000020e-16;
	v0 =	vmul.f32 $1.442695020e+00, v0  }
0x194: {  	(erf) = vrcp.f32 v1  }
0x195: {  	(erf) = vpow2.f32 v0;
	_ =	sdelay $0x7  }
0x196: {  	v62 =	vpop (erf)  }
0x197: {  	v63 =	vpop (erf)  }
0x198: {  	s24 =	sadd.s32 $0x1, s24;
	v0 =	vmul.f32 v63, v62  }
0x199: {  	p0 =	sne.s32 s24, s23  }
.Ltmp6:
0x19a: {  	[tilespmem:s5+$0xFDC0] =	vst v0;
	(pc) =	sbr.rel @p0 .LBB2_1-.Ltmp6, $4  }
0x19b: {  	[hbm4b:s22+s3] =	stream.linear.scatter [tilespmem:s2], [sflag:$0x2], $0x7D0, $0x38;
	[tilespmem:$0x10590] =	vst v63  }
0x19c: {  	_ =	swait.ge [sflag:s28], $0x7D0  }
0x19d: {  	[sflag:s28] =	ssyncset.done $0x0  }
0x19e: {  	[sflag:s28] =	ssyncadd.s32 $0xFFFFF830  }
0x19f: {  	_ =	sfence.sel $0x180000  }
0x1a0: {  	[bflag:$0x0] =	sbarrier.arrive $0xFFFF  }
0x1a1: {  	_ =	strace $0x9000004D  }
0x1a2: {  	s0 =	stileid.u32;
	[bflag:$0x2] =	sbarrier.arrive $0xFFFF  }
0x1a3: {  	p0 =	sne.s32 s0, $0x0;
	s0 =	rddreg [dreg:$0x4]  }
0x1a4: {  	s0 =	sadd.s32 @!p0 $0x100000, s0  }
0x1a5: {  	[sflag:s0] =	ssyncadd.tile.s32 @!p0 $0x1;
	_ =	shalt  }
.Lfunc_end2:
_tile_overlayer_lowered:
.L_overlay_start_2:
0x1a6: {  	(tag) =	ssettag $0x2  }
0x1a7: {  	s0 =	rddreg [dreg:$0x0];
	s2 =	stileid.u32  }
0x1a8: {  	s1 =	rddreg [dreg:$0x1];
	p0 =	sne.s32 s2, $0x0  }
0x1a9: {  	s3 =	rddreg [dreg:$0x2];
	[bflag:$0x3] =	sbarrier.arrive $0xFFFF;
	s2 =	simm.s32 @!p0 $0x1C02  }
0x1aa: {  	[timem:s3], [sflag:s2] =	dma.local @!p0 [hbm:s0], s1  }
0x1ab: {  	s0 =	simm.s32 @!p0 $0x2  }
0x1ac: {  	_ =	swait.ge @!p0 [sflag:s0], s1  }
0x1ad: {  	s1 =	ssub.s32 @!p0 $0x0, s1;
	[sflag:s0] =	ssyncset.done @!p0 $0x0  }
0x1ae: {  	[sflag:s0] =	ssyncadd.s32 @!p0 s1  }
0x1af: {  	[bflag:$0x3] =	sbarrier.arrive $0xFFFF  }
0x1b0: {  	_ =	shalt  }

// kernel: kernel.6.cloned.1.call-start
scs
__scs_entry_jumppad:
0x0: {  	(pc) =	sbr.rel $0x88, $3  }
0x1: {  	(tag) =	ssettag $0x0;
	lr =	simm.s32 $0x1  }
0x2: {  	[smem:$0x3F9E] =	sst lr;
	_ =	strace $0xD0000000  }
0x3: {  	_ = 	snop  }
0x4: {  	_ = 	snop  }
0x5: {  	_ = 	snop  }
0x6: {  	_ = 	snop  }
0x7: {  	_ = 	snop  }
__scs_overlays_trampoline_lowered:
0x8: {  	[smem:$0x3FAD] =	sst s0  }
0x9: {  	[smem:$0x3FAE] =	sst s1  }
0xa: {  	[smem:$0x3FAF] =	sst s2  }
0xb: {  	[smem:$0x3FB0] =	sst s3  }
0xc: {  	[smem:$0x3FB1] =	sst s4  }
0xd: {  	[smem:$0x3FB2] =	sst s5  }
0xe: {  	[smem:$0x3FB3] =	sst s6  }
0xf: {  	[smem:$0x3FB4] =	sst s7  }
0x10: {  	[smem:$0x3FB5] =	sst s8  }
0x11: {  	[smem:$0x3FB6] =	sst s9;
	s0 =	simm.s32 @!p0 $0x0  }
0x12: {  	s1 =	sld [smem:$0x3F9C];
	s0 =	simm.s32 @p0 $0x1  }
0x13: {  	[smem:$0x3FB7] =	sst s0;
	s0 =	simm.s32 @!p1 $0x0  }
0x14: {  	s2 =	sld [smem:$0x3F9B];
	s0 =	simm.s32 @p1 $0x1  }
0x15: {  	[smem:$0x3FB8] =	sst s0;
	s0 =	simm.s32 @!p2 $0x0  }
0x16: {  	s3 =	sld [smem:$0x3FDB];
	s0 =	simm.s32 @p2 $0x1  }
0x17: {  	s4 =	simm.s32 $0x1BF5;
	[smem:$0x3FBA] =	sst s0  }
0x18: {  	s0 =	sld [smem:$0x3F9D];
	_ =	swait.ge [sflag:s4], $0x0  }
0x19: {  	s7 =	sld [smem:$0x3F9E]  }
0x1a: {  	s8 =	sadd.s32 $0xFFFFE003, lr  }
0x1b: {  	s9 =	sadd.s32 $0xFFFFFEF7, lr;
	s5 =	simm.s32 $0xFFFFFFFF;
	p2 =	slt.u32 s8, $0xFFFFF086  }
0x1c: {  	p1 =	slt.u32 s9, $0xF7A;
	s5 =	simm.s32 @!p2 $0x0  }
0x1d: {  	s5 =	simm.s32 @p1 $0x1;
	p0 =	seq.s32 s7, s2  }
0x1e: {  	s7 =	smul.u32 @!p0 $0xF7A, s2;
	p2 =	seq.s32 @!p0 s5, $0x0  }
0x1f: {  	s9 =	smul.u32 $0xF7A, s1;
	s8 =	simm.s32 @!p0 $0x1BF5;
	p2 =	por !p2, p0  }
0x20: {  	[sflag:s8] =	ssyncset.s32 @!p0 $0xFFFFF086;
	s6 =	sadd.s32 @!p0 s3, s7;
	s7 =	simm.s32 @!p0 $0x108  }
0x21: {  	s3 =	sadd.s32 s3, s9;
	s6 =	sadd.s32 @!p0 $0x88, s6;
	s7 =	simm.s32 @p2 $0x1082  }
0x22: {  	[simem:s7], [sflag:s8] =	dma.local @!p0 [hbm:s6], $0xF7A  }
0x23: {  	s9 =	sor.u32 $0xD0000000, s2;
	s6 =	simm.s32 $0x108;
	_ =	swait.ge @!p0 [sflag:s8], $0x0  }
0x24: {  	s3 =	sadd.s32 $0x88, s3;
	s6 =	simm.s32 @!p1 $0x1082;
	[sflag:s4] =	ssyncset.s32 $0xFFFFF086  }
0x25: {  	[simem:s6], [sflag:s4] =	dma.local [hbm:s3], $0xF7A  }
0x26: {  	[smem:$0x3F9E] =	sst s1;
	(tag) =	ssettag s2;
	_ =	strace s9  }
0x27: {  	s1 =	sld [smem:$0x3FAE]  }
0x28: {  	s2 =	sld [smem:$0x3FAF]  }
0x29: {  	s4 =	sld [smem:$0x3FB1]  }
0x2a: {  	p0 =	seq.s32 s5, $0x0;
	s5 =	sld [smem:$0x3FB2]  }
0x2b: {  	s6 =	sld [smem:$0x3FB3]  }
0x2c: {  	s7 =	sld [smem:$0x3FB4]  }
0x2d: {  	s3 =	simm.s32 $0x108;
	s8 =	sld [smem:$0x3FB5]  }
0x2e: {  	s3 =	simm.s32 @!p0 $0x1082;
	s9 =	sld [smem:$0x3FB6]  }
0x2f: {  	lr =	sadd.s32 s0, s3;
	s0 =	sld [smem:$0x3FAD]  }
0x30: {  	s3 =	sld [smem:$0x3FB0]  }
0x31: {  	[smem:$0x3FB9] =	sst s10  }
0x32: {  	s10 =	sld [smem:$0x3FB7];
	_ =	sdelay $0x3  }
0x33: {  	p0 =	seq.s32 s10, $0x1;
	s10 =	sld [smem:$0x3FB9];
	_ =	sdelay $0x3  }
0x34: {  	[smem:$0x3FB9] =	sst s10  }
0x35: {  	s10 =	sld [smem:$0x3FB8];
	_ =	sdelay $0x3  }
0x36: {  	p1 =	seq.s32 s10, $0x1;
	s10 =	sld [smem:$0x3FB9];
	_ =	sdelay $0x3  }
0x37: {  	[smem:$0x3FB9] =	sst s10  }
0x38: {  	s10 =	sld [smem:$0x3FBA]  }
0x39: {  	_ = 	snop;
	(pc) =	sbr.ind lr, $3  }
0x3a: {  	_ = 	snop  }
0x3b: {  	_ = 	snop  }
0x3c: {  	p2 =	seq.s32 s10, $0x1;
	s10 =	sld [smem:$0x3FB9]  }
0x3d: {  	_ =	shalt  }
0x3e: {  	_ =	shalt  }
0x3f: {  	_ =	shalt  }
0x40: {  	_ =	shalt  }
0x41: {  	_ =	shalt  }
0x42: {  	_ =	shalt  }
0x43: {  	_ =	shalt  }
0x44: {  	_ =	shalt  }
0x45: {  	_ =	shalt  }
0x46: {  	_ =	shalt  }
0x47: {  	_ =	shalt  }
0x48: {  	_ =	shalt  }
0x49: {  	_ =	shalt  }
0x4a: {  	_ =	shalt  }
0x4b: {  	_ =	shalt  }
0x4c: {  	_ =	shalt  }
0x4d: {  	_ =	shalt  }
0x4e: {  	_ =	shalt  }
0x4f: {  	_ =	shalt  }
0x50: {  	_ =	shalt  }
0x51: {  	_ =	shalt  }
0x52: {  	_ =	shalt  }
0x53: {  	_ =	shalt  }
0x54: {  	_ =	shalt  }
0x55: {  	_ =	shalt  }
0x56: {  	_ =	shalt  }
0x57: {  	_ =	shalt  }
0x58: {  	_ =	shalt  }
0x59: {  	_ =	shalt  }
0x5a: {  	_ =	shalt  }
0x5b: {  	_ =	shalt  }
0x5c: {  	_ =	shalt  }
0x5d: {  	_ =	shalt  }
0x5e: {  	_ =	shalt  }
0x5f: {  	_ =	shalt  }
0x60: {  	_ =	shalt  }
0x61: {  	_ =	shalt  }
0x62: {  	_ =	shalt  }
0x63: {  	_ =	shalt  }
0x64: {  	_ =	shalt  }
0x65: {  	_ =	shalt  }
0x66: {  	_ =	shalt  }
0x67: {  	_ =	shalt  }
0x68: {  	_ =	shalt  }
0x69: {  	_ =	shalt  }
0x6a: {  	_ =	shalt  }
0x6b: {  	_ =	shalt  }
0x6c: {  	_ =	shalt  }
0x6d: {  	_ =	shalt  }
0x6e: {  	_ =	shalt  }
0x6f: {  	_ =	shalt  }
0x70: {  	_ =	shalt  }
0x71: {  	_ =	shalt  }
0x72: {  	_ =	shalt  }
0x73: {  	_ =	shalt  }
0x74: {  	_ =	shalt  }
0x75: {  	_ =	shalt  }
0x76: {  	_ =	shalt  }
0x77: {  	_ =	shalt  }
0x78: {  	_ =	shalt  }
0x79: {  	_ =	shalt  }
0x7a: {  	_ =	shalt  }
0x7b: {  	_ =	shalt  }
0x7c: {  	_ =	shalt  }
0x7d: {  	_ =	shalt  }
0x7e: {  	_ =	shalt  }
0x7f: {  	_ =	shalt  }
0x80: {  	_ =	shalt  }
0x81: {  	_ =	shalt  }
0x82: {  	_ =	shalt  }
0x83: {  	_ =	shalt  }
0x84: {  	_ =	shalt  }
0x85: {  	_ =	shalt  }
0x86: {  	_ =	shalt  }
0x87: {  	_ =	shalt  }
.Lfunc_end0:
.L_simem_size_0:
called_computation_lowered:
.L_overlay_start_0:
0x88: {  	s2 =	sld [smem:$0x3FD9]  }
0x89: {  	s3 =	sld [smem:$0x3FFE];
	_ =	sdelay $0x1  }
0x8a: {  	s1 =	srdreg.scid  }
0x8b: {  	s0 =	sand.u32 $0x1, s1  }
0x8c: {  	s14 =	sshll.u32 s0, $0xA;
	s2 =	sadd.s32 s3, s2  }
0x8d: {  	s2 =	sadd.s32 s2, s14  }
0x8e: {  	[smem:$0x3FC5] =	sst s2  }
0x8f: {  	_ = 	snop  }
0x90: {  	s2 =	sld [smem:$0x3FD0];
	_ =	sdelay $0x2  }
0x91: {  	s15 =	simm.s32 $0xA;
	s4 =	simm.s32 $0x10  }
0x92: {  	[smem:s4], [sflag:s15] =	dma.local [hbm:s2], $0x1  }
0x93: {  	_ =	swait.eq [sflag:s15], $0x1  }
0x94: {  	[sflag:s15] =	ssyncset.done $0x0  }
0x95: {  	s16 =	sld [smem:$0x11];
	[sflag:s15] =	ssyncadd.s32 $0xFFFFFFFF  }
0x96: {  	s17 =	sld [smem:$0x12];
	(tm) =	ssettm $0x1  }
0x97: {  	s18 =	sld [smem:$0x3FFB];
	_ =	sdelay $0x3  }
0x98: {  	_ =	strace s18  }
0x99: {  	s4 =	sld [smem:$0x3FFC];
	_ =	sdelay $0x3  }
0x9a: {  	_ =	strace s4  }
0x9b: {  	s4 =	sld [smem:$0x3FFD];
	_ =	sdelay $0x3  }
0x9c: {  	_ =	strace s4  }
0x9d: {  	_ =	strace $0x8FFFFFFF  }
0x9e: {  	s19 =	sld [smem:$0x3FDB];
	_ =	sdelay $0x1  }
0x9f: {  	s5 =	simm.s32 $_scs_section_size  }
0xa0: {  	s6 =	simm.s32 $_size__tile_overlayer_lowered;
	s7 =	simm.s32 $_tile_overlayer_lowered  }
0xa1: {  	s22 =	simm.s32 $0x1BFF;
	s21 =	sshll.u32 s7, $0x1;
	s4 =	sadd.s32 s5, s19  }
0xa2: {  	s8 =	simm.s32 $0x0;
	s20 =	sshll.u32 s6, $0x1;
	s6 =	sadd.s32 s21, s4  }
0xa3: {  	[timem:s8], [sflag:s22] =	dma.local [hbm:s6], s20  }
0xa4: {  	_ =	swait.ge [sflag:s22], s20  }
0xa5: {  	s5 =	ssub.s32 $0x0, s20;
	[sflag:s22] =	ssyncset.done $0x0  }
0xa6: {  	[sflag:s22] =	ssyncadd.s32 s5;
	_ =	sdelay $0x1  }
0xa7: {  	s23 =	simm.s32 $0x1B8B  }
0xa8: {  	_ =	swait.ge [sflag:s23], $0x1  }
0xa9: {  	[sflag:s23] =	ssyncset.done $0x0  }
0xaa: {  	s25 =	simm.s32 $0x1B8E;
	s24 =	sld [smem:$0x3FFE];
	[sflag:s23] =	ssyncadd.s32 $0xFFFFFFFF  }
0xab: {  	s26 =	simm.s32 $execute0_lowered;
	[smem:$0x3FD2] =	sst s25  }
0xac: {  	s6 =	sshll.u32 s26, $0x1;
	_ =	strace $0x80000046;
	[dreg:$0x1] =	wrdreg $0xFFFFFFFF  }
0xad: {  	s28 =	simm.s32 $_size_execute0_lowered;
	s4 =	sadd.s32 s4, s6;
	[dreg:$0x0] =	wrdreg $0x0  }
0xae: {  	s6 =	sshll.u32 s28, $0x1;
	[dreg:$0x2] =	wrdreg s4  }
0xaf: {  	[dreg:$0x3] =	wrdreg s6  }
0xb0: {  	[dreg:$0x4] =	wrdreg $0xC0  }
0xb1: {  	_ =	task [dreg:s8], $0x5FFFF  }
0xb2: {  	[dreg:$0x1] =	wrdreg $0xFFFFFFFF  }
0xb3: {  	[dreg:$0x0] =	wrdreg $0x60  }
0xb4: {  	[dreg:$0x2] =	wrdreg s16  }
0xb5: {  	[dreg:$0x3] =	wrdreg s24  }
0xb6: {  	[dreg:$0x4] =	wrdreg s17  }
0xb7: {  	[dreg:$0x5] =	wrdreg $0x85C00  }
0xb8: {  	[dreg:$0x6] =	wrdreg $0x9  }
0xb9: {  	_ =	task.clear_ibuf [dreg:s8], $0x7FFFF;
	_ =	strace $0x90000046  }
0xba: {  	s29 =	simm.s32 $0x9;
	_ =	strace $0x80000048  }
0xbb: {  	_ =	swait.ge [sflag:s29], $0x1  }
0xbc: {  	[sflag:s29] =	ssyncadd.s32 $0xFFFFFFFF  }
0xbd: {  	_ =	strace $0x90000048  }
0xbe: {  	_ =	sfence  }
0xbf: {  	s30 =	sld [smem:$0x0];
	_ =	sdelay $0x2  }
0xc0: {  	s31 =	sshll.u32 s1, $0xD;
	s1 =	sshrl.u32 s1, $0x2  }
0xc1: {  	s3 =	sand.u32 $0x4000, s31;
	s1 =	sadd.s32 s1, s30  }
0xc2: {  	s0 =	sor.u32 s3, s0;
	s1 =	sshll.u32 s1, $0x11  }
0xc3: {  	s0 =	sor.u32 s1, s0  }
0xc4: {  	s0 =	sadd.s32 $0x8F2B, s0  }
0xc5: {  	[sflag:s0] =	ssyncadd.remote.s32 $0x1  }
0xc6: {  	_ =	sfence.sel $0xFFFF  }
0xc7: {  	[dreg:$0x0] =	wrdreg $0xFFFFFFFF;
	(pc) =	sbr.abs _section_cstart, $3  }
0xc8: {  	[dreg:$0x1] =	wrdreg $0xFFFFFFFF  }
0xc9: {  	_ =	task.clear_ibuf [dreg:s8], $0x2FFFF;
	_ =	strace $0x9FFFFFFF  }
0xca: {  	(tm) =	ssettm $0x7FFFFFFF  }
0xcb: {  	_ =	shalt  }
tec
execute0_lowered:
.L_overlay_start_1:
0x0: {  	(tag) =	ssettag $0x1  }
0x1: {  	s0 =	rddreg [dreg:$0x0]  }
0x2: {  	s1 =	rddreg [dreg:$0x1]  }
0x3: {  	s2 =	srdreg.scid;
	s3 =	rddreg [dreg:$0x2]  }
0x4: {  	s9 =	stileid.u32;
	s6 =	rddreg [dreg:$0x3]  }
0x5: {  	s5 =	sand.u32 $0x1, s2;
	s10 =	sshll.u32 s9, $0x1;
	s2 =	simm.s32 $0x0  }
0x6: {  	s8 =	sadd.s32 $0xE00, s1;
	s12 =	sadd.s32 $0x1400, s1;
	s18 =	smul.u32 $0xA000, s9  }
0x7: {  	s21 =	smul.u32 $0x280, s9;
	s9 =	simm.s32 $0x1;
	s4 =	sor.u32 s5, s10  }
0x8: {  	[smem:$0x7FF] =	sst s2;
	s7 =	ssub.s32 $0x2, s5;
	s5 =	smul.u32 $0x2800, s5  }
0x9: {  	s4 =	smul.u32 $0x2710, s4;
	_ =	strace $0x80000047;
	[dreg:$0x5] =	wrdreg s8  }
0xa: {  	s10 =	simm.s32 $0x5DC0;
	s11 =	sshrl.u32 s7, $0x1;
	[dreg:$0x6] =	wrdreg s12  }
0xb: {  	s1 =	sshrl.u32 s18, $0x2;
	s14 =	sadd.s32 s21, s6;
	s4 =	sshrl.u32 s4, $0x3  }
0xc: {  	s8 =	simm.s32 $0x7D0;
	s13 =	ssub.s32 s7, s11;
	s4 =	sadd.s32 s0, s4  }
0xd: {  	s18 =	sadd.s32 $0x5000, s14;
	s26 =	sadd.s32 s21, s5;
	s15 =	sadd.s32 $0x9C40, s4  }
0xe: {  	s21 =	sadd.s32 $0xC800, s14;
	s16 =	sadd.s32 $0xFA, s4;
	[dreg:$0x7] =	wrdreg s15  }
0xf: {  	s28 =	sadd.s32 $0x16800, s14;
	s17 =	sadd.s32 $0x9D3A, s4;
	[dreg:$0x8] =	wrdreg s16  }
0x10: {  	s29 =	sadd.s32 $0x19000, s14;
	s19 =	sadd.s32 $0x1F4, s4;
	[dreg:$0x9] =	wrdreg s17  }
0x11: {  	s30 =	sadd.s32 $0x1B800, s14;
	s20 =	sadd.s32 $0x9E34, s4;
	[dreg:$0xa] =	wrdreg s19  }
0x12: {  	s31 =	sadd.s32 $0x1E000, s14;
	s22 =	sadd.s32 $0x2EE, s4;
	[dreg:$0xb] =	wrdreg s20  }
0x13: {  	s5 =	simm.s32 $0xFA0;
	s23 =	sadd.s32 $0x9F2E, s4;
	[dreg:$0xc] =	wrdreg s22  }
0x14: {  	s7 =	simm.s32 $0x36B0;
	s24 =	sadd.s32 $0x3E8, s4;
	[dreg:$0xd] =	wrdreg s23  }
0x15: {  	s11 =	simm.s32 $0x0;
	s25 =	sadd.s32 $0xA028, s4;
	[dreg:$0xe] =	wrdreg s24  }
0x16: {  	s0 =	sadd.s32 $0x23000, s14;
	[dreg:$0xf] =	wrdreg s25;
	s16 =	sadd.s32 s1, s6  }
0x17: {  	s17 =	sadd.s32 $0x2800, s14;
	s19 =	sadd.s32 $0x7800, s14;
	s20 =	sadd.s32 $0xA000, s14  }
0x18: {  	s1 =	sshrl.u32 s26, $0x3;
	s22 =	sadd.s32 $0xF000, s14;
	s24 =	sadd.s32 $0x11800, s14  }
0x19: {  	s25 =	smax.u32 s13, $0x1;
	s26 =	sadd.s32 $0x14000, s14;
	s6 =	simm.s32 $0x2  }
0x1a: {  	v0 =	vimm.f32 $-1.000000020e+30;
	v1 =	vimm.f32 $0.0e+00;
	s23 =	sadd.s32 s3, s1;
	s1 =	sadd.s32 $0x20800, s14;
	s3 =	sadd.s32 $0x25800, s14  }
.LBB2_1:
0x1b: {  	s12 =	rddreg [dreg:$0x5]  }
0x1c: {  	[tilespmem:s5], [sflag:$0x2] =	stream.linear.gather [hbm4b:s12+s2], $0x2710, $0x38;
	[tilespmem:$0xD840] =	vst v63  }
0x1d: {  	_ =	swait.ge [sflag:s6], $0x2710  }
0x1e: {  	[sflag:s6] =	ssyncset.done $0x0  }
0x1f: {  	s15 =	rddreg [dreg:$0x6];
	[sflag:s6] =	ssyncadd.s32 $0xFFFFD8F0  }
0x20: {  	[tilespmem:s7], [sflag:$0x2] =	stream.linear.gather [hbm4b:s15+s2], $0x2710, $0x38;
	[tilespmem:$0xD840] =	vst v63  }
0x21: {  	_ =	swait.ge [sflag:s6], $0x2710  }
0x22: {  	[sflag:s6] =	ssyncset.done $0x0  }
0x23: {  	s13 =	simm.s32 $0x100;
	s12 =	simm.s32 $0x0;
	[sflag:s6] =	ssyncadd.s32 $0xFFFFD8F0  }
.LBB2_2:
0x24: {  	p0 =	sne.s32 s13, $0x9F00;
	[tilespmem:s12+$0x5DF0] =	vst v0;
	s15 =	smov.u32 s13;
	s13 =	sadd.s32 $0x100, s13  }
.Ltmp0:
0x25: {  	[tilespmem:s12+$0x5DE0] =	vst v0;
	(pc) =	sbr.rel @p0 .LBB2_2-.Ltmp0, $3  }
0x26: {  	[tilespmem:s12+$0x5DC0] =	vst v0  }
0x27: {  	[tilespmem:s12+$0x5DD0] =	vst v0;
	_ =	sdelay $0x1  }
0x28: {  	s12 =	sshra.s32 s15, $0x2  }
0x29: {  	[tilespmem:s12+$0x5DF0] =	vst v0  }
0x2a: {  	[tilespmem:s12+$0x5DE0] =	vst v0  }
0x2b: {  	[tilespmem:s12+$0x5DC0] =	vst v0  }
0x2c: {  	[tilespmem:s12+$0x5DD0] =	vst v0;
	s12 =	simm.s32 $0x0  }
0x2d: {  	[tilespmem:s12], [sflag:$0x1] =	stream.linear.gather [hbm4b:s4+s12], $0x7D0, $0x38;
	[tilespmem:$0xD840] =	vst v63  }
0x2e: {  	s13 =	rddreg [dreg:$0x7]  }
0x2f: {  	[tilespmem:s8], [sflag:$0x1] =	stream.linear.gather [hbm4b:s13+s12], $0x7D0, $0x38;
	[tilespmem:$0xD840] =	vst v63  }
0x30: {  	_ =	swait.ge [sflag:s9], $0x7D0  }
.Ltmp1:
0x31: {  	[sflag:s9] =	ssyncset.done $0x0;
	(pc) =	sbr.rel .LBB2_4-.Ltmp1, $4  }
0x32: {  	[sflag:s9] =	ssyncadd.s32 $0xFFFFF830  }
0x33: {  	_ =	swait.ge [sflag:s9], $0x7D0  }
0x34: {  	[sflag:s9] =	ssyncset.done $0x0  }
0x35: {  	[sflag:s9] =	ssyncadd.s32 $0xFFFFF830  }
.LBB2_6:
0x36: {  	s12 =	sadd.s32 $0x1, s12  }
0x37: {  	p0 =	sne.s32 s12, $0x7D  }
.Ltmp2:
0x38: {  	_ = 	snop;
	(pc) =	sbr.rel @!p0 .LBB2_7-.Ltmp2, $1  }
0x39: {  	_ =	sdelay $0x3  }
.LBB2_4:
0x3a: {  	s13 =	sshll.u32 s12, $0x4  }
0x3b: {  	v2 =	vld [tilespmem:s13+$0x0]  }
0x3c: {  	v3 =	vld [tilespmem:s13+$0x7D0];
	_ =	sdelay $0x6  }
0x3d: {  	v4 =	vld.idx.msk [tilespmem:v2+s5+$0x0], $0xffff  }
0x3e: {  	v3 =	vld.idx.msk [tilespmem:v3+s7+$0x0], $0xffff;
	_ =	sdelay $0x4  }
0x3f: {  	v3 =	vadd.f32 v3, v4;
	v4 =	vld.idx.msk [tilespmem:v2+s10+$0x0], $0xffff;
	_ =	sdelay $0x1  }
0x40: {  	v5 =	vmul.f32 $2.000000030e-01, v3  }
0x41: {  	vm0 =	vge.f32 v3, $0.0e+00  }
0x42: {  	v3 =	vsel vm0, v3, v5  }
0x43: {  	vm0 =	vlt.f32 v4, v3  }
0x44: {  	v4 =	vsel vm0, $0x3F800000, v1  }
0x45: {  	(xrf0) =	vmax.scan.msk.f32 $0xffff, v4;
	_ =	sdelay $0x5  }
0x46: {  	v4, _, _ =	vpop (xrf0)  }
0x47: {  	(v2sf) =	vpush v4, $0xF;
	_ =	sdelay $0xe  }
0x48: {  	s15 =	spop (v2sf)  }
0x49: {  	p0 =	sgt.f32 s15, $0.0e+00  }
.Ltmp3:
0x4a: {  	_ = 	snop;
	(pc) =	sbr.rel @!p0 .LBB2_6-.Ltmp3, $1  }
0x4b: {  	_ =	sdelay $0x3  }
.LBB2_5:
0x4c: {  	[tilespmem:v2+s10+$0x0] =	vst.idx.msk vm0, v3  }
0x4d: {  	v4 =	vld.idx.msk [tilespmem:v2+s10+$0x0], $0xffff;
	_ =	sdelay $0x4  }
0x4e: {  	vm1 =	vlt.f32 v4, v3  }
0x4f: {  	vm0 =	vmand vm0, vm1  }
0x50: {  	v4 =	vsel vm0, $0x3F800000, v1  }
0x51: {  	(xrf0) =	vmax.scan.msk.f32 $0xffff, v4;
	_ =	sdelay $0x5  }
0x52: {  	v4, _, _ =	vpop (xrf0)  }
0x53: {  	(v2sf) =	vpush v4, $0xF;
	_ =	sdelay $0xe  }
0x54: {  	s13 =	spop (v2sf)  }
0x55: {  	p0 =	sgt.f32 s13, $0.0e+00  }
.Ltmp4:
0x56: {  	_ = 	snop;
	(pc) =	sbr.rel @p0 .LBB2_5-.Ltmp4, $1  }
0x57: {  	_ =	sdelay $0x3  }
.Ltmp5:
0x58: {  	_ = 	snop;
	(pc) =	sbr.rel .LBB2_6-.Ltmp5, $1  }
0x59: {  	_ =	sdelay $0x3  }
.LBB2_7:
0x5a: {  	s12 =	simm.s32 $0x0;
	s13 =	rddreg [dreg:$0x8]  }
0x5b: {  	[tilespmem:s12], [sflag:$0x1] =	stream.linear.gather [hbm4b:s13+s12], $0x7D0, $0x38;
	[tilespmem:$0xD840] =	vst v63  }
0x5c: {  	s15 =	rddreg [dreg:$0x9]  }
0x5d: {  	[tilespmem:s8], [sflag:$0x1] =	stream.linear.gather [hbm4b:s15+s12], $0x7D0, $0x38;
	[tilespmem:$0xD840] =	vst v63  }
0x5e: {  	_ =	swait.ge [sflag:s9], $0x7D0  }
.Ltmp6:
0x5f: {  	[sflag:s9] =	ssyncset.done $0x0;
	(pc) =	sbr.rel .LBB2_8-.Ltmp6, $4  }
0x60: {  	[sflag:s9] =	ssyncadd.s32 $0xFFFFF830  }
0x61: {  	_ =	swait.ge [sflag:s9], $0x7D0  }
0x62: {  	[sflag:s9] =	ssyncset.done $0x0  }
0x63: {  	[sflag:s9] =	ssyncadd.s32 $0xFFFFF830  }
.LBB2_10:
0x64: {  	s12 =	sadd.s32 $0x1, s12  }
0x65: {  	p0 =	sne.s32 s12, $0x7D  }
.Ltmp7:
0x66: {  	_ = 	snop;
	(pc) =	sbr.rel @!p0 .LBB2_11-.Ltmp7, $1  }
0x67: {  	_ =	sdelay $0x3  }
.LBB2_8:
0x68: {  	s13 =	sshll.u32 s12, $0x4  }
0x69: {  	v2 =	vld [tilespmem:s13+$0x0]  }
0x6a: {  	v3 =	vld [tilespmem:s13+$0x7D0];
	_ =	sdelay $0x6  }
0x6b: {  	v4 =	vld.idx.msk [tilespmem:v2+s5+$0x0], $0xffff  }
0x6c: {  	v3 =	vld.idx.msk [tilespmem:v3+s7+$0x0], $0xffff;
	_ =	sdelay $0x4  }
0x6d: {  	v3 =	vadd.f32 v3, v4;
	v4 =	vld.idx.msk [tilespmem:v2+s10+$0x0], $0xffff;
	_ =	sdelay $0x1  }
0x6e: {  	v5 =	vmul.f32 $2.000000030e-01, v3  }
0x6f: {  	vm0 =	vge.f32 v3, $0.0e+00  }
0x70: {  	v3 =	vsel vm0, v3, v5  }
0x71: {  	vm0 =	vlt.f32 v4, v3  }
0x72: {  	v4 =	vsel vm0, $0x3F800000, v1  }
0x73: {  	(xrf0) =	vmax.scan.msk.f32 $0xffff, v4;
	_ =	sdelay $0x5  }
0x74: {  	v4, _, _ =	vpop (xrf0)  }
0x75: {  	(v2sf) =	vpush v4, $0xF;
	_ =	sdelay $0xe  }
0x76: {  	s15 =	spop (v2sf)  }
0x77: {  	p0 =	sgt.f32 s15, $0.0e+00  }
.Ltmp8:
0x78: {  	_ = 	snop;
	(pc) =	sbr.rel @!p0 .LBB2_10-.Ltmp8, $1  }
0x79: {  	_ =	sdelay $0x3  }
.LBB2_9:
0x7a: {  	[tilespmem:v2+s10+$0x0] =	vst.idx.msk vm0, v3  }
0x7b: {  	v4 =	vld.idx.msk [tilespmem:v2+s10+$0x0], $0xffff;
	_ =	sdelay $0x4  }
0x7c: {  	vm1 =	vlt.f32 v4, v3  }
0x7d: {  	vm0 =	vmand vm0, vm1  }
0x7e: {  	v4 =	vsel vm0, $0x3F800000, v1  }
0x7f: {  	(xrf0) =	vmax.scan.msk.f32 $0xffff, v4;
	_ =	sdelay $0x5  }
0x80: {  	v4, _, _ =	vpop (xrf0)  }
0x81: {  	(v2sf) =	vpush v4, $0xF;
	_ =	sdelay $0xe  }
0x82: {  	s13 =	spop (v2sf)  }
0x83: {  	p0 =	sgt.f32 s13, $0.0e+00  }
.Ltmp9:
0x84: {  	_ = 	snop;
	(pc) =	sbr.rel @p0 .LBB2_9-.Ltmp9, $1  }
0x85: {  	_ =	sdelay $0x3  }
.Ltmp10:
0x86: {  	_ = 	snop;
	(pc) =	sbr.rel .LBB2_10-.Ltmp10, $1  }
0x87: {  	_ =	sdelay $0x3  }
.LBB2_11:
0x88: {  	s12 =	simm.s32 $0x0;
	s13 =	rddreg [dreg:$0xa]  }
0x89: {  	[tilespmem:s12], [sflag:$0x1] =	stream.linear.gather [hbm4b:s13+s12], $0x7D0, $0x38;
	[tilespmem:$0xD840] =	vst v63  }
0x8a: {  	s15 =	rddreg [dreg:$0xb]  }
0x8b: {  	[tilespmem:s8], [sflag:$0x1] =	stream.linear.gather [hbm4b:s15+s12], $0x7D0, $0x38;
	[tilespmem:$0xD840] =	vst v63  }
0x8c: {  	_ =	swait.ge [sflag:s9], $0x7D0  }
.Ltmp11:
0x8d: {  	[sflag:s9] =	ssyncset.done $0x0;
	(pc) =	sbr.rel .LBB2_12-.Ltmp11, $4  }
0x8e: {  	[sflag:s9] =	ssyncadd.s32 $0xFFFFF830  }
0x8f: {  	_ =	swait.ge [sflag:s9], $0x7D0  }
0x90: {  	[sflag:s9] =	ssyncset.done $0x0  }
0x91: {  	[sflag:s9] =	ssyncadd.s32 $0xFFFFF830  }
.LBB2_14:
0x92: {  	s12 =	sadd.s32 $0x1, s12  }
0x93: {  	p0 =	sne.s32 s12, $0x7D  }
.Ltmp12:
0x94: {  	_ = 	snop;
	(pc) =	sbr.rel @!p0 .LBB2_15-.Ltmp12, $1  }
0x95: {  	_ =	sdelay $0x3  }
.LBB2_12:
0x96: {  	s13 =	sshll.u32 s12, $0x4  }
0x97: {  	v2 =	vld [tilespmem:s13+$0x0]  }
0x98: {  	v3 =	vld [tilespmem:s13+$0x7D0];
	_ =	sdelay $0x6  }
0x99: {  	v4 =	vld.idx.msk [tilespmem:v2+s5+$0x0], $0xffff  }
0x9a: {  	v3 =	vld.idx.msk [tilespmem:v3+s7+$0x0], $0xffff;
	_ =	sdelay $0x4  }
0x9b: {  	v3 =	vadd.f32 v3, v4;
	v4 =	vld.idx.msk [tilespmem:v2+s10+$0x0], $0xffff;
	_ =	sdelay $0x1  }
0x9c: {  	v5 =	vmul.f32 $2.000000030e-01, v3  }
0x9d: {  	vm0 =	vge.f32 v3, $0.0e+00  }
0x9e: {  	v3 =	vsel vm0, v3, v5  }
0x9f: {  	vm0 =	vlt.f32 v4, v3  }
0xa0: {  	v4 =	vsel vm0, $0x3F800000, v1  }
0xa1: {  	(xrf0) =	vmax.scan.msk.f32 $0xffff, v4;
	_ =	sdelay $0x5  }
0xa2: {  	v4, _, _ =	vpop (xrf0)  }
0xa3: {  	(v2sf) =	vpush v4, $0xF;
	_ =	sdelay $0xe  }
0xa4: {  	s15 =	spop (v2sf)  }
0xa5: {  	p0 =	sgt.f32 s15, $0.0e+00  }
.Ltmp13:
0xa6: {  	_ = 	snop;
	(pc) =	sbr.rel @!p0 .LBB2_14-.Ltmp13, $1  }
0xa7: {  	_ =	sdelay $0x3  }
.LBB2_13:
0xa8: {  	[tilespmem:v2+s10+$0x0] =	vst.idx.msk vm0, v3  }
0xa9: {  	v4 =	vld.idx.msk [tilespmem:v2+s10+$0x0], $0xffff;
	_ =	sdelay $0x4  }
0xaa: {  	vm1 =	vlt.f32 v4, v3  }
0xab: {  	vm0 =	vmand vm0, vm1  }
0xac: {  	v4 =	vsel vm0, $0x3F800000, v1  }
0xad: {  	(xrf0) =	vmax.scan.msk.f32 $0xffff, v4;
	_ =	sdelay $0x5  }
0xae: {  	v4, _, _ =	vpop (xrf0)  }
0xaf: {  	(v2sf) =	vpush v4, $0xF;
	_ =	sdelay $0xe  }
0xb0: {  	s13 =	spop (v2sf)  }
0xb1: {  	p0 =	sgt.f32 s13, $0.0e+00  }
.Ltmp14:
0xb2: {  	_ = 	snop;
	(pc) =	sbr.rel @p0 .LBB2_13-.Ltmp14, $1  }
0xb3: {  	_ =	sdelay $0x3  }
.Ltmp15:
0xb4: {  	_ = 	snop;
	(pc) =	sbr.rel .LBB2_14-.Ltmp15, $1  }
0xb5: {  	_ =	sdelay $0x3  }
.LBB2_15:
0xb6: {  	s12 =	simm.s32 $0x0;
	s13 =	rddreg [dreg:$0xc]  }
0xb7: {  	[tilespmem:s12], [sflag:$0x1] =	stream.linear.gather [hbm4b:s13+s12], $0x7D0, $0x38;
	[tilespmem:$0xD840] =	vst v63  }
0xb8: {  	s15 =	rddreg [dreg:$0xd]  }
0xb9: {  	[tilespmem:s8], [sflag:$0x1] =	stream.linear.gather [hbm4b:s15+s12], $0x7D0, $0x38;
	[tilespmem:$0xD840] =	vst v63  }
0xba: {  	_ =	swait.ge [sflag:s9], $0x7D0  }
.Ltmp16:
0xbb: {  	[sflag:s9] =	ssyncset.done $0x0;
	(pc) =	sbr.rel .LBB2_16-.Ltmp16, $4  }
0xbc: {  	[sflag:s9] =	ssyncadd.s32 $0xFFFFF830  }
0xbd: {  	_ =	swait.ge [sflag:s9], $0x7D0  }
0xbe: {  	[sflag:s9] =	ssyncset.done $0x0  }
0xbf: {  	[sflag:s9] =	ssyncadd.s32 $0xFFFFF830  }
.LBB2_18:
0xc0: {  	s12 =	sadd.s32 $0x1, s12  }
0xc1: {  	p0 =	sne.s32 s12, $0x7D  }
.Ltmp17:
0xc2: {  	_ = 	snop;
	(pc) =	sbr.rel @!p0 .LBB2_19-.Ltmp17, $1  }
0xc3: {  	_ =	sdelay $0x3  }
.LBB2_16:
0xc4: {  	s13 =	sshll.u32 s12, $0x4  }
0xc5: {  	v2 =	vld [tilespmem:s13+$0x0]  }
0xc6: {  	v3 =	vld [tilespmem:s13+$0x7D0];
	_ =	sdelay $0x6  }
0xc7: {  	v4 =	vld.idx.msk [tilespmem:v2+s5+$0x0], $0xffff  }
0xc8: {  	v3 =	vld.idx.msk [tilespmem:v3+s7+$0x0], $0xffff;
	_ =	sdelay $0x4  }
0xc9: {  	v3 =	vadd.f32 v3, v4;
	v4 =	vld.idx.msk [tilespmem:v2+s10+$0x0], $0xffff;
	_ =	sdelay $0x1  }
0xca: {  	v5 =	vmul.f32 $2.000000030e-01, v3  }
0xcb: {  	vm0 =	vge.f32 v3, $0.0e+00  }
0xcc: {  	v3 =	vsel vm0, v3, v5  }
0xcd: {  	vm0 =	vlt.f32 v4, v3  }
0xce: {  	v4 =	vsel vm0, $0x3F800000, v1  }
0xcf: {  	(xrf0) =	vmax.scan.msk.f32 $0xffff, v4;
	_ =	sdelay $0x5  }
0xd0: {  	v4, _, _ =	vpop (xrf0)  }
0xd1: {  	(v2sf) =	vpush v4, $0xF;
	_ =	sdelay $0xe  }
0xd2: {  	s15 =	spop (v2sf)  }
0xd3: {  	p0 =	sgt.f32 s15, $0.0e+00  }
.Ltmp18:
0xd4: {  	_ = 	snop;
	(pc) =	sbr.rel @!p0 .LBB2_18-.Ltmp18, $1  }
0xd5: {  	_ =	sdelay $0x3  }
.LBB2_17:
0xd6: {  	[tilespmem:v2+s10+$0x0] =	vst.idx.msk vm0, v3  }
0xd7: {  	v4 =	vld.idx.msk [tilespmem:v2+s10+$0x0], $0xffff;
	_ =	sdelay $0x4  }
0xd8: {  	vm1 =	vlt.f32 v4, v3  }
0xd9: {  	vm0 =	vmand vm0, vm1  }
0xda: {  	v4 =	vsel vm0, $0x3F800000, v1  }
0xdb: {  	(xrf0) =	vmax.scan.msk.f32 $0xffff, v4;
	_ =	sdelay $0x5  }
0xdc: {  	v4, _, _ =	vpop (xrf0)  }
0xdd: {  	(v2sf) =	vpush v4, $0xF;
	_ =	sdelay $0xe  }
0xde: {  	s13 =	spop (v2sf)  }
0xdf: {  	p0 =	sgt.f32 s13, $0.0e+00  }
.Ltmp19:
0xe0: {  	_ = 	snop;
	(pc) =	sbr.rel @p0 .LBB2_17-.Ltmp19, $1  }
0xe1: {  	_ =	sdelay $0x3  }
.Ltmp20:
0xe2: {  	_ = 	snop;
	(pc) =	sbr.rel .LBB2_18-.Ltmp20, $1  }
0xe3: {  	_ =	sdelay $0x3  }
.LBB2_19:
0xe4: {  	s12 =	simm.s32 $0x0;
	s13 =	rddreg [dreg:$0xe]  }
0xe5: {  	[tilespmem:s12], [sflag:$0x1] =	stream.linear.gather [hbm4b:s13+s12], $0x7D0, $0x38;
	[tilespmem:$0xD840] =	vst v63  }
0xe6: {  	s15 =	rddreg [dreg:$0xf]  }
0xe7: {  	[tilespmem:s8], [sflag:$0x1] =	stream.linear.gather [hbm4b:s15+s12], $0x7D0, $0x38;
	[tilespmem:$0xD840] =	vst v63  }
0xe8: {  	_ =	swait.ge [sflag:s9], $0x7D0  }
.Ltmp21:
0xe9: {  	[sflag:s9] =	ssyncset.done $0x0;
	(pc) =	sbr.rel .LBB2_20-.Ltmp21, $4  }
0xea: {  	[sflag:s9] =	ssyncadd.s32 $0xFFFFF830  }
0xeb: {  	_ =	swait.ge [sflag:s9], $0x7D0  }
0xec: {  	[sflag:s9] =	ssyncset.done $0x0  }
0xed: {  	[sflag:s9] =	ssyncadd.s32 $0xFFFFF830  }
.LBB2_22:
0xee: {  	s12 =	sadd.s32 $0x1, s12  }
0xef: {  	p0 =	sne.s32 s12, $0x7D  }
.Ltmp22:
0xf0: {  	_ = 	snop;
	(pc) =	sbr.rel @!p0 .LBB2_23-.Ltmp22, $1  }
0xf1: {  	_ =	sdelay $0x3  }
.LBB2_20:
0xf2: {  	s13 =	sshll.u32 s12, $0x4  }
0xf3: {  	v2 =	vld [tilespmem:s13+$0x0]  }
0xf4: {  	v3 =	vld [tilespmem:s13+$0x7D0];
	_ =	sdelay $0x6  }
0xf5: {  	v4 =	vld.idx.msk [tilespmem:v2+s5+$0x0], $0xffff  }
0xf6: {  	v3 =	vld.idx.msk [tilespmem:v3+s7+$0x0], $0xffff;
	_ =	sdelay $0x4  }
0xf7: {  	v3 =	vadd.f32 v3, v4;
	v4 =	vld.idx.msk [tilespmem:v2+s10+$0x0], $0xffff;
	_ =	sdelay $0x1  }
0xf8: {  	v5 =	vmul.f32 $2.000000030e-01, v3  }
0xf9: {  	vm0 =	vge.f32 v3, $0.0e+00  }
0xfa: {  	v3 =	vsel vm0, v3, v5  }
0xfb: {  	vm0 =	vlt.f32 v4, v3  }
0xfc: {  	v4 =	vsel vm0, $0x3F800000, v1  }
0xfd: {  	(xrf0) =	vmax.scan.msk.f32 $0xffff, v4;
	_ =	sdelay $0x5  }
0xfe: {  	v4, _, _ =	vpop (xrf0)  }
0xff: {  	(v2sf) =	vpush v4, $0xF;
	_ =	sdelay $0xe  }
0x100: {  	s15 =	spop (v2sf)  }
0x101: {  	p0 =	sgt.f32 s15, $0.0e+00  }
.Ltmp23:
0x102: {  	_ = 	snop;
	(pc) =	sbr.rel @!p0 .LBB2_22-.Ltmp23, $1  }
0x103: {  	_ =	sdelay $0x3  }
.LBB2_21:
0x104: {  	[tilespmem:v2+s10+$0x0] =	vst.idx.msk vm0, v3  }
0x105: {  	v4 =	vld.idx.msk [tilespmem:v2+s10+$0x0], $0xffff;
	_ =	sdelay $0x4  }
0x106: {  	vm1 =	vlt.f32 v4, v3  }
0x107: {  	vm0 =	vmand vm0, vm1  }
0x108: {  	v4 =	vsel vm0, $0x3F800000, v1  }
0x109: {  	(xrf0) =	vmax.scan.msk.f32 $0xffff, v4;
	_ =	sdelay $0x5  }
0x10a: {  	v4, _, _ =	vpop (xrf0)  }
0x10b: {  	(v2sf) =	vpush v4, $0xF;
	_ =	sdelay $0xe  }
0x10c: {  	s13 =	spop (v2sf)  }
0x10d: {  	p0 =	sgt.f32 s13, $0.0e+00  }
.Ltmp24:
0x10e: {  	_ = 	snop;
	(pc) =	sbr.rel @p0 .LBB2_21-.Ltmp24, $1  }
0x10f: {  	_ =	sdelay $0x3  }
.Ltmp25:
0x110: {  	_ = 	snop;
	(pc) =	sbr.rel .LBB2_22-.Ltmp25, $1  }
0x111: {  	_ =	sdelay $0x3  }
.LBB2_23:
0x112: {  	[spmem:s16] =	stream.linear.scatter [tilespmem:s10], [sflag:$0x2], $0x2800, $0x38;
	[tilespmem:$0xD840] =	vst v63  }
0x113: {  	_ =	swait.ge [sflag:s6], $0x2800  }
0x114: {  	[sflag:s6] =	ssyncset.done $0x0  }
0x115: {  	[sflag:s6] =	ssyncadd.s32 $0xFFFFD800  }
0x116: {  	s12 =	simm.s32 $0xADC0;
	[bflag:$0x0] =	sbarrier.arrive $0xFFFF  }
0x117: {  	[tilespmem:s12], [sflag:$0x1] =	stream.linear.gather [spmem:s14], $0x280, $0x38;
	[tilespmem:$0xD840] =	vst v63  }
0x118: {  	s15 =	simm.s32 $0xB040  }
0x119: {  	[tilespmem:s15], [sflag:$0x1] =	stream.linear.gather [spmem:s17], $0x280, $0x38;
	[tilespmem:$0xD840] =	vst v63  }
0x11a: {  	s13 =	simm.s32 $0xB2C0  }
0x11b: {  	[tilespmem:s13], [sflag:$0x1] =	stream.linear.gather [spmem:s18], $0x280, $0x38;
	[tilespmem:$0xD840] =	vst v63  }
0x11c: {  	s15 =	simm.s32 $0xB540  }
0x11d: {  	[tilespmem:s15], [sflag:$0x1] =	stream.linear.gather [spmem:s19], $0x280, $0x38;
	[tilespmem:$0xD840] =	vst v63  }
0x11e: {  	s13 =	simm.s32 $0xB7C0  }
0x11f: {  	[tilespmem:s13], [sflag:$0x1] =	stream.linear.gather [spmem:s20], $0x280, $0x38;
	[tilespmem:$0xD840] =	vst v63  }
0x120: {  	s15 =	simm.s32 $0xBA40  }
0x121: {  	[tilespmem:s15], [sflag:$0x1] =	stream.linear.gather [spmem:s21], $0x280, $0x38;
	[tilespmem:$0xD840] =	vst v63  }
0x122: {  	s13 =	simm.s32 $0xBCC0  }
0x123: {  	[tilespmem:s13], [sflag:$0x1] =	stream.linear.gather [spmem:s22], $0x280, $0x38;
	[tilespmem:$0xD840] =	vst v63  }
0x124: {  	s15 =	simm.s32 $0xBF40  }
0x125: {  	[tilespmem:s15], [sflag:$0x1] =	stream.linear.gather [spmem:s24], $0x280, $0x38;
	[tilespmem:$0xD840] =	vst v63  }
0x126: {  	s13 =	simm.s32 $0xC1C0  }
0x127: {  	[tilespmem:s13], [sflag:$0x1] =	stream.linear.gather [spmem:s26], $0x280, $0x38;
	[tilespmem:$0xD840] =	vst v63  }
0x128: {  	s15 =	simm.s32 $0xC440  }
0x129: {  	[tilespmem:s15], [sflag:$0x1] =	stream.linear.gather [spmem:s28], $0x280, $0x38;
	[tilespmem:$0xD840] =	vst v63  }
0x12a: {  	s13 =	simm.s32 $0xC6C0  }
0x12b: {  	[tilespmem:s13], [sflag:$0x1] =	stream.linear.gather [spmem:s29], $0x280, $0x38;
	[tilespmem:$0xD840] =	vst v63  }
0x12c: {  	s15 =	simm.s32 $0xC940  }
0x12d: {  	[tilespmem:s15], [sflag:$0x1] =	stream.linear.gather [spmem:s30], $0x280, $0x38;
	[tilespmem:$0xD840] =	vst v63  }
0x12e: {  	s13 =	simm.s32 $0xCBC0  }
0x12f: {  	[tilespmem:s13], [sflag:$0x1] =	stream.linear.gather [spmem:s31], $0x280, $0x38;
	[tilespmem:$0xD840] =	vst v63  }
0x130: {  	s15 =	simm.s32 $0xCE40  }
0x131: {  	[tilespmem:s15], [sflag:$0x1] =	stream.linear.gather [spmem:s1], $0x280, $0x38;
	[tilespmem:$0xD840] =	vst v63  }
0x132: {  	s13 =	simm.s32 $0xD0C0  }
0x133: {  	[tilespmem:s13], [sflag:$0x1] =	stream.linear.gather [spmem:s0], $0x280, $0x38;
	[tilespmem:$0xD840] =	vst v63  }
0x134: {  	s15 =	simm.s32 $0xD340  }
0x135: {  	[tilespmem:s15], [sflag:$0x1] =	stream.linear.gather [spmem:s3], $0x280, $0x38;
	[tilespmem:$0xD840] =	vst v63  }
0x136: {  	_ =	swait.ge [sflag:s9], $0x280  }
0x137: {  	[sflag:s9] =	ssyncset.done $0x0  }
0x138: {  	[sflag:s9] =	ssyncadd.s32 $0xFFFFFD80  }
0x139: {  	_ =	swait.ge [sflag:s9], $0x280  }
0x13a: {  	[sflag:s9] =	ssyncset.done $0x0  }
0x13b: {  	[sflag:s9] =	ssyncadd.s32 $0xFFFFFD80  }
0x13c: {  	_ =	swait.ge [sflag:s9], $0x280  }
0x13d: {  	[sflag:s9] =	ssyncset.done $0x0  }
0x13e: {  	[sflag:s9] =	ssyncadd.s32 $0xFFFFFD80  }
0x13f: {  	_ =	swait.ge [sflag:s9], $0x280  }
0x140: {  	[sflag:s9] =	ssyncset.done $0x0  }
0x141: {  	[sflag:s9] =	ssyncadd.s32 $0xFFFFFD80  }
0x142: {  	_ =	swait.ge [sflag:s9], $0x280  }
0x143: {  	[sflag:s9] =	ssyncset.done $0x0  }
0x144: {  	[sflag:s9] =	ssyncadd.s32 $0xFFFFFD80  }
0x145: {  	_ =	swait.ge [sflag:s9], $0x280  }
0x146: {  	[sflag:s9] =	ssyncset.done $0x0  }
0x147: {  	[sflag:s9] =	ssyncadd.s32 $0xFFFFFD80  }
0x148: {  	_ =	swait.ge [sflag:s9], $0x280  }
0x149: {  	[sflag:s9] =	ssyncset.done $0x0  }
0x14a: {  	[sflag:s9] =	ssyncadd.s32 $0xFFFFFD80  }
0x14b: {  	_ =	swait.ge [sflag:s9], $0x280  }
0x14c: {  	[sflag:s9] =	ssyncset.done $0x0  }
0x14d: {  	[sflag:s9] =	ssyncadd.s32 $0xFFFFFD80  }
0x14e: {  	_ =	swait.ge [sflag:s9], $0x280  }
0x14f: {  	[sflag:s9] =	ssyncset.done $0x0  }
0x150: {  	[sflag:s9] =	ssyncadd.s32 $0xFFFFFD80  }
0x151: {  	_ =	swait.ge [sflag:s9], $0x280  }
0x152: {  	[sflag:s9] =	ssyncset.done $0x0  }
0x153: {  	[sflag:s9] =	ssyncadd.s32 $0xFFFFFD80  }
0x154: {  	_ =	swait.ge [sflag:s9], $0x280  }
0x155: {  	[sflag:s9] =	ssyncset.done $0x0  }
0x156: {  	[sflag:s9] =	ssyncadd.s32 $0xFFFFFD80  }
0x157: {  	_ =	swait.ge [sflag:s9], $0x280  }
0x158: {  	[sflag:s9] =	ssyncset.done $0x0  }
0x159: {  	[sflag:s9] =	ssyncadd.s32 $0xFFFFFD80  }
0x15a: {  	_ =	swait.ge [sflag:s9], $0x280  }
0x15b: {  	[sflag:s9] =	ssyncset.done $0x0  }
0x15c: {  	[sflag:s9] =	ssyncadd.s32 $0xFFFFFD80  }
0x15d: {  	_ =	swait.ge [sflag:s9], $0x280  }
0x15e: {  	[sflag:s9] =	ssyncset.done $0x0  }
0x15f: {  	[sflag:s9] =	ssyncadd.s32 $0xFFFFFD80  }
0x160: {  	_ =	swait.ge [sflag:s9], $0x280  }
0x161: {  	[sflag:s9] =	ssyncset.done $0x0  }
0x162: {  	[sflag:s9] =	ssyncadd.s32 $0xFFFFFD80  }
0x163: {  	_ =	swait.ge [sflag:s9], $0x280  }
0x164: {  	[sflag:s9] =	ssyncset.done $0x0  }
0x165: {  	s12 =	simm.s32 $0x0;
	[sflag:s9] =	ssyncadd.s32 $0xFFFFFD80  }
0x166: {  	v2 =	vld [tilespmem:s12+$0xADC0]  }
0x167: {  	v3 =	vld [tilespmem:s12+$0xB040]  }
0x168: {  	v4 =	vld [tilespmem:s12+$0xB2C0]  }
0x169: {  	v5 =	vld [tilespmem:s12+$0xB540]  }
0x16a: {  	v6 =	vld [tilespmem:s12+$0xB7C0]  }
0x16b: {  	v7 =	vld [tilespmem:s12+$0xBA40]  }
0x16c: {  	v2 =	vmax.f32 v2, v3;
	v3 =	vld [tilespmem:s12+$0xBCC0]  }
0x16d: {  	v2 =	vmax.f32 v2, v4;
	v4 =	vld [tilespmem:s12+$0xBF40]  }
0x16e: {  	v2 =	vmax.f32 v2, v5;
	v5 =	vld [tilespmem:s12+$0xC1C0]  }
0x16f: {  	v2 =	vmax.f32 v2, v6;
	v6 =	vld [tilespmem:s12+$0xC440]  }
0x170: {  	v2 =	vmax.f32 v2, v7;
	v7 =	vld [tilespmem:s12+$0xC6C0]  }
0x171: {  	v8 =	vld [tilespmem:s12+$0xC940];
	v2 =	vmax.f32 v2, v3  }
0x172: {  	v3 =	vld [tilespmem:s12+$0xCBC0];
	v2 =	vmax.f32 v2, v4  }
0x173: {  	v4 =	vld [tilespmem:s12+$0xCE40];
	v2 =	vmax.f32 v2, v5  }
0x174: {  	v5 =	vld [tilespmem:s12+$0xD0C0];
	v2 =	vmax.f32 v2, v6  }
0x175: {  	s13 =	simm.s32 $0x10;
	v6 =	vld [tilespmem:s12+$0xD340];
	v7 =	vmax.f32 v2, v7  }
0x176: {  	s15 =	simm.s32 $0x80;
	v2 =	vld [tilespmem:s13+$0xADC0];
	v7 =	vmax.f32 v7, v8  }
.LBB2_24:
0x177: {  	p0 =	sne.s32 s15, $0x9C0;
	v8 =	vld [tilespmem:s13+$0xB040];
	v3 =	vmax.f32 v7, v3  }
0x178: {  	v7 =	vld [tilespmem:s13+$0xB2C0];
	v3 =	vmax.f32 v3, v4  }
0x179: {  	v4 =	vld [tilespmem:s13+$0xB540];
	v3 =	vmax.f32 v3, v5  }
0x17a: {  	v5 =	vld [tilespmem:s13+$0xB7C0];
	v3 =	vmax.f32 v3, v6  }
0x17b: {  	v6 =	vld [tilespmem:s13+$0xBA40];
	[tilespmem:s12+$0xD5C0] =	vst v3;
	s12 =	smov.u32 s13  }
0x17c: {  	v2 =	vmax.f32 v2, v8;
	v3 =	vld [tilespmem:s12+$0xBCC0]  }
0x17d: {  	v2 =	vmax.f32 v2, v7;
	v7 =	vld [tilespmem:s12+$0xBF40]  }
0x17e: {  	v2 =	vmax.f32 v2, v4;
	v4 =	vld [tilespmem:s12+$0xC1C0]  }
0x17f: {  	v2 =	vmax.f32 v2, v5;
	v5 =	vld [tilespmem:s12+$0xC440]  }
0x180: {  	v2 =	vmax.f32 v2, v6;
	v6 =	vld [tilespmem:s12+$0xC6C0]  }
0x181: {  	v2 =	vmax.f32 v2, v3;
	v8 =	vld [tilespmem:s12+$0xC940]  }
.Ltmp26:
0x182: {  	v2 =	vmax.f32 v2, v7;
	v3 =	vld [tilespmem:s12+$0xCBC0];
	(pc) =	sbr.rel @p0 .LBB2_24-.Ltmp26, $4  }
0x183: {  	v2 =	vmax.f32 v2, v4;
	v4 =	vld [tilespmem:s12+$0xCE40]  }
0x184: {  	v2 =	vmax.f32 v2, v5;
	v5 =	vld [tilespmem:s12+$0xD0C0]  }
0x185: {  	s13 =	sshra.s32 s15, $0x2;
	v7 =	vmax.f32 v2, v6;
	v6 =	vld [tilespmem:s12+$0xD340]  }
0x186: {  	s15 =	sadd.s32 $0x40, s15;
	v2 =	vld [tilespmem:s13+$0xADC0];
	v7 =	vmax.f32 v7, v8  }
0x187: {  	v8 =	vld [tilespmem:s13+$0xB040];
	v3 =	vmax.f32 v7, v3  }
0x188: {  	v52 =	vld [tilespmem:s13+$0xB2C0];
	v3 =	vmax.f32 v3, v4  }
0x189: {  	v53 =	vld [tilespmem:s13+$0xB540];
	v3 =	vmax.f32 v3, v5  }
0x18a: {  	v54 =	vld [tilespmem:s13+$0xB7C0];
	v3 =	vmax.f32 v3, v6  }
0x18b: {  	v55 =	vld [tilespmem:s13+$0xBA40];
	[tilespmem:s12+$0xD5C0] =	vst v3  }
0x18c: {  	v2 =	vmax.f32 v2, v8;
	v3 =	vld [tilespmem:s13+$0xBCC0]  }
0x18d: {  	v56 =	vld [tilespmem:s13+$0xBF40];
	v2 =	vmax.f32 v2, v52  }
0x18e: {  	v57 =	vld [tilespmem:s13+$0xC1C0];
	v2 =	vmax.f32 v2, v53  }
0x18f: {  	v58 =	vld [tilespmem:s13+$0xC440];
	v2 =	vmax.f32 v2, v54  }
0x190: {  	v59 =	vld [tilespmem:s13+$0xC6C0];
	v2 =	vmax.f32 v2, v55  }
0x191: {  	v2 =	vmax.f32 v2, v3;
	v3 =	vld [tilespmem:s13+$0xC940]  }
0x192: {  	v60 =	vld [tilespmem:s13+$0xCBC0];
	v2 =	vmax.f32 v2, v56  }
0x193: {  	v61 =	vld [tilespmem:s13+$0xCE40];
	v2 =	vmax.f32 v2, v57  }
0x194: {  	v62 =	vld [tilespmem:s13+$0xD0C0];
	v2 =	vmax.f32 v2, v58  }
0x195: {  	v63 =	vld [tilespmem:s13+$0xD340];
	v2 =	vmax.f32 v2, v59  }
0x196: {  	v2 =	vmax.f32 v2, v3  }
0x197: {  	v2 =	vmax.f32 v2, v60  }
0x198: {  	v2 =	vmax.f32 v2, v61  }
0x199: {  	s11 =	sadd.s32 $0x1, s11;
	v2 =	vmax.f32 v2, v62  }
0x19a: {  	p0 =	sne.s32 s11, s25;
	v2 =	vmax.f32 v2, v63  }
.Ltmp27:
0x19b: {  	s15 =	simm.s32 $0xD5C0;
	[tilespmem:s13+$0xD5C0] =	vst v2;
	(pc) =	sbr.rel @p0 .LBB2_1-.Ltmp27, $4  }
0x19c: {  	[hbm4b:s23+s2] =	stream.linear.scatter [tilespmem:s15], [sflag:$0x2], $0x280, $0x38;
	[tilespmem:$0xD840] =	vst v63  }
0x19d: {  	_ =	swait.ge [sflag:s6], $0x280  }
0x19e: {  	[sflag:s6] =	ssyncset.done $0x0  }
0x19f: {  	[sflag:s6] =	ssyncadd.s32 $0xFFFFFD80  }
0x1a0: {  	_ =	sfence.sel $0x180000  }
0x1a1: {  	[bflag:$0x0] =	sbarrier.arrive $0xFFFF  }
0x1a2: {  	_ =	strace $0x90000047  }
0x1a3: {  	s0 =	stileid.u32;
	[bflag:$0x2] =	sbarrier.arrive $0xFFFF  }
0x1a4: {  	p0 =	sne.s32 s0, $0x0;
	s0 =	rddreg [dreg:$0x4]  }
0x1a5: {  	s0 =	sadd.s32 @!p0 $0x100000, s0  }
0x1a6: {  	[sflag:s0] =	ssyncadd.tile.s32 @!p0 $0x1;
	_ =	shalt  }
.Lfunc_end2:
_tile_overlayer_lowered:
.L_overlay_start_2:
0x1a7: {  	(tag) =	ssettag $0x2  }
0x1a8: {  	s0 =	rddreg [dreg:$0x0];
	s2 =	stileid.u32  }
0x1a9: {  	s1 =	rddreg [dreg:$0x1];
	p0 =	sne.s32 s2, $0x0  }
0x1aa: {  	s3 =	rddreg [dreg:$0x2];
	[bflag:$0x3] =	sbarrier.arrive $0xFFFF;
	s2 =	simm.s32 @!p0 $0x1C02  }
0x1ab: {  	[timem:s3], [sflag:s2] =	dma.local @!p0 [hbm:s0], s1  }
0x1ac: {  	s0 =	simm.s32 @!p0 $0x2  }
0x1ad: {  	_ =	swait.ge @!p0 [sflag:s0], s1  }
0x1ae: {  	s1 =	ssub.s32 @!p0 $0x0, s1;
	[sflag:s0] =	ssyncset.done @!p0 $0x0  }
0x1af: {  	[sflag:s0] =	ssyncadd.s32 @!p0 s1  }
0x1b0: {  	[bflag:$0x3] =	sbarrier.arrive $0xFFFF  }
0x1b1: {  	_ =	shalt  }

// kernel: kernel.9.cloned.1.call-start
scs
__scs_entry_jumppad:
0x0: {  	(pc) =	sbr.rel $0x88, $3  }
0x1: {  	(tag) =	ssettag $0x0;
	lr =	simm.s32 $0x1  }
0x2: {  	[smem:$0x3F9E] =	sst lr;
	_ =	strace $0xD0000000  }
0x3: {  	_ = 	snop  }
0x4: {  	_ = 	snop  }
0x5: {  	_ = 	snop  }
0x6: {  	_ = 	snop  }
0x7: {  	_ = 	snop  }
__scs_overlays_trampoline_lowered:
0x8: {  	[smem:$0x3FAD] =	sst s0  }
0x9: {  	[smem:$0x3FAE] =	sst s1  }
0xa: {  	[smem:$0x3FAF] =	sst s2  }
0xb: {  	[smem:$0x3FB0] =	sst s3  }
0xc: {  	[smem:$0x3FB1] =	sst s4  }
0xd: {  	[smem:$0x3FB2] =	sst s5  }
0xe: {  	[smem:$0x3FB3] =	sst s6  }
0xf: {  	[smem:$0x3FB4] =	sst s7  }
0x10: {  	[smem:$0x3FB5] =	sst s8  }
0x11: {  	[smem:$0x3FB6] =	sst s9;
	s0 =	simm.s32 @!p0 $0x0  }
0x12: {  	s1 =	sld [smem:$0x3F9C];
	s0 =	simm.s32 @p0 $0x1  }
0x13: {  	[smem:$0x3FB7] =	sst s0;
	s0 =	simm.s32 @!p1 $0x0  }
0x14: {  	s2 =	sld [smem:$0x3F9B];
	s0 =	simm.s32 @p1 $0x1  }
0x15: {  	[smem:$0x3FB8] =	sst s0;
	s0 =	simm.s32 @!p2 $0x0  }
0x16: {  	s3 =	sld [smem:$0x3FDB];
	s0 =	simm.s32 @p2 $0x1  }
0x17: {  	s4 =	simm.s32 $0x1BF5;
	[smem:$0x3FBA] =	sst s0  }
0x18: {  	s0 =	sld [smem:$0x3F9D];
	_ =	swait.ge [sflag:s4], $0x0  }
0x19: {  	s7 =	sld [smem:$0x3F9E]  }
0x1a: {  	s8 =	sadd.s32 $0xFFFFE003, lr  }
0x1b: {  	s9 =	sadd.s32 $0xFFFFFEF7, lr;
	s5 =	simm.s32 $0xFFFFFFFF;
	p2 =	slt.u32 s8, $0xFFFFF086  }
0x1c: {  	p1 =	slt.u32 s9, $0xF7A;
	s5 =	simm.s32 @!p2 $0x0  }
0x1d: {  	s5 =	simm.s32 @p1 $0x1;
	p0 =	seq.s32 s7, s2  }
0x1e: {  	s7 =	smul.u32 @!p0 $0xF7A, s2;
	p2 =	seq.s32 @!p0 s5, $0x0  }
0x1f: {  	s9 =	smul.u32 $0xF7A, s1;
	s8 =	simm.s32 @!p0 $0x1BF5;
	p2 =	por !p2, p0  }
0x20: {  	[sflag:s8] =	ssyncset.s32 @!p0 $0xFFFFF086;
	s6 =	sadd.s32 @!p0 s3, s7;
	s7 =	simm.s32 @!p0 $0x108  }
0x21: {  	s3 =	sadd.s32 s3, s9;
	s6 =	sadd.s32 @!p0 $0x88, s6;
	s7 =	simm.s32 @p2 $0x1082  }
0x22: {  	[simem:s7], [sflag:s8] =	dma.local @!p0 [hbm:s6], $0xF7A  }
0x23: {  	s9 =	sor.u32 $0xD0000000, s2;
	s6 =	simm.s32 $0x108;
	_ =	swait.ge @!p0 [sflag:s8], $0x0  }
0x24: {  	s3 =	sadd.s32 $0x88, s3;
	s6 =	simm.s32 @!p1 $0x1082;
	[sflag:s4] =	ssyncset.s32 $0xFFFFF086  }
0x25: {  	[simem:s6], [sflag:s4] =	dma.local [hbm:s3], $0xF7A  }
0x26: {  	[smem:$0x3F9E] =	sst s1;
	(tag) =	ssettag s2;
	_ =	strace s9  }
0x27: {  	s1 =	sld [smem:$0x3FAE]  }
0x28: {  	s2 =	sld [smem:$0x3FAF]  }
0x29: {  	s4 =	sld [smem:$0x3FB1]  }
0x2a: {  	p0 =	seq.s32 s5, $0x0;
	s5 =	sld [smem:$0x3FB2]  }
0x2b: {  	s6 =	sld [smem:$0x3FB3]  }
0x2c: {  	s7 =	sld [smem:$0x3FB4]  }
0x2d: {  	s3 =	simm.s32 $0x108;
	s8 =	sld [smem:$0x3FB5]  }
0x2e: {  	s3 =	simm.s32 @!p0 $0x1082;
	s9 =	sld [smem:$0x3FB6]  }
0x2f: {  	lr =	sadd.s32 s0, s3;
	s0 =	sld [smem:$0x3FAD]  }
0x30: {  	s3 =	sld [smem:$0x3FB0]  }
0x31: {  	[smem:$0x3FB9] =	sst s10  }
0x32: {  	s10 =	sld [smem:$0x3FB7];
	_ =	sdelay $0x3  }
0x33: {  	p0 =	seq.s32 s10, $0x1;
	s10 =	sld [smem:$0x3FB9];
	_ =	sdelay $0x3  }
0x34: {  	[smem:$0x3FB9] =	sst s10  }
0x35: {  	s10 =	sld [smem:$0x3FB8];
	_ =	sdelay $0x3  }
0x36: {  	p1 =	seq.s32 s10, $0x1;
	s10 =	sld [smem:$0x3FB9];
	_ =	sdelay $0x3  }
0x37: {  	[smem:$0x3FB9] =	sst s10  }
0x38: {  	s10 =	sld [smem:$0x3FBA]  }
0x39: {  	_ = 	snop;
	(pc) =	sbr.ind lr, $3  }
0x3a: {  	_ = 	snop  }
0x3b: {  	_ = 	snop  }
0x3c: {  	p2 =	seq.s32 s10, $0x1;
	s10 =	sld [smem:$0x3FB9]  }
0x3d: {  	_ =	shalt  }
0x3e: {  	_ =	shalt  }
0x3f: {  	_ =	shalt  }
0x40: {  	_ =	shalt  }
0x41: {  	_ =	shalt  }
0x42: {  	_ =	shalt  }
0x43: {  	_ =	shalt  }
0x44: {  	_ =	shalt  }
0x45: {  	_ =	shalt  }
0x46: {  	_ =	shalt  }
0x47: {  	_ =	shalt  }
0x48: {  	_ =	shalt  }
0x49: {  	_ =	shalt  }
0x4a: {  	_ =	shalt  }
0x4b: {  	_ =	shalt  }
0x4c: {  	_ =	shalt  }
0x4d: {  	_ =	shalt  }
0x4e: {  	_ =	shalt  }
0x4f: {  	_ =	shalt  }
0x50: {  	_ =	shalt  }
0x51: {  	_ =	shalt  }
0x52: {  	_ =	shalt  }
0x53: {  	_ =	shalt  }
0x54: {  	_ =	shalt  }
0x55: {  	_ =	shalt  }
0x56: {  	_ =	shalt  }
0x57: {  	_ =	shalt  }
0x58: {  	_ =	shalt  }
0x59: {  	_ =	shalt  }
0x5a: {  	_ =	shalt  }
0x5b: {  	_ =	shalt  }
0x5c: {  	_ =	shalt  }
0x5d: {  	_ =	shalt  }
0x5e: {  	_ =	shalt  }
0x5f: {  	_ =	shalt  }
0x60: {  	_ =	shalt  }
0x61: {  	_ =	shalt  }
0x62: {  	_ =	shalt  }
0x63: {  	_ =	shalt  }
0x64: {  	_ =	shalt  }
0x65: {  	_ =	shalt  }
0x66: {  	_ =	shalt  }
0x67: {  	_ =	shalt  }
0x68: {  	_ =	shalt  }
0x69: {  	_ =	shalt  }
0x6a: {  	_ =	shalt  }
0x6b: {  	_ =	shalt  }
0x6c: {  	_ =	shalt  }
0x6d: {  	_ =	shalt  }
0x6e: {  	_ =	shalt  }
0x6f: {  	_ =	shalt  }
0x70: {  	_ =	shalt  }
0x71: {  	_ =	shalt  }
0x72: {  	_ =	shalt  }
0x73: {  	_ =	shalt  }
0x74: {  	_ =	shalt  }
0x75: {  	_ =	shalt  }
0x76: {  	_ =	shalt  }
0x77: {  	_ =	shalt  }
0x78: {  	_ =	shalt  }
0x79: {  	_ =	shalt  }
0x7a: {  	_ =	shalt  }
0x7b: {  	_ =	shalt  }
0x7c: {  	_ =	shalt  }
0x7d: {  	_ =	shalt  }
0x7e: {  	_ =	shalt  }
0x7f: {  	_ =	shalt  }
0x80: {  	_ =	shalt  }
0x81: {  	_ =	shalt  }
0x82: {  	_ =	shalt  }
0x83: {  	_ =	shalt  }
0x84: {  	_ =	shalt  }
0x85: {  	_ =	shalt  }
0x86: {  	_ =	shalt  }
0x87: {  	_ =	shalt  }
.Lfunc_end0:
.L_simem_size_0:
called_computation.1_lowered:
.L_overlay_start_0:
0x88: {  	s2 =	sld [smem:$0x3FD9]  }
0x89: {  	s3 =	sld [smem:$0x3FFE];
	_ =	sdelay $0x1  }
0x8a: {  	s1 =	srdreg.scid  }
0x8b: {  	s0 =	sand.u32 $0x1, s1  }
0x8c: {  	s14 =	sshll.u32 s0, $0xA;
	s2 =	sadd.s32 s3, s2  }
0x8d: {  	s2 =	sadd.s32 s2, s14  }
0x8e: {  	[smem:$0x3FC5] =	sst s2  }
0x8f: {  	_ = 	snop  }
0x90: {  	s2 =	sld [smem:$0x3FD0];
	_ =	sdelay $0x2  }
0x91: {  	s15 =	simm.s32 $0xA;
	s4 =	simm.s32 $0x10  }
0x92: {  	[smem:s4], [sflag:s15] =	dma.local [hbm:s2], $0x1  }
0x93: {  	_ =	swait.eq [sflag:s15], $0x1  }
0x94: {  	s16 =	sld [smem:$0x10];
	[sflag:s15] =	ssyncset.done $0x0  }
0x95: {  	s17 =	sld [smem:$0x11];
	[sflag:s15] =	ssyncadd.s32 $0xFFFFFFFF  }
0x96: {  	s18 =	sld [smem:$0x12];
	(tm) =	ssettm $0x1  }
0x97: {  	s5 =	sld [smem:$0x3FFB];
	_ =	sdelay $0x3  }
0x98: {  	_ =	strace s5  }
0x99: {  	s5 =	sld [smem:$0x3FFC];
	_ =	sdelay $0x3  }
0x9a: {  	_ =	strace s5  }
0x9b: {  	s5 =	sld [smem:$0x3FFD];
	_ =	sdelay $0x3  }
0x9c: {  	_ =	strace s5  }
0x9d: {  	_ =	strace $0x8FFFFFFF  }
0x9e: {  	s19 =	sld [smem:$0x3FDB];
	_ =	sdelay $0x1  }
0x9f: {  	s6 =	simm.s32 $_scs_section_size  }
0xa0: {  	s7 =	simm.s32 $_size__tile_overlayer_lowered;
	s8 =	simm.s32 $_tile_overlayer_lowered  }
0xa1: {  	s22 =	simm.s32 $0x1BFF;
	s21 =	sshll.u32 s8, $0x1;
	s5 =	sadd.s32 s6, s19  }
0xa2: {  	s9 =	simm.s32 $0x0;
	s20 =	sshll.u32 s7, $0x1;
	s7 =	sadd.s32 s21, s5  }
0xa3: {  	[timem:s9], [sflag:s22] =	dma.local [hbm:s7], s20  }
0xa4: {  	_ =	swait.ge [sflag:s22], s20  }
0xa5: {  	s6 =	ssub.s32 $0x0, s20;
	[sflag:s22] =	ssyncset.done $0x0  }
0xa6: {  	[sflag:s22] =	ssyncadd.s32 s6;
	_ =	sdelay $0x1  }
0xa7: {  	s23 =	simm.s32 $0x1B8B  }
0xa8: {  	_ =	swait.ge [sflag:s23], $0x1  }
0xa9: {  	[sflag:s23] =	ssyncset.done $0x0  }
0xaa: {  	s25 =	simm.s32 $0x1B8E;
	s24 =	sld [smem:$0x3FFE];
	[sflag:s23] =	ssyncadd.s32 $0xFFFFFFFF  }
0xab: {  	s26 =	simm.s32 $execute0_lowered;
	[smem:$0x3FD2] =	sst s25  }
0xac: {  	s7 =	sshll.u32 s26, $0x1;
	_ =	strace $0x80000049;
	[dreg:$0x1] =	wrdreg $0xFFFFFFFF  }
0xad: {  	s28 =	simm.s32 $_size_execute0_lowered;
	s5 =	sadd.s32 s5, s7;
	[dreg:$0x0] =	wrdreg $0x0  }
0xae: {  	s7 =	sshll.u32 s28, $0x1;
	[dreg:$0x2] =	wrdreg s5  }
0xaf: {  	[dreg:$0x3] =	wrdreg s7  }
0xb0: {  	[dreg:$0x4] =	wrdreg $0xC0  }
0xb1: {  	_ =	task [dreg:s9], $0x5FFFF  }
0xb2: {  	[dreg:$0x1] =	wrdreg $0xFFFFFFFF  }
0xb3: {  	[dreg:$0x0] =	wrdreg $0x60  }
0xb4: {  	[dreg:$0x2] =	wrdreg s17  }
0xb5: {  	[dreg:$0x3] =	wrdreg s24  }
0xb6: {  	[dreg:$0x4] =	wrdreg s18  }
0xb7: {  	[dreg:$0x5] =	wrdreg s16  }
0xb8: {  	[dreg:$0x6] =	wrdreg $0xFDC00  }
0xb9: {  	[dreg:$0x7] =	wrdreg $0x9  }
0xba: {  	_ =	task.clear_ibuf [dreg:s9], $0x8FFFF;
	_ =	strace $0x90000049  }
0xbb: {  	s29 =	simm.s32 $0x9;
	_ =	strace $0x8000004B  }
0xbc: {  	_ =	swait.ge [sflag:s29], $0x1  }
0xbd: {  	[sflag:s29] =	ssyncadd.s32 $0xFFFFFFFF  }
0xbe: {  	_ =	strace $0x9000004B  }
0xbf: {  	_ =	sfence  }
0xc0: {  	s30 =	sld [smem:$0x0];
	_ =	sdelay $0x2  }
0xc1: {  	s31 =	sshll.u32 s1, $0xD;
	s1 =	sshrl.u32 s1, $0x2  }
0xc2: {  	s3 =	sand.u32 $0x4000, s31;
	s1 =	sadd.s32 s1, s30  }
0xc3: {  	s0 =	sor.u32 s3, s0;
	s1 =	sshll.u32 s1, $0x11  }
0xc4: {  	s0 =	sor.u32 s1, s0  }
0xc5: {  	s0 =	sadd.s32 $0x8F2B, s0  }
0xc6: {  	[sflag:s0] =	ssyncadd.remote.s32 $0x1  }
0xc7: {  	_ =	sfence.sel $0xFFFF  }
0xc8: {  	[dreg:$0x0] =	wrdreg $0xFFFFFFFF;
	(pc) =	sbr.abs _section_cstart, $3  }
0xc9: {  	[dreg:$0x1] =	wrdreg $0xFFFFFFFF  }
0xca: {  	_ =	task.clear_ibuf [dreg:s9], $0x2FFFF;
	_ =	strace $0x9FFFFFFF  }
0xcb: {  	(tm) =	ssettm $0x7FFFFFFF  }
tec
execute0_lowered:
.L_overlay_start_1:
0x0: {  	(tag) =	ssettag $0x1  }
0x1: {  	s0 =	rddreg [dreg:$0x0]  }
0x2: {  	s1 =	rddreg [dreg:$0x1]  }
0x3: {  	s11 =	rddreg [dreg:$0x2]  }
0x4: {  	s2 =	rddreg [dreg:$0x3];
	s3 =	srdreg.scid  }
0x5: {  	s10 =	stileid.u32;
	s4 =	rddreg [dreg:$0x4];
	s5 =	sand.u32 $0x1, s3  }
0x6: {  	s6 =	sshll.u32 s10, $0x1;
	s3 =	simm.s32 $0x0;
	s7 =	sadd.s32 $0xE00, s1  }
0x7: {  	s24 =	sadd.s32 $0x1400, s1;
	s6 =	sor.u32 s5, s6;
	[smem:$0x7FF] =	sst s3  }
0x8: {  	s8 =	smul.u32 $0x140, s6;
	_ =	strace $0x8000004A;
	[dreg:$0x6] =	wrdreg s7  }
0x9: {  	s12 =	sadd.s32 $0x500, s11;
	s6 =	smul.u32 $0x2710, s6;
	[dreg:$0x7] =	wrdreg s24  }
0xa: {  	[dreg:$0x8] =	wrdreg s12;
	s25 =	sshrl.u32 s8, $0x3  }
0xb: {  	s6 =	sshrl.u32 s6, $0x3;
	s14 =	sadd.s32 $0xADC0, s8;
	s1 =	sadd.s32 s25, s1  }
0xc: {  	s7 =	sadd.s32 s0, s6;
	[dreg:$0xa] =	wrdreg s14;
	s13 =	sadd.s32 $0x1A00, s1  }
0xd: {  	s18 =	smul.u32 $0xA000, s10;
	s15 =	sadd.s32 $0x9C40, s7;
	[dreg:$0x9] =	wrdreg s13  }
0xe: {  	s21 =	smul.u32 $0x280, s10;
	s16 =	sadd.s32 $0xFA, s7;
	[dreg:$0xb] =	wrdreg s15  }
0xf: {  	s10 =	simm.s32 $0x2;
	s17 =	sadd.s32 $0x9D3A, s7;
	[dreg:$0xc] =	wrdreg s16  }
0x10: {  	s11 =	simm.s32 $0x36B0;
	s19 =	sadd.s32 $0x1F4, s7;
	[dreg:$0xd] =	wrdreg s17  }
0x11: {  	s9 =	ssub.s32 $0x2, s5;
	s20 =	sadd.s32 $0x9E34, s7;
	[dreg:$0xe] =	wrdreg s19  }
0x12: {  	s5 =	smul.u32 $0x2800, s5;
	s6 =	sadd.s32 $0x2EE, s7;
	[dreg:$0xf] =	wrdreg s20  }
0x13: {  	s26 =	sshrl.u32 s9, $0x1;
	s22 =	sadd.s32 $0x9F2E, s7;
	[dreg:$0x10] =	wrdreg s6  }
0x14: {  	s12 =	simm.s32 $0x1;
	s23 =	sadd.s32 $0x3E8, s7;
	[dreg:$0x11] =	wrdreg s22  }
0x15: {  	s0 =	sshrl.u32 s18, $0x2;
	s24 =	sadd.s32 $0xA028, s7;
	[dreg:$0x12] =	wrdreg s23  }
0x16: {  	s9 =	ssub.s32 s9, s26;
	s0 =	sadd.s32 s0, s4;
	[dreg:$0x13] =	wrdreg s24  }
0x17: {  	s25 =	sadd.s32 s21, s5;
	s14 =	simm.s32 $0xADC0;
	[dreg:$0x14] =	wrdreg s0  }
0x18: {  	s20 =	sadd.s32 s21, s4;
	s0 =	sshrl.u32 s25, $0x3;
	s25 =	smax.u32 s9, $0x1  }
0x19: {  	s9 =	simm.s32 $0xFA0;
	s13 =	simm.s32 $0x7D0;
	s15 =	simm.s32 $0xD5C0  }
0x1a: {  	s16 =	simm.s32 $0x0;
	s26 =	sadd.s32 $0x2800, s20;
	s22 =	sadd.s32 $0x5000, s20  }
0x1b: {  	s23 =	sadd.s32 s2, s0;
	s24 =	sadd.s32 $0x7800, s20;
	s28 =	sadd.s32 $0xC800, s20  }
0x1c: {  	s29 =	sadd.s32 $0xF000, s20;
	s30 =	sadd.s32 $0x11800, s20;
	s31 =	sadd.s32 $0x14000, s20  }
0x1d: {  	s2 =	sadd.s32 $0x16800, s20;
	s0 =	sadd.s32 $0x19000, s20;
	s1 =	sadd.s32 $0x1B800, s20  }
0x1e: {  	s4 =	sadd.s32 $0x1E000, s20;
	s5 =	sadd.s32 $0x20800, s20;
	s6 =	sadd.s32 $0x23000, s20  }
0x1f: {  	v0 =	vimm.f32 $0.0e+00;
	s8 =	sadd.s32 $0x25800, s20;
	[dreg:$0x15] =	wrdreg s26;
	s26 =	sadd.s32 $0xA000, s20  }
.LBB2_1:
0x20: {  	s17 =	rddreg [dreg:$0x2];
	s18 =	simm.s32 $0x5DC0  }
0x21: {  	[tilespmem:s18], [sflag:$0x1] =	stream.linear.gather [hbm4b:s17+s3], $0x2800, $0x38;
	[tilespmem:$0x15040] =	vst v63  }
0x22: {  	s19 =	rddreg [dreg:$0x8];
	s21 =	simm.s32 $0x85C0  }
0x23: {  	[tilespmem:s21], [sflag:$0x1] =	stream.linear.gather [hbm4b:s19+s3], $0x2800, $0x38;
	[tilespmem:$0x15040] =	vst v63  }
0x24: {  	s19 =	rddreg [dreg:$0x6]  }
0x25: {  	[tilespmem:s9], [sflag:$0x2] =	stream.linear.gather [hbm4b:s19+s3], $0x2710, $0x38;
	[tilespmem:$0x15040] =	vst v63  }
0x26: {  	_ =	swait.ge [sflag:s10], $0x2710  }
0x27: {  	[sflag:s10] =	ssyncset.done $0x0  }
0x28: {  	s21 =	rddreg [dreg:$0x7];
	[sflag:s10] =	ssyncadd.s32 $0xFFFFD8F0  }
0x29: {  	[tilespmem:s11], [sflag:$0x2] =	stream.linear.gather [hbm4b:s21+s3], $0x2710, $0x38;
	[tilespmem:$0x15040] =	vst v63  }
0x2a: {  	_ =	swait.ge [sflag:s10], $0x2710  }
0x2b: {  	[sflag:s10] =	ssyncset.done $0x0  }
0x2c: {  	[sflag:s10] =	ssyncadd.s32 $0xFFFFD8F0  }
0x2d: {  	_ =	swait.ge [sflag:s12], $0x2800  }
0x2e: {  	[sflag:s12] =	ssyncset.done $0x0  }
0x2f: {  	[sflag:s12] =	ssyncadd.s32 $0xFFFFD800  }
0x30: {  	_ =	swait.ge [sflag:s12], $0x2800  }
0x31: {  	[sflag:s12] =	ssyncset.done $0x0  }
0x32: {  	s17 =	simm.s32 $0x0;
	[sflag:s12] =	ssyncadd.s32 $0xFFFFD800  }
0x33: {  	v2 =	vld [tilespmem:s17+$0x5DF0]  }
0x34: {  	v5 =	vld [tilespmem:s17+$0x85F0]  }
0x35: {  	v6 =	vld [tilespmem:s17+$0x5DC0]  }
0x36: {  	v7 =	vld [tilespmem:s17+$0x85C0]  }
0x37: {  	v3 =	vld [tilespmem:s17+$0x5DD0]  }
0x38: {  	v4 =	vld [tilespmem:s17+$0x85D0]  }
0x39: {  	v1 =	vld [tilespmem:s17+$0x5DE0];
	v2 =	vmax.f32 v2, v5  }
0x3a: {  	s18 =	simm.s32 $0x40;
	v5 =	vld [tilespmem:s17+$0x85E0];
	[tilespmem:s17+$0xADF0] =	vst v2  }
0x3b: {  	s19 =	simm.s32 $0x200;
	v6 =	vmax.f32 v6, v7;
	v2 =	vld [tilespmem:s18+$0x5DF0]  }
.LBB2_2:
0x3c: {  	p0 =	sne.s32 s19, $0x9F00;
	v7 =	vld [tilespmem:s18+$0x85F0];
	[tilespmem:s17+$0xADC0] =	vst v6  }
0x3d: {  	v6 =	vld [tilespmem:s18+$0x5DC0];
	v3 =	vmax.f32 v3, v4  }
0x3e: {  	v8 =	vld [tilespmem:s18+$0x85C0];
	[tilespmem:s17+$0xADD0] =	vst v3  }
.Ltmp0:
0x3f: {  	v3 =	vld [tilespmem:s18+$0x5DD0];
	v1 =	vmax.f32 v1, v5;
	(pc) =	sbr.rel @p0 .LBB2_2-.Ltmp0, $4  }
0x40: {  	v4 =	vld [tilespmem:s18+$0x85D0];
	[tilespmem:s17+$0xADE0] =	vst v1;
	s17 =	smov.u32 s18  }
0x41: {  	v1 =	vld [tilespmem:s17+$0x5DE0];
	v2 =	vmax.f32 v2, v7  }
0x42: {  	s18 =	sshra.s32 s19, $0x2;
	v5 =	vld [tilespmem:s17+$0x85E0];
	[tilespmem:s17+$0xADF0] =	vst v2  }
0x43: {  	s19 =	sadd.s32 $0x100, s19;
	v2 =	vld [tilespmem:s18+$0x5DF0];
	v6 =	vmax.f32 v6, v8  }
0x44: {  	v7 =	vld [tilespmem:s18+$0x85F0];
	[tilespmem:s17+$0xADC0] =	vst v6  }
0x45: {  	v6 =	vld [tilespmem:s18+$0x5DC0];
	v3 =	vmax.f32 v3, v4  }
0x46: {  	v62 =	vld [tilespmem:s18+$0x85C0];
	[tilespmem:s17+$0xADD0] =	vst v3  }
0x47: {  	v3 =	vld [tilespmem:s18+$0x5DD0];
	v1 =	vmax.f32 v1, v5  }
0x48: {  	v63 =	vld [tilespmem:s18+$0x85D0];
	[tilespmem:s17+$0xADE0] =	vst v1  }
0x49: {  	v1 =	vld [tilespmem:s18+$0x5DE0]  }
0x4a: {  	v8 =	vld [tilespmem:s18+$0x85E0];
	_ =	sdelay $0x1  }
0x4b: {  	v2 =	vmax.f32 v2, v7  }
0x4c: {  	[tilespmem:s18+$0xADF0] =	vst v2;
	v2 =	vmax.f32 v6, v62  }
0x4d: {  	[tilespmem:s18+$0xADC0] =	vst v2;
	v2 =	vmax.f32 v3, v63  }
0x4e: {  	[tilespmem:s18+$0xADD0] =	vst v2;
	v1 =	vmax.f32 v1, v8  }
0x4f: {  	s17 =	simm.s32 $0x0;
	[tilespmem:s18+$0xADE0] =	vst v1;
	s18 =	simm.s32 $0x100  }
.LBB2_4:
0x50: {  	p0 =	sne.s32 s18, $0x9F00;
	[tilespmem:s17+$0xD5F0] =	vst v0;
	s19 =	smov.u32 s18;
	s18 =	sadd.s32 $0x100, s18  }
.Ltmp1:
0x51: {  	[tilespmem:s17+$0xD5E0] =	vst v0;
	(pc) =	sbr.rel @p0 .LBB2_4-.Ltmp1, $3  }
0x52: {  	[tilespmem:s17+$0xD5C0] =	vst v0  }
0x53: {  	[tilespmem:s17+$0xD5D0] =	vst v0;
	_ =	sdelay $0x1  }
0x54: {  	s17 =	sshra.s32 s19, $0x2  }
0x55: {  	[tilespmem:s17+$0xD5F0] =	vst v0  }
0x56: {  	[tilespmem:s17+$0xD5E0] =	vst v0  }
0x57: {  	[tilespmem:s17+$0xD5C0] =	vst v0;
	s18 =	rddreg [dreg:$0x9]  }
0x58: {  	[tilespmem:s17+$0xD5D0] =	vst v0;
	s17 =	simm.s32 $0x0;
	s19 =	rddreg [dreg:$0xa]  }
0x59: {  	[hbm4b:s18+s17] =	stream.linear.scatter [tilespmem:s19], [sflag:$0x2], $0x140, $0x38;
	[tilespmem:$0x15040] =	vst v63  }
0x5a: {  	_ =	swait.ge [sflag:s10], $0x140  }
0x5b: {  	[sflag:s10] =	ssyncset.done $0x0  }
0x5c: {  	[sflag:s10] =	ssyncadd.s32 $0xFFFFFEC0  }
0x5d: {  	[tilespmem:s17], [sflag:$0x1] =	stream.linear.gather [hbm4b:s7+s17], $0x7D0, $0x38;
	[tilespmem:$0x15040] =	vst v63  }
0x5e: {  	s21 =	rddreg [dreg:$0xb]  }
0x5f: {  	[tilespmem:s13], [sflag:$0x1] =	stream.linear.gather [hbm4b:s21+s17], $0x7D0, $0x38;
	[tilespmem:$0x15040] =	vst v63  }
0x60: {  	_ =	swait.ge [sflag:s12], $0x7D0  }
0x61: {  	[sflag:s12] =	ssyncset.done $0x0  }
0x62: {  	[sflag:s12] =	ssyncadd.s32 $0xFFFFF830  }
0x63: {  	_ =	swait.ge [sflag:s12], $0x7D0  }
0x64: {  	[sflag:s12] =	ssyncset.done $0x0  }
0x65: {  	s18 =	simm.s32 $0x0;
	[sflag:s12] =	ssyncadd.s32 $0xFFFFF830  }
0x66: {  	s17 =	simm.s32 $0x40;
	v1 =	vld [tilespmem:s18+$0x7D0]  }
.LBB2_6:
0x67: {  	p0 =	sne.s32 s17, $0x1F00;
	v2 =	vld [tilespmem:s18+$0x0];
	_ =	sdelay $0x6  }
0x68: {  	v1 =	vld.idx.msk [tilespmem:v1+s11+$0x0], $0xffff  }
0x69: {  	v3 =	vld.idx.msk [tilespmem:v2+s9+$0x0], $0xffff;
	_ =	sdelay $0x4  }
0x6a: {  	v4 =	vld.idx.msk [tilespmem:v2+s14+$0x0], $0xffff  }
0x6b: {  	v1 =	vadd.f32 v1, v3;
	_ =	sdelay $0x1  }
0x6c: {  	v3 =	vmul.f32 $2.000000030e-01, v1  }
0x6d: {  	vm0 =	vge.f32 v1, $0.0e+00  }
0x6e: {  	v1 =	vsel vm0, v1, v3  }
0x6f: {  	v1 =	vsub.f32 v1, v4;
	_ =	sdelay $0x1  }
0x70: {  	v1 =	vmul.f32 $1.442695020e+00, v1;
	_ =	sdelay $0x1  }
0x71: {  	(erf) = vpow2.f32 v1;
	_ =	sdelay $0x6  }
.Ltmp2:
0x72: {  	(pc) =	sbr.rel @p0 .LBB2_6-.Ltmp2, $4  }
0x73: {  	_ = 	snop  }
0x74: {  	v1 =	vpop (erf)  }
0x75: {  	s18 =	sshra.s32 s17, $0x2;
	[tilespmem:v2+s15+$0x0] =	vst.idx.add.f32.msk $0xffff, v1  }
0x76: {  	s17 =	sadd.s32 $0x40, s17;
	v1 =	vld [tilespmem:s18+$0x7D0]  }
0x77: {  	_ = 	snop  }
0x78: {  	v2 =	vld [tilespmem:s18+$0x0];
	_ =	sdelay $0x6  }
0x79: {  	v1 =	vld.idx.msk [tilespmem:v1+s11+$0x0], $0xffff  }
0x7a: {  	v3 =	vld.idx.msk [tilespmem:v2+s9+$0x0], $0xffff;
	_ =	sdelay $0x4  }
0x7b: {  	v4 =	vld.idx.msk [tilespmem:v2+s14+$0x0], $0xffff;
	v1 =	vadd.f32 v1, v3;
	_ =	sdelay $0x1  }
0x7c: {  	v3 =	vmul.f32 $2.000000030e-01, v1  }
0x7d: {  	vm0 =	vge.f32 v1, $0.0e+00  }
0x7e: {  	v1 =	vsel vm0, v1, v3  }
0x7f: {  	v1 =	vsub.f32 v1, v4;
	_ =	sdelay $0x1  }
0x80: {  	v1 =	vmul.f32 $1.442695020e+00, v1;
	_ =	sdelay $0x1  }
0x81: {  	(erf) = vpow2.f32 v1;
	_ =	sdelay $0x8  }
0x82: {  	v1 =	vpop (erf)  }
0x83: {  	s17 =	simm.s32 $0x0;
	s19 =	rddreg [dreg:$0xc];
	[tilespmem:v2+s15+$0x0] =	vst.idx.add.f32.msk $0xffff, v1  }
0x84: {  	[tilespmem:s17], [sflag:$0x1] =	stream.linear.gather [hbm4b:s19+s17], $0x7D0, $0x38;
	[tilespmem:$0x15040] =	vst v63  }
0x85: {  	s21 =	rddreg [dreg:$0xd]  }
0x86: {  	[tilespmem:s13], [sflag:$0x1] =	stream.linear.gather [hbm4b:s21+s17], $0x7D0, $0x38;
	[tilespmem:$0x15040] =	vst v63  }
0x87: {  	_ =	swait.ge [sflag:s12], $0x7D0  }
0x88: {  	[sflag:s12] =	ssyncset.done $0x0  }
0x89: {  	[sflag:s12] =	ssyncadd.s32 $0xFFFFF830  }
0x8a: {  	_ =	swait.ge [sflag:s12], $0x7D0  }
0x8b: {  	[sflag:s12] =	ssyncset.done $0x0  }
0x8c: {  	s18 =	simm.s32 $0x0;
	[sflag:s12] =	ssyncadd.s32 $0xFFFFF830  }
0x8d: {  	s17 =	simm.s32 $0x40;
	v1 =	vld [tilespmem:s18+$0x7D0]  }
.LBB2_8:
0x8e: {  	p0 =	sne.s32 s17, $0x1F00;
	v2 =	vld [tilespmem:s18+$0x0];
	_ =	sdelay $0x6  }
0x8f: {  	v1 =	vld.idx.msk [tilespmem:v1+s11+$0x0], $0xffff  }
0x90: {  	v3 =	vld.idx.msk [tilespmem:v2+s9+$0x0], $0xffff;
	_ =	sdelay $0x4  }
0x91: {  	v4 =	vld.idx.msk [tilespmem:v2+s14+$0x0], $0xffff  }
0x92: {  	v1 =	vadd.f32 v1, v3;
	_ =	sdelay $0x1  }
0x93: {  	v3 =	vmul.f32 $2.000000030e-01, v1  }
0x94: {  	vm0 =	vge.f32 v1, $0.0e+00  }
0x95: {  	v1 =	vsel vm0, v1, v3  }
0x96: {  	v1 =	vsub.f32 v1, v4;
	_ =	sdelay $0x1  }
0x97: {  	v1 =	vmul.f32 $1.442695020e+00, v1;
	_ =	sdelay $0x1  }
0x98: {  	(erf) = vpow2.f32 v1;
	_ =	sdelay $0x6  }
.Ltmp3:
0x99: {  	(pc) =	sbr.rel @p0 .LBB2_8-.Ltmp3, $4  }
0x9a: {  	_ = 	snop  }
0x9b: {  	v1 =	vpop (erf)  }
0x9c: {  	s18 =	sshra.s32 s17, $0x2;
	[tilespmem:v2+s15+$0x0] =	vst.idx.add.f32.msk $0xffff, v1  }
0x9d: {  	s17 =	sadd.s32 $0x40, s17;
	v1 =	vld [tilespmem:s18+$0x7D0]  }
0x9e: {  	_ = 	snop  }
0x9f: {  	v2 =	vld [tilespmem:s18+$0x0];
	_ =	sdelay $0x6  }
0xa0: {  	v1 =	vld.idx.msk [tilespmem:v1+s11+$0x0], $0xffff  }
0xa1: {  	v3 =	vld.idx.msk [tilespmem:v2+s9+$0x0], $0xffff;
	_ =	sdelay $0x4  }
0xa2: {  	v4 =	vld.idx.msk [tilespmem:v2+s14+$0x0], $0xffff;
	v1 =	vadd.f32 v1, v3;
	_ =	sdelay $0x1  }
0xa3: {  	v3 =	vmul.f32 $2.000000030e-01, v1  }
0xa4: {  	vm0 =	vge.f32 v1, $0.0e+00  }
0xa5: {  	v1 =	vsel vm0, v1, v3  }
0xa6: {  	v1 =	vsub.f32 v1, v4;
	_ =	sdelay $0x1  }
0xa7: {  	v1 =	vmul.f32 $1.442695020e+00, v1;
	_ =	sdelay $0x1  }
0xa8: {  	(erf) = vpow2.f32 v1;
	_ =	sdelay $0x8  }
0xa9: {  	v1 =	vpop (erf)  }
0xaa: {  	s17 =	simm.s32 $0x0;
	s19 =	rddreg [dreg:$0xe];
	[tilespmem:v2+s15+$0x0] =	vst.idx.add.f32.msk $0xffff, v1  }
0xab: {  	[tilespmem:s17], [sflag:$0x1] =	stream.linear.gather [hbm4b:s19+s17], $0x7D0, $0x38;
	[tilespmem:$0x15040] =	vst v63  }
0xac: {  	s21 =	rddreg [dreg:$0xf]  }
0xad: {  	[tilespmem:s13], [sflag:$0x1] =	stream.linear.gather [hbm4b:s21+s17], $0x7D0, $0x38;
	[tilespmem:$0x15040] =	vst v63  }
0xae: {  	_ =	swait.ge [sflag:s12], $0x7D0  }
0xaf: {  	[sflag:s12] =	ssyncset.done $0x0  }
0xb0: {  	[sflag:s12] =	ssyncadd.s32 $0xFFFFF830  }
0xb1: {  	_ =	swait.ge [sflag:s12], $0x7D0  }
0xb2: {  	[sflag:s12] =	ssyncset.done $0x0  }
0xb3: {  	s18 =	simm.s32 $0x0;
	[sflag:s12] =	ssyncadd.s32 $0xFFFFF830  }
0xb4: {  	s17 =	simm.s32 $0x40;
	v1 =	vld [tilespmem:s18+$0x7D0]  }
.LBB2_10:
0xb5: {  	p0 =	sne.s32 s17, $0x1F00;
	v2 =	vld [tilespmem:s18+$0x0];
	_ =	sdelay $0x6  }
0xb6: {  	v1 =	vld.idx.msk [tilespmem:v1+s11+$0x0], $0xffff  }
0xb7: {  	v3 =	vld.idx.msk [tilespmem:v2+s9+$0x0], $0xffff;
	_ =	sdelay $0x4  }
0xb8: {  	v4 =	vld.idx.msk [tilespmem:v2+s14+$0x0], $0xffff  }
0xb9: {  	v1 =	vadd.f32 v1, v3;
	_ =	sdelay $0x1  }
0xba: {  	v3 =	vmul.f32 $2.000000030e-01, v1  }
0xbb: {  	vm0 =	vge.f32 v1, $0.0e+00  }
0xbc: {  	v1 =	vsel vm0, v1, v3  }
0xbd: {  	v1 =	vsub.f32 v1, v4;
	_ =	sdelay $0x1  }
0xbe: {  	v1 =	vmul.f32 $1.442695020e+00, v1;
	_ =	sdelay $0x1  }
0xbf: {  	(erf) = vpow2.f32 v1;
	_ =	sdelay $0x6  }
.Ltmp4:
0xc0: {  	(pc) =	sbr.rel @p0 .LBB2_10-.Ltmp4, $4  }
0xc1: {  	_ = 	snop  }
0xc2: {  	v1 =	vpop (erf)  }
0xc3: {  	s18 =	sshra.s32 s17, $0x2;
	[tilespmem:v2+s15+$0x0] =	vst.idx.add.f32.msk $0xffff, v1  }
0xc4: {  	s17 =	sadd.s32 $0x40, s17;
	v1 =	vld [tilespmem:s18+$0x7D0]  }
0xc5: {  	_ = 	snop  }
0xc6: {  	v2 =	vld [tilespmem:s18+$0x0];
	_ =	sdelay $0x6  }
0xc7: {  	v1 =	vld.idx.msk [tilespmem:v1+s11+$0x0], $0xffff  }
0xc8: {  	v3 =	vld.idx.msk [tilespmem:v2+s9+$0x0], $0xffff;
	_ =	sdelay $0x4  }
0xc9: {  	v4 =	vld.idx.msk [tilespmem:v2+s14+$0x0], $0xffff;
	v1 =	vadd.f32 v1, v3;
	_ =	sdelay $0x1  }
0xca: {  	v3 =	vmul.f32 $2.000000030e-01, v1  }
0xcb: {  	vm0 =	vge.f32 v1, $0.0e+00  }
0xcc: {  	v1 =	vsel vm0, v1, v3  }
0xcd: {  	v1 =	vsub.f32 v1, v4;
	_ =	sdelay $0x1  }
0xce: {  	v1 =	vmul.f32 $1.442695020e+00, v1;
	_ =	sdelay $0x1  }
0xcf: {  	(erf) = vpow2.f32 v1;
	_ =	sdelay $0x8  }
0xd0: {  	v1 =	vpop (erf)  }
0xd1: {  	s17 =	simm.s32 $0x0;
	s19 =	rddreg [dreg:$0x10];
	[tilespmem:v2+s15+$0x0] =	vst.idx.add.f32.msk $0xffff, v1  }
0xd2: {  	[tilespmem:s17], [sflag:$0x1] =	stream.linear.gather [hbm4b:s19+s17], $0x7D0, $0x38;
	[tilespmem:$0x15040] =	vst v63  }
0xd3: {  	s21 =	rddreg [dreg:$0x11]  }
0xd4: {  	[tilespmem:s13], [sflag:$0x1] =	stream.linear.gather [hbm4b:s21+s17], $0x7D0, $0x38;
	[tilespmem:$0x15040] =	vst v63  }
0xd5: {  	_ =	swait.ge [sflag:s12], $0x7D0  }
0xd6: {  	[sflag:s12] =	ssyncset.done $0x0  }
0xd7: {  	[sflag:s12] =	ssyncadd.s32 $0xFFFFF830  }
0xd8: {  	_ =	swait.ge [sflag:s12], $0x7D0  }
0xd9: {  	[sflag:s12] =	ssyncset.done $0x0  }
0xda: {  	s18 =	simm.s32 $0x0;
	[sflag:s12] =	ssyncadd.s32 $0xFFFFF830  }
0xdb: {  	s17 =	simm.s32 $0x40;
	v1 =	vld [tilespmem:s18+$0x7D0]  }
.LBB2_12:
0xdc: {  	p0 =	sne.s32 s17, $0x1F00;
	v2 =	vld [tilespmem:s18+$0x0];
	_ =	sdelay $0x6  }
0xdd: {  	v1 =	vld.idx.msk [tilespmem:v1+s11+$0x0], $0xffff  }
0xde: {  	v3 =	vld.idx.msk [tilespmem:v2+s9+$0x0], $0xffff;
	_ =	sdelay $0x4  }
0xdf: {  	v4 =	vld.idx.msk [tilespmem:v2+s14+$0x0], $0xffff  }
0xe0: {  	v1 =	vadd.f32 v1, v3;
	_ =	sdelay $0x1  }
0xe1: {  	v3 =	vmul.f32 $2.000000030e-01, v1  }
0xe2: {  	vm0 =	vge.f32 v1, $0.0e+00  }
0xe3: {  	v1 =	vsel vm0, v1, v3  }
0xe4: {  	v1 =	vsub.f32 v1, v4;
	_ =	sdelay $0x1  }
0xe5: {  	v1 =	vmul.f32 $1.442695020e+00, v1;
	_ =	sdelay $0x1  }
0xe6: {  	(erf) = vpow2.f32 v1;
	_ =	sdelay $0x6  }
.Ltmp5:
0xe7: {  	(pc) =	sbr.rel @p0 .LBB2_12-.Ltmp5, $4  }
0xe8: {  	_ = 	snop  }
0xe9: {  	v1 =	vpop (erf)  }
0xea: {  	s18 =	sshra.s32 s17, $0x2;
	[tilespmem:v2+s15+$0x0] =	vst.idx.add.f32.msk $0xffff, v1  }
0xeb: {  	s17 =	sadd.s32 $0x40, s17;
	v1 =	vld [tilespmem:s18+$0x7D0]  }
0xec: {  	_ = 	snop  }
0xed: {  	v2 =	vld [tilespmem:s18+$0x0];
	_ =	sdelay $0x6  }
0xee: {  	v1 =	vld.idx.msk [tilespmem:v1+s11+$0x0], $0xffff  }
0xef: {  	v3 =	vld.idx.msk [tilespmem:v2+s9+$0x0], $0xffff;
	_ =	sdelay $0x4  }
0xf0: {  	v4 =	vld.idx.msk [tilespmem:v2+s14+$0x0], $0xffff;
	v1 =	vadd.f32 v1, v3;
	_ =	sdelay $0x1  }
0xf1: {  	v3 =	vmul.f32 $2.000000030e-01, v1  }
0xf2: {  	vm0 =	vge.f32 v1, $0.0e+00  }
0xf3: {  	v1 =	vsel vm0, v1, v3  }
0xf4: {  	v1 =	vsub.f32 v1, v4;
	_ =	sdelay $0x1  }
0xf5: {  	v1 =	vmul.f32 $1.442695020e+00, v1;
	_ =	sdelay $0x1  }
0xf6: {  	(erf) = vpow2.f32 v1;
	_ =	sdelay $0x8  }
0xf7: {  	v1 =	vpop (erf)  }
0xf8: {  	s17 =	simm.s32 $0x0;
	s19 =	rddreg [dreg:$0x12];
	[tilespmem:v2+s15+$0x0] =	vst.idx.add.f32.msk $0xffff, v1  }
0xf9: {  	[tilespmem:s17], [sflag:$0x1] =	stream.linear.gather [hbm4b:s19+s17], $0x7D0, $0x38;
	[tilespmem:$0x15040] =	vst v63  }
0xfa: {  	s21 =	rddreg [dreg:$0x13]  }
0xfb: {  	[tilespmem:s13], [sflag:$0x1] =	stream.linear.gather [hbm4b:s21+s17], $0x7D0, $0x38;
	[tilespmem:$0x15040] =	vst v63  }
0xfc: {  	_ =	swait.ge [sflag:s12], $0x7D0  }
0xfd: {  	[sflag:s12] =	ssyncset.done $0x0  }
0xfe: {  	[sflag:s12] =	ssyncadd.s32 $0xFFFFF830  }
0xff: {  	_ =	swait.ge [sflag:s12], $0x7D0  }
0x100: {  	[sflag:s12] =	ssyncset.done $0x0  }
0x101: {  	s18 =	simm.s32 $0x0;
	[sflag:s12] =	ssyncadd.s32 $0xFFFFF830  }
0x102: {  	s17 =	simm.s32 $0x40;
	v1 =	vld [tilespmem:s18+$0x7D0]  }
.LBB2_14:
0x103: {  	p0 =	sne.s32 s17, $0x1F00;
	v2 =	vld [tilespmem:s18+$0x0];
	_ =	sdelay $0x6  }
0x104: {  	v1 =	vld.idx.msk [tilespmem:v1+s11+$0x0], $0xffff  }
0x105: {  	v3 =	vld.idx.msk [tilespmem:v2+s9+$0x0], $0xffff;
	_ =	sdelay $0x4  }
0x106: {  	v4 =	vld.idx.msk [tilespmem:v2+s14+$0x0], $0xffff  }
0x107: {  	v1 =	vadd.f32 v1, v3;
	_ =	sdelay $0x1  }
0x108: {  	v3 =	vmul.f32 $2.000000030e-01, v1  }
0x109: {  	vm0 =	vge.f32 v1, $0.0e+00  }
0x10a: {  	v1 =	vsel vm0, v1, v3  }
0x10b: {  	v1 =	vsub.f32 v1, v4;
	_ =	sdelay $0x1  }
0x10c: {  	v1 =	vmul.f32 $1.442695020e+00, v1;
	_ =	sdelay $0x1  }
0x10d: {  	(erf) = vpow2.f32 v1;
	_ =	sdelay $0x6  }
.Ltmp6:
0x10e: {  	(pc) =	sbr.rel @p0 .LBB2_14-.Ltmp6, $4  }
0x10f: {  	_ = 	snop  }
0x110: {  	v1 =	vpop (erf)  }
0x111: {  	s18 =	sshra.s32 s17, $0x2;
	[tilespmem:v2+s15+$0x0] =	vst.idx.add.f32.msk $0xffff, v1  }
0x112: {  	s17 =	sadd.s32 $0x40, s17;
	v1 =	vld [tilespmem:s18+$0x7D0]  }
0x113: {  	_ = 	snop  }
0x114: {  	v2 =	vld [tilespmem:s18+$0x0];
	_ =	sdelay $0x6  }
0x115: {  	v1 =	vld.idx.msk [tilespmem:v1+s11+$0x0], $0xffff  }
0x116: {  	v3 =	vld.idx.msk [tilespmem:v2+s9+$0x0], $0xffff;
	_ =	sdelay $0x4  }
0x117: {  	v4 =	vld.idx.msk [tilespmem:v2+s14+$0x0], $0xffff;
	v1 =	vadd.f32 v1, v3;
	_ =	sdelay $0x1  }
0x118: {  	v3 =	vmul.f32 $2.000000030e-01, v1  }
0x119: {  	vm0 =	vge.f32 v1, $0.0e+00  }
0x11a: {  	v1 =	vsel vm0, v1, v3  }
0x11b: {  	v1 =	vsub.f32 v1, v4;
	_ =	sdelay $0x1  }
0x11c: {  	v1 =	vmul.f32 $1.442695020e+00, v1;
	_ =	sdelay $0x1  }
0x11d: {  	(erf) = vpow2.f32 v1;
	_ =	sdelay $0x8  }
0x11e: {  	v1 =	vpop (erf)  }
0x11f: {  	s17 =	rddreg [dreg:$0x14];
	[tilespmem:v2+s15+$0x0] =	vst.idx.add.f32.msk $0xffff, v1  }
0x120: {  	[spmem:s17] =	stream.linear.scatter [tilespmem:s15], [sflag:$0x2], $0x2800, $0x38;
	[tilespmem:$0x15040] =	vst v63  }
0x121: {  	_ =	swait.ge [sflag:s10], $0x2800  }
0x122: {  	[sflag:s10] =	ssyncset.done $0x0  }
0x123: {  	[sflag:s10] =	ssyncadd.s32 $0xFFFFD800  }
0x124: {  	s18 =	simm.s32 $0x125C0;
	[bflag:$0x0] =	sbarrier.arrive $0xFFFF  }
0x125: {  	[tilespmem:s18], [sflag:$0x1] =	stream.linear.gather [spmem:s20], $0x280, $0x38;
	[tilespmem:$0x15040] =	vst v63  }
0x126: {  	s21 =	simm.s32 $0x12840;
	s19 =	rddreg [dreg:$0x15]  }
0x127: {  	[tilespmem:s21], [sflag:$0x1] =	stream.linear.gather [spmem:s19], $0x280, $0x38;
	[tilespmem:$0x15040] =	vst v63  }
0x128: {  	s19 =	simm.s32 $0x12AC0  }
0x129: {  	[tilespmem:s19], [sflag:$0x1] =	stream.linear.gather [spmem:s22], $0x280, $0x38;
	[tilespmem:$0x15040] =	vst v63  }
0x12a: {  	s21 =	simm.s32 $0x12D40  }
0x12b: {  	[tilespmem:s21], [sflag:$0x1] =	stream.linear.gather [spmem:s24], $0x280, $0x38;
	[tilespmem:$0x15040] =	vst v63  }
0x12c: {  	s18 =	simm.s32 $0x12FC0  }
0x12d: {  	[tilespmem:s18], [sflag:$0x1] =	stream.linear.gather [spmem:s26], $0x280, $0x38;
	[tilespmem:$0x15040] =	vst v63  }
0x12e: {  	s19 =	simm.s32 $0x13240  }
0x12f: {  	[tilespmem:s19], [sflag:$0x1] =	stream.linear.gather [spmem:s28], $0x280, $0x38;
	[tilespmem:$0x15040] =	vst v63  }
0x130: {  	s21 =	simm.s32 $0x134C0  }
0x131: {  	[tilespmem:s21], [sflag:$0x1] =	stream.linear.gather [spmem:s29], $0x280, $0x38;
	[tilespmem:$0x15040] =	vst v63  }
0x132: {  	s18 =	simm.s32 $0x13740  }
0x133: {  	[tilespmem:s18], [sflag:$0x1] =	stream.linear.gather [spmem:s30], $0x280, $0x38;
	[tilespmem:$0x15040] =	vst v63  }
0x134: {  	s19 =	simm.s32 $0x139C0  }
0x135: {  	[tilespmem:s19], [sflag:$0x1] =	stream.linear.gather [spmem:s31], $0x280, $0x38;
	[tilespmem:$0x15040] =	vst v63  }
0x136: {  	s21 =	simm.s32 $0x13C40  }
0x137: {  	[tilespmem:s21], [sflag:$0x1] =	stream.linear.gather [spmem:s2], $0x280, $0x38;
	[tilespmem:$0x15040] =	vst v63  }
0x138: {  	s18 =	simm.s32 $0x13EC0  }
0x139: {  	[tilespmem:s18], [sflag:$0x1] =	stream.linear.gather [spmem:s0], $0x280, $0x38;
	[tilespmem:$0x15040] =	vst v63  }
0x13a: {  	s19 =	simm.s32 $0x14140  }
0x13b: {  	[tilespmem:s19], [sflag:$0x1] =	stream.linear.gather [spmem:s1], $0x280, $0x38;
	[tilespmem:$0x15040] =	vst v63  }
0x13c: {  	s21 =	simm.s32 $0x143C0  }
0x13d: {  	[tilespmem:s21], [sflag:$0x1] =	stream.linear.gather [spmem:s4], $0x280, $0x38;
	[tilespmem:$0x15040] =	vst v63  }
0x13e: {  	s18 =	simm.s32 $0x14640  }
0x13f: {  	[tilespmem:s18], [sflag:$0x1] =	stream.linear.gather [spmem:s5], $0x280, $0x38;
	[tilespmem:$0x15040] =	vst v63  }
0x140: {  	s19 =	simm.s32 $0x148C0  }
0x141: {  	[tilespmem:s19], [sflag:$0x1] =	stream.linear.gather [spmem:s6], $0x280, $0x38;
	[tilespmem:$0x15040] =	vst v63  }
0x142: {  	s21 =	simm.s32 $0x14B40  }
0x143: {  	[tilespmem:s21], [sflag:$0x1] =	stream.linear.gather [spmem:s8], $0x280, $0x38;
	[tilespmem:$0x15040] =	vst v63  }
0x144: {  	_ =	swait.ge [sflag:s12], $0x280  }
0x145: {  	[sflag:s12] =	ssyncset.done $0x0  }
0x146: {  	[sflag:s12] =	ssyncadd.s32 $0xFFFFFD80  }
0x147: {  	_ =	swait.ge [sflag:s12], $0x280  }
0x148: {  	[sflag:s12] =	ssyncset.done $0x0  }
0x149: {  	[sflag:s12] =	ssyncadd.s32 $0xFFFFFD80  }
0x14a: {  	_ =	swait.ge [sflag:s12], $0x280  }
0x14b: {  	[sflag:s12] =	ssyncset.done $0x0  }
0x14c: {  	[sflag:s12] =	ssyncadd.s32 $0xFFFFFD80  }
0x14d: {  	_ =	swait.ge [sflag:s12], $0x280  }
0x14e: {  	[sflag:s12] =	ssyncset.done $0x0  }
0x14f: {  	[sflag:s12] =	ssyncadd.s32 $0xFFFFFD80  }
0x150: {  	_ =	swait.ge [sflag:s12], $0x280  }
0x151: {  	[sflag:s12] =	ssyncset.done $0x0  }
0x152: {  	[sflag:s12] =	ssyncadd.s32 $0xFFFFFD80  }
0x153: {  	_ =	swait.ge [sflag:s12], $0x280  }
0x154: {  	[sflag:s12] =	ssyncset.done $0x0  }
0x155: {  	[sflag:s12] =	ssyncadd.s32 $0xFFFFFD80  }
0x156: {  	_ =	swait.ge [sflag:s12], $0x280  }
0x157: {  	[sflag:s12] =	ssyncset.done $0x0  }
0x158: {  	[sflag:s12] =	ssyncadd.s32 $0xFFFFFD80  }
0x159: {  	_ =	swait.ge [sflag:s12], $0x280  }
0x15a: {  	[sflag:s12] =	ssyncset.done $0x0  }
0x15b: {  	[sflag:s12] =	ssyncadd.s32 $0xFFFFFD80  }
0x15c: {  	_ =	swait.ge [sflag:s12], $0x280  }
0x15d: {  	[sflag:s12] =	ssyncset.done $0x0  }
0x15e: {  	[sflag:s12] =	ssyncadd.s32 $0xFFFFFD80  }
0x15f: {  	_ =	swait.ge [sflag:s12], $0x280  }
0x160: {  	[sflag:s12] =	ssyncset.done $0x0  }
0x161: {  	[sflag:s12] =	ssyncadd.s32 $0xFFFFFD80  }
0x162: {  	_ =	swait.ge [sflag:s12], $0x280  }
0x163: {  	[sflag:s12] =	ssyncset.done $0x0  }
0x164: {  	[sflag:s12] =	ssyncadd.s32 $0xFFFFFD80  }
0x165: {  	_ =	swait.ge [sflag:s12], $0x280  }
0x166: {  	[sflag:s12] =	ssyncset.done $0x0  }
0x167: {  	[sflag:s12] =	ssyncadd.s32 $0xFFFFFD80  }
0x168: {  	_ =	swait.ge [sflag:s12], $0x280  }
0x169: {  	[sflag:s12] =	ssyncset.done $0x0  }
0x16a: {  	[sflag:s12] =	ssyncadd.s32 $0xFFFFFD80  }
0x16b: {  	_ =	swait.ge [sflag:s12], $0x280  }
0x16c: {  	[sflag:s12] =	ssyncset.done $0x0  }
0x16d: {  	[sflag:s12] =	ssyncadd.s32 $0xFFFFFD80  }
0x16e: {  	_ =	swait.ge [sflag:s12], $0x280  }
0x16f: {  	[sflag:s12] =	ssyncset.done $0x0  }
0x170: {  	[sflag:s12] =	ssyncadd.s32 $0xFFFFFD80  }
0x171: {  	_ =	swait.ge [sflag:s12], $0x280  }
0x172: {  	[sflag:s12] =	ssyncset.done $0x0  }
0x173: {  	s18 =	simm.s32 $0x0;
	[sflag:s12] =	ssyncadd.s32 $0xFFFFFD80  }
0x174: {  	v1 =	vld [tilespmem:s18+$0x125C0]  }
0x175: {  	v2 =	vld [tilespmem:s18+$0x12840];
	_ =	sdelay $0x1  }
0x176: {  	v3 =	vld [tilespmem:s18+$0x12AC0];
	_ =	sdelay $0x1  }
0x177: {  	v4 =	vld [tilespmem:s18+$0x12D40]  }
0x178: {  	v1 =	vadd.f32 v2, v1  }
0x179: {  	v2 =	vld [tilespmem:s18+$0x12FC0]  }
0x17a: {  	v1 =	vadd.f32 v3, v1  }
0x17b: {  	v3 =	vld [tilespmem:s18+$0x13240]  }
0x17c: {  	v1 =	vadd.f32 v4, v1  }
0x17d: {  	v4 =	vld [tilespmem:s18+$0x134C0]  }
0x17e: {  	v1 =	vadd.f32 v2, v1  }
0x17f: {  	v2 =	vld [tilespmem:s18+$0x13740]  }
0x180: {  	s17 =	simm.s32 $0x10;
	v5 =	vld [tilespmem:s18+$0x139C0];
	v1 =	vadd.f32 v3, v1  }
0x181: {  	v6 =	vld [tilespmem:s17+$0x125C0]  }
0x182: {  	v3 =	vld [tilespmem:s18+$0x13C40];
	v1 =	vadd.f32 v4, v1  }
0x183: {  	v4 =	vld [tilespmem:s17+$0x12840]  }
0x184: {  	v7 =	vld [tilespmem:s17+$0x12AC0];
	v1 =	vadd.f32 v2, v1  }
0x185: {  	v2 =	vld [tilespmem:s18+$0x13EC0]  }
0x186: {  	v8 =	vld [tilespmem:s17+$0x12D40];
	v1 =	vadd.f32 v5, v1  }
0x187: {  	v5 =	vld [tilespmem:s18+$0x14140]  }
0x188: {  	v4 =	vadd.f32 v4, v6;
	v6 =	vld [tilespmem:s17+$0x12FC0];
	v1 =	vadd.f32 v3, v1  }
0x189: {  	v3 =	vld [tilespmem:s18+$0x143C0]  }
0x18a: {  	v4 =	vadd.f32 v7, v4;
	v7 =	vld [tilespmem:s17+$0x13240];
	v1 =	vadd.f32 v2, v1  }
0x18b: {  	v2 =	vld [tilespmem:s18+$0x14640]  }
0x18c: {  	v9 =	vld [tilespmem:s17+$0x134C0];
	v4 =	vadd.f32 v8, v4;
	v1 =	vadd.f32 v5, v1  }
0x18d: {  	v8 =	vld [tilespmem:s18+$0x148C0]  }
0x18e: {  	v5 =	vadd.f32 v6, v4;
	v4 =	vld [tilespmem:s17+$0x13740];
	v6 =	vadd.f32 v3, v1  }
0x18f: {  	v3 =	vld [tilespmem:s18+$0x14B40]  }
0x190: {  	v1 =	vld [tilespmem:s17+$0x13C40];
	v7 =	vadd.f32 v7, v5;
	v10 =	vadd.f32 v2, v6  }
0x191: {  	s19 =	simm.s32 $0x20;
	v5 =	vld [tilespmem:s17+$0x139C0]  }
0x192: {  	s21 =	simm.s32 $0xC0;
	v2 =	vld [tilespmem:s19+$0x125C0];
	v6 =	vadd.f32 v9, v7;
	v7 =	vadd.f32 v8, v10  }
.LBB2_16:
0x193: {  	p0 =	sne.s32 s21, $0x9C0;
	v8 =	vld [tilespmem:s19+$0x12840]  }
0x194: {  	v4 =	vadd.f32 v4, v6;
	v6 =	vld [tilespmem:s17+$0x13EC0];
	v3 =	vadd.f32 v3, v7  }
0x195: {  	v7 =	vld [tilespmem:s19+$0x12AC0]  }
0x196: {  	v4 =	vadd.f32 v5, v4;
	v5 =	vld [tilespmem:s17+$0x14140];
	[tilespmem:s18+$0x14DC0] =	vst v3;
	s18 =	smov.u32 s17;
	s17 =	smov.u32 s19  }
0x197: {  	v3 =	vld [tilespmem:s17+$0x12D40]  }
0x198: {  	v2 =	vadd.f32 v8, v2;
	v1 =	vadd.f32 v1, v4;
	v4 =	vld [tilespmem:s18+$0x143C0]  }
0x199: {  	v8 =	vld [tilespmem:s17+$0x12FC0]  }
0x19a: {  	v2 =	vadd.f32 v7, v2;
	v1 =	vadd.f32 v6, v1;
	v6 =	vld [tilespmem:s18+$0x14640]  }
0x19b: {  	v7 =	vld [tilespmem:s17+$0x13240]  }
0x19c: {  	v2 =	vadd.f32 v3, v2;
	v1 =	vadd.f32 v5, v1;
	v9 =	vld [tilespmem:s18+$0x148C0]  }
0x19d: {  	v10 =	vld [tilespmem:s17+$0x134C0]  }
.Ltmp7:
0x19e: {  	v2 =	vadd.f32 v8, v2;
	v5 =	vadd.f32 v4, v1;
	v3 =	vld [tilespmem:s18+$0x14B40];
	(pc) =	sbr.rel @p0 .LBB2_16-.Ltmp7, $4  }
0x19f: {  	v4 =	vld [tilespmem:s17+$0x13740]  }
0x1a0: {  	v7 =	vadd.f32 v7, v2;
	v1 =	vld [tilespmem:s17+$0x13C40];
	v8 =	vadd.f32 v6, v5  }
0x1a1: {  	s19 =	sshra.s32 s21, $0x2;
	v5 =	vld [tilespmem:s17+$0x139C0]  }
0x1a2: {  	s21 =	sadd.s32 $0x40, s21;
	v2 =	vld [tilespmem:s19+$0x125C0];
	v6 =	vadd.f32 v10, v7;
	v7 =	vadd.f32 v9, v8  }
0x1a3: {  	v8 =	vld [tilespmem:s19+$0x12840]  }
0x1a4: {  	v9 =	vld [tilespmem:s17+$0x13EC0];
	v3 =	vadd.f32 v3, v7  }
0x1a5: {  	v52 =	vld [tilespmem:s19+$0x12AC0]  }
0x1a6: {  	v10 =	vld [tilespmem:s17+$0x14140];
	v4 =	vadd.f32 v4, v6;
	[tilespmem:s18+$0x14DC0] =	vst v3  }
0x1a7: {  	v3 =	vld [tilespmem:s19+$0x12D40]  }
0x1a8: {  	v4 =	vadd.f32 v5, v4;
	v2 =	vadd.f32 v8, v2  }
0x1a9: {  	v53 =	vld [tilespmem:s19+$0x12FC0]  }
0x1aa: {  	v54 =	vld [tilespmem:s17+$0x143C0];
	v1 =	vadd.f32 v1, v4;
	v2 =	vadd.f32 v52, v2  }
0x1ab: {  	v55 =	vld [tilespmem:s19+$0x13240]  }
0x1ac: {  	v56 =	vld [tilespmem:s17+$0x14640];
	v1 =	vadd.f32 v9, v1;
	v2 =	vadd.f32 v3, v2  }
0x1ad: {  	v3 =	vld [tilespmem:s19+$0x134C0]  }
0x1ae: {  	v57 =	vld [tilespmem:s17+$0x148C0];
	v1 =	vadd.f32 v10, v1;
	v2 =	vadd.f32 v53, v2  }
0x1af: {  	v58 =	vld [tilespmem:s19+$0x13740]  }
0x1b0: {  	v59 =	vld [tilespmem:s17+$0x14B40];
	v1 =	vadd.f32 v54, v1;
	v2 =	vadd.f32 v55, v2  }
0x1b1: {  	v60 =	vld [tilespmem:s19+$0x139C0]  }
0x1b2: {  	v1 =	vadd.f32 v56, v1;
	v2 =	vadd.f32 v3, v2  }
0x1b3: {  	v3 =	vld [tilespmem:s19+$0x13C40]  }
0x1b4: {  	v1 =	vadd.f32 v57, v1;
	v2 =	vadd.f32 v58, v2  }
0x1b5: {  	v61 =	vld [tilespmem:s19+$0x13EC0]  }
0x1b6: {  	v1 =	vadd.f32 v59, v1;
	v2 =	vadd.f32 v60, v2  }
0x1b7: {  	v62 =	vld [tilespmem:s19+$0x14140]  }
0x1b8: {  	[tilespmem:s17+$0x14DC0] =	vst v1;
	v1 =	vadd.f32 v3, v2  }
0x1b9: {  	v2 =	vld [tilespmem:s19+$0x143C0]  }
0x1ba: {  	v1 =	vadd.f32 v61, v1  }
0x1bb: {  	v3 =	vld [tilespmem:s19+$0x14640]  }
0x1bc: {  	v1 =	vadd.f32 v62, v1  }
0x1bd: {  	v63 =	vld [tilespmem:s19+$0x148C0]  }
0x1be: {  	v1 =	vadd.f32 v2, v1  }
0x1bf: {  	v2 =	vld [tilespmem:s19+$0x14B40]  }
0x1c0: {  	v1 =	vadd.f32 v3, v1;
	_ =	sdelay $0x1  }
0x1c1: {  	v1 =	vadd.f32 v63, v1;
	_ =	sdelay $0x1  }
0x1c2: {  	s16 =	sadd.s32 $0x1, s16;
	v1 =	vadd.f32 v2, v1  }
0x1c3: {  	p0 =	sne.s32 s16, s25  }
.Ltmp8:
0x1c4: {  	s21 =	simm.s32 $0x14DC0;
	[tilespmem:s19+$0x14DC0] =	vst v1;
	(pc) =	sbr.rel @p0 .LBB2_1-.Ltmp8, $4  }
0x1c5: {  	[hbm4b:s23+s3] =	stream.linear.scatter [tilespmem:s21], [sflag:$0x2], $0x280, $0x38;
	[tilespmem:$0x15040] =	vst v63  }
0x1c6: {  	_ =	swait.ge [sflag:s10], $0x280  }
0x1c7: {  	[sflag:s10] =	ssyncset.done $0x0  }
0x1c8: {  	[sflag:s10] =	ssyncadd.s32 $0xFFFFFD80  }
0x1c9: {  	_ =	sfence.sel $0x180000  }
0x1ca: {  	[bflag:$0x0] =	sbarrier.arrive $0xFFFF  }
0x1cb: {  	_ =	strace $0x9000004A  }
0x1cc: {  	s0 =	stileid.u32;
	[bflag:$0x2] =	sbarrier.arrive $0xFFFF  }
0x1cd: {  	p0 =	sne.s32 s0, $0x0;
	s0 =	rddreg [dreg:$0x5]  }
0x1ce: {  	s0 =	sadd.s32 @!p0 $0x100000, s0  }
0x1cf: {  	[sflag:s0] =	ssyncadd.tile.s32 @!p0 $0x1;
	_ =	shalt  }
.Lfunc_end2:
_tile_overlayer_lowered:
.L_overlay_start_2:
0x1d0: {  	(tag) =	ssettag $0x2  }
0x1d1: {  	s0 =	rddreg [dreg:$0x0];
	s2 =	stileid.u32  }
0x1d2: {  	s1 =	rddreg [dreg:$0x1];
	p0 =	sne.s32 s2, $0x0  }
0x1d3: {  	s3 =	rddreg [dreg:$0x2];
	[bflag:$0x3] =	sbarrier.arrive $0xFFFF;
	s2 =	simm.s32 @!p0 $0x1C02  }
0x1d4: {  	[timem:s3], [sflag:s2] =	dma.local @!p0 [hbm:s0], s1  }
0x1d5: {  	s0 =	simm.s32 @!p0 $0x2  }
0x1d6: {  	_ =	swait.ge @!p0 [sflag:s0], s1  }
0x1d7: {  	s1 =	ssub.s32 @!p0 $0x0, s1;
	[sflag:s0] =	ssyncset.done @!p0 $0x0  }
0x1d8: {  	[sflag:s0] =	ssyncadd.s32 @!p0 s1  }
0x1d9: {  	[bflag:$0x3] =	sbarrier.arrive $0xFFFF  }
0x1da: {  	_ =	shalt  }

</sc_bundles>
